<compile_context>
chip_gen: v7x
topology: tpu7x:2x2x1
jax: 0.10.2.dev20260603
libtpu: 0.0.44.dev20260713+nightly
codegen_flags: <defaults>
</compile_context>

<pallas_src>
import functools

import jax
import jax.numpy as jnp
from jax import lax
from jax.experimental import pallas as pl
from jax.experimental.pallas import tpu as pltpu
from jax.experimental.pallas import tpu_sc as plsc

N_NODES = 10000
CH = 128
N_EDGES = 320000

NC = 2
NS = 16
NW = NC * NS
LANES = 16

EB = 64
NB = 4
K_BLK = 160
KH = K_BLK // 4
E_PAD = NW * K_BLK * EB
N_PAD = 10240
RT = N_PAD // NS

_F32 = jnp.float32


def _zero_fill_2d(ref, nrows, z16):
    def row(r, _):
        def col(c, _):
            ref[r, pl.ds(c * LANES, LANES)] = z16
            return 0
        lax.fori_loop(0, CH // LANES, col, 0)
        return 0
    lax.fori_loop(0, nrows, row, 0)


def _deg_body(dst_hbm, deg_hbm, idx_v, ones_v, zbuf_v, deg_sh):
    c = lax.axis_index("c")
    s = lax.axis_index("s")
    wid = c * NS + s

    def fill16(i, _):
        zbuf_v[pl.ds(i * LANES, LANES)] = jnp.zeros((LANES,), _F32)
        return 0
    lax.fori_loop(0, RT // LANES, fill16, 0)
    def fill1(i, _):
        ones_v[pl.ds(i * LANES, LANES)] = jnp.ones((LANES,), _F32)
        return 0
    lax.fori_loop(0, EB // LANES, fill1, 0)

    pltpu.sync_copy(zbuf_v, deg_sh.at[pl.ds(s * RT, RT)])
    pltpu.sync_copy(dst_hbm.at[wid], idx_v)
    plsc.subcore_barrier()

    def step(j, _):
        pltpu.sync_copy(ones_v, deg_sh.at[idx_v.at[j]], add=True)
        return 0
    lax.fori_loop(0, K_BLK, step, 0)
    plsc.subcore_barrier()

    pltpu.sync_copy(deg_sh.at[pl.ds(s * RT, RT)],
                    deg_hbm.at[c, pl.ds(s * RT, RT)])


_deg_kernel = functools.partial(
    pl.kernel,
    out_type=jax.ShapeDtypeStruct((NC, N_PAD), _F32),
    mesh=plsc.VectorSubcoreMesh(
        core_axis_name="c", subcore_axis_name="s",
        num_cores=NC, num_subcores=NS),
    scratch_types=[
        pltpu.VMEM((K_BLK, EB), jnp.int32),
        pltpu.VMEM((EB,), _F32),
        pltpu.VMEM((RT,), _F32),
        pltpu.VMEM_SHARED((N_PAD,), _F32),
    ],
)(_deg_body)


def _edge_body(g_hbm, src_hbm, dst_hbm, acc_hbm,
               sidx_v, didx_v, rows0_v, rows1_v, rows2_v, rows3_v, acc_sh,
               gsem0, gsem1, gsem2, gsem3, ssem0, ssem1, ssem2, ssem3):
    c = lax.axis_index("c")
    s = lax.axis_index("s")
    wid = c * NS + s
    rows = [rows0_v, rows1_v, rows2_v, rows3_v]
    gsems = [gsem0, gsem1, gsem2, gsem3]
    ssems = [ssem0, ssem1, ssem2, ssem3]

    @pl.when(c == 0)
    def _():
        pltpu.sync_copy(g_hbm.at[pl.ds(s * RT, RT)],
                        acc_sh.at[pl.ds(s * RT, RT)])

    @pl.when(c != 0)
    def _():
        z16 = jnp.zeros((LANES,), _F32)
        _zero_fill_2d(rows0_v, EB, z16)
        def blk(k, _):
            pltpu.sync_copy(rows0_v, acc_sh.at[pl.ds(s * RT + k * EB, EB)])
            return 0
        lax.fori_loop(0, RT // EB, blk, 0)

    plsc.subcore_barrier()

    for p in range(4):
        pltpu.sync_copy(src_hbm.at[wid, pl.ds(p * KH, KH)], sidx_v)
        pltpu.sync_copy(dst_hbm.at[wid, pl.ds(p * KH, KH)], didx_v)
        pltpu.async_copy(g_hbm.at[sidx_v.at[0]], rows[0], gsems[0])
        pltpu.async_copy(g_hbm.at[sidx_v.at[1]], rows[1], gsems[1])

        def step(t, _):
            for b in range(4):
                j = 4 * t + b
                n = (b + 2) % 4
                pltpu.make_async_copy(
                    g_hbm.at[sidx_v.at[j]], rows[b], gsems[b]).wait()
                pltpu.async_copy(rows[b], acc_sh.at[didx_v.at[j]],
                                 ssems[b], add=True)

                @pl.when(j + 2 < KH)
                def _():
                    @pl.when(j >= 2)
                    def _():
                        pltpu.make_async_copy(
                            rows[n], acc_sh.at[didx_v.at[j]],
                            ssems[n]).wait()
                    pltpu.async_copy(
                        g_hbm.at[sidx_v.at[j + 2]], rows[n], gsems[n])
            return 0
        lax.fori_loop(0, KH // 4, step, 0)
        for bl in range(4):
            pltpu.make_async_copy(
                rows[bl], acc_sh.at[didx_v.at[KH - 1]], ssems[bl]).wait()
    plsc.subcore_barrier()

    pltpu.sync_copy(acc_sh.at[pl.ds(s * RT, RT)],
                    acc_hbm.at[c, pl.ds(s * RT, RT)])


_edge_kernel = functools.partial(
    pl.kernel,
    out_type=jax.ShapeDtypeStruct((NC, N_PAD, CH), _F32),
    mesh=plsc.VectorSubcoreMesh(
        core_axis_name="c", subcore_axis_name="s",
        num_cores=NC, num_subcores=NS),
    scratch_types=[
        pltpu.VMEM((KH, EB), jnp.int32),
        pltpu.VMEM((KH, EB), jnp.int32),
        pltpu.VMEM((EB, CH), _F32),
        pltpu.VMEM((EB, CH), _F32),
        pltpu.VMEM((EB, CH), _F32),
        pltpu.VMEM((EB, CH), _F32),
        pltpu.VMEM_SHARED((N_PAD, CH), _F32),
    ] + [pltpu.SemaphoreType.DMA] * 8,
)(_edge_body)


R_BLK = 512
N_TC_STEPS = N_PAD // R_BLK


def _scale0_body(deg_ref, x_ref, g_ref, dinv_ref):
    i = pl.program_id(0)
    deg = deg_ref[0] + deg_ref[1] + 1.0
    rows = i * R_BLK + lax.broadcasted_iota(jnp.int32, (R_BLK, 1), 0)
    dinv = jnp.where(rows < N_NODES, lax.rsqrt(deg), 0.0)
    dinv_ref[...] = dinv
    g_ref[...] = x_ref[...] * dinv


def _scale1_body(acc_ref, dinv_ref, g_ref):
    dinv = dinv_ref[...]
    g_ref[...] = (acc_ref[0] + acc_ref[1]) * (dinv * dinv)


def _final_body(acc_ref, dinv_ref, w_ref, b_ref, out_ref):
    z = (acc_ref[0] + acc_ref[1]) * dinv_ref[...]
    out_ref[...] = (
        jnp.dot(z, w_ref[...], preferred_element_type=_F32) + b_ref[...]
    )


def kernel(x, edge_index, W, b):
    src = edge_index[0].astype(jnp.int32)
    dst = edge_index[1].astype(jnp.int32)
    pad_idx = N_NODES + jnp.arange(E_PAD, dtype=jnp.int32) % (N_PAD - N_NODES)
    src_r = pad_idx.at[:N_EDGES].set(src)
    dst_r = pad_idx.at[:N_EDGES].set(dst)
    src_r = src_r.reshape(NW, K_BLK, EB)
    dst_r = dst_r.reshape(NW, K_BLK, EB)
    x_pad = jnp.zeros((N_PAD, CH), _F32).at[:N_NODES].set(x)

    deg_p = _deg_kernel(dst_r)
    deg_col = deg_p.reshape(NC, N_PAD, 1)

    g0, dinv = pl.pallas_call(
        _scale0_body,
        grid=(N_TC_STEPS,),
        in_specs=[
            pl.BlockSpec((NC, R_BLK, 1), lambda i: (0, i, 0)),
            pl.BlockSpec((R_BLK, CH), lambda i: (i, 0)),
        ],
        out_specs=[
            pl.BlockSpec((R_BLK, CH), lambda i: (i, 0)),
            pl.BlockSpec((R_BLK, 1), lambda i: (i, 0)),
        ],
        out_shape=[
            jax.ShapeDtypeStruct((N_PAD, CH), _F32),
            jax.ShapeDtypeStruct((N_PAD, 1), _F32),
        ],
    )(deg_col, x_pad)

    acc1 = _edge_kernel(g0, src_r, dst_r)

    g1 = pl.pallas_call(
        _scale1_body,
        grid=(N_TC_STEPS,),
        in_specs=[
            pl.BlockSpec((NC, R_BLK, CH), lambda i: (0, i, 0)),
            pl.BlockSpec((R_BLK, 1), lambda i: (i, 0)),
        ],
        out_specs=pl.BlockSpec((R_BLK, CH), lambda i: (i, 0)),
        out_shape=jax.ShapeDtypeStruct((N_PAD, CH), _F32),
    )(acc1, dinv)

    acc2 = _edge_kernel(g1, src_r, dst_r)

    out_pad = pl.pallas_call(
        _final_body,
        grid=(N_TC_STEPS,),
        in_specs=[
            pl.BlockSpec((NC, R_BLK, CH), lambda i: (0, i, 0)),
            pl.BlockSpec((R_BLK, 1), lambda i: (i, 0)),
            pl.BlockSpec((CH, CH), lambda i: (0, 0)),
            pl.BlockSpec((1, CH), lambda i: (0, 0)),
        ],
        out_specs=pl.BlockSpec((R_BLK, CH), lambda i: (i, 0)),
        out_shape=jax.ShapeDtypeStruct((N_PAD, CH), _F32),
    )(acc2, dinv, W, b.reshape(1, CH))

    return out_pad[:N_NODES]

# --- scband reference (transcript-rebuilt; emitter-appended) ---
"""Pipeline reference for scband-sgc-22419729285539 (READ-ONLY COPY).

The authoritative reference and input builder live on the scoring server;
editing this copy changes nothing except your own understanding.
"""

import jax, jax.numpy as jnp
import numpy as np

N_NODES = 10000
N_EDGES = 320000
IN_CH = 128
OUT_CH = 128
HOPS = 2

def setup_inputs(seed: int = 0) -> dict:
    key = jax.random.key(seed)
    k1, k2, k3, k4 = jax.random.split(key, 4)
    x = jax.random.normal(k1, (N_NODES, IN_CH), dtype=jnp.float32)
    edge_index = jax.random.randint(k2, (2, N_EDGES), 0, N_NODES, dtype=jnp.int64)
    # SGConv linear layer parameters (Glorot-style init)
    scale = 1.0 / np.sqrt(IN_CH)
    W = jax.random.uniform(k3, (IN_CH, OUT_CH), dtype=jnp.float32, minval=-scale, maxval=scale)
    b = jax.random.uniform(k4, (OUT_CH,), dtype=jnp.float32, minval=-scale, maxval=scale)
    return {"x": x, "edge_index": edge_index, "W": W, "b": b}

def reference(x, edge_index, W, b):
    # SGC: out = (D^-1/2 (A + I) D^-1/2)^K X W + b  (SGConv with K=HOPS, gcn norm)
    N = x.shape[0]
    src = edge_index[0]
    dst = edge_index[1]
    # add self loops
    loop = jnp.arange(N, dtype=src.dtype)
    src = jnp.concatenate([src, loop], axis=0)
    dst = jnp.concatenate([dst, loop], axis=0)
    ew = jnp.ones(src.shape[0], dtype=x.dtype)
    # symmetric gcn normalization
    deg = jnp.zeros((N,), dtype=x.dtype).at[dst].add(ew)
    deg_inv_sqrt = jnp.where(deg > 0, 1.0 / jnp.sqrt(deg), 0.0)
    norm = deg_inv_sqrt[src] * ew * deg_inv_sqrt[dst]
    h = x
    for _ in range(HOPS):
        msg = norm[:, None] * jnp.take(h, src, axis=0)
        h = jax.ops.segment_sum(msg, dst, num_segments=N)
    out = h @ W + b
    return out

if __name__ == "__main__":
    import jax
    _d = setup_inputs()
    print(jax.jit(kernel)(*tuple(_d.values())))

</pallas_src>

<mosaic_0001>
#map = affine_map<(d0, d1) -> (0, 0)>
#map1 = affine_map<(d0, d1) -> (0, 0, 0)>
module attributes {stable_mosaic.version = 14 : i64} {
  func.func @_edge_body(%arg0: i32, %arg1: i32, %arg2: memref<10240x128xf32, #tpu.memory_space<hbm>>, %arg3: memref<32x160x64xi32, #tpu.memory_space<hbm>>, %arg4: memref<32x160x64xi32, #tpu.memory_space<hbm>>, %arg5: memref<2x10240x128xf32, #tpu.memory_space<hbm>>, %arg6: memref<40x64xi32, #tpu.memory_space<vmem>>, %arg7: memref<40x64xi32, #tpu.memory_space<vmem>>, %arg8: memref<64x128xf32, #tpu.memory_space<vmem>>, %arg9: memref<64x128xf32, #tpu.memory_space<vmem>>, %arg10: memref<64x128xf32, #tpu.memory_space<vmem>>, %arg11: memref<64x128xf32, #tpu.memory_space<vmem>>, %arg12: memref<10240x128xf32, #tpu.memory_space<vmem_shared>>, %arg13: memref<!tpu.dma_semaphore, #tpu.memory_space<semaphore_mem>>, %arg14: memref<!tpu.dma_semaphore, #tpu.memory_space<semaphore_mem>>, %arg15: memref<!tpu.dma_semaphore, #tpu.memory_space<semaphore_mem>>, %arg16: memref<!tpu.dma_semaphore, #tpu.memory_space<semaphore_mem>>, %arg17: memref<!tpu.dma_semaphore, #tpu.memory_space<semaphore_mem>>, %arg18: memref<!tpu.dma_semaphore, #tpu.memory_space<semaphore_mem>>, %arg19: memref<!tpu.dma_semaphore, #tpu.memory_space<semaphore_mem>>, %arg20: memref<!tpu.dma_semaphore, #tpu.memory_space<semaphore_mem>>) attributes {dimension_semantics = [#tpu.dimension_semantics<core_parallel>, #tpu.dimension_semantics<subcore_parallel>], iteration_bounds = array<i64: 2, 16>, scalar_prefetch = 0 : i64, scratch_operands = 15 : i64, tpu.core_type = #tpu.core_type<sc_vector_subcore>, window_params = [{transform_indices = #map}, {transform_indices = #map1}, {transform_indices = #map1}, {transform_indices = #map1}]} {
    %mul3A = arith.constant 16 : i32
    %mul3A_0 = arith.muli %arg0, %mul3A : i32
    %add3A = arith.addi %mul3A_0, %arg1 : i32
    %eq3A = arith.constant 0 : i32
    %eq3A_1 = arith.cmpi eq, %arg0, %eq3A : i32
    %convert_element_type3A = arith.extui %eq3A_1 : i1 to i32
    %cond3A = arith.constant 0 : i32
    %cond3A_2 = arith.cmpi ne, %convert_element_type3A, %cond3A : i32
    scf.if %cond3A_2 {
      %mul3A_205 = arith.constant 640 : i32
      %mul3A_206 = arith.muli %arg1, %mul3A_205 : i32
      %mul3A_207 = arith.constant 640 : i32
      %mul3A_208 = arith.muli %arg1, %mul3A_207 : i32
      "tpu.region"() ({
        %run_scoped3A = tpu.sem_alloc : memref<!tpu.dma_semaphore, #tpu.memory_space<semaphore_mem>>
        %dma_start3A_209 = arith.constant 0 : i32
        %dma_start3A_210 = tpu.memref_slice %arg12[%mul3A_208, %dma_start3A_209] : memref<10240x128xf32, #tpu.memory_space<vmem_shared>> -> memref<640x128xf32, #tpu.memory_space<vmem_shared>>
        %dma_start3A_211 = arith.constant 0 : i32
        %dma_start3A_212 = tpu.memref_slice %arg2[%mul3A_206, %dma_start3A_211] : memref<10240x128xf32, #tpu.memory_space<hbm>> -> memref<640x128xf32, #tpu.memory_space<hbm>>
        tpu.enqueue_dma source(%dma_start3A_212 : memref<640x128xf32, #tpu.memory_space<hbm>>) target(%dma_start3A_210 : memref<640x128xf32, #tpu.memory_space<vmem_shared>>) target_semaphore(%run_scoped3A : memref<!tpu.dma_semaphore, #tpu.memory_space<semaphore_mem>>)
        %dma_wait3A_213 = arith.constant 0 : i32
        %dma_wait3A_214 = tpu.memref_slice %arg12[%mul3A_208, %dma_wait3A_213] : memref<10240x128xf32, #tpu.memory_space<vmem_shared>> -> memref<640x128xf32, #tpu.memory_space<vmem_shared>>
        %dma_wait3A_215 = arith.constant 0 : i32
        %dma_wait3A_216 = tpu.memref_slice %arg2[%mul3A_206, %dma_wait3A_215] : memref<10240x128xf32, #tpu.memory_space<hbm>> -> memref<640x128xf32, #tpu.memory_space<hbm>>
        tpu.wait_dma2 semaphore(%run_scoped3A : memref<!tpu.dma_semaphore, #tpu.memory_space<semaphore_mem>>) src(%dma_wait3A_216 : memref<640x128xf32, #tpu.memory_space<hbm>>) dst(%dma_wait3A_214 : memref<640x128xf32, #tpu.memory_space<vmem_shared>>)
        tpu.yield
      }) : () -> ()
    } else {
    }
    %ne3A = arith.constant 0 : i32
    %ne3A_3 = arith.cmpi ne, %arg0, %ne3A : i32
    %convert_element_type3A_4 = arith.extui %ne3A_3 : i1 to i32
    %cond3A_5 = arith.constant 0 : i32
    %cond3A_6 = arith.cmpi ne, %convert_element_type3A_4, %cond3A_5 : i32
    scf.if %cond3A_6 {
      %broadcast_in_dim3A = arith.constant 0.000000e+00 : f32
      %broadcast_in_dim3A_205 = vector.broadcast %broadcast_in_dim3A : f32 to vector<16xf32>
      %scan3A_206 = arith.constant 0 : i32
      %scan3A_207 = arith.constant 0 : i32
      %scan3A_208 = arith.constant 64 : i32
      %scan3A_209 = arith.addi %scan3A_207, %scan3A_208 : i32
      %scan3A_210 = arith.constant 1 : i32
      %scan3A_211 = scf.for %scan3A_220 = %scan3A_207 to %scan3A_209 step %scan3A_210 iter_args(%scan3A_221 = %scan3A_206) -> (i32)  : i32 {
        %scan3A_222 = arith.constant 0 : i32
        %scan3A_223 = arith.constant 0 : i32
        %scan3A_224 = arith.constant 8 : i32
        %scan3A_225 = arith.addi %scan3A_223, %scan3A_224 : i32
        %scan3A_226 = arith.constant 1 : i32
        %scan3A_227 = scf.for %scan3A_230 = %scan3A_223 to %scan3A_225 step %scan3A_226 iter_args(%scan3A_231 = %scan3A_222) -> (i32)  : i32 {
          %mul3A_232 = arith.constant 16 : i32
          %mul3A_233 = arith.muli %scan3A_230, %mul3A_232 : i32
          %swap3A = arith.index_cast %scan3A_220 : i32 to index
          %swap3A_234 = arith.index_cast %mul3A_233 : i32 to index
          %swap3A_235 = tpu.vector_load %arg8[%swap3A, %swap3A_234] {strides = array<i32>} : memref<64x128xf32, #tpu.memory_space<vmem>>, vector<1x16xf32>,
          %swap3A_236 = vector.shape_cast %swap3A_235 : vector<1x16xf32> to vector<16xf32>
          %swap3A_237 = vector.shape_cast %broadcast_in_dim3A_205 : vector<16xf32> to vector<1x16xf32>
          tpu.vector_store %arg8[%swap3A, %swap3A_234], %swap3A_237 {strides = array<i32>} : memref<64x128xf32, #tpu.memory_space<vmem>>, vector<1x16xf32>,
          %scan3A_238 = arith.constant 0 : i32
          scf.yield %scan3A_238 : i32
        }
        %scan3A_228 = arith.constant 8 : i32
        %scan3A_229 = arith.constant 0 : i32
        scf.yield %scan3A_229 : i32
      }
      %scan3A_212 = arith.constant 64 : i32
      %scan3A_213 = arith.constant 0 : i32
      %scan3A_214 = arith.constant 0 : i32
      %scan3A_215 = arith.constant 10 : i32
      %scan3A_216 = arith.addi %scan3A_214, %scan3A_215 : i32
      %scan3A_217 = arith.constant 1 : i32
      %scan3A_218 = scf.for %scan3A_220 = %scan3A_214 to %scan3A_216 step %scan3A_217 iter_args(%scan3A_221 = %scan3A_213) -> (i32)  : i32 {
        %mul3A_222 = arith.constant 640 : i32
        %mul3A_223 = arith.muli %arg1, %mul3A_222 : i32
        %mul3A_224 = arith.constant 64 : i32
        %mul3A_225 = arith.muli %scan3A_220, %mul3A_224 : i32
        %add3A_226 = arith.addi %mul3A_223, %mul3A_225 : i32
        "tpu.region"() ({
          %run_scoped3A = tpu.sem_alloc : memref<!tpu.dma_semaphore, #tpu.memory_space<semaphore_mem>>
          %dma_start3A_228 = arith.constant 0 : i32
          %dma_start3A_229 = tpu.memref_slice %arg12[%add3A_226, %dma_start3A_228] : memref<10240x128xf32, #tpu.memory_space<vmem_shared>> -> memref<64x128xf32, #tpu.memory_space<vmem_shared>>
          %dma_start3A_230 = arith.constant 0 : i32
          %dma_start3A_231 = tpu.memref_slice %arg12[%add3A_226, %dma_start3A_230] : memref<10240x128xf32, #tpu.memory_space<vmem_shared>> -> memref<64x128xf32, #tpu.memory_space<vmem_shared>>
          tpu.enqueue_dma source(%arg8 : memref<64x128xf32, #tpu.memory_space<vmem>>) target(%dma_start3A_231 : memref<64x128xf32, #tpu.memory_space<vmem_shared>>) target_semaphore(%run_scoped3A : memref<!tpu.dma_semaphore, #tpu.memory_space<semaphore_mem>>)
          %dma_wait3A_232 = arith.constant 0 : i32
          %dma_wait3A_233 = tpu.memref_slice %arg12[%add3A_226, %dma_wait3A_232] : memref<10240x128xf32, #tpu.memory_space<vmem_shared>> -> memref<64x128xf32, #tpu.memory_space<vmem_shared>>
          %dma_wait3A_234 = arith.constant 0 : i32
          %dma_wait3A_235 = tpu.memref_slice %arg12[%add3A_226, %dma_wait3A_234] : memref<10240x128xf32, #tpu.memory_space<vmem_shared>> -> memref<64x128xf32, #tpu.memory_space<vmem_shared>>
          tpu.wait_dma2 semaphore(%run_scoped3A : memref<!tpu.dma_semaphore, #tpu.memory_space<semaphore_mem>>) src(%arg8 : memref<64x128xf32, #tpu.memory_space<vmem>>) dst(%dma_wait3A_235 : memref<64x128xf32, #tpu.memory_space<vmem_shared>>)
          tpu.yield
        }) : () -> ()
        %scan3A_227 = arith.constant 0 : i32
        scf.yield %scan3A_227 : i32
      }
      %scan3A_219 = arith.constant 10 : i32
    } else {
    }
    %barrier3A = arith.constant 0 : index
    tpu.barrier barrier_id(%barrier3A)
    "tpu.region"() ({
      %run_scoped3A = tpu.sem_alloc : memref<!tpu.dma_semaphore, #tpu.memory_space<semaphore_mem>>
      %dma_start3A_205 = arith.constant 0 : i32
      %dma_start3A_206 = arith.constant 0 : i32
      %dma_start3A_207 = tpu.memref_slice %arg3[%add3A, %dma_start3A_205, %dma_start3A_206] : memref<32x160x64xi32, #tpu.memory_space<hbm>> -> memref<1x40x64xi32, #tpu.memory_space<hbm>>
      %dma_start3A_208 = tpu.memref_squeeze %dma_start3A_207 : memref<1x40x64xi32, #tpu.memory_space<hbm>> -> memref<40x64xi32, #tpu.memory_space<hbm>>
      %dma_start3A_209 = arith.constant 0 : i32
      %dma_start3A_210 = arith.constant 0 : i32
      %dma_start3A_211 = tpu.memref_slice %arg3[%add3A, %dma_start3A_209, %dma_start3A_210] : memref<32x160x64xi32, #tpu.memory_space<hbm>> -> memref<1x40x64xi32, #tpu.memory_space<hbm>>
      %dma_start3A_212 = tpu.memref_squeeze %dma_start3A_211 : memref<1x40x64xi32, #tpu.memory_space<hbm>> -> memref<40x64xi32, #tpu.memory_space<hbm>>
      tpu.enqueue_dma source(%dma_start3A_212 : memref<40x64xi32, #tpu.memory_space<hbm>>) target(%arg6 : memref<40x64xi32, #tpu.memory_space<vmem>>) target_semaphore(%run_scoped3A : memref<!tpu.dma_semaphore, #tpu.memory_space<semaphore_mem>>)
      %dma_wait3A_213 = arith.constant 0 : i32
      %dma_wait3A_214 = arith.constant 0 : i32
      %dma_wait3A_215 = tpu.memref_slice %arg3[%add3A, %dma_wait3A_213, %dma_wait3A_214] : memref<32x160x64xi32, #tpu.memory_space<hbm>> -> memref<1x40x64xi32, #tpu.memory_space<hbm>>
      %dma_wait3A_216 = tpu.memref_squeeze %dma_wait3A_215 : memref<1x40x64xi32, #tpu.memory_space<hbm>> -> memref<40x64xi32, #tpu.memory_space<hbm>>
      %dma_wait3A_217 = arith.constant 0 : i32
      %dma_wait3A_218 = arith.constant 0 : i32
      %dma_wait3A_219 = tpu.memref_slice %arg3[%add3A, %dma_wait3A_217, %dma_wait3A_218] : memref<32x160x64xi32, #tpu.memory_space<hbm>> -> memref<1x40x64xi32, #tpu.memory_space<hbm>>
      %dma_wait3A_220 = tpu.memref_squeeze %dma_wait3A_219 : memref<1x40x64xi32, #tpu.memory_space<hbm>> -> memref<40x64xi32, #tpu.memory_space<hbm>>
      tpu.wait_dma2 semaphore(%run_scoped3A : memref<!tpu.dma_semaphore, #tpu.memory_space<semaphore_mem>>) src(%dma_wait3A_220 : memref<40x64xi32, #tpu.memory_space<hbm>>) dst(%arg6 : memref<40x64xi32, #tpu.memory_space<vmem>>)
      tpu.yield
    }) : () -> ()
    "tpu.region"() ({
      %run_scoped3A = tpu.sem_alloc : memref<!tpu.dma_semaphore, #tpu.memory_space<semaphore_mem>>
      %dma_start3A_205 = arith.constant 0 : i32
      %dma_start3A_206 = arith.constant 0 : i32
      %dma_start3A_207 = tpu.memref_slice %arg4[%add3A, %dma_start3A_205, %dma_start3A_206] : memref<32x160x64xi32, #tpu.memory_space<hbm>> -> memref<1x40x64xi32, #tpu.memory_space<hbm>>
      %dma_start3A_208 = tpu.memref_squeeze %dma_start3A_207 : memref<1x40x64xi32, #tpu.memory_space<hbm>> -> memref<40x64xi32, #tpu.memory_space<hbm>>
      %dma_start3A_209 = arith.constant 0 : i32
      %dma_start3A_210 = arith.constant 0 : i32
      %dma_start3A_211 = tpu.memref_slice %arg4[%add3A, %dma_start3A_209, %dma_start3A_210] : memref<32x160x64xi32, #tpu.memory_space<hbm>> -> memref<1x40x64xi32, #tpu.memory_space<hbm>>
      %dma_start3A_212 = tpu.memref_squeeze %dma_start3A_211 : memref<1x40x64xi32, #tpu.memory_space<hbm>> -> memref<40x64xi32, #tpu.memory_space<hbm>>
      tpu.enqueue_dma source(%dma_start3A_212 : memref<40x64xi32, #tpu.memory_space<hbm>>) target(%arg7 : memref<40x64xi32, #tpu.memory_space<vmem>>) target_semaphore(%run_scoped3A : memref<!tpu.dma_semaphore, #tpu.memory_space<semaphore_mem>>)
      %dma_wait3A_213 = arith.constant 0 : i32
      %dma_wait3A_214 = arith.constant 0 : i32
      %dma_wait3A_215 = tpu.memref_slice %arg4[%add3A, %dma_wait3A_213, %dma_wait3A_214] : memref<32x160x64xi32, #tpu.memory_space<hbm>> -> memref<1x40x64xi32, #tpu.memory_space<hbm>>
      %dma_wait3A_216 = tpu.memref_squeeze %dma_wait3A_215 : memref<1x40x64xi32, #tpu.memory_space<hbm>> -> memref<40x64xi32, #tpu.memory_space<hbm>>
      %dma_wait3A_217 = arith.constant 0 : i32
      %dma_wait3A_218 = arith.constant 0 : i32
      %dma_wait3A_219 = tpu.memref_slice %arg4[%add3A, %dma_wait3A_217, %dma_wait3A_218] : memref<32x160x64xi32, #tpu.memory_space<hbm>> -> memref<1x40x64xi32, #tpu.memory_space<hbm>>
      %dma_wait3A_220 = tpu.memref_squeeze %dma_wait3A_219 : memref<1x40x64xi32, #tpu.memory_space<hbm>> -> memref<40x64xi32, #tpu.memory_space<hbm>>
      tpu.wait_dma2 semaphore(%run_scoped3A : memref<!tpu.dma_semaphore, #tpu.memory_space<semaphore_mem>>) src(%dma_wait3A_220 : memref<40x64xi32, #tpu.memory_space<hbm>>) dst(%arg7 : memref<40x64xi32, #tpu.memory_space<vmem>>)
      tpu.yield
    }) : () -> ()
    %dma_start3A = arith.constant 0 : i32
    %dma_start3A_7 = arith.constant 0 : i32
    %dma_start3A_8 = tpu.memref_slice %arg6[%dma_start3A, %dma_start3A_7] : memref<40x64xi32, #tpu.memory_space<vmem>> -> memref<1x64xi32, #tpu.memory_space<vmem>>
    %dma_start3A_9 = tpu.memref_squeeze %dma_start3A_8 : memref<1x64xi32, #tpu.memory_space<vmem>> -> memref<64xi32, #tpu.memory_space<vmem>>
    %dma_start3A_10 = arith.constant 0 : i32
    %dma_start3A_11 = arith.constant 0 : i32
    %dma_start3A_12 = tpu.memref_slice %arg2[%dma_start3A_10, %dma_start3A_11] : memref<10240x128xf32, #tpu.memory_space<hbm>> -> memref<10240x128xf32, #tpu.memory_space<hbm>>
    tpu.enqueue_indirect_dma source(%dma_start3A_12 : memref<10240x128xf32, #tpu.memory_space<hbm>>) target(%arg8 : memref<64x128xf32, #tpu.memory_space<vmem>>) offsets(%dma_start3A_9 : memref<64xi32, #tpu.memory_space<vmem>>) semaphore(%arg13 : memref<!tpu.dma_semaphore, #tpu.memory_space<semaphore_mem>>)
    %dma_start3A_13 = arith.constant 1 : i32
    %dma_start3A_14 = arith.constant 0 : i32
    %dma_start3A_15 = tpu.memref_slice %arg6[%dma_start3A_13, %dma_start3A_14] : memref<40x64xi32, #tpu.memory_space<vmem>> -> memref<1x64xi32, #tpu.memory_space<vmem>>
    %dma_start3A_16 = tpu.memref_squeeze %dma_start3A_15 : memref<1x64xi32, #tpu.memory_space<vmem>> -> memref<64xi32, #tpu.memory_space<vmem>>
    %dma_start3A_17 = arith.constant 0 : i32
    %dma_start3A_18 = arith.constant 0 : i32
    %dma_start3A_19 = tpu.memref_slice %arg2[%dma_start3A_17, %dma_start3A_18] : memref<10240x128xf32, #tpu.memory_space<hbm>> -> memref<10240x128xf32, #tpu.memory_space<hbm>>
    tpu.enqueue_indirect_dma source(%dma_start3A_19 : memref<10240x128xf32, #tpu.memory_space<hbm>>) target(%arg9 : memref<64x128xf32, #tpu.memory_space<vmem>>) offsets(%dma_start3A_16 : memref<64xi32, #tpu.memory_space<vmem>>) semaphore(%arg14 : memref<!tpu.dma_semaphore, #tpu.memory_space<semaphore_mem>>)
    %scan3A = arith.constant 0 : i32
    %scan3A_20 = arith.constant 0 : i32
    %scan3A_21 = arith.constant 10 : i32
    %scan3A_22 = arith.addi %scan3A_20, %scan3A_21 : i32
    %scan3A_23 = arith.constant 1 : i32
    %scan3A_24 = scf.for %scan3A_205 = %scan3A_20 to %scan3A_22 step %scan3A_23 iter_args(%scan3A_206 = %scan3A) -> (i32)  : i32 {
      %mul3A_207 = arith.constant 4 : i32
      %mul3A_208 = arith.muli %mul3A_207, %scan3A_205 : i32
      %add3A_209 = arith.constant 0 : i32
      %add3A_210 = arith.addi %mul3A_208, %add3A_209 : i32
      %dma_wait3A_211 = arith.constant 0 : i32
      %dma_wait3A_212 = tpu.memref_slice %arg6[%add3A_210, %dma_wait3A_211] : memref<40x64xi32, #tpu.memory_space<vmem>> -> memref<1x64xi32, #tpu.memory_space<vmem>>
      %dma_wait3A_213 = tpu.memref_squeeze %dma_wait3A_212 : memref<1x64xi32, #tpu.memory_space<vmem>> -> memref<64xi32, #tpu.memory_space<vmem>>
      %dma_wait3A_214 = arith.constant 0 : i32
      %dma_wait3A_215 = arith.constant 0 : i32
      %dma_wait3A_216 = tpu.memref_slice %arg2[%dma_wait3A_214, %dma_wait3A_215] : memref<10240x128xf32, #tpu.memory_space<hbm>> -> memref<10240x128xf32, #tpu.memory_space<hbm>>
      tpu.wait_indirect_dma semaphore(%arg13 : memref<!tpu.dma_semaphore, #tpu.memory_space<semaphore_mem>>) src(%dma_wait3A_216 : memref<10240x128xf32, #tpu.memory_space<hbm>>) dst(%arg8 : memref<64x128xf32, #tpu.memory_space<vmem>>)
      %dma_start3A_217 = arith.constant 0 : i32
      %dma_start3A_218 = tpu.memref_slice %arg7[%add3A_210, %dma_start3A_217] : memref<40x64xi32, #tpu.memory_space<vmem>> -> memref<1x64xi32, #tpu.memory_space<vmem>>
      %dma_start3A_219 = tpu.memref_squeeze %dma_start3A_218 : memref<1x64xi32, #tpu.memory_space<vmem>> -> memref<64xi32, #tpu.memory_space<vmem>>
      %dma_start3A_220 = arith.constant 0 : i32
      %dma_start3A_221 = arith.constant 0 : i32
      %dma_start3A_222 = tpu.memref_slice %arg12[%dma_start3A_220, %dma_start3A_221] : memref<10240x128xf32, #tpu.memory_space<vmem_shared>> -> memref<10240x128xf32, #tpu.memory_space<vmem_shared>>
      tpu.enqueue_indirect_dma source(%arg8 : memref<64x128xf32, #tpu.memory_space<vmem>>) target(%dma_start3A_222 : memref<10240x128xf32, #tpu.memory_space<vmem_shared>>) offsets(%dma_start3A_219 : memref<64xi32, #tpu.memory_space<vmem>>) semaphore(%arg17 : memref<!tpu.dma_semaphore, #tpu.memory_space<semaphore_mem>>) {add = true}
      %add3A_223 = arith.constant 2 : i32
      %add3A_224 = arith.addi %add3A_210, %add3A_223 : i32
      %lt3A = arith.constant 40 : i32
      %lt3A_225 = arith.cmpi slt, %add3A_224, %lt3A : i32
      %convert_element_type3A_226 = arith.extui %lt3A_225 : i1 to i32
      %cond3A_227 = arith.constant 0 : i32
      %cond3A_228 = arith.cmpi ne, %convert_element_type3A_226, %cond3A_227 : i32
      scf.if %cond3A_228 {
        %ge3A = arith.constant 2 : i32
        %ge3A_299 = arith.cmpi sge, %add3A_210, %ge3A : i32
        %convert_element_type3A_300 = arith.extui %ge3A_299 : i1 to i32
        %cond3A_301 = arith.constant 0 : i32
        %cond3A_302 = arith.cmpi ne, %convert_element_type3A_300, %cond3A_301 : i32
        scf.if %cond3A_302 {
          %dma_wait3A_311 = arith.constant 0 : i32
          %dma_wait3A_312 = tpu.memref_slice %arg7[%add3A_210, %dma_wait3A_311] : memref<40x64xi32, #tpu.memory_space<vmem>> -> memref<1x64xi32, #tpu.memory_space<vmem>>
          %dma_wait3A_313 = tpu.memref_squeeze %dma_wait3A_312 : memref<1x64xi32, #tpu.memory_space<vmem>> -> memref<64xi32, #tpu.memory_space<vmem>>
          %dma_wait3A_314 = arith.constant 0 : i32
          %dma_wait3A_315 = arith.constant 0 : i32
          %dma_wait3A_316 = tpu.memref_slice %arg12[%dma_wait3A_314, %dma_wait3A_315] : memref<10240x128xf32, #tpu.memory_space<vmem_shared>> -> memref<10240x128xf32, #tpu.memory_space<vmem_shared>>
          tpu.wait_indirect_dma semaphore(%arg19 : memref<!tpu.dma_semaphore, #tpu.memory_space<semaphore_mem>>) src(%arg10 : memref<64x128xf32, #tpu.memory_space<vmem>>) dst(%dma_wait3A_316 : memref<10240x128xf32, #tpu.memory_space<vmem_shared>>)
        } else {
        }
        %add3A_303 = arith.constant 2 : i32
        %add3A_304 = arith.addi %add3A_210, %add3A_303 : i32
        %dma_start3A_305 = arith.constant 0 : i32
        %dma_start3A_306 = tpu.memref_slice %arg6[%add3A_304, %dma_start3A_305] : memref<40x64xi32, #tpu.memory_space<vmem>> -> memref<1x64xi32, #tpu.memory_space<vmem>>
        %dma_start3A_307 = tpu.memref_squeeze %dma_start3A_306 : memref<1x64xi32, #tpu.memory_space<vmem>> -> memref<64xi32, #tpu.memory_space<vmem>>
        %dma_start3A_308 = arith.constant 0 : i32
        %dma_start3A_309 = arith.constant 0 : i32
        %dma_start3A_310 = tpu.memref_slice %arg2[%dma_start3A_308, %dma_start3A_309] : memref<10240x128xf32, #tpu.memory_space<hbm>> -> memref<10240x128xf32, #tpu.memory_space<hbm>>
        tpu.enqueue_indirect_dma source(%dma_start3A_310 : memref<10240x128xf32, #tpu.memory_space<hbm>>) target(%arg10 : memref<64x128xf32, #tpu.memory_space<vmem>>) offsets(%dma_start3A_307 : memref<64xi32, #tpu.memory_space<vmem>>) semaphore(%arg15 : memref<!tpu.dma_semaphore, #tpu.memory_space<semaphore_mem>>)
      } else {
      }
      %mul3A_229 = arith.constant 4 : i32
      %mul3A_230 = arith.muli %mul3A_229, %scan3A_205 : i32
      %add3A_231 = arith.constant 1 : i32
      %add3A_232 = arith.addi %mul3A_230, %add3A_231 : i32
      %dma_wait3A_233 = arith.constant 0 : i32
      %dma_wait3A_234 = tpu.memref_slice %arg6[%add3A_232, %dma_wait3A_233] : memref<40x64xi32, #tpu.memory_space<vmem>> -> memref<1x64xi32, #tpu.memory_space<vmem>>
      %dma_wait3A_235 = tpu.memref_squeeze %dma_wait3A_234 : memref<1x64xi32, #tpu.memory_space<vmem>> -> memref<64xi32, #tpu.memory_space<vmem>>
      %dma_wait3A_236 = arith.constant 0 : i32
      %dma_wait3A_237 = arith.constant 0 : i32
      %dma_wait3A_238 = tpu.memref_slice %arg2[%dma_wait3A_236, %dma_wait3A_237] : memref<10240x128xf32, #tpu.memory_space<hbm>> -> memref<10240x128xf32, #tpu.memory_space<hbm>>
      tpu.wait_indirect_dma semaphore(%arg14 : memref<!tpu.dma_semaphore, #tpu.memory_space<semaphore_mem>>) src(%dma_wait3A_238 : memref<10240x128xf32, #tpu.memory_space<hbm>>) dst(%arg9 : memref<64x128xf32, #tpu.memory_space<vmem>>)
      %dma_start3A_239 = arith.constant 0 : i32
      %dma_start3A_240 = tpu.memref_slice %arg7[%add3A_232, %dma_start3A_239] : memref<40x64xi32, #tpu.memory_space<vmem>> -> memref<1x64xi32, #tpu.memory_space<vmem>>
      %dma_start3A_241 = tpu.memref_squeeze %dma_start3A_240 : memref<1x64xi32, #tpu.memory_space<vmem>> -> memref<64xi32, #tpu.memory_space<vmem>>
      %dma_start3A_242 = arith.constant 0 : i32
      %dma_start3A_243 = arith.constant 0 : i32
      %dma_start3A_244 = tpu.memref_slice %arg12[%dma_start3A_242, %dma_start3A_243] : memref<10240x128xf32, #tpu.memory_space<vmem_shared>> -> memref<10240x128xf32, #tpu.memory_space<vmem_shared>>
      tpu.enqueue_indirect_dma source(%arg9 : memref<64x128xf32, #tpu.memory_space<vmem>>) target(%dma_start3A_244 : memref<10240x128xf32, #tpu.memory_space<vmem_shared>>) offsets(%dma_start3A_241 : memref<64xi32, #tpu.memory_space<vmem>>) semaphore(%arg18 : memref<!tpu.dma_semaphore, #tpu.memory_space<semaphore_mem>>) {add = true}
      %add3A_245 = arith.constant 2 : i32
      %add3A_246 = arith.addi %add3A_232, %add3A_245 : i32
      %lt3A_247 = arith.constant 40 : i32
      %lt3A_248 = arith.cmpi slt, %add3A_246, %lt3A_247 : i32
      %convert_element_type3A_249 = arith.extui %lt3A_248 : i1 to i32
      %cond3A_250 = arith.constant 0 : i32
      %cond3A_251 = arith.cmpi ne, %convert_element_type3A_249, %cond3A_250 : i32
      scf.if %cond3A_251 {
        %ge3A = arith.constant 2 : i32
        %ge3A_299 = arith.cmpi sge, %add3A_232, %ge3A : i32
        %convert_element_type3A_300 = arith.extui %ge3A_299 : i1 to i32
        %cond3A_301 = arith.constant 0 : i32
        %cond3A_302 = arith.cmpi ne, %convert_element_type3A_300, %cond3A_301 : i32
        scf.if %cond3A_302 {
          %dma_wait3A_311 = arith.constant 0 : i32
          %dma_wait3A_312 = tpu.memref_slice %arg7[%add3A_232, %dma_wait3A_311] : memref<40x64xi32, #tpu.memory_space<vmem>> -> memref<1x64xi32, #tpu.memory_space<vmem>>
          %dma_wait3A_313 = tpu.memref_squeeze %dma_wait3A_312 : memref<1x64xi32, #tpu.memory_space<vmem>> -> memref<64xi32, #tpu.memory_space<vmem>>
          %dma_wait3A_314 = arith.constant 0 : i32
          %dma_wait3A_315 = arith.constant 0 : i32
          %dma_wait3A_316 = tpu.memref_slice %arg12[%dma_wait3A_314, %dma_wait3A_315] : memref<10240x128xf32, #tpu.memory_space<vmem_shared>> -> memref<10240x128xf32, #tpu.memory_space<vmem_shared>>
          tpu.wait_indirect_dma semaphore(%arg20 : memref<!tpu.dma_semaphore, #tpu.memory_space<semaphore_mem>>) src(%arg11 : memref<64x128xf32, #tpu.memory_space<vmem>>) dst(%dma_wait3A_316 : memref<10240x128xf32, #tpu.memory_space<vmem_shared>>)
        } else {
        }
        %add3A_303 = arith.constant 2 : i32
        %add3A_304 = arith.addi %add3A_232, %add3A_303 : i32
        %dma_start3A_305 = arith.constant 0 : i32
        %dma_start3A_306 = tpu.memref_slice %arg6[%add3A_304, %dma_start3A_305] : memref<40x64xi32, #tpu.memory_space<vmem>> -> memref<1x64xi32, #tpu.memory_space<vmem>>
        %dma_start3A_307 = tpu.memref_squeeze %dma_start3A_306 : memref<1x64xi32, #tpu.memory_space<vmem>> -> memref<64xi32, #tpu.memory_space<vmem>>
        %dma_start3A_308 = arith.constant 0 : i32
        %dma_start3A_309 = arith.constant 0 : i32
        %dma_start3A_310 = tpu.memref_slice %arg2[%dma_start3A_308, %dma_start3A_309] : memref<10240x128xf32, #tpu.memory_space<hbm>> -> memref<10240x128xf32, #tpu.memory_space<hbm>>
        tpu.enqueue_indirect_dma source(%dma_start3A_310 : memref<10240x128xf32, #tpu.memory_space<hbm>>) target(%arg11 : memref<64x128xf32, #tpu.memory_space<vmem>>) offsets(%dma_start3A_307 : memref<64xi32, #tpu.memory_space<vmem>>) semaphore(%arg16 : memref<!tpu.dma_semaphore, #tpu.memory_space<semaphore_mem>>)
      } else {
      }
      %mul3A_252 = arith.constant 4 : i32
      %mul3A_253 = arith.muli %mul3A_252, %scan3A_205 : i32
      %add3A_254 = arith.constant 2 : i32
      %add3A_255 = arith.addi %mul3A_253, %add3A_254 : i32
      %dma_wait3A_256 = arith.constant 0 : i32
      %dma_wait3A_257 = tpu.memref_slice %arg6[%add3A_255, %dma_wait3A_256] : memref<40x64xi32, #tpu.memory_space<vmem>> -> memref<1x64xi32, #tpu.memory_space<vmem>>
      %dma_wait3A_258 = tpu.memref_squeeze %dma_wait3A_257 : memref<1x64xi32, #tpu.memory_space<vmem>> -> memref<64xi32, #tpu.memory_space<vmem>>
      %dma_wait3A_259 = arith.constant 0 : i32
      %dma_wait3A_260 = arith.constant 0 : i32
      %dma_wait3A_261 = tpu.memref_slice %arg2[%dma_wait3A_259, %dma_wait3A_260] : memref<10240x128xf32, #tpu.memory_space<hbm>> -> memref<10240x128xf32, #tpu.memory_space<hbm>>
      tpu.wait_indirect_dma semaphore(%arg15 : memref<!tpu.dma_semaphore, #tpu.memory_space<semaphore_mem>>) src(%dma_wait3A_261 : memref<10240x128xf32, #tpu.memory_space<hbm>>) dst(%arg10 : memref<64x128xf32, #tpu.memory_space<vmem>>)
      %dma_start3A_262 = arith.constant 0 : i32
      %dma_start3A_263 = tpu.memref_slice %arg7[%add3A_255, %dma_start3A_262] : memref<40x64xi32, #tpu.memory_space<vmem>> -> memref<1x64xi32, #tpu.memory_space<vmem>>
      %dma_start3A_264 = tpu.memref_squeeze %dma_start3A_263 : memref<1x64xi32, #tpu.memory_space<vmem>> -> memref<64xi32, #tpu.memory_space<vmem>>
      %dma_start3A_265 = arith.constant 0 : i32
      %dma_start3A_266 = arith.constant 0 : i32
      %dma_start3A_267 = tpu.memref_slice %arg12[%dma_start3A_265, %dma_start3A_266] : memref<10240x128xf32, #tpu.memory_space<vmem_shared>> -> memref<10240x128xf32, #tpu.memory_space<vmem_shared>>
      tpu.enqueue_indirect_dma source(%arg10 : memref<64x128xf32, #tpu.memory_space<vmem>>) target(%dma_start3A_267 : memref<10240x128xf32, #tpu.memory_space<vmem_shared>>) offsets(%dma_start3A_264 : memref<64xi32, #tpu.memory_space<vmem>>) semaphore(%arg19 : memref<!tpu.dma_semaphore, #tpu.memory_space<semaphore_mem>>) {add = true}
      %add3A_268 = arith.constant 2 : i32
      %add3A_269 = arith.addi %add3A_255, %add3A_268 : i32
      %lt3A_270 = arith.constant 40 : i32
      %lt3A_271 = arith.cmpi slt, %add3A_269, %lt3A_270 : i32
      %convert_element_type3A_272 = arith.extui %lt3A_271 : i1 to i32
      %cond3A_273 = arith.constant 0 : i32
      %cond3A_274 = arith.cmpi ne, %convert_element_type3A_272, %cond3A_273 : i32
      scf.if %cond3A_274 {
        %ge3A = arith.constant 2 : i32
        %ge3A_299 = arith.cmpi sge, %add3A_255, %ge3A : i32
        %convert_element_type3A_300 = arith.extui %ge3A_299 : i1 to i32
        %cond3A_301 = arith.constant 0 : i32
        %cond3A_302 = arith.cmpi ne, %convert_element_type3A_300, %cond3A_301 : i32
        scf.if %cond3A_302 {
          %dma_wait3A_311 = arith.constant 0 : i32
          %dma_wait3A_312 = tpu.memref_slice %arg7[%add3A_255, %dma_wait3A_311] : memref<40x64xi32, #tpu.memory_space<vmem>> -> memref<1x64xi32, #tpu.memory_space<vmem>>
          %dma_wait3A_313 = tpu.memref_squeeze %dma_wait3A_312 : memref<1x64xi32, #tpu.memory_space<vmem>> -> memref<64xi32, #tpu.memory_space<vmem>>
          %dma_wait3A_314 = arith.constant 0 : i32
          %dma_wait3A_315 = arith.constant 0 : i32
          %dma_wait3A_316 = tpu.memref_slice %arg12[%dma_wait3A_314, %dma_wait3A_315] : memref<10240x128xf32, #tpu.memory_space<vmem_shared>> -> memref<10240x128xf32, #tpu.memory_space<vmem_shared>>
          tpu.wait_indirect_dma semaphore(%arg17 : memref<!tpu.dma_semaphore, #tpu.memory_space<semaphore_mem>>) src(%arg8 : memref<64x128xf32, #tpu.memory_space<vmem>>) dst(%dma_wait3A_316 : memref<10240x128xf32, #tpu.memory_space<vmem_shared>>)
        } else {
        }
        %add3A_303 = arith.constant 2 : i32
        %add3A_304 = arith.addi %add3A_255, %add3A_303 : i32
        %dma_start3A_305 = arith.constant 0 : i32
        %dma_start3A_306 = tpu.memref_slice %arg6[%add3A_304, %dma_start3A_305] : memref<40x64xi32, #tpu.memory_space<vmem>> -> memref<1x64xi32, #tpu.memory_space<vmem>>
        %dma_start3A_307 = tpu.memref_squeeze %dma_start3A_306 : memref<1x64xi32, #tpu.memory_space<vmem>> -> memref<64xi32, #tpu.memory_space<vmem>>
        %dma_start3A_308 = arith.constant 0 : i32
        %dma_start3A_309 = arith.constant 0 : i32
        %dma_start3A_310 = tpu.memref_slice %arg2[%dma_start3A_308, %dma_start3A_309] : memref<10240x128xf32, #tpu.memory_space<hbm>> -> memref<10240x128xf32, #tpu.memory_space<hbm>>
        tpu.enqueue_indirect_dma source(%dma_start3A_310 : memref<10240x128xf32, #tpu.memory_space<hbm>>) target(%arg8 : memref<64x128xf32, #tpu.memory_space<vmem>>) offsets(%dma_start3A_307 : memref<64xi32, #tpu.memory_space<vmem>>) semaphore(%arg13 : memref<!tpu.dma_semaphore, #tpu.memory_space<semaphore_mem>>)
      } else {
      }
      %mul3A_275 = arith.constant 4 : i32
      %mul3A_276 = arith.muli %mul3A_275, %scan3A_205 : i32
      %add3A_277 = arith.constant 3 : i32
      %add3A_278 = arith.addi %mul3A_276, %add3A_277 : i32
      %dma_wait3A_279 = arith.constant 0 : i32
      %dma_wait3A_280 = tpu.memref_slice %arg6[%add3A_278, %dma_wait3A_279] : memref<40x64xi32, #tpu.memory_space<vmem>> -> memref<1x64xi32, #tpu.memory_space<vmem>>
      %dma_wait3A_281 = tpu.memref_squeeze %dma_wait3A_280 : memref<1x64xi32, #tpu.memory_space<vmem>> -> memref<64xi32, #tpu.memory_space<vmem>>
      %dma_wait3A_282 = arith.constant 0 : i32
      %dma_wait3A_283 = arith.constant 0 : i32
      %dma_wait3A_284 = tpu.memref_slice %arg2[%dma_wait3A_282, %dma_wait3A_283] : memref<10240x128xf32, #tpu.memory_space<hbm>> -> memref<10240x128xf32, #tpu.memory_space<hbm>>
      tpu.wait_indirect_dma semaphore(%arg16 : memref<!tpu.dma_semaphore, #tpu.memory_space<semaphore_mem>>) src(%dma_wait3A_284 : memref<10240x128xf32, #tpu.memory_space<hbm>>) dst(%arg11 : memref<64x128xf32, #tpu.memory_space<vmem>>)
      %dma_start3A_285 = arith.constant 0 : i32
      %dma_start3A_286 = tpu.memref_slice %arg7[%add3A_278, %dma_start3A_285] : memref<40x64xi32, #tpu.memory_space<vmem>> -> memref<1x64xi32, #tpu.memory_space<vmem>>
      %dma_start3A_287 = tpu.memref_squeeze %dma_start3A_286 : memref<1x64xi32, #tpu.memory_space<vmem>> -> memref<64xi32, #tpu.memory_space<vmem>>
      %dma_start3A_288 = arith.constant 0 : i32
      %dma_start3A_289 = arith.constant 0 : i32
      %dma_start3A_290 = tpu.memref_slice %arg12[%dma_start3A_288, %dma_start3A_289] : memref<10240x128xf32, #tpu.memory_space<vmem_shared>> -> memref<10240x128xf32, #tpu.memory_space<vmem_shared>>
      tpu.enqueue_indirect_dma source(%arg11 : memref<64x128xf32, #tpu.memory_space<vmem>>) target(%dma_start3A_290 : memref<10240x128xf32, #tpu.memory_space<vmem_shared>>) offsets(%dma_start3A_287 : memref<64xi32, #tpu.memory_space<vmem>>) semaphore(%arg20 : memref<!tpu.dma_semaphore, #tpu.memory_space<semaphore_mem>>) {add = true}
      %add3A_291 = arith.constant 2 : i32
      %add3A_292 = arith.addi %add3A_278, %add3A_291 : i32
      %lt3A_293 = arith.constant 40 : i32
      %lt3A_294 = arith.cmpi slt, %add3A_292, %lt3A_293 : i32
      %convert_element_type3A_295 = arith.extui %lt3A_294 : i1 to i32
      %cond3A_296 = arith.constant 0 : i32
      %cond3A_297 = arith.cmpi ne, %convert_element_type3A_295, %cond3A_296 : i32
      scf.if %cond3A_297 {
        %ge3A = arith.constant 2 : i32
        %ge3A_299 = arith.cmpi sge, %add3A_278, %ge3A : i32
        %convert_element_type3A_300 = arith.extui %ge3A_299 : i1 to i32
        %cond3A_301 = arith.constant 0 : i32
        %cond3A_302 = arith.cmpi ne, %convert_element_type3A_300, %cond3A_301 : i32
        scf.if %cond3A_302 {
          %dma_wait3A_311 = arith.constant 0 : i32
          %dma_wait3A_312 = tpu.memref_slice %arg7[%add3A_278, %dma_wait3A_311] : memref<40x64xi32, #tpu.memory_space<vmem>> -> memref<1x64xi32, #tpu.memory_space<vmem>>
          %dma_wait3A_313 = tpu.memref_squeeze %dma_wait3A_312 : memref<1x64xi32, #tpu.memory_space<vmem>> -> memref<64xi32, #tpu.memory_space<vmem>>
          %dma_wait3A_314 = arith.constant 0 : i32
          %dma_wait3A_315 = arith.constant 0 : i32
          %dma_wait3A_316 = tpu.memref_slice %arg12[%dma_wait3A_314, %dma_wait3A_315] : memref<10240x128xf32, #tpu.memory_space<vmem_shared>> -> memref<10240x128xf32, #tpu.memory_space<vmem_shared>>
          tpu.wait_indirect_dma semaphore(%arg18 : memref<!tpu.dma_semaphore, #tpu.memory_space<semaphore_mem>>) src(%arg9 : memref<64x128xf32, #tpu.memory_space<vmem>>) dst(%dma_wait3A_316 : memref<10240x128xf32, #tpu.memory_space<vmem_shared>>)
        } else {
        }
        %add3A_303 = arith.constant 2 : i32
        %add3A_304 = arith.addi %add3A_278, %add3A_303 : i32
        %dma_start3A_305 = arith.constant 0 : i32
        %dma_start3A_306 = tpu.memref_slice %arg6[%add3A_304, %dma_start3A_305] : memref<40x64xi32, #tpu.memory_space<vmem>> -> memref<1x64xi32, #tpu.memory_space<vmem>>
        %dma_start3A_307 = tpu.memref_squeeze %dma_start3A_306 : memref<1x64xi32, #tpu.memory_space<vmem>> -> memref<64xi32, #tpu.memory_space<vmem>>
        %dma_start3A_308 = arith.constant 0 : i32
        %dma_start3A_309 = arith.constant 0 : i32
        %dma_start3A_310 = tpu.memref_slice %arg2[%dma_start3A_308, %dma_start3A_309] : memref<10240x128xf32, #tpu.memory_space<hbm>> -> memref<10240x128xf32, #tpu.memory_space<hbm>>
        tpu.enqueue_indirect_dma source(%dma_start3A_310 : memref<10240x128xf32, #tpu.memory_space<hbm>>) target(%arg9 : memref<64x128xf32, #tpu.memory_space<vmem>>) offsets(%dma_start3A_307 : memref<64xi32, #tpu.memory_space<vmem>>) semaphore(%arg14 : memref<!tpu.dma_semaphore, #tpu.memory_space<semaphore_mem>>)
      } else {
      }
      %scan3A_298 = arith.constant 0 : i32
      scf.yield %scan3A_298 : i32
    }
    %scan3A_25 = arith.constant 10 : i32
    %dma_wait3A = arith.constant 39 : i32
    %dma_wait3A_26 = arith.constant 0 : i32
    %dma_wait3A_27 = tpu.memref_slice %arg7[%dma_wait3A, %dma_wait3A_26] : memref<40x64xi32, #tpu.memory_space<vmem>> -> memref<1x64xi32, #tpu.memory_space<vmem>>
    %dma_wait3A_28 = tpu.memref_squeeze %dma_wait3A_27 : memref<1x64xi32, #tpu.memory_space<vmem>> -> memref<64xi32, #tpu.memory_space<vmem>>
    %dma_wait3A_29 = arith.constant 0 : i32
    %dma_wait3A_30 = arith.constant 0 : i32
    %dma_wait3A_31 = tpu.memref_slice %arg12[%dma_wait3A_29, %dma_wait3A_30] : memref<10240x128xf32, #tpu.memory_space<vmem_shared>> -> memref<10240x128xf32, #tpu.memory_space<vmem_shared>>
    tpu.wait_indirect_dma semaphore(%arg17 : memref<!tpu.dma_semaphore, #tpu.memory_space<semaphore_mem>>) src(%arg8 : memref<64x128xf32, #tpu.memory_space<vmem>>) dst(%dma_wait3A_31 : memref<10240x128xf32, #tpu.memory_space<vmem_shared>>)
    %dma_wait3A_32 = arith.constant 39 : i32
    %dma_wait3A_33 = arith.constant 0 : i32
    %dma_wait3A_34 = tpu.memref_slice %arg7[%dma_wait3A_32, %dma_wait3A_33] : memref<40x64xi32, #tpu.memory_space<vmem>> -> memref<1x64xi32, #tpu.memory_space<vmem>>
    %dma_wait3A_35 = tpu.memref_squeeze %dma_wait3A_34 : memref<1x64xi32, #tpu.memory_space<vmem>> -> memref<64xi32, #tpu.memory_space<vmem>>
    %dma_wait3A_36 = arith.constant 0 : i32
    %dma_wait3A_37 = arith.constant 0 : i32
    %dma_wait3A_38 = tpu.memref_slice %arg12[%dma_wait3A_36, %dma_wait3A_37] : memref<10240x128xf32, #tpu.memory_space<vmem_shared>> -> memref<10240x128xf32, #tpu.memory_space<vmem_shared>>
    tpu.wait_indirect_dma semaphore(%arg18 : memref<!tpu.dma_semaphore, #tpu.memory_space<semaphore_mem>>) src(%arg9 : memref<64x128xf32, #tpu.memory_space<vmem>>) dst(%dma_wait3A_38 : memref<10240x128xf32, #tpu.memory_space<vmem_shared>>)
    %dma_wait3A_39 = arith.constant 39 : i32
    %dma_wait3A_40 = arith.constant 0 : i32
    %dma_wait3A_41 = tpu.memref_slice %arg7[%dma_wait3A_39, %dma_wait3A_40] : memref<40x64xi32, #tpu.memory_space<vmem>> -> memref<1x64xi32, #tpu.memory_space<vmem>>
    %dma_wait3A_42 = tpu.memref_squeeze %dma_wait3A_41 : memref<1x64xi32, #tpu.memory_space<vmem>> -> memref<64xi32, #tpu.memory_space<vmem>>
    %dma_wait3A_43 = arith.constant 0 : i32
    %dma_wait3A_44 = arith.constant 0 : i32
    %dma_wait3A_45 = tpu.memref_slice %arg12[%dma_wait3A_43, %dma_wait3A_44] : memref<10240x128xf32, #tpu.memory_space<vmem_shared>> -> memref<10240x128xf32, #tpu.memory_space<vmem_shared>>
    tpu.wait_indirect_dma semaphore(%arg19 : memref<!tpu.dma_semaphore, #tpu.memory_space<semaphore_mem>>) src(%arg10 : memref<64x128xf32, #tpu.memory_space<vmem>>) dst(%dma_wait3A_45 : memref<10240x128xf32, #tpu.memory_space<vmem_shared>>)
    %dma_wait3A_46 = arith.constant 39 : i32
    %dma_wait3A_47 = arith.constant 0 : i32
    %dma_wait3A_48 = tpu.memref_slice %arg7[%dma_wait3A_46, %dma_wait3A_47] : memref<40x64xi32, #tpu.memory_space<vmem>> -> memref<1x64xi32, #tpu.memory_space<vmem>>
    %dma_wait3A_49 = tpu.memref_squeeze %dma_wait3A_48 : memref<1x64xi32, #tpu.memory_space<vmem>> -> memref<64xi32, #tpu.memory_space<vmem>>
    %dma_wait3A_50 = arith.constant 0 : i32
    %dma_wait3A_51 = arith.constant 0 : i32
    %dma_wait3A_52 = tpu.memref_slice %arg12[%dma_wait3A_50, %dma_wait3A_51] : memref<10240x128xf32, #tpu.memory_space<vmem_shared>> -> memref<10240x128xf32, #tpu.memory_space<vmem_shared>>
    tpu.wait_indirect_dma semaphore(%arg20 : memref<!tpu.dma_semaphore, #tpu.memory_space<semaphore_mem>>) src(%arg11 : memref<64x128xf32, #tpu.memory_space<vmem>>) dst(%dma_wait3A_52 : memref<10240x128xf32, #tpu.memory_space<vmem_shared>>)
    "tpu.region"() ({
      %run_scoped3A = tpu.sem_alloc : memref<!tpu.dma_semaphore, #tpu.memory_space<semaphore_mem>>
      %dma_start3A_205 = arith.constant 40 : i32
      %dma_start3A_206 = arith.constant 0 : i32
      %dma_start3A_207 = tpu.memref_slice %arg3[%add3A, %dma_start3A_205, %dma_start3A_206] : memref<32x160x64xi32, #tpu.memory_space<hbm>> -> memref<1x40x64xi32, #tpu.memory_space<hbm>>
      %dma_start3A_208 = tpu.memref_squeeze %dma_start3A_207 : memref<1x40x64xi32, #tpu.memory_space<hbm>> -> memref<40x64xi32, #tpu.memory_space<hbm>>
      %dma_start3A_209 = arith.constant 40 : i32
      %dma_start3A_210 = arith.constant 0 : i32
      %dma_start3A_211 = tpu.memref_slice %arg3[%add3A, %dma_start3A_209, %dma_start3A_210] : memref<32x160x64xi32, #tpu.memory_space<hbm>> -> memref<1x40x64xi32, #tpu.memory_space<hbm>>
      %dma_start3A_212 = tpu.memref_squeeze %dma_start3A_211 : memref<1x40x64xi32, #tpu.memory_space<hbm>> -> memref<40x64xi32, #tpu.memory_space<hbm>>
      tpu.enqueue_dma source(%dma_start3A_212 : memref<40x64xi32, #tpu.memory_space<hbm>>) target(%arg6 : memref<40x64xi32, #tpu.memory_space<vmem>>) target_semaphore(%run_scoped3A : memref<!tpu.dma_semaphore, #tpu.memory_space<semaphore_mem>>)
      %dma_wait3A_213 = arith.constant 40 : i32
      %dma_wait3A_214 = arith.constant 0 : i32
      %dma_wait3A_215 = tpu.memref_slice %arg3[%add3A, %dma_wait3A_213, %dma_wait3A_214] : memref<32x160x64xi32, #tpu.memory_space<hbm>> -> memref<1x40x64xi32, #tpu.memory_space<hbm>>
      %dma_wait3A_216 = tpu.memref_squeeze %dma_wait3A_215 : memref<1x40x64xi32, #tpu.memory_space<hbm>> -> memref<40x64xi32, #tpu.memory_space<hbm>>
      %dma_wait3A_217 = arith.constant 40 : i32
      %dma_wait3A_218 = arith.constant 0 : i32
      %dma_wait3A_219 = tpu.memref_slice %arg3[%add3A, %dma_wait3A_217, %dma_wait3A_218] : memref<32x160x64xi32, #tpu.memory_space<hbm>> -> memref<1x40x64xi32, #tpu.memory_space<hbm>>
      %dma_wait3A_220 = tpu.memref_squeeze %dma_wait3A_219 : memref<1x40x64xi32, #tpu.memory_space<hbm>> -> memref<40x64xi32, #tpu.memory_space<hbm>>
      tpu.wait_dma2 semaphore(%run_scoped3A : memref<!tpu.dma_semaphore, #tpu.memory_space<semaphore_mem>>) src(%dma_wait3A_220 : memref<40x64xi32, #tpu.memory_space<hbm>>) dst(%arg6 : memref<40x64xi32, #tpu.memory_space<vmem>>)
      tpu.yield
    }) : () -> ()
    "tpu.region"() ({
      %run_scoped3A = tpu.sem_alloc : memref<!tpu.dma_semaphore, #tpu.memory_space<semaphore_mem>>
      %dma_start3A_205 = arith.constant 40 : i32
      %dma_start3A_206 = arith.constant 0 : i32
      %dma_start3A_207 = tpu.memref_slice %arg4[%add3A, %dma_start3A_205, %dma_start3A_206] : memref<32x160x64xi32, #tpu.memory_space<hbm>> -> memref<1x40x64xi32, #tpu.memory_space<hbm>>
      %dma_start3A_208 = tpu.memref_squeeze %dma_start3A_207 : memref<1x40x64xi32, #tpu.memory_space<hbm>> -> memref<40x64xi32, #tpu.memory_space<hbm>>
      %dma_start3A_209 = arith.constant 40 : i32
      %dma_start3A_210 = arith.constant 0 : i32
      %dma_start3A_211 = tpu.memref_slice %arg4[%add3A, %dma_start3A_209, %dma_start3A_210] : memref<32x160x64xi32, #tpu.memory_space<hbm>> -> memref<1x40x64xi32, #tpu.memory_space<hbm>>
      %dma_start3A_212 = tpu.memref_squeeze %dma_start3A_211 : memref<1x40x64xi32, #tpu.memory_space<hbm>> -> memref<40x64xi32, #tpu.memory_space<hbm>>
      tpu.enqueue_dma source(%dma_start3A_212 : memref<40x64xi32, #tpu.memory_space<hbm>>) target(%arg7 : memref<40x64xi32, #tpu.memory_space<vmem>>) target_semaphore(%run_scoped3A : memref<!tpu.dma_semaphore, #tpu.memory_space<semaphore_mem>>)
      %dma_wait3A_213 = arith.constant 40 : i32
      %dma_wait3A_214 = arith.constant 0 : i32
      %dma_wait3A_215 = tpu.memref_slice %arg4[%add3A, %dma_wait3A_213, %dma_wait3A_214] : memref<32x160x64xi32, #tpu.memory_space<hbm>> -> memref<1x40x64xi32, #tpu.memory_space<hbm>>
      %dma_wait3A_216 = tpu.memref_squeeze %dma_wait3A_215 : memref<1x40x64xi32, #tpu.memory_space<hbm>> -> memref<40x64xi32, #tpu.memory_space<hbm>>
      %dma_wait3A_217 = arith.constant 40 : i32
      %dma_wait3A_218 = arith.constant 0 : i32
      %dma_wait3A_219 = tpu.memref_slice %arg4[%add3A, %dma_wait3A_217, %dma_wait3A_218] : memref<32x160x64xi32, #tpu.memory_space<hbm>> -> memref<1x40x64xi32, #tpu.memory_space<hbm>>
      %dma_wait3A_220 = tpu.memref_squeeze %dma_wait3A_219 : memref<1x40x64xi32, #tpu.memory_space<hbm>> -> memref<40x64xi32, #tpu.memory_space<hbm>>
      tpu.wait_dma2 semaphore(%run_scoped3A : memref<!tpu.dma_semaphore, #tpu.memory_space<semaphore_mem>>) src(%dma_wait3A_220 : memref<40x64xi32, #tpu.memory_space<hbm>>) dst(%arg7 : memref<40x64xi32, #tpu.memory_space<vmem>>)
      tpu.yield
    }) : () -> ()
    %dma_start3A_53 = arith.constant 0 : i32
    %dma_start3A_54 = arith.constant 0 : i32
    %dma_start3A_55 = tpu.memref_slice %arg6[%dma_start3A_53, %dma_start3A_54] : memref<40x64xi32, #tpu.memory_space<vmem>> -> memref<1x64xi32, #tpu.memory_space<vmem>>
    %dma_start3A_56 = tpu.memref_squeeze %dma_start3A_55 : memref<1x64xi32, #tpu.memory_space<vmem>> -> memref<64xi32, #tpu.memory_space<vmem>>
    %dma_start3A_57 = arith.constant 0 : i32
    %dma_start3A_58 = arith.constant 0 : i32
    %dma_start3A_59 = tpu.memref_slice %arg2[%dma_start3A_57, %dma_start3A_58] : memref<10240x128xf32, #tpu.memory_space<hbm>> -> memref<10240x128xf32, #tpu.memory_space<hbm>>
    tpu.enqueue_indirect_dma source(%dma_start3A_59 : memref<10240x128xf32, #tpu.memory_space<hbm>>) target(%arg8 : memref<64x128xf32, #tpu.memory_space<vmem>>) offsets(%dma_start3A_56 : memref<64xi32, #tpu.memory_space<vmem>>) semaphore(%arg13 : memref<!tpu.dma_semaphore, #tpu.memory_space<semaphore_mem>>)
    %dma_start3A_60 = arith.constant 1 : i32
    %dma_start3A_61 = arith.constant 0 : i32
    %dma_start3A_62 = tpu.memref_slice %arg6[%dma_start3A_60, %dma_start3A_61] : memref<40x64xi32, #tpu.memory_space<vmem>> -> memref<1x64xi32, #tpu.memory_space<vmem>>
    %dma_start3A_63 = tpu.memref_squeeze %dma_start3A_62 : memref<1x64xi32, #tpu.memory_space<vmem>> -> memref<64xi32, #tpu.memory_space<vmem>>
    %dma_start3A_64 = arith.constant 0 : i32
    %dma_start3A_65 = arith.constant 0 : i32
    %dma_start3A_66 = tpu.memref_slice %arg2[%dma_start3A_64, %dma_start3A_65] : memref<10240x128xf32, #tpu.memory_space<hbm>> -> memref<10240x128xf32, #tpu.memory_space<hbm>>
    tpu.enqueue_indirect_dma source(%dma_start3A_66 : memref<10240x128xf32, #tpu.memory_space<hbm>>) target(%arg9 : memref<64x128xf32, #tpu.memory_space<vmem>>) offsets(%dma_start3A_63 : memref<64xi32, #tpu.memory_space<vmem>>) semaphore(%arg14 : memref<!tpu.dma_semaphore, #tpu.memory_space<semaphore_mem>>)
    %scan3A_67 = arith.constant 0 : i32
    %scan3A_68 = arith.constant 0 : i32
    %scan3A_69 = arith.constant 10 : i32
    %scan3A_70 = arith.addi %scan3A_68, %scan3A_69 : i32
    %scan3A_71 = arith.constant 1 : i32
    %scan3A_72 = scf.for %scan3A_205 = %scan3A_68 to %scan3A_70 step %scan3A_71 iter_args(%scan3A_206 = %scan3A_67) -> (i32)  : i32 {
      %mul3A_207 = arith.constant 4 : i32
      %mul3A_208 = arith.muli %mul3A_207, %scan3A_205 : i32
      %add3A_209 = arith.constant 0 : i32
      %add3A_210 = arith.addi %mul3A_208, %add3A_209 : i32
      %dma_wait3A_211 = arith.constant 0 : i32
      %dma_wait3A_212 = tpu.memref_slice %arg6[%add3A_210, %dma_wait3A_211] : memref<40x64xi32, #tpu.memory_space<vmem>> -> memref<1x64xi32, #tpu.memory_space<vmem>>
      %dma_wait3A_213 = tpu.memref_squeeze %dma_wait3A_212 : memref<1x64xi32, #tpu.memory_space<vmem>> -> memref<64xi32, #tpu.memory_space<vmem>>
      %dma_wait3A_214 = arith.constant 0 : i32
      %dma_wait3A_215 = arith.constant 0 : i32
      %dma_wait3A_216 = tpu.memref_slice %arg2[%dma_wait3A_214, %dma_wait3A_215] : memref<10240x128xf32, #tpu.memory_space<hbm>> -> memref<10240x128xf32, #tpu.memory_space<hbm>>
      tpu.wait_indirect_dma semaphore(%arg13 : memref<!tpu.dma_semaphore, #tpu.memory_space<semaphore_mem>>) src(%dma_wait3A_216 : memref<10240x128xf32, #tpu.memory_space<hbm>>) dst(%arg8 : memref<64x128xf32, #tpu.memory_space<vmem>>)
      %dma_start3A_217 = arith.constant 0 : i32
      %dma_start3A_218 = tpu.memref_slice %arg7[%add3A_210, %dma_start3A_217] : memref<40x64xi32, #tpu.memory_space<vmem>> -> memref<1x64xi32, #tpu.memory_space<vmem>>
      %dma_start3A_219 = tpu.memref_squeeze %dma_start3A_218 : memref<1x64xi32, #tpu.memory_space<vmem>> -> memref<64xi32, #tpu.memory_space<vmem>>
      %dma_start3A_220 = arith.constant 0 : i32
      %dma_start3A_221 = arith.constant 0 : i32
      %dma_start3A_222 = tpu.memref_slice %arg12[%dma_start3A_220, %dma_start3A_221] : memref<10240x128xf32, #tpu.memory_space<vmem_shared>> -> memref<10240x128xf32, #tpu.memory_space<vmem_shared>>
      tpu.enqueue_indirect_dma source(%arg8 : memref<64x128xf32, #tpu.memory_space<vmem>>) target(%dma_start3A_222 : memref<10240x128xf32, #tpu.memory_space<vmem_shared>>) offsets(%dma_start3A_219 : memref<64xi32, #tpu.memory_space<vmem>>) semaphore(%arg17 : memref<!tpu.dma_semaphore, #tpu.memory_space<semaphore_mem>>) {add = true}
      %add3A_223 = arith.constant 2 : i32
      %add3A_224 = arith.addi %add3A_210, %add3A_223 : i32
      %lt3A = arith.constant 40 : i32
      %lt3A_225 = arith.cmpi slt, %add3A_224, %lt3A : i32
      %convert_element_type3A_226 = arith.extui %lt3A_225 : i1 to i32
      %cond3A_227 = arith.constant 0 : i32
      %cond3A_228 = arith.cmpi ne, %convert_element_type3A_226, %cond3A_227 : i32
      scf.if %cond3A_228 {
        %ge3A = arith.constant 2 : i32
        %ge3A_299 = arith.cmpi sge, %add3A_210, %ge3A : i32
        %convert_element_type3A_300 = arith.extui %ge3A_299 : i1 to i32
        %cond3A_301 = arith.constant 0 : i32
        %cond3A_302 = arith.cmpi ne, %convert_element_type3A_300, %cond3A_301 : i32
        scf.if %cond3A_302 {
          %dma_wait3A_311 = arith.constant 0 : i32
          %dma_wait3A_312 = tpu.memref_slice %arg7[%add3A_210, %dma_wait3A_311] : memref<40x64xi32, #tpu.memory_space<vmem>> -> memref<1x64xi32, #tpu.memory_space<vmem>>
          %dma_wait3A_313 = tpu.memref_squeeze %dma_wait3A_312 : memref<1x64xi32, #tpu.memory_space<vmem>> -> memref<64xi32, #tpu.memory_space<vmem>>
          %dma_wait3A_314 = arith.constant 0 : i32
          %dma_wait3A_315 = arith.constant 0 : i32
          %dma_wait3A_316 = tpu.memref_slice %arg12[%dma_wait3A_314, %dma_wait3A_315] : memref<10240x128xf32, #tpu.memory_space<vmem_shared>> -> memref<10240x128xf32, #tpu.memory_space<vmem_shared>>
          tpu.wait_indirect_dma semaphore(%arg19 : memref<!tpu.dma_semaphore, #tpu.memory_space<semaphore_mem>>) src(%arg10 : memref<64x128xf32, #tpu.memory_space<vmem>>) dst(%dma_wait3A_316 : memref<10240x128xf32, #tpu.memory_space<vmem_shared>>)
        } else {
        }
        %add3A_303 = arith.constant 2 : i32
        %add3A_304 = arith.addi %add3A_210, %add3A_303 : i32
        %dma_start3A_305 = arith.constant 0 : i32
        %dma_start3A_306 = tpu.memref_slice %arg6[%add3A_304, %dma_start3A_305] : memref<40x64xi32, #tpu.memory_space<vmem>> -> memref<1x64xi32, #tpu.memory_space<vmem>>
        %dma_start3A_307 = tpu.memref_squeeze %dma_start3A_306 : memref<1x64xi32, #tpu.memory_space<vmem>> -> memref<64xi32, #tpu.memory_space<vmem>>
        %dma_start3A_308 = arith.constant 0 : i32
        %dma_start3A_309 = arith.constant 0 : i32
        %dma_start3A_310 = tpu.memref_slice %arg2[%dma_start3A_308, %dma_start3A_309] : memref<10240x128xf32, #tpu.memory_space<hbm>> -> memref<10240x128xf32, #tpu.memory_space<hbm>>
        tpu.enqueue_indirect_dma source(%dma_start3A_310 : memref<10240x128xf32, #tpu.memory_space<hbm>>) target(%arg10 : memref<64x128xf32, #tpu.memory_space<vmem>>) offsets(%dma_start3A_307 : memref<64xi32, #tpu.memory_space<vmem>>) semaphore(%arg15 : memref<!tpu.dma_semaphore, #tpu.memory_space<semaphore_mem>>)
      } else {
      }
      %mul3A_229 = arith.constant 4 : i32
      %mul3A_230 = arith.muli %mul3A_229, %scan3A_205 : i32
      %add3A_231 = arith.constant 1 : i32
      %add3A_232 = arith.addi %mul3A_230, %add3A_231 : i32
      %dma_wait3A_233 = arith.constant 0 : i32
      %dma_wait3A_234 = tpu.memref_slice %arg6[%add3A_232, %dma_wait3A_233] : memref<40x64xi32, #tpu.memory_space<vmem>> -> memref<1x64xi32, #tpu.memory_space<vmem>>
      %dma_wait3A_235 = tpu.memref_squeeze %dma_wait3A_234 : memref<1x64xi32, #tpu.memory_space<vmem>> -> memref<64xi32, #tpu.memory_space<vmem>>
      %dma_wait3A_236 = arith.constant 0 : i32
      %dma_wait3A_237 = arith.constant 0 : i32
      %dma_wait3A_238 = tpu.memref_slice %arg2[%dma_wait3A_236, %dma_wait3A_237] : memref<10240x128xf32, #tpu.memory_space<hbm>> -> memref<10240x128xf32, #tpu.memory_space<hbm>>
      tpu.wait_indirect_dma semaphore(%arg14 : memref<!tpu.dma_semaphore, #tpu.memory_space<semaphore_mem>>) src(%dma_wait3A_238 : memref<10240x128xf32, #tpu.memory_space<hbm>>) dst(%arg9 : memref<64x128xf32, #tpu.memory_space<vmem>>)
      %dma_start3A_239 = arith.constant 0 : i32
      %dma_start3A_240 = tpu.memref_slice %arg7[%add3A_232, %dma_start3A_239] : memref<40x64xi32, #tpu.memory_space<vmem>> -> memref<1x64xi32, #tpu.memory_space<vmem>>
      %dma_start3A_241 = tpu.memref_squeeze %dma_start3A_240 : memref<1x64xi32, #tpu.memory_space<vmem>> -> memref<64xi32, #tpu.memory_space<vmem>>
      %dma_start3A_242 = arith.constant 0 : i32
      %dma_start3A_243 = arith.constant 0 : i32
      %dma_start3A_244 = tpu.memref_slice %arg12[%dma_start3A_242, %dma_start3A_243] : memref<10240x128xf32, #tpu.memory_space<vmem_shared>> -> memref<10240x128xf32, #tpu.memory_space<vmem_shared>>
      tpu.enqueue_indirect_dma source(%arg9 : memref<64x128xf32, #tpu.memory_space<vmem>>) target(%dma_start3A_244 : memref<10240x128xf32, #tpu.memory_space<vmem_shared>>) offsets(%dma_start3A_241 : memref<64xi32, #tpu.memory_space<vmem>>) semaphore(%arg18 : memref<!tpu.dma_semaphore, #tpu.memory_space<semaphore_mem>>) {add = true}
      %add3A_245 = arith.constant 2 : i32
      %add3A_246 = arith.addi %add3A_232, %add3A_245 : i32
      %lt3A_247 = arith.constant 40 : i32
      %lt3A_248 = arith.cmpi slt, %add3A_246, %lt3A_247 : i32
      %convert_element_type3A_249 = arith.extui %lt3A_248 : i1 to i32
      %cond3A_250 = arith.constant 0 : i32
      %cond3A_251 = arith.cmpi ne, %convert_element_type3A_249, %cond3A_250 : i32
      scf.if %cond3A_251 {
        %ge3A = arith.constant 2 : i32
        %ge3A_299 = arith.cmpi sge, %add3A_232, %ge3A : i32
        %convert_element_type3A_300 = arith.extui %ge3A_299 : i1 to i32
        %cond3A_301 = arith.constant 0 : i32
        %cond3A_302 = arith.cmpi ne, %convert_element_type3A_300, %cond3A_301 : i32
        scf.if %cond3A_302 {
          %dma_wait3A_311 = arith.constant 0 : i32
          %dma_wait3A_312 = tpu.memref_slice %arg7[%add3A_232, %dma_wait3A_311] : memref<40x64xi32, #tpu.memory_space<vmem>> -> memref<1x64xi32, #tpu.memory_space<vmem>>
          %dma_wait3A_313 = tpu.memref_squeeze %dma_wait3A_312 : memref<1x64xi32, #tpu.memory_space<vmem>> -> memref<64xi32, #tpu.memory_space<vmem>>
          %dma_wait3A_314 = arith.constant 0 : i32
          %dma_wait3A_315 = arith.constant 0 : i32
          %dma_wait3A_316 = tpu.memref_slice %arg12[%dma_wait3A_314, %dma_wait3A_315] : memref<10240x128xf32, #tpu.memory_space<vmem_shared>> -> memref<10240x128xf32, #tpu.memory_space<vmem_shared>>
          tpu.wait_indirect_dma semaphore(%arg20 : memref<!tpu.dma_semaphore, #tpu.memory_space<semaphore_mem>>) src(%arg11 : memref<64x128xf32, #tpu.memory_space<vmem>>) dst(%dma_wait3A_316 : memref<10240x128xf32, #tpu.memory_space<vmem_shared>>)
        } else {
        }
        %add3A_303 = arith.constant 2 : i32
        %add3A_304 = arith.addi %add3A_232, %add3A_303 : i32
        %dma_start3A_305 = arith.constant 0 : i32
        %dma_start3A_306 = tpu.memref_slice %arg6[%add3A_304, %dma_start3A_305] : memref<40x64xi32, #tpu.memory_space<vmem>> -> memref<1x64xi32, #tpu.memory_space<vmem>>
        %dma_start3A_307 = tpu.memref_squeeze %dma_start3A_306 : memref<1x64xi32, #tpu.memory_space<vmem>> -> memref<64xi32, #tpu.memory_space<vmem>>
        %dma_start3A_308 = arith.constant 0 : i32
        %dma_start3A_309 = arith.constant 0 : i32
        %dma_start3A_310 = tpu.memref_slice %arg2[%dma_start3A_308, %dma_start3A_309] : memref<10240x128xf32, #tpu.memory_space<hbm>> -> memref<10240x128xf32, #tpu.memory_space<hbm>>
        tpu.enqueue_indirect_dma source(%dma_start3A_310 : memref<10240x128xf32, #tpu.memory_space<hbm>>) target(%arg11 : memref<64x128xf32, #tpu.memory_space<vmem>>) offsets(%dma_start3A_307 : memref<64xi32, #tpu.memory_space<vmem>>) semaphore(%arg16 : memref<!tpu.dma_semaphore, #tpu.memory_space<semaphore_mem>>)
      } else {
      }
      %mul3A_252 = arith.constant 4 : i32
      %mul3A_253 = arith.muli %mul3A_252, %scan3A_205 : i32
      %add3A_254 = arith.constant 2 : i32
      %add3A_255 = arith.addi %mul3A_253, %add3A_254 : i32
      %dma_wait3A_256 = arith.constant 0 : i32
      %dma_wait3A_257 = tpu.memref_slice %arg6[%add3A_255, %dma_wait3A_256] : memref<40x64xi32, #tpu.memory_space<vmem>> -> memref<1x64xi32, #tpu.memory_space<vmem>>
      %dma_wait3A_258 = tpu.memref_squeeze %dma_wait3A_257 : memref<1x64xi32, #tpu.memory_space<vmem>> -> memref<64xi32, #tpu.memory_space<vmem>>
      %dma_wait3A_259 = arith.constant 0 : i32
      %dma_wait3A_260 = arith.constant 0 : i32
      %dma_wait3A_261 = tpu.memref_slice %arg2[%dma_wait3A_259, %dma_wait3A_260] : memref<10240x128xf32, #tpu.memory_space<hbm>> -> memref<10240x128xf32, #tpu.memory_space<hbm>>
      tpu.wait_indirect_dma semaphore(%arg15 : memref<!tpu.dma_semaphore, #tpu.memory_space<semaphore_mem>>) src(%dma_wait3A_261 : memref<10240x128xf32, #tpu.memory_space<hbm>>) dst(%arg10 : memref<64x128xf32, #tpu.memory_space<vmem>>)
      %dma_start3A_262 = arith.constant 0 : i32
      %dma_start3A_263 = tpu.memref_slice %arg7[%add3A_255, %dma_start3A_262] : memref<40x64xi32, #tpu.memory_space<vmem>> -> memref<1x64xi32, #tpu.memory_space<vmem>>
      %dma_start3A_264 = tpu.memref_squeeze %dma_start3A_263 : memref<1x64xi32, #tpu.memory_space<vmem>> -> memref<64xi32, #tpu.memory_space<vmem>>
      %dma_start3A_265 = arith.constant 0 : i32
      %dma_start3A_266 = arith.constant 0 : i32
      %dma_start3A_267 = tpu.memref_slice %arg12[%dma_start3A_265, %dma_start3A_266] : memref<10240x128xf32, #tpu.memory_space<vmem_shared>> -> memref<10240x128xf32, #tpu.memory_space<vmem_shared>>
      tpu.enqueue_indirect_dma source(%arg10 : memref<64x128xf32, #tpu.memory_space<vmem>>) target(%dma_start3A_267 : memref<10240x128xf32, #tpu.memory_space<vmem_shared>>) offsets(%dma_start3A_264 : memref<64xi32, #tpu.memory_space<vmem>>) semaphore(%arg19 : memref<!tpu.dma_semaphore, #tpu.memory_space<semaphore_mem>>) {add = true}
      %add3A_268 = arith.constant 2 : i32
      %add3A_269 = arith.addi %add3A_255, %add3A_268 : i32
      %lt3A_270 = arith.constant 40 : i32
      %lt3A_271 = arith.cmpi slt, %add3A_269, %lt3A_270 : i32
      %convert_element_type3A_272 = arith.extui %lt3A_271 : i1 to i32
      %cond3A_273 = arith.constant 0 : i32
      %cond3A_274 = arith.cmpi ne, %convert_element_type3A_272, %cond3A_273 : i32
      scf.if %cond3A_274 {
        %ge3A = arith.constant 2 : i32
        %ge3A_299 = arith.cmpi sge, %add3A_255, %ge3A : i32
        %convert_element_type3A_300 = arith.extui %ge3A_299 : i1 to i32
        %cond3A_301 = arith.constant 0 : i32
        %cond3A_302 = arith.cmpi ne, %convert_element_type3A_300, %cond3A_301 : i32
        scf.if %cond3A_302 {
          %dma_wait3A_311 = arith.constant 0 : i32
          %dma_wait3A_312 = tpu.memref_slice %arg7[%add3A_255, %dma_wait3A_311] : memref<40x64xi32, #tpu.memory_space<vmem>> -> memref<1x64xi32, #tpu.memory_space<vmem>>
          %dma_wait3A_313 = tpu.memref_squeeze %dma_wait3A_312 : memref<1x64xi32, #tpu.memory_space<vmem>> -> memref<64xi32, #tpu.memory_space<vmem>>
          %dma_wait3A_314 = arith.constant 0 : i32
          %dma_wait3A_315 = arith.constant 0 : i32
          %dma_wait3A_316 = tpu.memref_slice %arg12[%dma_wait3A_314, %dma_wait3A_315] : memref<10240x128xf32, #tpu.memory_space<vmem_shared>> -> memref<10240x128xf32, #tpu.memory_space<vmem_shared>>
          tpu.wait_indirect_dma semaphore(%arg17 : memref<!tpu.dma_semaphore, #tpu.memory_space<semaphore_mem>>) src(%arg8 : memref<64x128xf32, #tpu.memory_space<vmem>>) dst(%dma_wait3A_316 : memref<10240x128xf32, #tpu.memory_space<vmem_shared>>)
        } else {
        }
        %add3A_303 = arith.constant 2 : i32
        %add3A_304 = arith.addi %add3A_255, %add3A_303 : i32
        %dma_start3A_305 = arith.constant 0 : i32
        %dma_start3A_306 = tpu.memref_slice %arg6[%add3A_304, %dma_start3A_305] : memref<40x64xi32, #tpu.memory_space<vmem>> -> memref<1x64xi32, #tpu.memory_space<vmem>>
        %dma_start3A_307 = tpu.memref_squeeze %dma_start3A_306 : memref<1x64xi32, #tpu.memory_space<vmem>> -> memref<64xi32, #tpu.memory_space<vmem>>
        %dma_start3A_308 = arith.constant 0 : i32
        %dma_start3A_309 = arith.constant 0 : i32
        %dma_start3A_310 = tpu.memref_slice %arg2[%dma_start3A_308, %dma_start3A_309] : memref<10240x128xf32, #tpu.memory_space<hbm>> -> memref<10240x128xf32, #tpu.memory_space<hbm>>
        tpu.enqueue_indirect_dma source(%dma_start3A_310 : memref<10240x128xf32, #tpu.memory_space<hbm>>) target(%arg8 : memref<64x128xf32, #tpu.memory_space<vmem>>) offsets(%dma_start3A_307 : memref<64xi32, #tpu.memory_space<vmem>>) semaphore(%arg13 : memref<!tpu.dma_semaphore, #tpu.memory_space<semaphore_mem>>)
      } else {
      }
      %mul3A_275 = arith.constant 4 : i32
      %mul3A_276 = arith.muli %mul3A_275, %scan3A_205 : i32
      %add3A_277 = arith.constant 3 : i32
      %add3A_278 = arith.addi %mul3A_276, %add3A_277 : i32
      %dma_wait3A_279 = arith.constant 0 : i32
      %dma_wait3A_280 = tpu.memref_slice %arg6[%add3A_278, %dma_wait3A_279] : memref<40x64xi32, #tpu.memory_space<vmem>> -> memref<1x64xi32, #tpu.memory_space<vmem>>
      %dma_wait3A_281 = tpu.memref_squeeze %dma_wait3A_280 : memref<1x64xi32, #tpu.memory_space<vmem>> -> memref<64xi32, #tpu.memory_space<vmem>>
      %dma_wait3A_282 = arith.constant 0 : i32
      %dma_wait3A_283 = arith.constant 0 : i32
      %dma_wait3A_284 = tpu.memref_slice %arg2[%dma_wait3A_282, %dma_wait3A_283] : memref<10240x128xf32, #tpu.memory_space<hbm>> -> memref<10240x128xf32, #tpu.memory_space<hbm>>
      tpu.wait_indirect_dma semaphore(%arg16 : memref<!tpu.dma_semaphore, #tpu.memory_space<semaphore_mem>>) src(%dma_wait3A_284 : memref<10240x128xf32, #tpu.memory_space<hbm>>) dst(%arg11 : memref<64x128xf32, #tpu.memory_space<vmem>>)
      %dma_start3A_285 = arith.constant 0 : i32
      %dma_start3A_286 = tpu.memref_slice %arg7[%add3A_278, %dma_start3A_285] : memref<40x64xi32, #tpu.memory_space<vmem>> -> memref<1x64xi32, #tpu.memory_space<vmem>>
      %dma_start3A_287 = tpu.memref_squeeze %dma_start3A_286 : memref<1x64xi32, #tpu.memory_space<vmem>> -> memref<64xi32, #tpu.memory_space<vmem>>
      %dma_start3A_288 = arith.constant 0 : i32
      %dma_start3A_289 = arith.constant 0 : i32
      %dma_start3A_290 = tpu.memref_slice %arg12[%dma_start3A_288, %dma_start3A_289] : memref<10240x128xf32, #tpu.memory_space<vmem_shared>> -> memref<10240x128xf32, #tpu.memory_space<vmem_shared>>
      tpu.enqueue_indirect_dma source(%arg11 : memref<64x128xf32, #tpu.memory_space<vmem>>) target(%dma_start3A_290 : memref<10240x128xf32, #tpu.memory_space<vmem_shared>>) offsets(%dma_start3A_287 : memref<64xi32, #tpu.memory_space<vmem>>) semaphore(%arg20 : memref<!tpu.dma_semaphore, #tpu.memory_space<semaphore_mem>>) {add = true}
      %add3A_291 = arith.constant 2 : i32
      %add3A_292 = arith.addi %add3A_278, %add3A_291 : i32
      %lt3A_293 = arith.constant 40 : i32
      %lt3A_294 = arith.cmpi slt, %add3A_292, %lt3A_293 : i32
      %convert_element_type3A_295 = arith.extui %lt3A_294 : i1 to i32
      %cond3A_296 = arith.constant 0 : i32
      %cond3A_297 = arith.cmpi ne, %convert_element_type3A_295, %cond3A_296 : i32
      scf.if %cond3A_297 {
        %ge3A = arith.constant 2 : i32
        %ge3A_299 = arith.cmpi sge, %add3A_278, %ge3A : i32
        %convert_element_type3A_300 = arith.extui %ge3A_299 : i1 to i32
        %cond3A_301 = arith.constant 0 : i32
        %cond3A_302 = arith.cmpi ne, %convert_element_type3A_300, %cond3A_301 : i32
        scf.if %cond3A_302 {
          %dma_wait3A_311 = arith.constant 0 : i32
          %dma_wait3A_312 = tpu.memref_slice %arg7[%add3A_278, %dma_wait3A_311] : memref<40x64xi32, #tpu.memory_space<vmem>> -> memref<1x64xi32, #tpu.memory_space<vmem>>
          %dma_wait3A_313 = tpu.memref_squeeze %dma_wait3A_312 : memref<1x64xi32, #tpu.memory_space<vmem>> -> memref<64xi32, #tpu.memory_space<vmem>>
          %dma_wait3A_314 = arith.constant 0 : i32
          %dma_wait3A_315 = arith.constant 0 : i32
          %dma_wait3A_316 = tpu.memref_slice %arg12[%dma_wait3A_314, %dma_wait3A_315] : memref<10240x128xf32, #tpu.memory_space<vmem_shared>> -> memref<10240x128xf32, #tpu.memory_space<vmem_shared>>
          tpu.wait_indirect_dma semaphore(%arg18 : memref<!tpu.dma_semaphore, #tpu.memory_space<semaphore_mem>>) src(%arg9 : memref<64x128xf32, #tpu.memory_space<vmem>>) dst(%dma_wait3A_316 : memref<10240x128xf32, #tpu.memory_space<vmem_shared>>)
        } else {
        }
        %add3A_303 = arith.constant 2 : i32
        %add3A_304 = arith.addi %add3A_278, %add3A_303 : i32
        %dma_start3A_305 = arith.constant 0 : i32
        %dma_start3A_306 = tpu.memref_slice %arg6[%add3A_304, %dma_start3A_305] : memref<40x64xi32, #tpu.memory_space<vmem>> -> memref<1x64xi32, #tpu.memory_space<vmem>>
        %dma_start3A_307 = tpu.memref_squeeze %dma_start3A_306 : memref<1x64xi32, #tpu.memory_space<vmem>> -> memref<64xi32, #tpu.memory_space<vmem>>
        %dma_start3A_308 = arith.constant 0 : i32
        %dma_start3A_309 = arith.constant 0 : i32
        %dma_start3A_310 = tpu.memref_slice %arg2[%dma_start3A_308, %dma_start3A_309] : memref<10240x128xf32, #tpu.memory_space<hbm>> -> memref<10240x128xf32, #tpu.memory_space<hbm>>
        tpu.enqueue_indirect_dma source(%dma_start3A_310 : memref<10240x128xf32, #tpu.memory_space<hbm>>) target(%arg9 : memref<64x128xf32, #tpu.memory_space<vmem>>) offsets(%dma_start3A_307 : memref<64xi32, #tpu.memory_space<vmem>>) semaphore(%arg14 : memref<!tpu.dma_semaphore, #tpu.memory_space<semaphore_mem>>)
      } else {
      }
      %scan3A_298 = arith.constant 0 : i32
      scf.yield %scan3A_298 : i32
    }
    %scan3A_73 = arith.constant 10 : i32
    %dma_wait3A_74 = arith.constant 39 : i32
    %dma_wait3A_75 = arith.constant 0 : i32
    %dma_wait3A_76 = tpu.memref_slice %arg7[%dma_wait3A_74, %dma_wait3A_75] : memref<40x64xi32, #tpu.memory_space<vmem>> -> memref<1x64xi32, #tpu.memory_space<vmem>>
    %dma_wait3A_77 = tpu.memref_squeeze %dma_wait3A_76 : memref<1x64xi32, #tpu.memory_space<vmem>> -> memref<64xi32, #tpu.memory_space<vmem>>
    %dma_wait3A_78 = arith.constant 0 : i32
    %dma_wait3A_79 = arith.constant 0 : i32
    %dma_wait3A_80 = tpu.memref_slice %arg12[%dma_wait3A_78, %dma_wait3A_79] : memref<10240x128xf32, #tpu.memory_space<vmem_shared>> -> memref<10240x128xf32, #tpu.memory_space<vmem_shared>>
    tpu.wait_indirect_dma semaphore(%arg17 : memref<!tpu.dma_semaphore, #tpu.memory_space<semaphore_mem>>) src(%arg8 : memref<64x128xf32, #tpu.memory_space<vmem>>) dst(%dma_wait3A_80 : memref<10240x128xf32, #tpu.memory_space<vmem_shared>>)
    %dma_wait3A_81 = arith.constant 39 : i32
    %dma_wait3A_82 = arith.constant 0 : i32
    %dma_wait3A_83 = tpu.memref_slice %arg7[%dma_wait3A_81, %dma_wait3A_82] : memref<40x64xi32, #tpu.memory_space<vmem>> -> memref<1x64xi32, #tpu.memory_space<vmem>>
    %dma_wait3A_84 = tpu.memref_squeeze %dma_wait3A_83 : memref<1x64xi32, #tpu.memory_space<vmem>> -> memref<64xi32, #tpu.memory_space<vmem>>
    %dma_wait3A_85 = arith.constant 0 : i32
    %dma_wait3A_86 = arith.constant 0 : i32
    %dma_wait3A_87 = tpu.memref_slice %arg12[%dma_wait3A_85, %dma_wait3A_86] : memref<10240x128xf32, #tpu.memory_space<vmem_shared>> -> memref<10240x128xf32, #tpu.memory_space<vmem_shared>>
    tpu.wait_indirect_dma semaphore(%arg18 : memref<!tpu.dma_semaphore, #tpu.memory_space<semaphore_mem>>) src(%arg9 : memref<64x128xf32, #tpu.memory_space<vmem>>) dst(%dma_wait3A_87 : memref<10240x128xf32, #tpu.memory_space<vmem_shared>>)
    %dma_wait3A_88 = arith.constant 39 : i32
    %dma_wait3A_89 = arith.constant 0 : i32
    %dma_wait3A_90 = tpu.memref_slice %arg7[%dma_wait3A_88, %dma_wait3A_89] : memref<40x64xi32, #tpu.memory_space<vmem>> -> memref<1x64xi32, #tpu.memory_space<vmem>>
    %dma_wait3A_91 = tpu.memref_squeeze %dma_wait3A_90 : memref<1x64xi32, #tpu.memory_space<vmem>> -> memref<64xi32, #tpu.memory_space<vmem>>
    %dma_wait3A_92 = arith.constant 0 : i32
    %dma_wait3A_93 = arith.constant 0 : i32
    %dma_wait3A_94 = tpu.memref_slice %arg12[%dma_wait3A_92, %dma_wait3A_93] : memref<10240x128xf32, #tpu.memory_space<vmem_shared>> -> memref<10240x128xf32, #tpu.memory_space<vmem_shared>>
    tpu.wait_indirect_dma semaphore(%arg19 : memref<!tpu.dma_semaphore, #tpu.memory_space<semaphore_mem>>) src(%arg10 : memref<64x128xf32, #tpu.memory_space<vmem>>) dst(%dma_wait3A_94 : memref<10240x128xf32, #tpu.memory_space<vmem_shared>>)
    %dma_wait3A_95 = arith.constant 39 : i32
    %dma_wait3A_96 = arith.constant 0 : i32
    %dma_wait3A_97 = tpu.memref_slice %arg7[%dma_wait3A_95, %dma_wait3A_96] : memref<40x64xi32, #tpu.memory_space<vmem>> -> memref<1x64xi32, #tpu.memory_space<vmem>>
    %dma_wait3A_98 = tpu.memref_squeeze %dma_wait3A_97 : memref<1x64xi32, #tpu.memory_space<vmem>> -> memref<64xi32, #tpu.memory_space<vmem>>
    %dma_wait3A_99 = arith.constant 0 : i32
    %dma_wait3A_100 = arith.constant 0 : i32
    %dma_wait3A_101 = tpu.memref_slice %arg12[%dma_wait3A_99, %dma_wait3A_100] : memref<10240x128xf32, #tpu.memory_space<vmem_shared>> -> memref<10240x128xf32, #tpu.memory_space<vmem_shared>>
    tpu.wait_indirect_dma semaphore(%arg20 : memref<!tpu.dma_semaphore, #tpu.memory_space<semaphore_mem>>) src(%arg11 : memref<64x128xf32, #tpu.memory_space<vmem>>) dst(%dma_wait3A_101 : memref<10240x128xf32, #tpu.memory_space<vmem_shared>>)
    "tpu.region"() ({
      %run_scoped3A = tpu.sem_alloc : memref<!tpu.dma_semaphore, #tpu.memory_space<semaphore_mem>>
      %dma_start3A_205 = arith.constant 80 : i32
      %dma_start3A_206 = arith.constant 0 : i32
      %dma_start3A_207 = tpu.memref_slice %arg3[%add3A, %dma_start3A_205, %dma_start3A_206] : memref<32x160x64xi32, #tpu.memory_space<hbm>> -> memref<1x40x64xi32, #tpu.memory_space<hbm>>
      %dma_start3A_208 = tpu.memref_squeeze %dma_start3A_207 : memref<1x40x64xi32, #tpu.memory_space<hbm>> -> memref<40x64xi32, #tpu.memory_space<hbm>>
      %dma_start3A_209 = arith.constant 80 : i32
      %dma_start3A_210 = arith.constant 0 : i32
      %dma_start3A_211 = tpu.memref_slice %arg3[%add3A, %dma_start3A_209, %dma_start3A_210] : memref<32x160x64xi32, #tpu.memory_space<hbm>> -> memref<1x40x64xi32, #tpu.memory_space<hbm>>
      %dma_start3A_212 = tpu.memref_squeeze %dma_start3A_211 : memref<1x40x64xi32, #tpu.memory_space<hbm>> -> memref<40x64xi32, #tpu.memory_space<hbm>>
      tpu.enqueue_dma source(%dma_start3A_212 : memref<40x64xi32, #tpu.memory_space<hbm>>) target(%arg6 : memref<40x64xi32, #tpu.memory_space<vmem>>) target_semaphore(%run_scoped3A : memref<!tpu.dma_semaphore, #tpu.memory_space<semaphore_mem>>)
      %dma_wait3A_213 = arith.constant 80 : i32
      %dma_wait3A_214 = arith.constant 0 : i32
      %dma_wait3A_215 = tpu.memref_slice %arg3[%add3A, %dma_wait3A_213, %dma_wait3A_214] : memref<32x160x64xi32, #tpu.memory_space<hbm>> -> memref<1x40x64xi32, #tpu.memory_space<hbm>>
      %dma_wait3A_216 = tpu.memref_squeeze %dma_wait3A_215 : memref<1x40x64xi32, #tpu.memory_space<hbm>> -> memref<40x64xi32, #tpu.memory_space<hbm>>
      %dma_wait3A_217 = arith.constant 80 : i32
      %dma_wait3A_218 = arith.constant 0 : i32
      %dma_wait3A_219 = tpu.memref_slice %arg3[%add3A, %dma_wait3A_217, %dma_wait3A_218] : memref<32x160x64xi32, #tpu.memory_space<hbm>> -> memref<1x40x64xi32, #tpu.memory_space<hbm>>
      %dma_wait3A_220 = tpu.memref_squeeze %dma_wait3A_219 : memref<1x40x64xi32, #tpu.memory_space<hbm>> -> memref<40x64xi32, #tpu.memory_space<hbm>>
      tpu.wait_dma2 semaphore(%run_scoped3A : memref<!tpu.dma_semaphore, #tpu.memory_space<semaphore_mem>>) src(%dma_wait3A_220 : memref<40x64xi32, #tpu.memory_space<hbm>>) dst(%arg6 : memref<40x64xi32, #tpu.memory_space<vmem>>)
      tpu.yield
    }) : () -> ()
    "tpu.region"() ({
      %run_scoped3A = tpu.sem_alloc : memref<!tpu.dma_semaphore, #tpu.memory_space<semaphore_mem>>
      %dma_start3A_205 = arith.constant 80 : i32
      %dma_start3A_206 = arith.constant 0 : i32
      %dma_start3A_207 = tpu.memref_slice %arg4[%add3A, %dma_start3A_205, %dma_start3A_206] : memref<32x160x64xi32, #tpu.memory_space<hbm>> -> memref<1x40x64xi32, #tpu.memory_space<hbm>>
      %dma_start3A_208 = tpu.memref_squeeze %dma_start3A_207 : memref<1x40x64xi32, #tpu.memory_space<hbm>> -> memref<40x64xi32, #tpu.memory_space<hbm>>
      %dma_start3A_209 = arith.constant 80 : i32
      %dma_start3A_210 = arith.constant 0 : i32
      %dma_start3A_211 = tpu.memref_slice %arg4[%add3A, %dma_start3A_209, %dma_start3A_210] : memref<32x160x64xi32, #tpu.memory_space<hbm>> -> memref<1x40x64xi32, #tpu.memory_space<hbm>>
      %dma_start3A_212 = tpu.memref_squeeze %dma_start3A_211 : memref<1x40x64xi32, #tpu.memory_space<hbm>> -> memref<40x64xi32, #tpu.memory_space<hbm>>
      tpu.enqueue_dma source(%dma_start3A_212 : memref<40x64xi32, #tpu.memory_space<hbm>>) target(%arg7 : memref<40x64xi32, #tpu.memory_space<vmem>>) target_semaphore(%run_scoped3A : memref<!tpu.dma_semaphore, #tpu.memory_space<semaphore_mem>>)
      %dma_wait3A_213 = arith.constant 80 : i32
      %dma_wait3A_214 = arith.constant 0 : i32
      %dma_wait3A_215 = tpu.memref_slice %arg4[%add3A, %dma_wait3A_213, %dma_wait3A_214] : memref<32x160x64xi32, #tpu.memory_space<hbm>> -> memref<1x40x64xi32, #tpu.memory_space<hbm>>
      %dma_wait3A_216 = tpu.memref_squeeze %dma_wait3A_215 : memref<1x40x64xi32, #tpu.memory_space<hbm>> -> memref<40x64xi32, #tpu.memory_space<hbm>>
      %dma_wait3A_217 = arith.constant 80 : i32
      %dma_wait3A_218 = arith.constant 0 : i32
      %dma_wait3A_219 = tpu.memref_slice %arg4[%add3A, %dma_wait3A_217, %dma_wait3A_218] : memref<32x160x64xi32, #tpu.memory_space<hbm>> -> memref<1x40x64xi32, #tpu.memory_space<hbm>>
      %dma_wait3A_220 = tpu.memref_squeeze %dma_wait3A_219 : memref<1x40x64xi32, #tpu.memory_space<hbm>> -> memref<40x64xi32, #tpu.memory_space<hbm>>
      tpu.wait_dma2 semaphore(%run_scoped3A : memref<!tpu.dma_semaphore, #tpu.memory_space<semaphore_mem>>) src(%dma_wait3A_220 : memref<40x64xi32, #tpu.memory_space<hbm>>) dst(%arg7 : memref<40x64xi32, #tpu.memory_space<vmem>>)
      tpu.yield
    }) : () -> ()
    %dma_start3A_102 = arith.constant 0 : i32
    %dma_start3A_103 = arith.constant 0 : i32
    %dma_start3A_104 = tpu.memref_slice %arg6[%dma_start3A_102, %dma_start3A_103] : memref<40x64xi32, #tpu.memory_space<vmem>> -> memref<1x64xi32, #tpu.memory_space<vmem>>
    %dma_start3A_105 = tpu.memref_squeeze %dma_start3A_104 : memref<1x64xi32, #tpu.memory_space<vmem>> -> memref<64xi32, #tpu.memory_space<vmem>>
    %dma_start3A_106 = arith.constant 0 : i32
    %dma_start3A_107 = arith.constant 0 : i32
    %dma_start3A_108 = tpu.memref_slice %arg2[%dma_start3A_106, %dma_start3A_107] : memref<10240x128xf32, #tpu.memory_space<hbm>> -> memref<10240x128xf32, #tpu.memory_space<hbm>>
    tpu.enqueue_indirect_dma source(%dma_start3A_108 : memref<10240x128xf32, #tpu.memory_space<hbm>>) target(%arg8 : memref<64x128xf32, #tpu.memory_space<vmem>>) offsets(%dma_start3A_105 : memref<64xi32, #tpu.memory_space<vmem>>) semaphore(%arg13 : memref<!tpu.dma_semaphore, #tpu.memory_space<semaphore_mem>>)
    %dma_start3A_109 = arith.constant 1 : i32
    %dma_start3A_110 = arith.constant 0 : i32
    %dma_start3A_111 = tpu.memref_slice %arg6[%dma_start3A_109, %dma_start3A_110] : memref<40x64xi32, #tpu.memory_space<vmem>> -> memref<1x64xi32, #tpu.memory_space<vmem>>
    %dma_start3A_112 = tpu.memref_squeeze %dma_start3A_111 : memref<1x64xi32, #tpu.memory_space<vmem>> -> memref<64xi32, #tpu.memory_space<vmem>>
    %dma_start3A_113 = arith.constant 0 : i32
    %dma_start3A_114 = arith.constant 0 : i32
    %dma_start3A_115 = tpu.memref_slice %arg2[%dma_start3A_113, %dma_start3A_114] : memref<10240x128xf32, #tpu.memory_space<hbm>> -> memref<10240x128xf32, #tpu.memory_space<hbm>>
    tpu.enqueue_indirect_dma source(%dma_start3A_115 : memref<10240x128xf32, #tpu.memory_space<hbm>>) target(%arg9 : memref<64x128xf32, #tpu.memory_space<vmem>>) offsets(%dma_start3A_112 : memref<64xi32, #tpu.memory_space<vmem>>) semaphore(%arg14 : memref<!tpu.dma_semaphore, #tpu.memory_space<semaphore_mem>>)
    %scan3A_116 = arith.constant 0 : i32
    %scan3A_117 = arith.constant 0 : i32
    %scan3A_118 = arith.constant 10 : i32
    %scan3A_119 = arith.addi %scan3A_117, %scan3A_118 : i32
    %scan3A_120 = arith.constant 1 : i32
    %scan3A_121 = scf.for %scan3A_205 = %scan3A_117 to %scan3A_119 step %scan3A_120 iter_args(%scan3A_206 = %scan3A_116) -> (i32)  : i32 {
      %mul3A_207 = arith.constant 4 : i32
      %mul3A_208 = arith.muli %mul3A_207, %scan3A_205 : i32
      %add3A_209 = arith.constant 0 : i32
      %add3A_210 = arith.addi %mul3A_208, %add3A_209 : i32
      %dma_wait3A_211 = arith.constant 0 : i32
      %dma_wait3A_212 = tpu.memref_slice %arg6[%add3A_210, %dma_wait3A_211] : memref<40x64xi32, #tpu.memory_space<vmem>> -> memref<1x64xi32, #tpu.memory_space<vmem>>
      %dma_wait3A_213 = tpu.memref_squeeze %dma_wait3A_212 : memref<1x64xi32, #tpu.memory_space<vmem>> -> memref<64xi32, #tpu.memory_space<vmem>>
      %dma_wait3A_214 = arith.constant 0 : i32
      %dma_wait3A_215 = arith.constant 0 : i32
      %dma_wait3A_216 = tpu.memref_slice %arg2[%dma_wait3A_214, %dma_wait3A_215] : memref<10240x128xf32, #tpu.memory_space<hbm>> -> memref<10240x128xf32, #tpu.memory_space<hbm>>
      tpu.wait_indirect_dma semaphore(%arg13 : memref<!tpu.dma_semaphore, #tpu.memory_space<semaphore_mem>>) src(%dma_wait3A_216 : memref<10240x128xf32, #tpu.memory_space<hbm>>) dst(%arg8 : memref<64x128xf32, #tpu.memory_space<vmem>>)
      %dma_start3A_217 = arith.constant 0 : i32
      %dma_start3A_218 = tpu.memref_slice %arg7[%add3A_210, %dma_start3A_217] : memref<40x64xi32, #tpu.memory_space<vmem>> -> memref<1x64xi32, #tpu.memory_space<vmem>>
      %dma_start3A_219 = tpu.memref_squeeze %dma_start3A_218 : memref<1x64xi32, #tpu.memory_space<vmem>> -> memref<64xi32, #tpu.memory_space<vmem>>
      %dma_start3A_220 = arith.constant 0 : i32
      %dma_start3A_221 = arith.constant 0 : i32
      %dma_start3A_222 = tpu.memref_slice %arg12[%dma_start3A_220, %dma_start3A_221] : memref<10240x128xf32, #tpu.memory_space<vmem_shared>> -> memref<10240x128xf32, #tpu.memory_space<vmem_shared>>
      tpu.enqueue_indirect_dma source(%arg8 : memref<64x128xf32, #tpu.memory_space<vmem>>) target(%dma_start3A_222 : memref<10240x128xf32, #tpu.memory_space<vmem_shared>>) offsets(%dma_start3A_219 : memref<64xi32, #tpu.memory_space<vmem>>) semaphore(%arg17 : memref<!tpu.dma_semaphore, #tpu.memory_space<semaphore_mem>>) {add = true}
      %add3A_223 = arith.constant 2 : i32
      %add3A_224 = arith.addi %add3A_210, %add3A_223 : i32
      %lt3A = arith.constant 40 : i32
      %lt3A_225 = arith.cmpi slt, %add3A_224, %lt3A : i32
      %convert_element_type3A_226 = arith.extui %lt3A_225 : i1 to i32
      %cond3A_227 = arith.constant 0 : i32
      %cond3A_228 = arith.cmpi ne, %convert_element_type3A_226, %cond3A_227 : i32
      scf.if %cond3A_228 {
        %ge3A = arith.constant 2 : i32
        %ge3A_299 = arith.cmpi sge, %add3A_210, %ge3A : i32
        %convert_element_type3A_300 = arith.extui %ge3A_299 : i1 to i32
        %cond3A_301 = arith.constant 0 : i32
        %cond3A_302 = arith.cmpi ne, %convert_element_type3A_300, %cond3A_301 : i32
        scf.if %cond3A_302 {
          %dma_wait3A_311 = arith.constant 0 : i32
          %dma_wait3A_312 = tpu.memref_slice %arg7[%add3A_210, %dma_wait3A_311] : memref<40x64xi32, #tpu.memory_space<vmem>> -> memref<1x64xi32, #tpu.memory_space<vmem>>
          %dma_wait3A_313 = tpu.memref_squeeze %dma_wait3A_312 : memref<1x64xi32, #tpu.memory_space<vmem>> -> memref<64xi32, #tpu.memory_space<vmem>>
          %dma_wait3A_314 = arith.constant 0 : i32
          %dma_wait3A_315 = arith.constant 0 : i32
          %dma_wait3A_316 = tpu.memref_slice %arg12[%dma_wait3A_314, %dma_wait3A_315] : memref<10240x128xf32, #tpu.memory_space<vmem_shared>> -> memref<10240x128xf32, #tpu.memory_space<vmem_shared>>
          tpu.wait_indirect_dma semaphore(%arg19 : memref<!tpu.dma_semaphore, #tpu.memory_space<semaphore_mem>>) src(%arg10 : memref<64x128xf32, #tpu.memory_space<vmem>>) dst(%dma_wait3A_316 : memref<10240x128xf32, #tpu.memory_space<vmem_shared>>)
        } else {
        }
        %add3A_303 = arith.constant 2 : i32
        %add3A_304 = arith.addi %add3A_210, %add3A_303 : i32
        %dma_start3A_305 = arith.constant 0 : i32
        %dma_start3A_306 = tpu.memref_slice %arg6[%add3A_304, %dma_start3A_305] : memref<40x64xi32, #tpu.memory_space<vmem>> -> memref<1x64xi32, #tpu.memory_space<vmem>>
        %dma_start3A_307 = tpu.memref_squeeze %dma_start3A_306 : memref<1x64xi32, #tpu.memory_space<vmem>> -> memref<64xi32, #tpu.memory_space<vmem>>
        %dma_start3A_308 = arith.constant 0 : i32
        %dma_start3A_309 = arith.constant 0 : i32
        %dma_start3A_310 = tpu.memref_slice %arg2[%dma_start3A_308, %dma_start3A_309] : memref<10240x128xf32, #tpu.memory_space<hbm>> -> memref<10240x128xf32, #tpu.memory_space<hbm>>
        tpu.enqueue_indirect_dma source(%dma_start3A_310 : memref<10240x128xf32, #tpu.memory_space<hbm>>) target(%arg10 : memref<64x128xf32, #tpu.memory_space<vmem>>) offsets(%dma_start3A_307 : memref<64xi32, #tpu.memory_space<vmem>>) semaphore(%arg15 : memref<!tpu.dma_semaphore, #tpu.memory_space<semaphore_mem>>)
      } else {
      }
      %mul3A_229 = arith.constant 4 : i32
      %mul3A_230 = arith.muli %mul3A_229, %scan3A_205 : i32
      %add3A_231 = arith.constant 1 : i32
      %add3A_232 = arith.addi %mul3A_230, %add3A_231 : i32
      %dma_wait3A_233 = arith.constant 0 : i32
      %dma_wait3A_234 = tpu.memref_slice %arg6[%add3A_232, %dma_wait3A_233] : memref<40x64xi32, #tpu.memory_space<vmem>> -> memref<1x64xi32, #tpu.memory_space<vmem>>
      %dma_wait3A_235 = tpu.memref_squeeze %dma_wait3A_234 : memref<1x64xi32, #tpu.memory_space<vmem>> -> memref<64xi32, #tpu.memory_space<vmem>>
      %dma_wait3A_236 = arith.constant 0 : i32
      %dma_wait3A_237 = arith.constant 0 : i32
      %dma_wait3A_238 = tpu.memref_slice %arg2[%dma_wait3A_236, %dma_wait3A_237] : memref<10240x128xf32, #tpu.memory_space<hbm>> -> memref<10240x128xf32, #tpu.memory_space<hbm>>
      tpu.wait_indirect_dma semaphore(%arg14 : memref<!tpu.dma_semaphore, #tpu.memory_space<semaphore_mem>>) src(%dma_wait3A_238 : memref<10240x128xf32, #tpu.memory_space<hbm>>) dst(%arg9 : memref<64x128xf32, #tpu.memory_space<vmem>>)
      %dma_start3A_239 = arith.constant 0 : i32
      %dma_start3A_240 = tpu.memref_slice %arg7[%add3A_232, %dma_start3A_239] : memref<40x64xi32, #tpu.memory_space<vmem>> -> memref<1x64xi32, #tpu.memory_space<vmem>>
      %dma_start3A_241 = tpu.memref_squeeze %dma_start3A_240 : memref<1x64xi32, #tpu.memory_space<vmem>> -> memref<64xi32, #tpu.memory_space<vmem>>
      %dma_start3A_242 = arith.constant 0 : i32
      %dma_start3A_243 = arith.constant 0 : i32
      %dma_start3A_244 = tpu.memref_slice %arg12[%dma_start3A_242, %dma_start3A_243] : memref<10240x128xf32, #tpu.memory_space<vmem_shared>> -> memref<10240x128xf32, #tpu.memory_space<vmem_shared>>
      tpu.enqueue_indirect_dma source(%arg9 : memref<64x128xf32, #tpu.memory_space<vmem>>) target(%dma_start3A_244 : memref<10240x128xf32, #tpu.memory_space<vmem_shared>>) offsets(%dma_start3A_241 : memref<64xi32, #tpu.memory_space<vmem>>) semaphore(%arg18 : memref<!tpu.dma_semaphore, #tpu.memory_space<semaphore_mem>>) {add = true}
      %add3A_245 = arith.constant 2 : i32
      %add3A_246 = arith.addi %add3A_232, %add3A_245 : i32
      %lt3A_247 = arith.constant 40 : i32
      %lt3A_248 = arith.cmpi slt, %add3A_246, %lt3A_247 : i32
      %convert_element_type3A_249 = arith.extui %lt3A_248 : i1 to i32
      %cond3A_250 = arith.constant 0 : i32
      %cond3A_251 = arith.cmpi ne, %convert_element_type3A_249, %cond3A_250 : i32
      scf.if %cond3A_251 {
        %ge3A = arith.constant 2 : i32
        %ge3A_299 = arith.cmpi sge, %add3A_232, %ge3A : i32
        %convert_element_type3A_300 = arith.extui %ge3A_299 : i1 to i32
        %cond3A_301 = arith.constant 0 : i32
        %cond3A_302 = arith.cmpi ne, %convert_element_type3A_300, %cond3A_301 : i32
        scf.if %cond3A_302 {
          %dma_wait3A_311 = arith.constant 0 : i32
          %dma_wait3A_312 = tpu.memref_slice %arg7[%add3A_232, %dma_wait3A_311] : memref<40x64xi32, #tpu.memory_space<vmem>> -> memref<1x64xi32, #tpu.memory_space<vmem>>
          %dma_wait3A_313 = tpu.memref_squeeze %dma_wait3A_312 : memref<1x64xi32, #tpu.memory_space<vmem>> -> memref<64xi32, #tpu.memory_space<vmem>>
          %dma_wait3A_314 = arith.constant 0 : i32
          %dma_wait3A_315 = arith.constant 0 : i32
          %dma_wait3A_316 = tpu.memref_slice %arg12[%dma_wait3A_314, %dma_wait3A_315] : memref<10240x128xf32, #tpu.memory_space<vmem_shared>> -> memref<10240x128xf32, #tpu.memory_space<vmem_shared>>
          tpu.wait_indirect_dma semaphore(%arg20 : memref<!tpu.dma_semaphore, #tpu.memory_space<semaphore_mem>>) src(%arg11 : memref<64x128xf32, #tpu.memory_space<vmem>>) dst(%dma_wait3A_316 : memref<10240x128xf32, #tpu.memory_space<vmem_shared>>)
        } else {
        }
        %add3A_303 = arith.constant 2 : i32
        %add3A_304 = arith.addi %add3A_232, %add3A_303 : i32
        %dma_start3A_305 = arith.constant 0 : i32
        %dma_start3A_306 = tpu.memref_slice %arg6[%add3A_304, %dma_start3A_305] : memref<40x64xi32, #tpu.memory_space<vmem>> -> memref<1x64xi32, #tpu.memory_space<vmem>>
        %dma_start3A_307 = tpu.memref_squeeze %dma_start3A_306 : memref<1x64xi32, #tpu.memory_space<vmem>> -> memref<64xi32, #tpu.memory_space<vmem>>
        %dma_start3A_308 = arith.constant 0 : i32
        %dma_start3A_309 = arith.constant 0 : i32
        %dma_start3A_310 = tpu.memref_slice %arg2[%dma_start3A_308, %dma_start3A_309] : memref<10240x128xf32, #tpu.memory_space<hbm>> -> memref<10240x128xf32, #tpu.memory_space<hbm>>
        tpu.enqueue_indirect_dma source(%dma_start3A_310 : memref<10240x128xf32, #tpu.memory_space<hbm>>) target(%arg11 : memref<64x128xf32, #tpu.memory_space<vmem>>) offsets(%dma_start3A_307 : memref<64xi32, #tpu.memory_space<vmem>>) semaphore(%arg16 : memref<!tpu.dma_semaphore, #tpu.memory_space<semaphore_mem>>)
      } else {
      }
      %mul3A_252 = arith.constant 4 : i32
      %mul3A_253 = arith.muli %mul3A_252, %scan3A_205 : i32
      %add3A_254 = arith.constant 2 : i32
      %add3A_255 = arith.addi %mul3A_253, %add3A_254 : i32
      %dma_wait3A_256 = arith.constant 0 : i32
      %dma_wait3A_257 = tpu.memref_slice %arg6[%add3A_255, %dma_wait3A_256] : memref<40x64xi32, #tpu.memory_space<vmem>> -> memref<1x64xi32, #tpu.memory_space<vmem>>
      %dma_wait3A_258 = tpu.memref_squeeze %dma_wait3A_257 : memref<1x64xi32, #tpu.memory_space<vmem>> -> memref<64xi32, #tpu.memory_space<vmem>>
      %dma_wait3A_259 = arith.constant 0 : i32
      %dma_wait3A_260 = arith.constant 0 : i32
      %dma_wait3A_261 = tpu.memref_slice %arg2[%dma_wait3A_259, %dma_wait3A_260] : memref<10240x128xf32, #tpu.memory_space<hbm>> -> memref<10240x128xf32, #tpu.memory_space<hbm>>
      tpu.wait_indirect_dma semaphore(%arg15 : memref<!tpu.dma_semaphore, #tpu.memory_space<semaphore_mem>>) src(%dma_wait3A_261 : memref<10240x128xf32, #tpu.memory_space<hbm>>) dst(%arg10 : memref<64x128xf32, #tpu.memory_space<vmem>>)
      %dma_start3A_262 = arith.constant 0 : i32
      %dma_start3A_263 = tpu.memref_slice %arg7[%add3A_255, %dma_start3A_262] : memref<40x64xi32, #tpu.memory_space<vmem>> -> memref<1x64xi32, #tpu.memory_space<vmem>>
      %dma_start3A_264 = tpu.memref_squeeze %dma_start3A_263 : memref<1x64xi32, #tpu.memory_space<vmem>> -> memref<64xi32, #tpu.memory_space<vmem>>
      %dma_start3A_265 = arith.constant 0 : i32
      %dma_start3A_266 = arith.constant 0 : i32
      %dma_start3A_267 = tpu.memref_slice %arg12[%dma_start3A_265, %dma_start3A_266] : memref<10240x128xf32, #tpu.memory_space<vmem_shared>> -> memref<10240x128xf32, #tpu.memory_space<vmem_shared>>
      tpu.enqueue_indirect_dma source(%arg10 : memref<64x128xf32, #tpu.memory_space<vmem>>) target(%dma_start3A_267 : memref<10240x128xf32, #tpu.memory_space<vmem_shared>>) offsets(%dma_start3A_264 : memref<64xi32, #tpu.memory_space<vmem>>) semaphore(%arg19 : memref<!tpu.dma_semaphore, #tpu.memory_space<semaphore_mem>>) {add = true}
      %add3A_268 = arith.constant 2 : i32
      %add3A_269 = arith.addi %add3A_255, %add3A_268 : i32
      %lt3A_270 = arith.constant 40 : i32
      %lt3A_271 = arith.cmpi slt, %add3A_269, %lt3A_270 : i32
      %convert_element_type3A_272 = arith.extui %lt3A_271 : i1 to i32
      %cond3A_273 = arith.constant 0 : i32
      %cond3A_274 = arith.cmpi ne, %convert_element_type3A_272, %cond3A_273 : i32
      scf.if %cond3A_274 {
        %ge3A = arith.constant 2 : i32
        %ge3A_299 = arith.cmpi sge, %add3A_255, %ge3A : i32
        %convert_element_type3A_300 = arith.extui %ge3A_299 : i1 to i32
        %cond3A_301 = arith.constant 0 : i32
        %cond3A_302 = arith.cmpi ne, %convert_element_type3A_300, %cond3A_301 : i32
        scf.if %cond3A_302 {
          %dma_wait3A_311 = arith.constant 0 : i32
          %dma_wait3A_312 = tpu.memref_slice %arg7[%add3A_255, %dma_wait3A_311] : memref<40x64xi32, #tpu.memory_space<vmem>> -> memref<1x64xi32, #tpu.memory_space<vmem>>
          %dma_wait3A_313 = tpu.memref_squeeze %dma_wait3A_312 : memref<1x64xi32, #tpu.memory_space<vmem>> -> memref<64xi32, #tpu.memory_space<vmem>>
          %dma_wait3A_314 = arith.constant 0 : i32
          %dma_wait3A_315 = arith.constant 0 : i32
          %dma_wait3A_316 = tpu.memref_slice %arg12[%dma_wait3A_314, %dma_wait3A_315] : memref<10240x128xf32, #tpu.memory_space<vmem_shared>> -> memref<10240x128xf32, #tpu.memory_space<vmem_shared>>
          tpu.wait_indirect_dma semaphore(%arg17 : memref<!tpu.dma_semaphore, #tpu.memory_space<semaphore_mem>>) src(%arg8 : memref<64x128xf32, #tpu.memory_space<vmem>>) dst(%dma_wait3A_316 : memref<10240x128xf32, #tpu.memory_space<vmem_shared>>)
        } else {
        }
        %add3A_303 = arith.constant 2 : i32
        %add3A_304 = arith.addi %add3A_255, %add3A_303 : i32
        %dma_start3A_305 = arith.constant 0 : i32
        %dma_start3A_306 = tpu.memref_slice %arg6[%add3A_304, %dma_start3A_305] : memref<40x64xi32, #tpu.memory_space<vmem>> -> memref<1x64xi32, #tpu.memory_space<vmem>>
        %dma_start3A_307 = tpu.memref_squeeze %dma_start3A_306 : memref<1x64xi32, #tpu.memory_space<vmem>> -> memref<64xi32, #tpu.memory_space<vmem>>
        %dma_start3A_308 = arith.constant 0 : i32
        %dma_start3A_309 = arith.constant 0 : i32
        %dma_start3A_310 = tpu.memref_slice %arg2[%dma_start3A_308, %dma_start3A_309] : memref<10240x128xf32, #tpu.memory_space<hbm>> -> memref<10240x128xf32, #tpu.memory_space<hbm>>
        tpu.enqueue_indirect_dma source(%dma_start3A_310 : memref<10240x128xf32, #tpu.memory_space<hbm>>) target(%arg8 : memref<64x128xf32, #tpu.memory_space<vmem>>) offsets(%dma_start3A_307 : memref<64xi32, #tpu.memory_space<vmem>>) semaphore(%arg13 : memref<!tpu.dma_semaphore, #tpu.memory_space<semaphore_mem>>)
      } else {
      }
      %mul3A_275 = arith.constant 4 : i32
      %mul3A_276 = arith.muli %mul3A_275, %scan3A_205 : i32
      %add3A_277 = arith.constant 3 : i32
      %add3A_278 = arith.addi %mul3A_276, %add3A_277 : i32
      %dma_wait3A_279 = arith.constant 0 : i32
      %dma_wait3A_280 = tpu.memref_slice %arg6[%add3A_278, %dma_wait3A_279] : memref<40x64xi32, #tpu.memory_space<vmem>> -> memref<1x64xi32, #tpu.memory_space<vmem>>
      %dma_wait3A_281 = tpu.memref_squeeze %dma_wait3A_280 : memref<1x64xi32, #tpu.memory_space<vmem>> -> memref<64xi32, #tpu.memory_space<vmem>>
      %dma_wait3A_282 = arith.constant 0 : i32
      %dma_wait3A_283 = arith.constant 0 : i32
      %dma_wait3A_284 = tpu.memref_slice %arg2[%dma_wait3A_282, %dma_wait3A_283] : memref<10240x128xf32, #tpu.memory_space<hbm>> -> memref<10240x128xf32, #tpu.memory_space<hbm>>
      tpu.wait_indirect_dma semaphore(%arg16 : memref<!tpu.dma_semaphore, #tpu.memory_space<semaphore_mem>>) src(%dma_wait3A_284 : memref<10240x128xf32, #tpu.memory_space<hbm>>) dst(%arg11 : memref<64x128xf32, #tpu.memory_space<vmem>>)
      %dma_start3A_285 = arith.constant 0 : i32
      %dma_start3A_286 = tpu.memref_slice %arg7[%add3A_278, %dma_start3A_285] : memref<40x64xi32, #tpu.memory_space<vmem>> -> memref<1x64xi32, #tpu.memory_space<vmem>>
      %dma_start3A_287 = tpu.memref_squeeze %dma_start3A_286 : memref<1x64xi32, #tpu.memory_space<vmem>> -> memref<64xi32, #tpu.memory_space<vmem>>
      %dma_start3A_288 = arith.constant 0 : i32
      %dma_start3A_289 = arith.constant 0 : i32
      %dma_start3A_290 = tpu.memref_slice %arg12[%dma_start3A_288, %dma_start3A_289] : memref<10240x128xf32, #tpu.memory_space<vmem_shared>> -> memref<10240x128xf32, #tpu.memory_space<vmem_shared>>
      tpu.enqueue_indirect_dma source(%arg11 : memref<64x128xf32, #tpu.memory_space<vmem>>) target(%dma_start3A_290 : memref<10240x128xf32, #tpu.memory_space<vmem_shared>>) offsets(%dma_start3A_287 : memref<64xi32, #tpu.memory_space<vmem>>) semaphore(%arg20 : memref<!tpu.dma_semaphore, #tpu.memory_space<semaphore_mem>>) {add = true}
      %add3A_291 = arith.constant 2 : i32
      %add3A_292 = arith.addi %add3A_278, %add3A_291 : i32
      %lt3A_293 = arith.constant 40 : i32
      %lt3A_294 = arith.cmpi slt, %add3A_292, %lt3A_293 : i32
      %convert_element_type3A_295 = arith.extui %lt3A_294 : i1 to i32
      %cond3A_296 = arith.constant 0 : i32
      %cond3A_297 = arith.cmpi ne, %convert_element_type3A_295, %cond3A_296 : i32
      scf.if %cond3A_297 {
        %ge3A = arith.constant 2 : i32
        %ge3A_299 = arith.cmpi sge, %add3A_278, %ge3A : i32
        %convert_element_type3A_300 = arith.extui %ge3A_299 : i1 to i32
        %cond3A_301 = arith.constant 0 : i32
        %cond3A_302 = arith.cmpi ne, %convert_element_type3A_300, %cond3A_301 : i32
        scf.if %cond3A_302 {
          %dma_wait3A_311 = arith.constant 0 : i32
          %dma_wait3A_312 = tpu.memref_slice %arg7[%add3A_278, %dma_wait3A_311] : memref<40x64xi32, #tpu.memory_space<vmem>> -> memref<1x64xi32, #tpu.memory_space<vmem>>
          %dma_wait3A_313 = tpu.memref_squeeze %dma_wait3A_312 : memref<1x64xi32, #tpu.memory_space<vmem>> -> memref<64xi32, #tpu.memory_space<vmem>>
          %dma_wait3A_314 = arith.constant 0 : i32
          %dma_wait3A_315 = arith.constant 0 : i32
          %dma_wait3A_316 = tpu.memref_slice %arg12[%dma_wait3A_314, %dma_wait3A_315] : memref<10240x128xf32, #tpu.memory_space<vmem_shared>> -> memref<10240x128xf32, #tpu.memory_space<vmem_shared>>
          tpu.wait_indirect_dma semaphore(%arg18 : memref<!tpu.dma_semaphore, #tpu.memory_space<semaphore_mem>>) src(%arg9 : memref<64x128xf32, #tpu.memory_space<vmem>>) dst(%dma_wait3A_316 : memref<10240x128xf32, #tpu.memory_space<vmem_shared>>)
        } else {
        }
        %add3A_303 = arith.constant 2 : i32
        %add3A_304 = arith.addi %add3A_278, %add3A_303 : i32
        %dma_start3A_305 = arith.constant 0 : i32
        %dma_start3A_306 = tpu.memref_slice %arg6[%add3A_304, %dma_start3A_305] : memref<40x64xi32, #tpu.memory_space<vmem>> -> memref<1x64xi32, #tpu.memory_space<vmem>>
        %dma_start3A_307 = tpu.memref_squeeze %dma_start3A_306 : memref<1x64xi32, #tpu.memory_space<vmem>> -> memref<64xi32, #tpu.memory_space<vmem>>
        %dma_start3A_308 = arith.constant 0 : i32
        %dma_start3A_309 = arith.constant 0 : i32
        %dma_start3A_310 = tpu.memref_slice %arg2[%dma_start3A_308, %dma_start3A_309] : memref<10240x128xf32, #tpu.memory_space<hbm>> -> memref<10240x128xf32, #tpu.memory_space<hbm>>
        tpu.enqueue_indirect_dma source(%dma_start3A_310 : memref<10240x128xf32, #tpu.memory_space<hbm>>) target(%arg9 : memref<64x128xf32, #tpu.memory_space<vmem>>) offsets(%dma_start3A_307 : memref<64xi32, #tpu.memory_space<vmem>>) semaphore(%arg14 : memref<!tpu.dma_semaphore, #tpu.memory_space<semaphore_mem>>)
      } else {
      }
      %scan3A_298 = arith.constant 0 : i32
      scf.yield %scan3A_298 : i32
    }
    %scan3A_122 = arith.constant 10 : i32
    %dma_wait3A_123 = arith.constant 39 : i32
    %dma_wait3A_124 = arith.constant 0 : i32
    %dma_wait3A_125 = tpu.memref_slice %arg7[%dma_wait3A_123, %dma_wait3A_124] : memref<40x64xi32, #tpu.memory_space<vmem>> -> memref<1x64xi32, #tpu.memory_space<vmem>>
    %dma_wait3A_126 = tpu.memref_squeeze %dma_wait3A_125 : memref<1x64xi32, #tpu.memory_space<vmem>> -> memref<64xi32, #tpu.memory_space<vmem>>
    %dma_wait3A_127 = arith.constant 0 : i32
    %dma_wait3A_128 = arith.constant 0 : i32
    %dma_wait3A_129 = tpu.memref_slice %arg12[%dma_wait3A_127, %dma_wait3A_128] : memref<10240x128xf32, #tpu.memory_space<vmem_shared>> -> memref<10240x128xf32, #tpu.memory_space<vmem_shared>>
    tpu.wait_indirect_dma semaphore(%arg17 : memref<!tpu.dma_semaphore, #tpu.memory_space<semaphore_mem>>) src(%arg8 : memref<64x128xf32, #tpu.memory_space<vmem>>) dst(%dma_wait3A_129 : memref<10240x128xf32, #tpu.memory_space<vmem_shared>>)
    %dma_wait3A_130 = arith.constant 39 : i32
    %dma_wait3A_131 = arith.constant 0 : i32
    %dma_wait3A_132 = tpu.memref_slice %arg7[%dma_wait3A_130, %dma_wait3A_131] : memref<40x64xi32, #tpu.memory_space<vmem>> -> memref<1x64xi32, #tpu.memory_space<vmem>>
    %dma_wait3A_133 = tpu.memref_squeeze %dma_wait3A_132 : memref<1x64xi32, #tpu.memory_space<vmem>> -> memref<64xi32, #tpu.memory_space<vmem>>
    %dma_wait3A_134 = arith.constant 0 : i32
    %dma_wait3A_135 = arith.constant 0 : i32
    %dma_wait3A_136 = tpu.memref_slice %arg12[%dma_wait3A_134, %dma_wait3A_135] : memref<10240x128xf32, #tpu.memory_space<vmem_shared>> -> memref<10240x128xf32, #tpu.memory_space<vmem_shared>>
    tpu.wait_indirect_dma semaphore(%arg18 : memref<!tpu.dma_semaphore, #tpu.memory_space<semaphore_mem>>) src(%arg9 : memref<64x128xf32, #tpu.memory_space<vmem>>) dst(%dma_wait3A_136 : memref<10240x128xf32, #tpu.memory_space<vmem_shared>>)
    %dma_wait3A_137 = arith.constant 39 : i32
    %dma_wait3A_138 = arith.constant 0 : i32
    %dma_wait3A_139 = tpu.memref_slice %arg7[%dma_wait3A_137, %dma_wait3A_138] : memref<40x64xi32, #tpu.memory_space<vmem>> -> memref<1x64xi32, #tpu.memory_space<vmem>>
    %dma_wait3A_140 = tpu.memref_squeeze %dma_wait3A_139 : memref<1x64xi32, #tpu.memory_space<vmem>> -> memref<64xi32, #tpu.memory_space<vmem>>
    %dma_wait3A_141 = arith.constant 0 : i32
    %dma_wait3A_142 = arith.constant 0 : i32
    %dma_wait3A_143 = tpu.memref_slice %arg12[%dma_wait3A_141, %dma_wait3A_142] : memref<10240x128xf32, #tpu.memory_space<vmem_shared>> -> memref<10240x128xf32, #tpu.memory_space<vmem_shared>>
    tpu.wait_indirect_dma semaphore(%arg19 : memref<!tpu.dma_semaphore, #tpu.memory_space<semaphore_mem>>) src(%arg10 : memref<64x128xf32, #tpu.memory_space<vmem>>) dst(%dma_wait3A_143 : memref<10240x128xf32, #tpu.memory_space<vmem_shared>>)
    %dma_wait3A_144 = arith.constant 39 : i32
    %dma_wait3A_145 = arith.constant 0 : i32
    %dma_wait3A_146 = tpu.memref_slice %arg7[%dma_wait3A_144, %dma_wait3A_145] : memref<40x64xi32, #tpu.memory_space<vmem>> -> memref<1x64xi32, #tpu.memory_space<vmem>>
    %dma_wait3A_147 = tpu.memref_squeeze %dma_wait3A_146 : memref<1x64xi32, #tpu.memory_space<vmem>> -> memref<64xi32, #tpu.memory_space<vmem>>
    %dma_wait3A_148 = arith.constant 0 : i32
    %dma_wait3A_149 = arith.constant 0 : i32
    %dma_wait3A_150 = tpu.memref_slice %arg12[%dma_wait3A_148, %dma_wait3A_149] : memref<10240x128xf32, #tpu.memory_space<vmem_shared>> -> memref<10240x128xf32, #tpu.memory_space<vmem_shared>>
    tpu.wait_indirect_dma semaphore(%arg20 : memref<!tpu.dma_semaphore, #tpu.memory_space<semaphore_mem>>) src(%arg11 : memref<64x128xf32, #tpu.memory_space<vmem>>) dst(%dma_wait3A_150 : memref<10240x128xf32, #tpu.memory_space<vmem_shared>>)
    "tpu.region"() ({
      %run_scoped3A = tpu.sem_alloc : memref<!tpu.dma_semaphore, #tpu.memory_space<semaphore_mem>>
      %dma_start3A_205 = arith.constant 120 : i32
      %dma_start3A_206 = arith.constant 0 : i32
      %dma_start3A_207 = tpu.memref_slice %arg3[%add3A, %dma_start3A_205, %dma_start3A_206] : memref<32x160x64xi32, #tpu.memory_space<hbm>> -> memref<1x40x64xi32, #tpu.memory_space<hbm>>
      %dma_start3A_208 = tpu.memref_squeeze %dma_start3A_207 : memref<1x40x64xi32, #tpu.memory_space<hbm>> -> memref<40x64xi32, #tpu.memory_space<hbm>>
      %dma_start3A_209 = arith.constant 120 : i32
      %dma_start3A_210 = arith.constant 0 : i32
      %dma_start3A_211 = tpu.memref_slice %arg3[%add3A, %dma_start3A_209, %dma_start3A_210] : memref<32x160x64xi32, #tpu.memory_space<hbm>> -> memref<1x40x64xi32, #tpu.memory_space<hbm>>
      %dma_start3A_212 = tpu.memref_squeeze %dma_start3A_211 : memref<1x40x64xi32, #tpu.memory_space<hbm>> -> memref<40x64xi32, #tpu.memory_space<hbm>>
      tpu.enqueue_dma source(%dma_start3A_212 : memref<40x64xi32, #tpu.memory_space<hbm>>) target(%arg6 : memref<40x64xi32, #tpu.memory_space<vmem>>) target_semaphore(%run_scoped3A : memref<!tpu.dma_semaphore, #tpu.memory_space<semaphore_mem>>)
      %dma_wait3A_213 = arith.constant 120 : i32
      %dma_wait3A_214 = arith.constant 0 : i32
      %dma_wait3A_215 = tpu.memref_slice %arg3[%add3A, %dma_wait3A_213, %dma_wait3A_214] : memref<32x160x64xi32, #tpu.memory_space<hbm>> -> memref<1x40x64xi32, #tpu.memory_space<hbm>>
      %dma_wait3A_216 = tpu.memref_squeeze %dma_wait3A_215 : memref<1x40x64xi32, #tpu.memory_space<hbm>> -> memref<40x64xi32, #tpu.memory_space<hbm>>
      %dma_wait3A_217 = arith.constant 120 : i32
      %dma_wait3A_218 = arith.constant 0 : i32
      %dma_wait3A_219 = tpu.memref_slice %arg3[%add3A, %dma_wait3A_217, %dma_wait3A_218] : memref<32x160x64xi32, #tpu.memory_space<hbm>> -> memref<1x40x64xi32, #tpu.memory_space<hbm>>
      %dma_wait3A_220 = tpu.memref_squeeze %dma_wait3A_219 : memref<1x40x64xi32, #tpu.memory_space<hbm>> -> memref<40x64xi32, #tpu.memory_space<hbm>>
      tpu.wait_dma2 semaphore(%run_scoped3A : memref<!tpu.dma_semaphore, #tpu.memory_space<semaphore_mem>>) src(%dma_wait3A_220 : memref<40x64xi32, #tpu.memory_space<hbm>>) dst(%arg6 : memref<40x64xi32, #tpu.memory_space<vmem>>)
      tpu.yield
    }) : () -> ()
    "tpu.region"() ({
      %run_scoped3A = tpu.sem_alloc : memref<!tpu.dma_semaphore, #tpu.memory_space<semaphore_mem>>
      %dma_start3A_205 = arith.constant 120 : i32
      %dma_start3A_206 = arith.constant 0 : i32
      %dma_start3A_207 = tpu.memref_slice %arg4[%add3A, %dma_start3A_205, %dma_start3A_206] : memref<32x160x64xi32, #tpu.memory_space<hbm>> -> memref<1x40x64xi32, #tpu.memory_space<hbm>>
      %dma_start3A_208 = tpu.memref_squeeze %dma_start3A_207 : memref<1x40x64xi32, #tpu.memory_space<hbm>> -> memref<40x64xi32, #tpu.memory_space<hbm>>
      %dma_start3A_209 = arith.constant 120 : i32
      %dma_start3A_210 = arith.constant 0 : i32
      %dma_start3A_211 = tpu.memref_slice %arg4[%add3A, %dma_start3A_209, %dma_start3A_210] : memref<32x160x64xi32, #tpu.memory_space<hbm>> -> memref<1x40x64xi32, #tpu.memory_space<hbm>>
      %dma_start3A_212 = tpu.memref_squeeze %dma_start3A_211 : memref<1x40x64xi32, #tpu.memory_space<hbm>> -> memref<40x64xi32, #tpu.memory_space<hbm>>
      tpu.enqueue_dma source(%dma_start3A_212 : memref<40x64xi32, #tpu.memory_space<hbm>>) target(%arg7 : memref<40x64xi32, #tpu.memory_space<vmem>>) target_semaphore(%run_scoped3A : memref<!tpu.dma_semaphore, #tpu.memory_space<semaphore_mem>>)
      %dma_wait3A_213 = arith.constant 120 : i32
      %dma_wait3A_214 = arith.constant 0 : i32
      %dma_wait3A_215 = tpu.memref_slice %arg4[%add3A, %dma_wait3A_213, %dma_wait3A_214] : memref<32x160x64xi32, #tpu.memory_space<hbm>> -> memref<1x40x64xi32, #tpu.memory_space<hbm>>
      %dma_wait3A_216 = tpu.memref_squeeze %dma_wait3A_215 : memref<1x40x64xi32, #tpu.memory_space<hbm>> -> memref<40x64xi32, #tpu.memory_space<hbm>>
      %dma_wait3A_217 = arith.constant 120 : i32
      %dma_wait3A_218 = arith.constant 0 : i32
      %dma_wait3A_219 = tpu.memref_slice %arg4[%add3A, %dma_wait3A_217, %dma_wait3A_218] : memref<32x160x64xi32, #tpu.memory_space<hbm>> -> memref<1x40x64xi32, #tpu.memory_space<hbm>>
      %dma_wait3A_220 = tpu.memref_squeeze %dma_wait3A_219 : memref<1x40x64xi32, #tpu.memory_space<hbm>> -> memref<40x64xi32, #tpu.memory_space<hbm>>
      tpu.wait_dma2 semaphore(%run_scoped3A : memref<!tpu.dma_semaphore, #tpu.memory_space<semaphore_mem>>) src(%dma_wait3A_220 : memref<40x64xi32, #tpu.memory_space<hbm>>) dst(%arg7 : memref<40x64xi32, #tpu.memory_space<vmem>>)
      tpu.yield
    }) : () -> ()
    %dma_start3A_151 = arith.constant 0 : i32
    %dma_start3A_152 = arith.constant 0 : i32
    %dma_start3A_153 = tpu.memref_slice %arg6[%dma_start3A_151, %dma_start3A_152] : memref<40x64xi32, #tpu.memory_space<vmem>> -> memref<1x64xi32, #tpu.memory_space<vmem>>
    %dma_start3A_154 = tpu.memref_squeeze %dma_start3A_153 : memref<1x64xi32, #tpu.memory_space<vmem>> -> memref<64xi32, #tpu.memory_space<vmem>>
    %dma_start3A_155 = arith.constant 0 : i32
    %dma_start3A_156 = arith.constant 0 : i32
    %dma_start3A_157 = tpu.memref_slice %arg2[%dma_start3A_155, %dma_start3A_156] : memref<10240x128xf32, #tpu.memory_space<hbm>> -> memref<10240x128xf32, #tpu.memory_space<hbm>>
    tpu.enqueue_indirect_dma source(%dma_start3A_157 : memref<10240x128xf32, #tpu.memory_space<hbm>>) target(%arg8 : memref<64x128xf32, #tpu.memory_space<vmem>>) offsets(%dma_start3A_154 : memref<64xi32, #tpu.memory_space<vmem>>) semaphore(%arg13 : memref<!tpu.dma_semaphore, #tpu.memory_space<semaphore_mem>>)
    %dma_start3A_158 = arith.constant 1 : i32
    %dma_start3A_159 = arith.constant 0 : i32
    %dma_start3A_160 = tpu.memref_slice %arg6[%dma_start3A_158, %dma_start3A_159] : memref<40x64xi32, #tpu.memory_space<vmem>> -> memref<1x64xi32, #tpu.memory_space<vmem>>
    %dma_start3A_161 = tpu.memref_squeeze %dma_start3A_160 : memref<1x64xi32, #tpu.memory_space<vmem>> -> memref<64xi32, #tpu.memory_space<vmem>>
    %dma_start3A_162 = arith.constant 0 : i32
    %dma_start3A_163 = arith.constant 0 : i32
    %dma_start3A_164 = tpu.memref_slice %arg2[%dma_start3A_162, %dma_start3A_163] : memref<10240x128xf32, #tpu.memory_space<hbm>> -> memref<10240x128xf32, #tpu.memory_space<hbm>>
    tpu.enqueue_indirect_dma source(%dma_start3A_164 : memref<10240x128xf32, #tpu.memory_space<hbm>>) target(%arg9 : memref<64x128xf32, #tpu.memory_space<vmem>>) offsets(%dma_start3A_161 : memref<64xi32, #tpu.memory_space<vmem>>) semaphore(%arg14 : memref<!tpu.dma_semaphore, #tpu.memory_space<semaphore_mem>>)
    %scan3A_165 = arith.constant 0 : i32
    %scan3A_166 = arith.constant 0 : i32
    %scan3A_167 = arith.constant 10 : i32
    %scan3A_168 = arith.addi %scan3A_166, %scan3A_167 : i32
    %scan3A_169 = arith.constant 1 : i32
    %scan3A_170 = scf.for %scan3A_205 = %scan3A_166 to %scan3A_168 step %scan3A_169 iter_args(%scan3A_206 = %scan3A_165) -> (i32)  : i32 {
      %mul3A_207 = arith.constant 4 : i32
      %mul3A_208 = arith.muli %mul3A_207, %scan3A_205 : i32
      %add3A_209 = arith.constant 0 : i32
      %add3A_210 = arith.addi %mul3A_208, %add3A_209 : i32
      %dma_wait3A_211 = arith.constant 0 : i32
      %dma_wait3A_212 = tpu.memref_slice %arg6[%add3A_210, %dma_wait3A_211] : memref<40x64xi32, #tpu.memory_space<vmem>> -> memref<1x64xi32, #tpu.memory_space<vmem>>
      %dma_wait3A_213 = tpu.memref_squeeze %dma_wait3A_212 : memref<1x64xi32, #tpu.memory_space<vmem>> -> memref<64xi32, #tpu.memory_space<vmem>>
      %dma_wait3A_214 = arith.constant 0 : i32
      %dma_wait3A_215 = arith.constant 0 : i32
      %dma_wait3A_216 = tpu.memref_slice %arg2[%dma_wait3A_214, %dma_wait3A_215] : memref<10240x128xf32, #tpu.memory_space<hbm>> -> memref<10240x128xf32, #tpu.memory_space<hbm>>
      tpu.wait_indirect_dma semaphore(%arg13 : memref<!tpu.dma_semaphore, #tpu.memory_space<semaphore_mem>>) src(%dma_wait3A_216 : memref<10240x128xf32, #tpu.memory_space<hbm>>) dst(%arg8 : memref<64x128xf32, #tpu.memory_space<vmem>>)
      %dma_start3A_217 = arith.constant 0 : i32
      %dma_start3A_218 = tpu.memref_slice %arg7[%add3A_210, %dma_start3A_217] : memref<40x64xi32, #tpu.memory_space<vmem>> -> memref<1x64xi32, #tpu.memory_space<vmem>>
      %dma_start3A_219 = tpu.memref_squeeze %dma_start3A_218 : memref<1x64xi32, #tpu.memory_space<vmem>> -> memref<64xi32, #tpu.memory_space<vmem>>
      %dma_start3A_220 = arith.constant 0 : i32
      %dma_start3A_221 = arith.constant 0 : i32
      %dma_start3A_222 = tpu.memref_slice %arg12[%dma_start3A_220, %dma_start3A_221] : memref<10240x128xf32, #tpu.memory_space<vmem_shared>> -> memref<10240x128xf32, #tpu.memory_space<vmem_shared>>
      tpu.enqueue_indirect_dma source(%arg8 : memref<64x128xf32, #tpu.memory_space<vmem>>) target(%dma_start3A_222 : memref<10240x128xf32, #tpu.memory_space<vmem_shared>>) offsets(%dma_start3A_219 : memref<64xi32, #tpu.memory_space<vmem>>) semaphore(%arg17 : memref<!tpu.dma_semaphore, #tpu.memory_space<semaphore_mem>>) {add = true}
      %add3A_223 = arith.constant 2 : i32
      %add3A_224 = arith.addi %add3A_210, %add3A_223 : i32
      %lt3A = arith.constant 40 : i32
      %lt3A_225 = arith.cmpi slt, %add3A_224, %lt3A : i32
      %convert_element_type3A_226 = arith.extui %lt3A_225 : i1 to i32
      %cond3A_227 = arith.constant 0 : i32
      %cond3A_228 = arith.cmpi ne, %convert_element_type3A_226, %cond3A_227 : i32
      scf.if %cond3A_228 {
        %ge3A = arith.constant 2 : i32
        %ge3A_299 = arith.cmpi sge, %add3A_210, %ge3A : i32
        %convert_element_type3A_300 = arith.extui %ge3A_299 : i1 to i32
        %cond3A_301 = arith.constant 0 : i32
        %cond3A_302 = arith.cmpi ne, %convert_element_type3A_300, %cond3A_301 : i32
        scf.if %cond3A_302 {
          %dma_wait3A_311 = arith.constant 0 : i32
          %dma_wait3A_312 = tpu.memref_slice %arg7[%add3A_210, %dma_wait3A_311] : memref<40x64xi32, #tpu.memory_space<vmem>> -> memref<1x64xi32, #tpu.memory_space<vmem>>
          %dma_wait3A_313 = tpu.memref_squeeze %dma_wait3A_312 : memref<1x64xi32, #tpu.memory_space<vmem>> -> memref<64xi32, #tpu.memory_space<vmem>>
          %dma_wait3A_314 = arith.constant 0 : i32
          %dma_wait3A_315 = arith.constant 0 : i32
          %dma_wait3A_316 = tpu.memref_slice %arg12[%dma_wait3A_314, %dma_wait3A_315] : memref<10240x128xf32, #tpu.memory_space<vmem_shared>> -> memref<10240x128xf32, #tpu.memory_space<vmem_shared>>
          tpu.wait_indirect_dma semaphore(%arg19 : memref<!tpu.dma_semaphore, #tpu.memory_space<semaphore_mem>>) src(%arg10 : memref<64x128xf32, #tpu.memory_space<vmem>>) dst(%dma_wait3A_316 : memref<10240x128xf32, #tpu.memory_space<vmem_shared>>)
        } else {
        }
        %add3A_303 = arith.constant 2 : i32
        %add3A_304 = arith.addi %add3A_210, %add3A_303 : i32
        %dma_start3A_305 = arith.constant 0 : i32
        %dma_start3A_306 = tpu.memref_slice %arg6[%add3A_304, %dma_start3A_305] : memref<40x64xi32, #tpu.memory_space<vmem>> -> memref<1x64xi32, #tpu.memory_space<vmem>>
        %dma_start3A_307 = tpu.memref_squeeze %dma_start3A_306 : memref<1x64xi32, #tpu.memory_space<vmem>> -> memref<64xi32, #tpu.memory_space<vmem>>
        %dma_start3A_308 = arith.constant 0 : i32
        %dma_start3A_309 = arith.constant 0 : i32
        %dma_start3A_310 = tpu.memref_slice %arg2[%dma_start3A_308, %dma_start3A_309] : memref<10240x128xf32, #tpu.memory_space<hbm>> -> memref<10240x128xf32, #tpu.memory_space<hbm>>
        tpu.enqueue_indirect_dma source(%dma_start3A_310 : memref<10240x128xf32, #tpu.memory_space<hbm>>) target(%arg10 : memref<64x128xf32, #tpu.memory_space<vmem>>) offsets(%dma_start3A_307 : memref<64xi32, #tpu.memory_space<vmem>>) semaphore(%arg15 : memref<!tpu.dma_semaphore, #tpu.memory_space<semaphore_mem>>)
      } else {
      }
      %mul3A_229 = arith.constant 4 : i32
      %mul3A_230 = arith.muli %mul3A_229, %scan3A_205 : i32
      %add3A_231 = arith.constant 1 : i32
      %add3A_232 = arith.addi %mul3A_230, %add3A_231 : i32
      %dma_wait3A_233 = arith.constant 0 : i32
      %dma_wait3A_234 = tpu.memref_slice %arg6[%add3A_232, %dma_wait3A_233] : memref<40x64xi32, #tpu.memory_space<vmem>> -> memref<1x64xi32, #tpu.memory_space<vmem>>
      %dma_wait3A_235 = tpu.memref_squeeze %dma_wait3A_234 : memref<1x64xi32, #tpu.memory_space<vmem>> -> memref<64xi32, #tpu.memory_space<vmem>>
      %dma_wait3A_236 = arith.constant 0 : i32
      %dma_wait3A_237 = arith.constant 0 : i32
      %dma_wait3A_238 = tpu.memref_slice %arg2[%dma_wait3A_236, %dma_wait3A_237] : memref<10240x128xf32, #tpu.memory_space<hbm>> -> memref<10240x128xf32, #tpu.memory_space<hbm>>
      tpu.wait_indirect_dma semaphore(%arg14 : memref<!tpu.dma_semaphore, #tpu.memory_space<semaphore_mem>>) src(%dma_wait3A_238 : memref<10240x128xf32, #tpu.memory_space<hbm>>) dst(%arg9 : memref<64x128xf32, #tpu.memory_space<vmem>>)
      %dma_start3A_239 = arith.constant 0 : i32
      %dma_start3A_240 = tpu.memref_slice %arg7[%add3A_232, %dma_start3A_239] : memref<40x64xi32, #tpu.memory_space<vmem>> -> memref<1x64xi32, #tpu.memory_space<vmem>>
      %dma_start3A_241 = tpu.memref_squeeze %dma_start3A_240 : memref<1x64xi32, #tpu.memory_space<vmem>> -> memref<64xi32, #tpu.memory_space<vmem>>
      %dma_start3A_242 = arith.constant 0 : i32
      %dma_start3A_243 = arith.constant 0 : i32
      %dma_start3A_244 = tpu.memref_slice %arg12[%dma_start3A_242, %dma_start3A_243] : memref<10240x128xf32, #tpu.memory_space<vmem_shared>> -> memref<10240x128xf32, #tpu.memory_space<vmem_shared>>
      tpu.enqueue_indirect_dma source(%arg9 : memref<64x128xf32, #tpu.memory_space<vmem>>) target(%dma_start3A_244 : memref<10240x128xf32, #tpu.memory_space<vmem_shared>>) offsets(%dma_start3A_241 : memref<64xi32, #tpu.memory_space<vmem>>) semaphore(%arg18 : memref<!tpu.dma_semaphore, #tpu.memory_space<semaphore_mem>>) {add = true}
      %add3A_245 = arith.constant 2 : i32
      %add3A_246 = arith.addi %add3A_232, %add3A_245 : i32
      %lt3A_247 = arith.constant 40 : i32
      %lt3A_248 = arith.cmpi slt, %add3A_246, %lt3A_247 : i32
      %convert_element_type3A_249 = arith.extui %lt3A_248 : i1 to i32
      %cond3A_250 = arith.constant 0 : i32
      %cond3A_251 = arith.cmpi ne, %convert_element_type3A_249, %cond3A_250 : i32
      scf.if %cond3A_251 {
        %ge3A = arith.constant 2 : i32
        %ge3A_299 = arith.cmpi sge, %add3A_232, %ge3A : i32
        %convert_element_type3A_300 = arith.extui %ge3A_299 : i1 to i32
        %cond3A_301 = arith.constant 0 : i32
        %cond3A_302 = arith.cmpi ne, %convert_element_type3A_300, %cond3A_301 : i32
        scf.if %cond3A_302 {
          %dma_wait3A_311 = arith.constant 0 : i32
          %dma_wait3A_312 = tpu.memref_slice %arg7[%add3A_232, %dma_wait3A_311] : memref<40x64xi32, #tpu.memory_space<vmem>> -> memref<1x64xi32, #tpu.memory_space<vmem>>
          %dma_wait3A_313 = tpu.memref_squeeze %dma_wait3A_312 : memref<1x64xi32, #tpu.memory_space<vmem>> -> memref<64xi32, #tpu.memory_space<vmem>>
          %dma_wait3A_314 = arith.constant 0 : i32
          %dma_wait3A_315 = arith.constant 0 : i32
          %dma_wait3A_316 = tpu.memref_slice %arg12[%dma_wait3A_314, %dma_wait3A_315] : memref<10240x128xf32, #tpu.memory_space<vmem_shared>> -> memref<10240x128xf32, #tpu.memory_space<vmem_shared>>
          tpu.wait_indirect_dma semaphore(%arg20 : memref<!tpu.dma_semaphore, #tpu.memory_space<semaphore_mem>>) src(%arg11 : memref<64x128xf32, #tpu.memory_space<vmem>>) dst(%dma_wait3A_316 : memref<10240x128xf32, #tpu.memory_space<vmem_shared>>)
        } else {
        }
        %add3A_303 = arith.constant 2 : i32
        %add3A_304 = arith.addi %add3A_232, %add3A_303 : i32
        %dma_start3A_305 = arith.constant 0 : i32
        %dma_start3A_306 = tpu.memref_slice %arg6[%add3A_304, %dma_start3A_305] : memref<40x64xi32, #tpu.memory_space<vmem>> -> memref<1x64xi32, #tpu.memory_space<vmem>>
        %dma_start3A_307 = tpu.memref_squeeze %dma_start3A_306 : memref<1x64xi32, #tpu.memory_space<vmem>> -> memref<64xi32, #tpu.memory_space<vmem>>
        %dma_start3A_308 = arith.constant 0 : i32
        %dma_start3A_309 = arith.constant 0 : i32
        %dma_start3A_310 = tpu.memref_slice %arg2[%dma_start3A_308, %dma_start3A_309] : memref<10240x128xf32, #tpu.memory_space<hbm>> -> memref<10240x128xf32, #tpu.memory_space<hbm>>
        tpu.enqueue_indirect_dma source(%dma_start3A_310 : memref<10240x128xf32, #tpu.memory_space<hbm>>) target(%arg11 : memref<64x128xf32, #tpu.memory_space<vmem>>) offsets(%dma_start3A_307 : memref<64xi32, #tpu.memory_space<vmem>>) semaphore(%arg16 : memref<!tpu.dma_semaphore, #tpu.memory_space<semaphore_mem>>)
      } else {
      }
      %mul3A_252 = arith.constant 4 : i32
      %mul3A_253 = arith.muli %mul3A_252, %scan3A_205 : i32
      %add3A_254 = arith.constant 2 : i32
      %add3A_255 = arith.addi %mul3A_253, %add3A_254 : i32
      %dma_wait3A_256 = arith.constant 0 : i32
      %dma_wait3A_257 = tpu.memref_slice %arg6[%add3A_255, %dma_wait3A_256] : memref<40x64xi32, #tpu.memory_space<vmem>> -> memref<1x64xi32, #tpu.memory_space<vmem>>
      %dma_wait3A_258 = tpu.memref_squeeze %dma_wait3A_257 : memref<1x64xi32, #tpu.memory_space<vmem>> -> memref<64xi32, #tpu.memory_space<vmem>>
      %dma_wait3A_259 = arith.constant 0 : i32
      %dma_wait3A_260 = arith.constant 0 : i32
      %dma_wait3A_261 = tpu.memref_slice %arg2[%dma_wait3A_259, %dma_wait3A_260] : memref<10240x128xf32, #tpu.memory_space<hbm>> -> memref<10240x128xf32, #tpu.memory_space<hbm>>
      tpu.wait_indirect_dma semaphore(%arg15 : memref<!tpu.dma_semaphore, #tpu.memory_space<semaphore_mem>>) src(%dma_wait3A_261 : memref<10240x128xf32, #tpu.memory_space<hbm>>) dst(%arg10 : memref<64x128xf32, #tpu.memory_space<vmem>>)
      %dma_start3A_262 = arith.constant 0 : i32
      %dma_start3A_263 = tpu.memref_slice %arg7[%add3A_255, %dma_start3A_262] : memref<40x64xi32, #tpu.memory_space<vmem>> -> memref<1x64xi32, #tpu.memory_space<vmem>>
      %dma_start3A_264 = tpu.memref_squeeze %dma_start3A_263 : memref<1x64xi32, #tpu.memory_space<vmem>> -> memref<64xi32, #tpu.memory_space<vmem>>
      %dma_start3A_265 = arith.constant 0 : i32
      %dma_start3A_266 = arith.constant 0 : i32
      %dma_start3A_267 = tpu.memref_slice %arg12[%dma_start3A_265, %dma_start3A_266] : memref<10240x128xf32, #tpu.memory_space<vmem_shared>> -> memref<10240x128xf32, #tpu.memory_space<vmem_shared>>
      tpu.enqueue_indirect_dma source(%arg10 : memref<64x128xf32, #tpu.memory_space<vmem>>) target(%dma_start3A_267 : memref<10240x128xf32, #tpu.memory_space<vmem_shared>>) offsets(%dma_start3A_264 : memref<64xi32, #tpu.memory_space<vmem>>) semaphore(%arg19 : memref<!tpu.dma_semaphore, #tpu.memory_space<semaphore_mem>>) {add = true}
      %add3A_268 = arith.constant 2 : i32
      %add3A_269 = arith.addi %add3A_255, %add3A_268 : i32
      %lt3A_270 = arith.constant 40 : i32
      %lt3A_271 = arith.cmpi slt, %add3A_269, %lt3A_270 : i32
      %convert_element_type3A_272 = arith.extui %lt3A_271 : i1 to i32
      %cond3A_273 = arith.constant 0 : i32
      %cond3A_274 = arith.cmpi ne, %convert_element_type3A_272, %cond3A_273 : i32
      scf.if %cond3A_274 {
        %ge3A = arith.constant 2 : i32
        %ge3A_299 = arith.cmpi sge, %add3A_255, %ge3A : i32
        %convert_element_type3A_300 = arith.extui %ge3A_299 : i1 to i32
        %cond3A_301 = arith.constant 0 : i32
        %cond3A_302 = arith.cmpi ne, %convert_element_type3A_300, %cond3A_301 : i32
        scf.if %cond3A_302 {
          %dma_wait3A_311 = arith.constant 0 : i32
          %dma_wait3A_312 = tpu.memref_slice %arg7[%add3A_255, %dma_wait3A_311] : memref<40x64xi32, #tpu.memory_space<vmem>> -> memref<1x64xi32, #tpu.memory_space<vmem>>
          %dma_wait3A_313 = tpu.memref_squeeze %dma_wait3A_312 : memref<1x64xi32, #tpu.memory_space<vmem>> -> memref<64xi32, #tpu.memory_space<vmem>>
          %dma_wait3A_314 = arith.constant 0 : i32
          %dma_wait3A_315 = arith.constant 0 : i32
          %dma_wait3A_316 = tpu.memref_slice %arg12[%dma_wait3A_314, %dma_wait3A_315] : memref<10240x128xf32, #tpu.memory_space<vmem_shared>> -> memref<10240x128xf32, #tpu.memory_space<vmem_shared>>
          tpu.wait_indirect_dma semaphore(%arg17 : memref<!tpu.dma_semaphore, #tpu.memory_space<semaphore_mem>>) src(%arg8 : memref<64x128xf32, #tpu.memory_space<vmem>>) dst(%dma_wait3A_316 : memref<10240x128xf32, #tpu.memory_space<vmem_shared>>)
        } else {
        }
        %add3A_303 = arith.constant 2 : i32
        %add3A_304 = arith.addi %add3A_255, %add3A_303 : i32
        %dma_start3A_305 = arith.constant 0 : i32
        %dma_start3A_306 = tpu.memref_slice %arg6[%add3A_304, %dma_start3A_305] : memref<40x64xi32, #tpu.memory_space<vmem>> -> memref<1x64xi32, #tpu.memory_space<vmem>>
        %dma_start3A_307 = tpu.memref_squeeze %dma_start3A_306 : memref<1x64xi32, #tpu.memory_space<vmem>> -> memref<64xi32, #tpu.memory_space<vmem>>
        %dma_start3A_308 = arith.constant 0 : i32
        %dma_start3A_309 = arith.constant 0 : i32
        %dma_start3A_310 = tpu.memref_slice %arg2[%dma_start3A_308, %dma_start3A_309] : memref<10240x128xf32, #tpu.memory_space<hbm>> -> memref<10240x128xf32, #tpu.memory_space<hbm>>
        tpu.enqueue_indirect_dma source(%dma_start3A_310 : memref<10240x128xf32, #tpu.memory_space<hbm>>) target(%arg8 : memref<64x128xf32, #tpu.memory_space<vmem>>) offsets(%dma_start3A_307 : memref<64xi32, #tpu.memory_space<vmem>>) semaphore(%arg13 : memref<!tpu.dma_semaphore, #tpu.memory_space<semaphore_mem>>)
      } else {
      }
      %mul3A_275 = arith.constant 4 : i32
      %mul3A_276 = arith.muli %mul3A_275, %scan3A_205 : i32
      %add3A_277 = arith.constant 3 : i32
      %add3A_278 = arith.addi %mul3A_276, %add3A_277 : i32
      %dma_wait3A_279 = arith.constant 0 : i32
      %dma_wait3A_280 = tpu.memref_slice %arg6[%add3A_278, %dma_wait3A_279] : memref<40x64xi32, #tpu.memory_space<vmem>> -> memref<1x64xi32, #tpu.memory_space<vmem>>
      %dma_wait3A_281 = tpu.memref_squeeze %dma_wait3A_280 : memref<1x64xi32, #tpu.memory_space<vmem>> -> memref<64xi32, #tpu.memory_space<vmem>>
      %dma_wait3A_282 = arith.constant 0 : i32
      %dma_wait3A_283 = arith.constant 0 : i32
      %dma_wait3A_284 = tpu.memref_slice %arg2[%dma_wait3A_282, %dma_wait3A_283] : memref<10240x128xf32, #tpu.memory_space<hbm>> -> memref<10240x128xf32, #tpu.memory_space<hbm>>
      tpu.wait_indirect_dma semaphore(%arg16 : memref<!tpu.dma_semaphore, #tpu.memory_space<semaphore_mem>>) src(%dma_wait3A_284 : memref<10240x128xf32, #tpu.memory_space<hbm>>) dst(%arg11 : memref<64x128xf32, #tpu.memory_space<vmem>>)
      %dma_start3A_285 = arith.constant 0 : i32
      %dma_start3A_286 = tpu.memref_slice %arg7[%add3A_278, %dma_start3A_285] : memref<40x64xi32, #tpu.memory_space<vmem>> -> memref<1x64xi32, #tpu.memory_space<vmem>>
      %dma_start3A_287 = tpu.memref_squeeze %dma_start3A_286 : memref<1x64xi32, #tpu.memory_space<vmem>> -> memref<64xi32, #tpu.memory_space<vmem>>
      %dma_start3A_288 = arith.constant 0 : i32
      %dma_start3A_289 = arith.constant 0 : i32
      %dma_start3A_290 = tpu.memref_slice %arg12[%dma_start3A_288, %dma_start3A_289] : memref<10240x128xf32, #tpu.memory_space<vmem_shared>> -> memref<10240x128xf32, #tpu.memory_space<vmem_shared>>
      tpu.enqueue_indirect_dma source(%arg11 : memref<64x128xf32, #tpu.memory_space<vmem>>) target(%dma_start3A_290 : memref<10240x128xf32, #tpu.memory_space<vmem_shared>>) offsets(%dma_start3A_287 : memref<64xi32, #tpu.memory_space<vmem>>) semaphore(%arg20 : memref<!tpu.dma_semaphore, #tpu.memory_space<semaphore_mem>>) {add = true}
      %add3A_291 = arith.constant 2 : i32
      %add3A_292 = arith.addi %add3A_278, %add3A_291 : i32
      %lt3A_293 = arith.constant 40 : i32
      %lt3A_294 = arith.cmpi slt, %add3A_292, %lt3A_293 : i32
      %convert_element_type3A_295 = arith.extui %lt3A_294 : i1 to i32
      %cond3A_296 = arith.constant 0 : i32
      %cond3A_297 = arith.cmpi ne, %convert_element_type3A_295, %cond3A_296 : i32
      scf.if %cond3A_297 {
        %ge3A = arith.constant 2 : i32
        %ge3A_299 = arith.cmpi sge, %add3A_278, %ge3A : i32
        %convert_element_type3A_300 = arith.extui %ge3A_299 : i1 to i32
        %cond3A_301 = arith.constant 0 : i32
        %cond3A_302 = arith.cmpi ne, %convert_element_type3A_300, %cond3A_301 : i32
        scf.if %cond3A_302 {
          %dma_wait3A_311 = arith.constant 0 : i32
          %dma_wait3A_312 = tpu.memref_slice %arg7[%add3A_278, %dma_wait3A_311] : memref<40x64xi32, #tpu.memory_space<vmem>> -> memref<1x64xi32, #tpu.memory_space<vmem>>
          %dma_wait3A_313 = tpu.memref_squeeze %dma_wait3A_312 : memref<1x64xi32, #tpu.memory_space<vmem>> -> memref<64xi32, #tpu.memory_space<vmem>>
          %dma_wait3A_314 = arith.constant 0 : i32
          %dma_wait3A_315 = arith.constant 0 : i32
          %dma_wait3A_316 = tpu.memref_slice %arg12[%dma_wait3A_314, %dma_wait3A_315] : memref<10240x128xf32, #tpu.memory_space<vmem_shared>> -> memref<10240x128xf32, #tpu.memory_space<vmem_shared>>
          tpu.wait_indirect_dma semaphore(%arg18 : memref<!tpu.dma_semaphore, #tpu.memory_space<semaphore_mem>>) src(%arg9 : memref<64x128xf32, #tpu.memory_space<vmem>>) dst(%dma_wait3A_316 : memref<10240x128xf32, #tpu.memory_space<vmem_shared>>)
        } else {
        }
        %add3A_303 = arith.constant 2 : i32
        %add3A_304 = arith.addi %add3A_278, %add3A_303 : i32
        %dma_start3A_305 = arith.constant 0 : i32
        %dma_start3A_306 = tpu.memref_slice %arg6[%add3A_304, %dma_start3A_305] : memref<40x64xi32, #tpu.memory_space<vmem>> -> memref<1x64xi32, #tpu.memory_space<vmem>>
        %dma_start3A_307 = tpu.memref_squeeze %dma_start3A_306 : memref<1x64xi32, #tpu.memory_space<vmem>> -> memref<64xi32, #tpu.memory_space<vmem>>
        %dma_start3A_308 = arith.constant 0 : i32
        %dma_start3A_309 = arith.constant 0 : i32
        %dma_start3A_310 = tpu.memref_slice %arg2[%dma_start3A_308, %dma_start3A_309] : memref<10240x128xf32, #tpu.memory_space<hbm>> -> memref<10240x128xf32, #tpu.memory_space<hbm>>
        tpu.enqueue_indirect_dma source(%dma_start3A_310 : memref<10240x128xf32, #tpu.memory_space<hbm>>) target(%arg9 : memref<64x128xf32, #tpu.memory_space<vmem>>) offsets(%dma_start3A_307 : memref<64xi32, #tpu.memory_space<vmem>>) semaphore(%arg14 : memref<!tpu.dma_semaphore, #tpu.memory_space<semaphore_mem>>)
      } else {
      }
      %scan3A_298 = arith.constant 0 : i32
      scf.yield %scan3A_298 : i32
    }
    %scan3A_171 = arith.constant 10 : i32
    %dma_wait3A_172 = arith.constant 39 : i32
    %dma_wait3A_173 = arith.constant 0 : i32
    %dma_wait3A_174 = tpu.memref_slice %arg7[%dma_wait3A_172, %dma_wait3A_173] : memref<40x64xi32, #tpu.memory_space<vmem>> -> memref<1x64xi32, #tpu.memory_space<vmem>>
    %dma_wait3A_175 = tpu.memref_squeeze %dma_wait3A_174 : memref<1x64xi32, #tpu.memory_space<vmem>> -> memref<64xi32, #tpu.memory_space<vmem>>
    %dma_wait3A_176 = arith.constant 0 : i32
    %dma_wait3A_177 = arith.constant 0 : i32
    %dma_wait3A_178 = tpu.memref_slice %arg12[%dma_wait3A_176, %dma_wait3A_177] : memref<10240x128xf32, #tpu.memory_space<vmem_shared>> -> memref<10240x128xf32, #tpu.memory_space<vmem_shared>>
    tpu.wait_indirect_dma semaphore(%arg17 : memref<!tpu.dma_semaphore, #tpu.memory_space<semaphore_mem>>) src(%arg8 : memref<64x128xf32, #tpu.memory_space<vmem>>) dst(%dma_wait3A_178 : memref<10240x128xf32, #tpu.memory_space<vmem_shared>>)
    %dma_wait3A_179 = arith.constant 39 : i32
    %dma_wait3A_180 = arith.constant 0 : i32
    %dma_wait3A_181 = tpu.memref_slice %arg7[%dma_wait3A_179, %dma_wait3A_180] : memref<40x64xi32, #tpu.memory_space<vmem>> -> memref<1x64xi32, #tpu.memory_space<vmem>>
    %dma_wait3A_182 = tpu.memref_squeeze %dma_wait3A_181 : memref<1x64xi32, #tpu.memory_space<vmem>> -> memref<64xi32, #tpu.memory_space<vmem>>
    %dma_wait3A_183 = arith.constant 0 : i32
    %dma_wait3A_184 = arith.constant 0 : i32
    %dma_wait3A_185 = tpu.memref_slice %arg12[%dma_wait3A_183, %dma_wait3A_184] : memref<10240x128xf32, #tpu.memory_space<vmem_shared>> -> memref<10240x128xf32, #tpu.memory_space<vmem_shared>>
    tpu.wait_indirect_dma semaphore(%arg18 : memref<!tpu.dma_semaphore, #tpu.memory_space<semaphore_mem>>) src(%arg9 : memref<64x128xf32, #tpu.memory_space<vmem>>) dst(%dma_wait3A_185 : memref<10240x128xf32, #tpu.memory_space<vmem_shared>>)
    %dma_wait3A_186 = arith.constant 39 : i32
    %dma_wait3A_187 = arith.constant 0 : i32
    %dma_wait3A_188 = tpu.memref_slice %arg7[%dma_wait3A_186, %dma_wait3A_187] : memref<40x64xi32, #tpu.memory_space<vmem>> -> memref<1x64xi32, #tpu.memory_space<vmem>>
    %dma_wait3A_189 = tpu.memref_squeeze %dma_wait3A_188 : memref<1x64xi32, #tpu.memory_space<vmem>> -> memref<64xi32, #tpu.memory_space<vmem>>
    %dma_wait3A_190 = arith.constant 0 : i32
    %dma_wait3A_191 = arith.constant 0 : i32
    %dma_wait3A_192 = tpu.memref_slice %arg12[%dma_wait3A_190, %dma_wait3A_191] : memref<10240x128xf32, #tpu.memory_space<vmem_shared>> -> memref<10240x128xf32, #tpu.memory_space<vmem_shared>>
    tpu.wait_indirect_dma semaphore(%arg19 : memref<!tpu.dma_semaphore, #tpu.memory_space<semaphore_mem>>) src(%arg10 : memref<64x128xf32, #tpu.memory_space<vmem>>) dst(%dma_wait3A_192 : memref<10240x128xf32, #tpu.memory_space<vmem_shared>>)
    %dma_wait3A_193 = arith.constant 39 : i32
    %dma_wait3A_194 = arith.constant 0 : i32
    %dma_wait3A_195 = tpu.memref_slice %arg7[%dma_wait3A_193, %dma_wait3A_194] : memref<40x64xi32, #tpu.memory_space<vmem>> -> memref<1x64xi32, #tpu.memory_space<vmem>>
    %dma_wait3A_196 = tpu.memref_squeeze %dma_wait3A_195 : memref<1x64xi32, #tpu.memory_space<vmem>> -> memref<64xi32, #tpu.memory_space<vmem>>
    %dma_wait3A_197 = arith.constant 0 : i32
    %dma_wait3A_198 = arith.constant 0 : i32
    %dma_wait3A_199 = tpu.memref_slice %arg12[%dma_wait3A_197, %dma_wait3A_198] : memref<10240x128xf32, #tpu.memory_space<vmem_shared>> -> memref<10240x128xf32, #tpu.memory_space<vmem_shared>>
    tpu.wait_indirect_dma semaphore(%arg20 : memref<!tpu.dma_semaphore, #tpu.memory_space<semaphore_mem>>) src(%arg11 : memref<64x128xf32, #tpu.memory_space<vmem>>) dst(%dma_wait3A_199 : memref<10240x128xf32, #tpu.memory_space<vmem_shared>>)
    %barrier3A_200 = arith.constant 0 : index
    tpu.barrier barrier_id(%barrier3A_200)
    %mul3A_201 = arith.constant 640 : i32
    %mul3A_202 = arith.muli %arg1, %mul3A_201 : i32
    %mul3A_203 = arith.constant 640 : i32
    %mul3A_204 = arith.muli %arg1, %mul3A_203 : i32
    "tpu.region"() ({
      %run_scoped3A = tpu.sem_alloc : memref<!tpu.dma_semaphore, #tpu.memory_space<semaphore_mem>>
      %dma_start3A_205 = arith.constant 0 : i32
      %dma_start3A_206 = tpu.memref_slice %arg5[%arg0, %mul3A_204, %dma_start3A_205] : memref<2x10240x128xf32, #tpu.memory_space<hbm>> -> memref<1x640x128xf32, #tpu.memory_space<hbm>>
      %dma_start3A_207 = tpu.memref_squeeze %dma_start3A_206 : memref<1x640x128xf32, #tpu.memory_space<hbm>> -> memref<640x128xf32, #tpu.memory_space<hbm>>
      %dma_start3A_208 = arith.constant 0 : i32
      %dma_start3A_209 = tpu.memref_slice %arg12[%mul3A_202, %dma_start3A_208] : memref<10240x128xf32, #tpu.memory_space<vmem_shared>> -> memref<640x128xf32, #tpu.memory_space<vmem_shared>>
      tpu.enqueue_dma source(%dma_start3A_209 : memref<640x128xf32, #tpu.memory_space<vmem_shared>>) target(%dma_start3A_207 : memref<640x128xf32, #tpu.memory_space<hbm>>) target_semaphore(%run_scoped3A : memref<!tpu.dma_semaphore, #tpu.memory_space<semaphore_mem>>)
      %dma_wait3A_210 = arith.constant 0 : i32
      %dma_wait3A_211 = tpu.memref_slice %arg5[%arg0, %mul3A_204, %dma_wait3A_210] : memref<2x10240x128xf32, #tpu.memory_space<hbm>> -> memref<1x640x128xf32, #tpu.memory_space<hbm>>
      %dma_wait3A_212 = tpu.memref_squeeze %dma_wait3A_211 : memref<1x640x128xf32, #tpu.memory_space<hbm>> -> memref<640x128xf32, #tpu.memory_space<hbm>>
      %dma_wait3A_213 = arith.constant 0 : i32
      %dma_wait3A_214 = tpu.memref_slice %arg12[%mul3A_202, %dma_wait3A_213] : memref<10240x128xf32, #tpu.memory_space<vmem_shared>> -> memref<640x128xf32, #tpu.memory_space<vmem_shared>>
      tpu.wait_dma2 semaphore(%run_scoped3A : memref<!tpu.dma_semaphore, #tpu.memory_space<semaphore_mem>>) src(%dma_wait3A_214 : memref<640x128xf32, #tpu.memory_space<vmem_shared>>) dst(%dma_wait3A_212 : memref<640x128xf32, #tpu.memory_space<hbm>>)
      tpu.yield
    }) : () -> ()
    return
  }
}

#map = affine_map<(d0, d1) -> (0, 0, 0)>
#map1 = affine_map<(d0, d1) -> (0, 0)>
module attributes {stable_mosaic.version = 14 : i64} {
  func.func @_deg_body(%arg0: i32, %arg1: i32, %arg2: memref<32x160x64xi32, #tpu.memory_space<hbm>>, %arg3: memref<2x10240xf32, #tpu.memory_space<hbm>>, %arg4: memref<160x64xi32, #tpu.memory_space<vmem>>, %arg5: memref<64xf32, #tpu.memory_space<vmem>>, %arg6: memref<640xf32, #tpu.memory_space<vmem>>, %arg7: memref<10240xf32, #tpu.memory_space<vmem_shared>>) attributes {dimension_semantics = [#tpu.dimension_semantics<core_parallel>, #tpu.dimension_semantics<subcore_parallel>], iteration_bounds = array<i64: 2, 16>, scalar_prefetch = 0 : i64, scratch_operands = 4 : i64, tpu.core_type = #tpu.core_type<sc_vector_subcore>, window_params = [{transform_indices = #map}, {transform_indices = #map1}]} {
    %mul3A = arith.constant 16 : i32
    %mul3A_0 = arith.muli %arg0, %mul3A : i32
    %add3A = arith.addi %mul3A_0, %arg1 : i32
    %scan3A = arith.constant 0 : i32
    %scan3A_1 = arith.constant 0 : i32
    %scan3A_2 = arith.constant 40 : i32
    %scan3A_3 = arith.addi %scan3A_1, %scan3A_2 : i32
    %scan3A_4 = arith.constant 1 : i32
    %scan3A_5 = scf.for %scan3A_28 = %scan3A_1 to %scan3A_3 step %scan3A_4 iter_args(%scan3A_29 = %scan3A) -> (i32)  : i32 {
      %broadcast_in_dim3A = arith.constant 0.000000e+00 : f32
      %broadcast_in_dim3A_30 = vector.broadcast %broadcast_in_dim3A : f32 to vector<16xf32>
      %mul3A_31 = arith.constant 16 : i32
      %mul3A_32 = arith.muli %scan3A_28, %mul3A_31 : i32
      %swap3A = arith.index_cast %mul3A_32 : i32 to index
      %swap3A_33 = tpu.vector_load %arg6[%swap3A] {strides = array<i32>} : memref<640xf32, #tpu.memory_space<vmem>>, vector<16xf32>,
      %swap3A_34 = vector.shape_cast %swap3A_33 : vector<16xf32> to vector<16xf32>
      %swap3A_35 = vector.shape_cast %broadcast_in_dim3A_30 : vector<16xf32> to vector<16xf32>
      tpu.vector_store %arg6[%swap3A], %swap3A_35 {strides = array<i32>} : memref<640xf32, #tpu.memory_space<vmem>>, vector<16xf32>,
      %scan3A_36 = arith.constant 0 : i32
      scf.yield %scan3A_36 : i32
    }
    %scan3A_6 = arith.constant 40 : i32
    %scan3A_7 = arith.constant 0 : i32
    %scan3A_8 = arith.constant 0 : i32
    %scan3A_9 = arith.constant 4 : i32
    %scan3A_10 = arith.addi %scan3A_8, %scan3A_9 : i32
    %scan3A_11 = arith.constant 1 : i32
    %scan3A_12 = scf.for %scan3A_28 = %scan3A_8 to %scan3A_10 step %scan3A_11 iter_args(%scan3A_29 = %scan3A_7) -> (i32)  : i32 {
      %broadcast_in_dim3A = arith.constant 1.000000e+00 : f32
      %broadcast_in_dim3A_30 = vector.broadcast %broadcast_in_dim3A : f32 to vector<16xf32>
      %mul3A_31 = arith.constant 16 : i32
      %mul3A_32 = arith.muli %scan3A_28, %mul3A_31 : i32
      %swap3A = arith.index_cast %mul3A_32 : i32 to index
      %swap3A_33 = tpu.vector_load %arg5[%swap3A] {strides = array<i32>} : memref<64xf32, #tpu.memory_space<vmem>>, vector<16xf32>,
      %swap3A_34 = vector.shape_cast %swap3A_33 : vector<16xf32> to vector<16xf32>
      %swap3A_35 = vector.shape_cast %broadcast_in_dim3A_30 : vector<16xf32> to vector<16xf32>
      tpu.vector_store %arg5[%swap3A], %swap3A_35 {strides = array<i32>} : memref<64xf32, #tpu.memory_space<vmem>>, vector<16xf32>,
      %scan3A_36 = arith.constant 0 : i32
      scf.yield %scan3A_36 : i32
    }
    %scan3A_13 = arith.constant 4 : i32
    %mul3A_14 = arith.constant 640 : i32
    %mul3A_15 = arith.muli %arg1, %mul3A_14 : i32
    "tpu.region"() ({
      %run_scoped3A = tpu.sem_alloc : memref<!tpu.dma_semaphore, #tpu.memory_space<semaphore_mem>>
      %dma_start3A = tpu.memref_slice %arg7[%mul3A_15] : memref<10240xf32, #tpu.memory_space<vmem_shared>> -> memref<640xf32, #tpu.memory_space<vmem_shared>>
      %dma_start3A_28 = tpu.memref_slice %arg7[%mul3A_15] : memref<10240xf32, #tpu.memory_space<vmem_shared>> -> memref<640xf32, #tpu.memory_space<vmem_shared>>
      tpu.enqueue_dma source(%arg6 : memref<640xf32, #tpu.memory_space<vmem>>) target(%dma_start3A_28 : memref<640xf32, #tpu.memory_space<vmem_shared>>) target_semaphore(%run_scoped3A : memref<!tpu.dma_semaphore, #tpu.memory_space<semaphore_mem>>)
      %dma_wait3A = tpu.memref_slice %arg7[%mul3A_15] : memref<10240xf32, #tpu.memory_space<vmem_shared>> -> memref<640xf32, #tpu.memory_space<vmem_shared>>
      %dma_wait3A_29 = tpu.memref_slice %arg7[%mul3A_15] : memref<10240xf32, #tpu.memory_space<vmem_shared>> -> memref<640xf32, #tpu.memory_space<vmem_shared>>
      tpu.wait_dma2 semaphore(%run_scoped3A : memref<!tpu.dma_semaphore, #tpu.memory_space<semaphore_mem>>) src(%arg6 : memref<640xf32, #tpu.memory_space<vmem>>) dst(%dma_wait3A_29 : memref<640xf32, #tpu.memory_space<vmem_shared>>)
      tpu.yield
    }) : () -> ()
    "tpu.region"() ({
      %run_scoped3A = tpu.sem_alloc : memref<!tpu.dma_semaphore, #tpu.memory_space<semaphore_mem>>
      %dma_start3A = arith.constant 0 : i32
      %dma_start3A_28 = arith.constant 0 : i32
      %dma_start3A_29 = tpu.memref_slice %arg2[%add3A, %dma_start3A, %dma_start3A_28] : memref<32x160x64xi32, #tpu.memory_space<hbm>> -> memref<1x160x64xi32, #tpu.memory_space<hbm>>
      %dma_start3A_30 = tpu.memref_squeeze %dma_start3A_29 : memref<1x160x64xi32, #tpu.memory_space<hbm>> -> memref<160x64xi32, #tpu.memory_space<hbm>>
      %dma_start3A_31 = arith.constant 0 : i32
      %dma_start3A_32 = arith.constant 0 : i32
      %dma_start3A_33 = tpu.memref_slice %arg2[%add3A, %dma_start3A_31, %dma_start3A_32] : memref<32x160x64xi32, #tpu.memory_space<hbm>> -> memref<1x160x64xi32, #tpu.memory_space<hbm>>
      %dma_start3A_34 = tpu.memref_squeeze %dma_start3A_33 : memref<1x160x64xi32, #tpu.memory_space<hbm>> -> memref<160x64xi32, #tpu.memory_space<hbm>>
      tpu.enqueue_dma source(%dma_start3A_34 : memref<160x64xi32, #tpu.memory_space<hbm>>) target(%arg4 : memref<160x64xi32, #tpu.memory_space<vmem>>) target_semaphore(%run_scoped3A : memref<!tpu.dma_semaphore, #tpu.memory_space<semaphore_mem>>)
      %dma_wait3A = arith.constant 0 : i32
      %dma_wait3A_35 = arith.constant 0 : i32
      %dma_wait3A_36 = tpu.memref_slice %arg2[%add3A, %dma_wait3A, %dma_wait3A_35] : memref<32x160x64xi32, #tpu.memory_space<hbm>> -> memref<1x160x64xi32, #tpu.memory_space<hbm>>
      %dma_wait3A_37 = tpu.memref_squeeze %dma_wait3A_36 : memref<1x160x64xi32, #tpu.memory_space<hbm>> -> memref<160x64xi32, #tpu.memory_space<hbm>>
      %dma_wait3A_38 = arith.constant 0 : i32
      %dma_wait3A_39 = arith.constant 0 : i32
      %dma_wait3A_40 = tpu.memref_slice %arg2[%add3A, %dma_wait3A_38, %dma_wait3A_39] : memref<32x160x64xi32, #tpu.memory_space<hbm>> -> memref<1x160x64xi32, #tpu.memory_space<hbm>>
      %dma_wait3A_41 = tpu.memref_squeeze %dma_wait3A_40 : memref<1x160x64xi32, #tpu.memory_space<hbm>> -> memref<160x64xi32, #tpu.memory_space<hbm>>
      tpu.wait_dma2 semaphore(%run_scoped3A : memref<!tpu.dma_semaphore, #tpu.memory_space<semaphore_mem>>) src(%dma_wait3A_41 : memref<160x64xi32, #tpu.memory_space<hbm>>) dst(%arg4 : memref<160x64xi32, #tpu.memory_space<vmem>>)
      tpu.yield
    }) : () -> ()
    %barrier3A = arith.constant 0 : index
    tpu.barrier barrier_id(%barrier3A)
    %scan3A_16 = arith.constant 0 : i32
    %scan3A_17 = arith.constant 0 : i32
    %scan3A_18 = arith.constant 160 : i32
    %scan3A_19 = arith.addi %scan3A_17, %scan3A_18 : i32
    %scan3A_20 = arith.constant 1 : i32
    %scan3A_21 = scf.for %scan3A_28 = %scan3A_17 to %scan3A_19 step %scan3A_20 iter_args(%scan3A_29 = %scan3A_16) -> (i32)  : i32 {
      "tpu.region"() ({
        %run_scoped3A = tpu.sem_alloc : memref<!tpu.dma_semaphore, #tpu.memory_space<semaphore_mem>>
        %dma_start3A = arith.constant 0 : i32
        %dma_start3A_31 = tpu.memref_slice %arg4[%scan3A_28, %dma_start3A] : memref<160x64xi32, #tpu.memory_space<vmem>> -> memref<1x64xi32, #tpu.memory_space<vmem>>
        %dma_start3A_32 = tpu.memref_squeeze %dma_start3A_31 : memref<1x64xi32, #tpu.memory_space<vmem>> -> memref<64xi32, #tpu.memory_space<vmem>>
        %dma_start3A_33 = arith.constant 0 : i32
        %dma_start3A_34 = tpu.memref_slice %arg7[%dma_start3A_33] : memref<10240xf32, #tpu.memory_space<vmem_shared>> -> memref<10240xf32, #tpu.memory_space<vmem_shared>>
        tpu.enqueue_indirect_dma source(%arg5 : memref<64xf32, #tpu.memory_space<vmem>>) target(%dma_start3A_34 : memref<10240xf32, #tpu.memory_space<vmem_shared>>) offsets(%dma_start3A_32 : memref<64xi32, #tpu.memory_space<vmem>>) semaphore(%run_scoped3A : memref<!tpu.dma_semaphore, #tpu.memory_space<semaphore_mem>>) {add = true}
        %dma_wait3A = arith.constant 0 : i32
        %dma_wait3A_35 = tpu.memref_slice %arg4[%scan3A_28, %dma_wait3A] : memref<160x64xi32, #tpu.memory_space<vmem>> -> memref<1x64xi32, #tpu.memory_space<vmem>>
        %dma_wait3A_36 = tpu.memref_squeeze %dma_wait3A_35 : memref<1x64xi32, #tpu.memory_space<vmem>> -> memref<64xi32, #tpu.memory_space<vmem>>
        %dma_wait3A_37 = arith.constant 0 : i32
        %dma_wait3A_38 = tpu.memref_slice %arg7[%dma_wait3A_37] : memref<10240xf32, #tpu.memory_space<vmem_shared>> -> memref<10240xf32, #tpu.memory_space<vmem_shared>>
        tpu.wait_indirect_dma semaphore(%run_scoped3A : memref<!tpu.dma_semaphore, #tpu.memory_space<semaphore_mem>>) src(%arg5 : memref<64xf32, #tpu.memory_space<vmem>>) dst(%dma_wait3A_38 : memref<10240xf32, #tpu.memory_space<vmem_shared>>)
        tpu.yield
      }) : () -> ()
      %scan3A_30 = arith.constant 0 : i32
      scf.yield %scan3A_30 : i32
    }
    %scan3A_22 = arith.constant 160 : i32
    %barrier3A_23 = arith.constant 0 : index
    tpu.barrier barrier_id(%barrier3A_23)
    %mul3A_24 = arith.constant 640 : i32
    %mul3A_25 = arith.muli %arg1, %mul3A_24 : i32
    %mul3A_26 = arith.constant 640 : i32
    %mul3A_27 = arith.muli %arg1, %mul3A_26 : i32
    "tpu.region"() ({
      %run_scoped3A = tpu.sem_alloc : memref<!tpu.dma_semaphore, #tpu.memory_space<semaphore_mem>>
      %dma_start3A = tpu.memref_slice %arg3[%arg0, %mul3A_27] : memref<2x10240xf32, #tpu.memory_space<hbm>> -> memref<1x640xf32, #tpu.memory_space<hbm>>
      %dma_start3A_28 = tpu.memref_squeeze %dma_start3A : memref<1x640xf32, #tpu.memory_space<hbm>> -> memref<640xf32, #tpu.memory_space<hbm>>
      %dma_start3A_29 = tpu.memref_slice %arg7[%mul3A_25] : memref<10240xf32, #tpu.memory_space<vmem_shared>> -> memref<640xf32, #tpu.memory_space<vmem_shared>>
      tpu.enqueue_dma source(%dma_start3A_29 : memref<640xf32, #tpu.memory_space<vmem_shared>>) target(%dma_start3A_28 : memref<640xf32, #tpu.memory_space<hbm>>) target_semaphore(%run_scoped3A : memref<!tpu.dma_semaphore, #tpu.memory_space<semaphore_mem>>)
      %dma_wait3A = tpu.memref_slice %arg3[%arg0, %mul3A_27] : memref<2x10240xf32, #tpu.memory_space<hbm>> -> memref<1x640xf32, #tpu.memory_space<hbm>>
      %dma_wait3A_30 = tpu.memref_squeeze %dma_wait3A : memref<1x640xf32, #tpu.memory_space<hbm>> -> memref<640xf32, #tpu.memory_space<hbm>>
      %dma_wait3A_31 = tpu.memref_slice %arg7[%mul3A_25] : memref<10240xf32, #tpu.memory_space<vmem_shared>> -> memref<640xf32, #tpu.memory_space<vmem_shared>>
      tpu.wait_dma2 semaphore(%run_scoped3A : memref<!tpu.dma_semaphore, #tpu.memory_space<semaphore_mem>>) src(%dma_wait3A_31 : memref<640xf32, #tpu.memory_space<vmem_shared>>) dst(%dma_wait3A_30 : memref<640xf32, #tpu.memory_space<hbm>>)
      tpu.yield
    }) : () -> ()
    return
  }
}

#map = affine_map<(d0, d1) -> (0, 0)>
#map1 = affine_map<(d0, d1) -> (0, 0, 0)>
module attributes {stable_mosaic.version = 14 : i64} {
  func.func @_edge_body(%arg0: i32, %arg1: i32, %arg2: memref<10240x128xf32, #tpu.memory_space<hbm>>, %arg3: memref<32x160x64xi32, #tpu.memory_space<hbm>>, %arg4: memref<32x160x64xi32, #tpu.memory_space<hbm>>, %arg5: memref<2x10240x128xf32, #tpu.memory_space<hbm>>, %arg6: memref<40x64xi32, #tpu.memory_space<vmem>>, %arg7: memref<40x64xi32, #tpu.memory_space<vmem>>, %arg8: memref<64x128xf32, #tpu.memory_space<vmem>>, %arg9: memref<64x128xf32, #tpu.memory_space<vmem>>, %arg10: memref<64x128xf32, #tpu.memory_space<vmem>>, %arg11: memref<64x128xf32, #tpu.memory_space<vmem>>, %arg12: memref<10240x128xf32, #tpu.memory_space<vmem_shared>>, %arg13: memref<!tpu.dma_semaphore, #tpu.memory_space<semaphore_mem>>, %arg14: memref<!tpu.dma_semaphore, #tpu.memory_space<semaphore_mem>>, %arg15: memref<!tpu.dma_semaphore, #tpu.memory_space<semaphore_mem>>, %arg16: memref<!tpu.dma_semaphore, #tpu.memory_space<semaphore_mem>>, %arg17: memref<!tpu.dma_semaphore, #tpu.memory_space<semaphore_mem>>, %arg18: memref<!tpu.dma_semaphore, #tpu.memory_space<semaphore_mem>>, %arg19: memref<!tpu.dma_semaphore, #tpu.memory_space<semaphore_mem>>, %arg20: memref<!tpu.dma_semaphore, #tpu.memory_space<semaphore_mem>>) attributes {dimension_semantics = [#tpu.dimension_semantics<core_parallel>, #tpu.dimension_semantics<subcore_parallel>], iteration_bounds = array<i64: 2, 16>, scalar_prefetch = 0 : i64, scratch_operands = 15 : i64, tpu.core_type = #tpu.core_type<sc_vector_subcore>, window_params = [{transform_indices = #map}, {transform_indices = #map1}, {transform_indices = #map1}, {transform_indices = #map1}]} {
    %mul3A = arith.constant 16 : i32
    %mul3A_0 = arith.muli %arg0, %mul3A : i32
    %add3A = arith.addi %mul3A_0, %arg1 : i32
    %eq3A = arith.constant 0 : i32
    %eq3A_1 = arith.cmpi eq, %arg0, %eq3A : i32
    %convert_element_type3A = arith.extui %eq3A_1 : i1 to i32
    %cond3A = arith.constant 0 : i32
    %cond3A_2 = arith.cmpi ne, %convert_element_type3A, %cond3A : i32
    scf.if %cond3A_2 {
      %mul3A_205 = arith.constant 640 : i32
      %mul3A_206 = arith.muli %arg1, %mul3A_205 : i32
      %mul3A_207 = arith.constant 640 : i32
      %mul3A_208 = arith.muli %arg1, %mul3A_207 : i32
      "tpu.region"() ({
        %run_scoped3A = tpu.sem_alloc : memref<!tpu.dma_semaphore, #tpu.memory_space<semaphore_mem>>
        %dma_start3A_209 = arith.constant 0 : i32
        %dma_start3A_210 = tpu.memref_slice %arg12[%mul3A_208, %dma_start3A_209] : memref<10240x128xf32, #tpu.memory_space<vmem_shared>> -> memref<640x128xf32, #tpu.memory_space<vmem_shared>>
        %dma_start3A_211 = arith.constant 0 : i32
        %dma_start3A_212 = tpu.memref_slice %arg2[%mul3A_206, %dma_start3A_211] : memref<10240x128xf32, #tpu.memory_space<hbm>> -> memref<640x128xf32, #tpu.memory_space<hbm>>
        tpu.enqueue_dma source(%dma_start3A_212 : memref<640x128xf32, #tpu.memory_space<hbm>>) target(%dma_start3A_210 : memref<640x128xf32, #tpu.memory_space<vmem_shared>>) target_semaphore(%run_scoped3A : memref<!tpu.dma_semaphore, #tpu.memory_space<semaphore_mem>>)
        %dma_wait3A_213 = arith.constant 0 : i32
        %dma_wait3A_214 = tpu.memref_slice %arg12[%mul3A_208, %dma_wait3A_213] : memref<10240x128xf32, #tpu.memory_space<vmem_shared>> -> memref<640x128xf32, #tpu.memory_space<vmem_shared>>
        %dma_wait3A_215 = arith.constant 0 : i32
        %dma_wait3A_216 = tpu.memref_slice %arg2[%mul3A_206, %dma_wait3A_215] : memref<10240x128xf32, #tpu.memory_space<hbm>> -> memref<640x128xf32, #tpu.memory_space<hbm>>
        tpu.wait_dma2 semaphore(%run_scoped3A : memref<!tpu.dma_semaphore, #tpu.memory_space<semaphore_mem>>) src(%dma_wait3A_216 : memref<640x128xf32, #tpu.memory_space<hbm>>) dst(%dma_wait3A_214 : memref<640x128xf32, #tpu.memory_space<vmem_shared>>)
        tpu.yield
      }) : () -> ()
    } else {
    }
    %ne3A = arith.constant 0 : i32
    %ne3A_3 = arith.cmpi ne, %arg0, %ne3A : i32
    %convert_element_type3A_4 = arith.extui %ne3A_3 : i1 to i32
    %cond3A_5 = arith.constant 0 : i32
    %cond3A_6 = arith.cmpi ne, %convert_element_type3A_4, %cond3A_5 : i32
    scf.if %cond3A_6 {
      %broadcast_in_dim3A = arith.constant 0.000000e+00 : f32
      %broadcast_in_dim3A_205 = vector.broadcast %broadcast_in_dim3A : f32 to vector<16xf32>
      %scan3A_206 = arith.constant 0 : i32
      %scan3A_207 = arith.constant 0 : i32
      %scan3A_208 = arith.constant 64 : i32
      %scan3A_209 = arith.addi %scan3A_207, %scan3A_208 : i32
      %scan3A_210 = arith.constant 1 : i32
      %scan3A_211 = scf.for %scan3A_220 = %scan3A_207 to %scan3A_209 step %scan3A_210 iter_args(%scan3A_221 = %scan3A_206) -> (i32)  : i32 {
        %scan3A_222 = arith.constant 0 : i32
        %scan3A_223 = arith.constant 0 : i32
        %scan3A_224 = arith.constant 8 : i32
        %scan3A_225 = arith.addi %scan3A_223, %scan3A_224 : i32
        %scan3A_226 = arith.constant 1 : i32
        %scan3A_227 = scf.for %scan3A_230 = %scan3A_223 to %scan3A_225 step %scan3A_226 iter_args(%scan3A_231 = %scan3A_222) -> (i32)  : i32 {
          %mul3A_232 = arith.constant 16 : i32
          %mul3A_233 = arith.muli %scan3A_230, %mul3A_232 : i32
          %swap3A = arith.index_cast %scan3A_220 : i32 to index
          %swap3A_234 = arith.index_cast %mul3A_233 : i32 to index
          %swap3A_235 = tpu.vector_load %arg8[%swap3A, %swap3A_234] {strides = array<i32>} : memref<64x128xf32, #tpu.memory_space<vmem>>, vector<1x16xf32>,
          %swap3A_236 = vector.shape_cast %swap3A_235 : vector<1x16xf32> to vector<16xf32>
          %swap3A_237 = vector.shape_cast %broadcast_in_dim3A_205 : vector<16xf32> to vector<1x16xf32>
          tpu.vector_store %arg8[%swap3A, %swap3A_234], %swap3A_237 {strides = array<i32>} : memref<64x128xf32, #tpu.memory_space<vmem>>, vector<1x16xf32>,
          %scan3A_238 = arith.constant 0 : i32
          scf.yield %scan3A_238 : i32
        }
        %scan3A_228 = arith.constant 8 : i32
        %scan3A_229 = arith.constant 0 : i32
        scf.yield %scan3A_229 : i32
      }
      %scan3A_212 = arith.constant 64 : i32
      %scan3A_213 = arith.constant 0 : i32
      %scan3A_214 = arith.constant 0 : i32
      %scan3A_215 = arith.constant 10 : i32
      %scan3A_216 = arith.addi %scan3A_214, %scan3A_215 : i32
      %scan3A_217 = arith.constant 1 : i32
      %scan3A_218 = scf.for %scan3A_220 = %scan3A_214 to %scan3A_216 step %scan3A_217 iter_args(%scan3A_221 = %scan3A_213) -> (i32)  : i32 {
        %mul3A_222 = arith.constant 640 : i32
        %mul3A_223 = arith.muli %arg1, %mul3A_222 : i32
        %mul3A_224 = arith.constant 64 : i32
        %mul3A_225 = arith.muli %scan3A_220, %mul3A_224 : i32
        %add3A_226 = arith.addi %mul3A_223, %mul3A_225 : i32
        "tpu.region"() ({
          %run_scoped3A = tpu.sem_alloc : memref<!tpu.dma_semaphore, #tpu.memory_space<semaphore_mem>>
          %dma_start3A_228 = arith.constant 0 : i32
          %dma_start3A_229 = tpu.memref_slice %arg12[%add3A_226, %dma_start3A_228] : memref<10240x128xf32, #tpu.memory_space<vmem_shared>> -> memref<64x128xf32, #tpu.memory_space<vmem_shared>>
          %dma_start3A_230 = arith.constant 0 : i32
          %dma_start3A_231 = tpu.memref_slice %arg12[%add3A_226, %dma_start3A_230] : memref<10240x128xf32, #tpu.memory_space<vmem_shared>> -> memref<64x128xf32, #tpu.memory_space<vmem_shared>>
          tpu.enqueue_dma source(%arg8 : memref<64x128xf32, #tpu.memory_space<vmem>>) target(%dma_start3A_231 : memref<64x128xf32, #tpu.memory_space<vmem_shared>>) target_semaphore(%run_scoped3A : memref<!tpu.dma_semaphore, #tpu.memory_space<semaphore_mem>>)
          %dma_wait3A_232 = arith.constant 0 : i32
          %dma_wait3A_233 = tpu.memref_slice %arg12[%add3A_226, %dma_wait3A_232] : memref<10240x128xf32, #tpu.memory_space<vmem_shared>> -> memref<64x128xf32, #tpu.memory_space<vmem_shared>>
          %dma_wait3A_234 = arith.constant 0 : i32
          %dma_wait3A_235 = tpu.memref_slice %arg12[%add3A_226, %dma_wait3A_234] : memref<10240x128xf32, #tpu.memory_space<vmem_shared>> -> memref<64x128xf32, #tpu.memory_space<vmem_shared>>
          tpu.wait_dma2 semaphore(%run_scoped3A : memref<!tpu.dma_semaphore, #tpu.memory_space<semaphore_mem>>) src(%arg8 : memref<64x128xf32, #tpu.memory_space<vmem>>) dst(%dma_wait3A_235 : memref<64x128xf32, #tpu.memory_space<vmem_shared>>)
          tpu.yield
        }) : () -> ()
        %scan3A_227 = arith.constant 0 : i32
        scf.yield %scan3A_227 : i32
      }
      %scan3A_219 = arith.constant 10 : i32
    } else {
    }
    %barrier3A = arith.constant 0 : index
    tpu.barrier barrier_id(%barrier3A)
    "tpu.region"() ({
      %run_scoped3A = tpu.sem_alloc : memref<!tpu.dma_semaphore, #tpu.memory_space<semaphore_mem>>
      %dma_start3A_205 = arith.constant 0 : i32
      %dma_start3A_206 = arith.constant 0 : i32
      %dma_start3A_207 = tpu.memref_slice %arg3[%add3A, %dma_start3A_205, %dma_start3A_206] : memref<32x160x64xi32, #tpu.memory_space<hbm>> -> memref<1x40x64xi32, #tpu.memory_space<hbm>>
      %dma_start3A_208 = tpu.memref_squeeze %dma_start3A_207 : memref<1x40x64xi32, #tpu.memory_space<hbm>> -> memref<40x64xi32, #tpu.memory_space<hbm>>
      %dma_start3A_209 = arith.constant 0 : i32
      %dma_start3A_210 = arith.constant 0 : i32
      %dma_start3A_211 = tpu.memref_slice %arg3[%add3A, %dma_start3A_209, %dma_start3A_210] : memref<32x160x64xi32, #tpu.memory_space<hbm>> -> memref<1x40x64xi32, #tpu.memory_space<hbm>>
      %dma_start3A_212 = tpu.memref_squeeze %dma_start3A_211 : memref<1x40x64xi32, #tpu.memory_space<hbm>> -> memref<40x64xi32, #tpu.memory_space<hbm>>
      tpu.enqueue_dma source(%dma_start3A_212 : memref<40x64xi32, #tpu.memory_space<hbm>>) target(%arg6 : memref<40x64xi32, #tpu.memory_space<vmem>>) target_semaphore(%run_scoped3A : memref<!tpu.dma_semaphore, #tpu.memory_space<semaphore_mem>>)
      %dma_wait3A_213 = arith.constant 0 : i32
      %dma_wait3A_214 = arith.constant 0 : i32
      %dma_wait3A_215 = tpu.memref_slice %arg3[%add3A, %dma_wait3A_213, %dma_wait3A_214] : memref<32x160x64xi32, #tpu.memory_space<hbm>> -> memref<1x40x64xi32, #tpu.memory_space<hbm>>
      %dma_wait3A_216 = tpu.memref_squeeze %dma_wait3A_215 : memref<1x40x64xi32, #tpu.memory_space<hbm>> -> memref<40x64xi32, #tpu.memory_space<hbm>>
      %dma_wait3A_217 = arith.constant 0 : i32
      %dma_wait3A_218 = arith.constant 0 : i32
      %dma_wait3A_219 = tpu.memref_slice %arg3[%add3A, %dma_wait3A_217, %dma_wait3A_218] : memref<32x160x64xi32, #tpu.memory_space<hbm>> -> memref<1x40x64xi32, #tpu.memory_space<hbm>>
      %dma_wait3A_220 = tpu.memref_squeeze %dma_wait3A_219 : memref<1x40x64xi32, #tpu.memory_space<hbm>> -> memref<40x64xi32, #tpu.memory_space<hbm>>
      tpu.wait_dma2 semaphore(%run_scoped3A : memref<!tpu.dma_semaphore, #tpu.memory_space<semaphore_mem>>) src(%dma_wait3A_220 : memref<40x64xi32, #tpu.memory_space<hbm>>) dst(%arg6 : memref<40x64xi32, #tpu.memory_space<vmem>>)
      tpu.yield
    }) : () -> ()
    "tpu.region"() ({
      %run_scoped3A = tpu.sem_alloc : memref<!tpu.dma_semaphore, #tpu.memory_space<semaphore_mem>>
      %dma_start3A_205 = arith.constant 0 : i32
      %dma_start3A_206 = arith.constant 0 : i32
      %dma_start3A_207 = tpu.memref_slice %arg4[%add3A, %dma_start3A_205, %dma_start3A_206] : memref<32x160x64xi32, #tpu.memory_space<hbm>> -> memref<1x40x64xi32, #tpu.memory_space<hbm>>
      %dma_start3A_208 = tpu.memref_squeeze %dma_start3A_207 : memref<1x40x64xi32, #tpu.memory_space<hbm>> -> memref<40x64xi32, #tpu.memory_space<hbm>>
      %dma_start3A_209 = arith.constant 0 : i32
      %dma_start3A_210 = arith.constant 0 : i32
      %dma_start3A_211 = tpu.memref_slice %arg4[%add3A, %dma_start3A_209, %dma_start3A_210] : memref<32x160x64xi32, #tpu.memory_space<hbm>> -> memref<1x40x64xi32, #tpu.memory_space<hbm>>
      %dma_start3A_212 = tpu.memref_squeeze %dma_start3A_211 : memref<1x40x64xi32, #tpu.memory_space<hbm>> -> memref<40x64xi32, #tpu.memory_space<hbm>>
      tpu.enqueue_dma source(%dma_start3A_212 : memref<40x64xi32, #tpu.memory_space<hbm>>) target(%arg7 : memref<40x64xi32, #tpu.memory_space<vmem>>) target_semaphore(%run_scoped3A : memref<!tpu.dma_semaphore, #tpu.memory_space<semaphore_mem>>)
      %dma_wait3A_213 = arith.constant 0 : i32
      %dma_wait3A_214 = arith.constant 0 : i32
      %dma_wait3A_215 = tpu.memref_slice %arg4[%add3A, %dma_wait3A_213, %dma_wait3A_214] : memref<32x160x64xi32, #tpu.memory_space<hbm>> -> memref<1x40x64xi32, #tpu.memory_space<hbm>>
      %dma_wait3A_216 = tpu.memref_squeeze %dma_wait3A_215 : memref<1x40x64xi32, #tpu.memory_space<hbm>> -> memref<40x64xi32, #tpu.memory_space<hbm>>
      %dma_wait3A_217 = arith.constant 0 : i32
      %dma_wait3A_218 = arith.constant 0 : i32
      %dma_wait3A_219 = tpu.memref_slice %arg4[%add3A, %dma_wait3A_217, %dma_wait3A_218] : memref<32x160x64xi32, #tpu.memory_space<hbm>> -> memref<1x40x64xi32, #tpu.memory_space<hbm>>
      %dma_wait3A_220 = tpu.memref_squeeze %dma_wait3A_219 : memref<1x40x64xi32, #tpu.memory_space<hbm>> -> memref<40x64xi32, #tpu.memory_space<hbm>>
      tpu.wait_dma2 semaphore(%run_scoped3A : memref<!tpu.dma_semaphore, #tpu.memory_space<semaphore_mem>>) src(%dma_wait3A_220 : memref<40x64xi32, #tpu.memory_space<hbm>>) dst(%arg7 : memref<40x64xi32, #tpu.memory_space<vmem>>)
      tpu.yield
    }) : () -> ()
    %dma_start3A = arith.constant 0 : i32
    %dma_start3A_7 = arith.constant 0 : i32
    %dma_start3A_8 = tpu.memref_slice %arg6[%dma_start3A, %dma_start3A_7] : memref<40x64xi32, #tpu.memory_space<vmem>> -> memref<1x64xi32, #tpu.memory_space<vmem>>
    %dma_start3A_9 = tpu.memref_squeeze %dma_start3A_8 : memref<1x64xi32, #tpu.memory_space<vmem>> -> memref<64xi32, #tpu.memory_space<vmem>>
    %dma_start3A_10 = arith.constant 0 : i32
    %dma_start3A_11 = arith.constant 0 : i32
    %dma_start3A_12 = tpu.memref_slice %arg2[%dma_start3A_10, %dma_start3A_11] : memref<10240x128xf32, #tpu.memory_space<hbm>> -> memref<10240x128xf32, #tpu.memory_space<hbm>>
    tpu.enqueue_indirect_dma source(%dma_start3A_12 : memref<10240x128xf32, #tpu.memory_space<hbm>>) target(%arg8 : memref<64x128xf32, #tpu.memory_space<vmem>>) offsets(%dma_start3A_9 : memref<64xi32, #tpu.memory_space<vmem>>) semaphore(%arg13 : memref<!tpu.dma_semaphore, #tpu.memory_space<semaphore_mem>>)
    %dma_start3A_13 = arith.constant 1 : i32
    %dma_start3A_14 = arith.constant 0 : i32
    %dma_start3A_15 = tpu.memref_slice %arg6[%dma_start3A_13, %dma_start3A_14] : memref<40x64xi32, #tpu.memory_space<vmem>> -> memref<1x64xi32, #tpu.memory_space<vmem>>
    %dma_start3A_16 = tpu.memref_squeeze %dma_start3A_15 : memref<1x64xi32, #tpu.memory_space<vmem>> -> memref<64xi32, #tpu.memory_space<vmem>>
    %dma_start3A_17 = arith.constant 0 : i32
    %dma_start3A_18 = arith.constant 0 : i32
    %dma_start3A_19 = tpu.memref_slice %arg2[%dma_start3A_17, %dma_start3A_18] : memref<10240x128xf32, #tpu.memory_space<hbm>> -> memref<10240x128xf32, #tpu.memory_space<hbm>>
    tpu.enqueue_indirect_dma source(%dma_start3A_19 : memref<10240x128xf32, #tpu.memory_space<hbm>>) target(%arg9 : memref<64x128xf32, #tpu.memory_space<vmem>>) offsets(%dma_start3A_16 : memref<64xi32, #tpu.memory_space<vmem>>) semaphore(%arg14 : memref<!tpu.dma_semaphore, #tpu.memory_space<semaphore_mem>>)
    %scan3A = arith.constant 0 : i32
    %scan3A_20 = arith.constant 0 : i32
    %scan3A_21 = arith.constant 10 : i32
    %scan3A_22 = arith.addi %scan3A_20, %scan3A_21 : i32
    %scan3A_23 = arith.constant 1 : i32
    %scan3A_24 = scf.for %scan3A_205 = %scan3A_20 to %scan3A_22 step %scan3A_23 iter_args(%scan3A_206 = %scan3A) -> (i32)  : i32 {
      %mul3A_207 = arith.constant 4 : i32
      %mul3A_208 = arith.muli %mul3A_207, %scan3A_205 : i32
      %add3A_209 = arith.constant 0 : i32
      %add3A_210 = arith.addi %mul3A_208, %add3A_209 : i32
      %dma_wait3A_211 = arith.constant 0 : i32
      %dma_wait3A_212 = tpu.memref_slice %arg6[%add3A_210, %dma_wait3A_211] : memref<40x64xi32, #tpu.memory_space<vmem>> -> memref<1x64xi32, #tpu.memory_space<vmem>>
      %dma_wait3A_213 = tpu.memref_squeeze %dma_wait3A_212 : memref<1x64xi32, #tpu.memory_space<vmem>> -> memref<64xi32, #tpu.memory_space<vmem>>
      %dma_wait3A_214 = arith.constant 0 : i32
      %dma_wait3A_215 = arith.constant 0 : i32
      %dma_wait3A_216 = tpu.memref_slice %arg2[%dma_wait3A_214, %dma_wait3A_215] : memref<10240x128xf32, #tpu.memory_space<hbm>> -> memref<10240x128xf32, #tpu.memory_space<hbm>>
      tpu.wait_indirect_dma semaphore(%arg13 : memref<!tpu.dma_semaphore, #tpu.memory_space<semaphore_mem>>) src(%dma_wait3A_216 : memref<10240x128xf32, #tpu.memory_space<hbm>>) dst(%arg8 : memref<64x128xf32, #tpu.memory_space<vmem>>)
      %dma_start3A_217 = arith.constant 0 : i32
      %dma_start3A_218 = tpu.memref_slice %arg7[%add3A_210, %dma_start3A_217] : memref<40x64xi32, #tpu.memory_space<vmem>> -> memref<1x64xi32, #tpu.memory_space<vmem>>
      %dma_start3A_219 = tpu.memref_squeeze %dma_start3A_218 : memref<1x64xi32, #tpu.memory_space<vmem>> -> memref<64xi32, #tpu.memory_space<vmem>>
      %dma_start3A_220 = arith.constant 0 : i32
      %dma_start3A_221 = arith.constant 0 : i32
      %dma_start3A_222 = tpu.memref_slice %arg12[%dma_start3A_220, %dma_start3A_221] : memref<10240x128xf32, #tpu.memory_space<vmem_shared>> -> memref<10240x128xf32, #tpu.memory_space<vmem_shared>>
      tpu.enqueue_indirect_dma source(%arg8 : memref<64x128xf32, #tpu.memory_space<vmem>>) target(%dma_start3A_222 : memref<10240x128xf32, #tpu.memory_space<vmem_shared>>) offsets(%dma_start3A_219 : memref<64xi32, #tpu.memory_space<vmem>>) semaphore(%arg17 : memref<!tpu.dma_semaphore, #tpu.memory_space<semaphore_mem>>) {add = true}
      %add3A_223 = arith.constant 2 : i32
      %add3A_224 = arith.addi %add3A_210, %add3A_223 : i32
      %lt3A = arith.constant 40 : i32
      %lt3A_225 = arith.cmpi slt, %add3A_224, %lt3A : i32
      %convert_element_type3A_226 = arith.extui %lt3A_225 : i1 to i32
      %cond3A_227 = arith.constant 0 : i32
      %cond3A_228 = arith.cmpi ne, %convert_element_type3A_226, %cond3A_227 : i32
      scf.if %cond3A_228 {
        %ge3A = arith.constant 2 : i32
        %ge3A_299 = arith.cmpi sge, %add3A_210, %ge3A : i32
        %convert_element_type3A_300 = arith.extui %ge3A_299 : i1 to i32
        %cond3A_301 = arith.constant 0 : i32
        %cond3A_302 = arith.cmpi ne, %convert_element_type3A_300, %cond3A_301 : i32
        scf.if %cond3A_302 {
          %dma_wait3A_311 = arith.constant 0 : i32
          %dma_wait3A_312 = tpu.memref_slice %arg7[%add3A_210, %dma_wait3A_311] : memref<40x64xi32, #tpu.memory_space<vmem>> -> memref<1x64xi32, #tpu.memory_space<vmem>>
          %dma_wait3A_313 = tpu.memref_squeeze %dma_wait3A_312 : memref<1x64xi32, #tpu.memory_space<vmem>> -> memref<64xi32, #tpu.memory_space<vmem>>
          %dma_wait3A_314 = arith.constant 0 : i32
          %dma_wait3A_315 = arith.constant 0 : i32
          %dma_wait3A_316 = tpu.memref_slice %arg12[%dma_wait3A_314, %dma_wait3A_315] : memref<10240x128xf32, #tpu.memory_space<vmem_shared>> -> memref<10240x128xf32, #tpu.memory_space<vmem_shared>>
          tpu.wait_indirect_dma semaphore(%arg19 : memref<!tpu.dma_semaphore, #tpu.memory_space<semaphore_mem>>) src(%arg10 : memref<64x128xf32, #tpu.memory_space<vmem>>) dst(%dma_wait3A_316 : memref<10240x128xf32, #tpu.memory_space<vmem_shared>>)
        } else {
        }
        %add3A_303 = arith.constant 2 : i32
        %add3A_304 = arith.addi %add3A_210, %add3A_303 : i32
        %dma_start3A_305 = arith.constant 0 : i32
        %dma_start3A_306 = tpu.memref_slice %arg6[%add3A_304, %dma_start3A_305] : memref<40x64xi32, #tpu.memory_space<vmem>> -> memref<1x64xi32, #tpu.memory_space<vmem>>
        %dma_start3A_307 = tpu.memref_squeeze %dma_start3A_306 : memref<1x64xi32, #tpu.memory_space<vmem>> -> memref<64xi32, #tpu.memory_space<vmem>>
        %dma_start3A_308 = arith.constant 0 : i32
        %dma_start3A_309 = arith.constant 0 : i32
        %dma_start3A_310 = tpu.memref_slice %arg2[%dma_start3A_308, %dma_start3A_309] : memref<10240x128xf32, #tpu.memory_space<hbm>> -> memref<10240x128xf32, #tpu.memory_space<hbm>>
        tpu.enqueue_indirect_dma source(%dma_start3A_310 : memref<10240x128xf32, #tpu.memory_space<hbm>>) target(%arg10 : memref<64x128xf32, #tpu.memory_space<vmem>>) offsets(%dma_start3A_307 : memref<64xi32, #tpu.memory_space<vmem>>) semaphore(%arg15 : memref<!tpu.dma_semaphore, #tpu.memory_space<semaphore_mem>>)
      } else {
      }
      %mul3A_229 = arith.constant 4 : i32
      %mul3A_230 = arith.muli %mul3A_229, %scan3A_205 : i32
      %add3A_231 = arith.constant 1 : i32
      %add3A_232 = arith.addi %mul3A_230, %add3A_231 : i32
      %dma_wait3A_233 = arith.constant 0 : i32
      %dma_wait3A_234 = tpu.memref_slice %arg6[%add3A_232, %dma_wait3A_233] : memref<40x64xi32, #tpu.memory_space<vmem>> -> memref<1x64xi32, #tpu.memory_space<vmem>>
      %dma_wait3A_235 = tpu.memref_squeeze %dma_wait3A_234 : memref<1x64xi32, #tpu.memory_space<vmem>> -> memref<64xi32, #tpu.memory_space<vmem>>
      %dma_wait3A_236 = arith.constant 0 : i32
      %dma_wait3A_237 = arith.constant 0 : i32
      %dma_wait3A_238 = tpu.memref_slice %arg2[%dma_wait3A_236, %dma_wait3A_237] : memref<10240x128xf32, #tpu.memory_space<hbm>> -> memref<10240x128xf32, #tpu.memory_space<hbm>>
      tpu.wait_indirect_dma semaphore(%arg14 : memref<!tpu.dma_semaphore, #tpu.memory_space<semaphore_mem>>) src(%dma_wait3A_238 : memref<10240x128xf32, #tpu.memory_space<hbm>>) dst(%arg9 : memref<64x128xf32, #tpu.memory_space<vmem>>)
      %dma_start3A_239 = arith.constant 0 : i32
      %dma_start3A_240 = tpu.memref_slice %arg7[%add3A_232, %dma_start3A_239] : memref<40x64xi32, #tpu.memory_space<vmem>> -> memref<1x64xi32, #tpu.memory_space<vmem>>
      %dma_start3A_241 = tpu.memref_squeeze %dma_start3A_240 : memref<1x64xi32, #tpu.memory_space<vmem>> -> memref<64xi32, #tpu.memory_space<vmem>>
      %dma_start3A_242 = arith.constant 0 : i32
      %dma_start3A_243 = arith.constant 0 : i32
      %dma_start3A_244 = tpu.memref_slice %arg12[%dma_start3A_242, %dma_start3A_243] : memref<10240x128xf32, #tpu.memory_space<vmem_shared>> -> memref<10240x128xf32, #tpu.memory_space<vmem_shared>>
      tpu.enqueue_indirect_dma source(%arg9 : memref<64x128xf32, #tpu.memory_space<vmem>>) target(%dma_start3A_244 : memref<10240x128xf32, #tpu.memory_space<vmem_shared>>) offsets(%dma_start3A_241 : memref<64xi32, #tpu.memory_space<vmem>>) semaphore(%arg18 : memref<!tpu.dma_semaphore, #tpu.memory_space<semaphore_mem>>) {add = true}
      %add3A_245 = arith.constant 2 : i32
      %add3A_246 = arith.addi %add3A_232, %add3A_245 : i32
      %lt3A_247 = arith.constant 40 : i32
      %lt3A_248 = arith.cmpi slt, %add3A_246, %lt3A_247 : i32
      %convert_element_type3A_249 = arith.extui %lt3A_248 : i1 to i32
      %cond3A_250 = arith.constant 0 : i32
      %cond3A_251 = arith.cmpi ne, %convert_element_type3A_249, %cond3A_250 : i32
      scf.if %cond3A_251 {
        %ge3A = arith.constant 2 : i32
        %ge3A_299 = arith.cmpi sge, %add3A_232, %ge3A : i32
        %convert_element_type3A_300 = arith.extui %ge3A_299 : i1 to i32
        %cond3A_301 = arith.constant 0 : i32
        %cond3A_302 = arith.cmpi ne, %convert_element_type3A_300, %cond3A_301 : i32
        scf.if %cond3A_302 {
          %dma_wait3A_311 = arith.constant 0 : i32
          %dma_wait3A_312 = tpu.memref_slice %arg7[%add3A_232, %dma_wait3A_311] : memref<40x64xi32, #tpu.memory_space<vmem>> -> memref<1x64xi32, #tpu.memory_space<vmem>>
          %dma_wait3A_313 = tpu.memref_squeeze %dma_wait3A_312 : memref<1x64xi32, #tpu.memory_space<vmem>> -> memref<64xi32, #tpu.memory_space<vmem>>
          %dma_wait3A_314 = arith.constant 0 : i32
          %dma_wait3A_315 = arith.constant 0 : i32
          %dma_wait3A_316 = tpu.memref_slice %arg12[%dma_wait3A_314, %dma_wait3A_315] : memref<10240x128xf32, #tpu.memory_space<vmem_shared>> -> memref<10240x128xf32, #tpu.memory_space<vmem_shared>>
          tpu.wait_indirect_dma semaphore(%arg20 : memref<!tpu.dma_semaphore, #tpu.memory_space<semaphore_mem>>) src(%arg11 : memref<64x128xf32, #tpu.memory_space<vmem>>) dst(%dma_wait3A_316 : memref<10240x128xf32, #tpu.memory_space<vmem_shared>>)
        } else {
        }
        %add3A_303 = arith.constant 2 : i32
        %add3A_304 = arith.addi %add3A_232, %add3A_303 : i32
        %dma_start3A_305 = arith.constant 0 : i32
        %dma_start3A_306 = tpu.memref_slice %arg6[%add3A_304, %dma_start3A_305] : memref<40x64xi32, #tpu.memory_space<vmem>> -> memref<1x64xi32, #tpu.memory_space<vmem>>
        %dma_start3A_307 = tpu.memref_squeeze %dma_start3A_306 : memref<1x64xi32, #tpu.memory_space<vmem>> -> memref<64xi32, #tpu.memory_space<vmem>>
        %dma_start3A_308 = arith.constant 0 : i32
        %dma_start3A_309 = arith.constant 0 : i32
        %dma_start3A_310 = tpu.memref_slice %arg2[%dma_start3A_308, %dma_start3A_309] : memref<10240x128xf32, #tpu.memory_space<hbm>> -> memref<10240x128xf32, #tpu.memory_space<hbm>>
        tpu.enqueue_indirect_dma source(%dma_start3A_310 : memref<10240x128xf32, #tpu.memory_space<hbm>>) target(%arg11 : memref<64x128xf32, #tpu.memory_space<vmem>>) offsets(%dma_start3A_307 : memref<64xi32, #tpu.memory_space<vmem>>) semaphore(%arg16 : memref<!tpu.dma_semaphore, #tpu.memory_space<semaphore_mem>>)
      } else {
      }
      %mul3A_252 = arith.constant 4 : i32
      %mul3A_253 = arith.muli %mul3A_252, %scan3A_205 : i32
      %add3A_254 = arith.constant 2 : i32
      %add3A_255 = arith.addi %mul3A_253, %add3A_254 : i32
      %dma_wait3A_256 = arith.constant 0 : i32
      %dma_wait3A_257 = tpu.memref_slice %arg6[%add3A_255, %dma_wait3A_256] : memref<40x64xi32, #tpu.memory_space<vmem>> -> memref<1x64xi32, #tpu.memory_space<vmem>>
      %dma_wait3A_258 = tpu.memref_squeeze %dma_wait3A_257 : memref<1x64xi32, #tpu.memory_space<vmem>> -> memref<64xi32, #tpu.memory_space<vmem>>
      %dma_wait3A_259 = arith.constant 0 : i32
      %dma_wait3A_260 = arith.constant 0 : i32
      %dma_wait3A_261 = tpu.memref_slice %arg2[%dma_wait3A_259, %dma_wait3A_260] : memref<10240x128xf32, #tpu.memory_space<hbm>> -> memref<10240x128xf32, #tpu.memory_space<hbm>>
      tpu.wait_indirect_dma semaphore(%arg15 : memref<!tpu.dma_semaphore, #tpu.memory_space<semaphore_mem>>) src(%dma_wait3A_261 : memref<10240x128xf32, #tpu.memory_space<hbm>>) dst(%arg10 : memref<64x128xf32, #tpu.memory_space<vmem>>)
      %dma_start3A_262 = arith.constant 0 : i32
      %dma_start3A_263 = tpu.memref_slice %arg7[%add3A_255, %dma_start3A_262] : memref<40x64xi32, #tpu.memory_space<vmem>> -> memref<1x64xi32, #tpu.memory_space<vmem>>
      %dma_start3A_264 = tpu.memref_squeeze %dma_start3A_263 : memref<1x64xi32, #tpu.memory_space<vmem>> -> memref<64xi32, #tpu.memory_space<vmem>>
      %dma_start3A_265 = arith.constant 0 : i32
      %dma_start3A_266 = arith.constant 0 : i32
      %dma_start3A_267 = tpu.memref_slice %arg12[%dma_start3A_265, %dma_start3A_266] : memref<10240x128xf32, #tpu.memory_space<vmem_shared>> -> memref<10240x128xf32, #tpu.memory_space<vmem_shared>>
      tpu.enqueue_indirect_dma source(%arg10 : memref<64x128xf32, #tpu.memory_space<vmem>>) target(%dma_start3A_267 : memref<10240x128xf32, #tpu.memory_space<vmem_shared>>) offsets(%dma_start3A_264 : memref<64xi32, #tpu.memory_space<vmem>>) semaphore(%arg19 : memref<!tpu.dma_semaphore, #tpu.memory_space<semaphore_mem>>) {add = true}
      %add3A_268 = arith.constant 2 : i32
      %add3A_269 = arith.addi %add3A_255, %add3A_268 : i32
      %lt3A_270 = arith.constant 40 : i32
      %lt3A_271 = arith.cmpi slt, %add3A_269, %lt3A_270 : i32
      %convert_element_type3A_272 = arith.extui %lt3A_271 : i1 to i32
      %cond3A_273 = arith.constant 0 : i32
      %cond3A_274 = arith.cmpi ne, %convert_element_type3A_272, %cond3A_273 : i32
      scf.if %cond3A_274 {
        %ge3A = arith.constant 2 : i32
        %ge3A_299 = arith.cmpi sge, %add3A_255, %ge3A : i32
        %convert_element_type3A_300 = arith.extui %ge3A_299 : i1 to i32
        %cond3A_301 = arith.constant 0 : i32
        %cond3A_302 = arith.cmpi ne, %convert_element_type3A_300, %cond3A_301 : i32
        scf.if %cond3A_302 {
          %dma_wait3A_311 = arith.constant 0 : i32
          %dma_wait3A_312 = tpu.memref_slice %arg7[%add3A_255, %dma_wait3A_311] : memref<40x64xi32, #tpu.memory_space<vmem>> -> memref<1x64xi32, #tpu.memory_space<vmem>>
          %dma_wait3A_313 = tpu.memref_squeeze %dma_wait3A_312 : memref<1x64xi32, #tpu.memory_space<vmem>> -> memref<64xi32, #tpu.memory_space<vmem>>
          %dma_wait3A_314 = arith.constant 0 : i32
          %dma_wait3A_315 = arith.constant 0 : i32
          %dma_wait3A_316 = tpu.memref_slice %arg12[%dma_wait3A_314, %dma_wait3A_315] : memref<10240x128xf32, #tpu.memory_space<vmem_shared>> -> memref<10240x128xf32, #tpu.memory_space<vmem_shared>>
          tpu.wait_indirect_dma semaphore(%arg17 : memref<!tpu.dma_semaphore, #tpu.memory_space<semaphore_mem>>) src(%arg8 : memref<64x128xf32, #tpu.memory_space<vmem>>) dst(%dma_wait3A_316 : memref<10240x128xf32, #tpu.memory_space<vmem_shared>>)
        } else {
        }
        %add3A_303 = arith.constant 2 : i32
        %add3A_304 = arith.addi %add3A_255, %add3A_303 : i32
        %dma_start3A_305 = arith.constant 0 : i32
        %dma_start3A_306 = tpu.memref_slice %arg6[%add3A_304, %dma_start3A_305] : memref<40x64xi32, #tpu.memory_space<vmem>> -> memref<1x64xi32, #tpu.memory_space<vmem>>
        %dma_start3A_307 = tpu.memref_squeeze %dma_start3A_306 : memref<1x64xi32, #tpu.memory_space<vmem>> -> memref<64xi32, #tpu.memory_space<vmem>>
        %dma_start3A_308 = arith.constant 0 : i32
        %dma_start3A_309 = arith.constant 0 : i32
        %dma_start3A_310 = tpu.memref_slice %arg2[%dma_start3A_308, %dma_start3A_309] : memref<10240x128xf32, #tpu.memory_space<hbm>> -> memref<10240x128xf32, #tpu.memory_space<hbm>>
        tpu.enqueue_indirect_dma source(%dma_start3A_310 : memref<10240x128xf32, #tpu.memory_space<hbm>>) target(%arg8 : memref<64x128xf32, #tpu.memory_space<vmem>>) offsets(%dma_start3A_307 : memref<64xi32, #tpu.memory_space<vmem>>) semaphore(%arg13 : memref<!tpu.dma_semaphore, #tpu.memory_space<semaphore_mem>>)
      } else {
      }
      %mul3A_275 = arith.constant 4 : i32
      %mul3A_276 = arith.muli %mul3A_275, %scan3A_205 : i32
      %add3A_277 = arith.constant 3 : i32
      %add3A_278 = arith.addi %mul3A_276, %add3A_277 : i32
      %dma_wait3A_279 = arith.constant 0 : i32
      %dma_wait3A_280 = tpu.memref_slice %arg6[%add3A_278, %dma_wait3A_279] : memref<40x64xi32, #tpu.memory_space<vmem>> -> memref<1x64xi32, #tpu.memory_space<vmem>>
      %dma_wait3A_281 = tpu.memref_squeeze %dma_wait3A_280 : memref<1x64xi32, #tpu.memory_space<vmem>> -> memref<64xi32, #tpu.memory_space<vmem>>
      %dma_wait3A_282 = arith.constant 0 : i32
      %dma_wait3A_283 = arith.constant 0 : i32
      %dma_wait3A_284 = tpu.memref_slice %arg2[%dma_wait3A_282, %dma_wait3A_283] : memref<10240x128xf32, #tpu.memory_space<hbm>> -> memref<10240x128xf32, #tpu.memory_space<hbm>>
      tpu.wait_indirect_dma semaphore(%arg16 : memref<!tpu.dma_semaphore, #tpu.memory_space<semaphore_mem>>) src(%dma_wait3A_284 : memref<10240x128xf32, #tpu.memory_space<hbm>>) dst(%arg11 : memref<64x128xf32, #tpu.memory_space<vmem>>)
      %dma_start3A_285 = arith.constant 0 : i32
      %dma_start3A_286 = tpu.memref_slice %arg7[%add3A_278, %dma_start3A_285] : memref<40x64xi32, #tpu.memory_space<vmem>> -> memref<1x64xi32, #tpu.memory_space<vmem>>
      %dma_start3A_287 = tpu.memref_squeeze %dma_start3A_286 : memref<1x64xi32, #tpu.memory_space<vmem>> -> memref<64xi32, #tpu.memory_space<vmem>>
      %dma_start3A_288 = arith.constant 0 : i32
      %dma_start3A_289 = arith.constant 0 : i32
      %dma_start3A_290 = tpu.memref_slice %arg12[%dma_start3A_288, %dma_start3A_289] : memref<10240x128xf32, #tpu.memory_space<vmem_shared>> -> memref<10240x128xf32, #tpu.memory_space<vmem_shared>>
      tpu.enqueue_indirect_dma source(%arg11 : memref<64x128xf32, #tpu.memory_space<vmem>>) target(%dma_start3A_290 : memref<10240x128xf32, #tpu.memory_space<vmem_shared>>) offsets(%dma_start3A_287 : memref<64xi32, #tpu.memory_space<vmem>>) semaphore(%arg20 : memref<!tpu.dma_semaphore, #tpu.memory_space<semaphore_mem>>) {add = true}
      %add3A_291 = arith.constant 2 : i32
      %add3A_292 = arith.addi %add3A_278, %add3A_291 : i32
      %lt3A_293 = arith.constant 40 : i32
      %lt3A_294 = arith.cmpi slt, %add3A_292, %lt3A_293 : i32
      %convert_element_type3A_295 = arith.extui %lt3A_294 : i1 to i32
      %cond3A_296 = arith.constant 0 : i32
      %cond3A_297 = arith.cmpi ne, %convert_element_type3A_295, %cond3A_296 : i32
      scf.if %cond3A_297 {
        %ge3A = arith.constant 2 : i32
        %ge3A_299 = arith.cmpi sge, %add3A_278, %ge3A : i32
        %convert_element_type3A_300 = arith.extui %ge3A_299 : i1 to i32
        %cond3A_301 = arith.constant 0 : i32
        %cond3A_302 = arith.cmpi ne, %convert_element_type3A_300, %cond3A_301 : i32
        scf.if %cond3A_302 {
          %dma_wait3A_311 = arith.constant 0 : i32
          %dma_wait3A_312 = tpu.memref_slice %arg7[%add3A_278, %dma_wait3A_311] : memref<40x64xi32, #tpu.memory_space<vmem>> -> memref<1x64xi32, #tpu.memory_space<vmem>>
          %dma_wait3A_313 = tpu.memref_squeeze %dma_wait3A_312 : memref<1x64xi32, #tpu.memory_space<vmem>> -> memref<64xi32, #tpu.memory_space<vmem>>
          %dma_wait3A_314 = arith.constant 0 : i32
          %dma_wait3A_315 = arith.constant 0 : i32
          %dma_wait3A_316 = tpu.memref_slice %arg12[%dma_wait3A_314, %dma_wait3A_315] : memref<10240x128xf32, #tpu.memory_space<vmem_shared>> -> memref<10240x128xf32, #tpu.memory_space<vmem_shared>>
          tpu.wait_indirect_dma semaphore(%arg18 : memref<!tpu.dma_semaphore, #tpu.memory_space<semaphore_mem>>) src(%arg9 : memref<64x128xf32, #tpu.memory_space<vmem>>) dst(%dma_wait3A_316 : memref<10240x128xf32, #tpu.memory_space<vmem_shared>>)
        } else {
        }
        %add3A_303 = arith.constant 2 : i32
        %add3A_304 = arith.addi %add3A_278, %add3A_303 : i32
        %dma_start3A_305 = arith.constant 0 : i32
        %dma_start3A_306 = tpu.memref_slice %arg6[%add3A_304, %dma_start3A_305] : memref<40x64xi32, #tpu.memory_space<vmem>> -> memref<1x64xi32, #tpu.memory_space<vmem>>
        %dma_start3A_307 = tpu.memref_squeeze %dma_start3A_306 : memref<1x64xi32, #tpu.memory_space<vmem>> -> memref<64xi32, #tpu.memory_space<vmem>>
        %dma_start3A_308 = arith.constant 0 : i32
        %dma_start3A_309 = arith.constant 0 : i32
        %dma_start3A_310 = tpu.memref_slice %arg2[%dma_start3A_308, %dma_start3A_309] : memref<10240x128xf32, #tpu.memory_space<hbm>> -> memref<10240x128xf32, #tpu.memory_space<hbm>>
        tpu.enqueue_indirect_dma source(%dma_start3A_310 : memref<10240x128xf32, #tpu.memory_space<hbm>>) target(%arg9 : memref<64x128xf32, #tpu.memory_space<vmem>>) offsets(%dma_start3A_307 : memref<64xi32, #tpu.memory_space<vmem>>) semaphore(%arg14 : memref<!tpu.dma_semaphore, #tpu.memory_space<semaphore_mem>>)
      } else {
      }
      %scan3A_298 = arith.constant 0 : i32
      scf.yield %scan3A_298 : i32
    }
    %scan3A_25 = arith.constant 10 : i32
    %dma_wait3A = arith.constant 39 : i32
    %dma_wait3A_26 = arith.constant 0 : i32
    %dma_wait3A_27 = tpu.memref_slice %arg7[%dma_wait3A, %dma_wait3A_26] : memref<40x64xi32, #tpu.memory_space<vmem>> -> memref<1x64xi32, #tpu.memory_space<vmem>>
    %dma_wait3A_28 = tpu.memref_squeeze %dma_wait3A_27 : memref<1x64xi32, #tpu.memory_space<vmem>> -> memref<64xi32, #tpu.memory_space<vmem>>
    %dma_wait3A_29 = arith.constant 0 : i32
    %dma_wait3A_30 = arith.constant 0 : i32
    %dma_wait3A_31 = tpu.memref_slice %arg12[%dma_wait3A_29, %dma_wait3A_30] : memref<10240x128xf32, #tpu.memory_space<vmem_shared>> -> memref<10240x128xf32, #tpu.memory_space<vmem_shared>>
    tpu.wait_indirect_dma semaphore(%arg17 : memref<!tpu.dma_semaphore, #tpu.memory_space<semaphore_mem>>) src(%arg8 : memref<64x128xf32, #tpu.memory_space<vmem>>) dst(%dma_wait3A_31 : memref<10240x128xf32, #tpu.memory_space<vmem_shared>>)
    %dma_wait3A_32 = arith.constant 39 : i32
    %dma_wait3A_33 = arith.constant 0 : i32
    %dma_wait3A_34 = tpu.memref_slice %arg7[%dma_wait3A_32, %dma_wait3A_33] : memref<40x64xi32, #tpu.memory_space<vmem>> -> memref<1x64xi32, #tpu.memory_space<vmem>>
    %dma_wait3A_35 = tpu.memref_squeeze %dma_wait3A_34 : memref<1x64xi32, #tpu.memory_space<vmem>> -> memref<64xi32, #tpu.memory_space<vmem>>
    %dma_wait3A_36 = arith.constant 0 : i32
    %dma_wait3A_37 = arith.constant 0 : i32
    %dma_wait3A_38 = tpu.memref_slice %arg12[%dma_wait3A_36, %dma_wait3A_37] : memref<10240x128xf32, #tpu.memory_space<vmem_shared>> -> memref<10240x128xf32, #tpu.memory_space<vmem_shared>>
    tpu.wait_indirect_dma semaphore(%arg18 : memref<!tpu.dma_semaphore, #tpu.memory_space<semaphore_mem>>) src(%arg9 : memref<64x128xf32, #tpu.memory_space<vmem>>) dst(%dma_wait3A_38 : memref<10240x128xf32, #tpu.memory_space<vmem_shared>>)
    %dma_wait3A_39 = arith.constant 39 : i32
    %dma_wait3A_40 = arith.constant 0 : i32
    %dma_wait3A_41 = tpu.memref_slice %arg7[%dma_wait3A_39, %dma_wait3A_40] : memref<40x64xi32, #tpu.memory_space<vmem>> -> memref<1x64xi32, #tpu.memory_space<vmem>>
    %dma_wait3A_42 = tpu.memref_squeeze %dma_wait3A_41 : memref<1x64xi32, #tpu.memory_space<vmem>> -> memref<64xi32, #tpu.memory_space<vmem>>
    %dma_wait3A_43 = arith.constant 0 : i32
    %dma_wait3A_44 = arith.constant 0 : i32
    %dma_wait3A_45 = tpu.memref_slice %arg12[%dma_wait3A_43, %dma_wait3A_44] : memref<10240x128xf32, #tpu.memory_space<vmem_shared>> -> memref<10240x128xf32, #tpu.memory_space<vmem_shared>>
    tpu.wait_indirect_dma semaphore(%arg19 : memref<!tpu.dma_semaphore, #tpu.memory_space<semaphore_mem>>) src(%arg10 : memref<64x128xf32, #tpu.memory_space<vmem>>) dst(%dma_wait3A_45 : memref<10240x128xf32, #tpu.memory_space<vmem_shared>>)
    %dma_wait3A_46 = arith.constant 39 : i32
    %dma_wait3A_47 = arith.constant 0 : i32
    %dma_wait3A_48 = tpu.memref_slice %arg7[%dma_wait3A_46, %dma_wait3A_47] : memref<40x64xi32, #tpu.memory_space<vmem>> -> memref<1x64xi32, #tpu.memory_space<vmem>>
    %dma_wait3A_49 = tpu.memref_squeeze %dma_wait3A_48 : memref<1x64xi32, #tpu.memory_space<vmem>> -> memref<64xi32, #tpu.memory_space<vmem>>
    %dma_wait3A_50 = arith.constant 0 : i32
    %dma_wait3A_51 = arith.constant 0 : i32
    %dma_wait3A_52 = tpu.memref_slice %arg12[%dma_wait3A_50, %dma_wait3A_51] : memref<10240x128xf32, #tpu.memory_space<vmem_shared>> -> memref<10240x128xf32, #tpu.memory_space<vmem_shared>>
    tpu.wait_indirect_dma semaphore(%arg20 : memref<!tpu.dma_semaphore, #tpu.memory_space<semaphore_mem>>) src(%arg11 : memref<64x128xf32, #tpu.memory_space<vmem>>) dst(%dma_wait3A_52 : memref<10240x128xf32, #tpu.memory_space<vmem_shared>>)
    "tpu.region"() ({
      %run_scoped3A = tpu.sem_alloc : memref<!tpu.dma_semaphore, #tpu.memory_space<semaphore_mem>>
      %dma_start3A_205 = arith.constant 40 : i32
      %dma_start3A_206 = arith.constant 0 : i32
      %dma_start3A_207 = tpu.memref_slice %arg3[%add3A, %dma_start3A_205, %dma_start3A_206] : memref<32x160x64xi32, #tpu.memory_space<hbm>> -> memref<1x40x64xi32, #tpu.memory_space<hbm>>
      %dma_start3A_208 = tpu.memref_squeeze %dma_start3A_207 : memref<1x40x64xi32, #tpu.memory_space<hbm>> -> memref<40x64xi32, #tpu.memory_space<hbm>>
      %dma_start3A_209 = arith.constant 40 : i32
      %dma_start3A_210 = arith.constant 0 : i32
      %dma_start3A_211 = tpu.memref_slice %arg3[%add3A, %dma_start3A_209, %dma_start3A_210] : memref<32x160x64xi32, #tpu.memory_space<hbm>> -> memref<1x40x64xi32, #tpu.memory_space<hbm>>
      %dma_start3A_212 = tpu.memref_squeeze %dma_start3A_211 : memref<1x40x64xi32, #tpu.memory_space<hbm>> -> memref<40x64xi32, #tpu.memory_space<hbm>>
      tpu.enqueue_dma source(%dma_start3A_212 : memref<40x64xi32, #tpu.memory_space<hbm>>) target(%arg6 : memref<40x64xi32, #tpu.memory_space<vmem>>) target_semaphore(%run_scoped3A : memref<!tpu.dma_semaphore, #tpu.memory_space<semaphore_mem>>)
      %dma_wait3A_213 = arith.constant 40 : i32
      %dma_wait3A_214 = arith.constant 0 : i32
      %dma_wait3A_215 = tpu.memref_slice %arg3[%add3A, %dma_wait3A_213, %dma_wait3A_214] : memref<32x160x64xi32, #tpu.memory_space<hbm>> -> memref<1x40x64xi32, #tpu.memory_space<hbm>>
      %dma_wait3A_216 = tpu.memref_squeeze %dma_wait3A_215 : memref<1x40x64xi32, #tpu.memory_space<hbm>> -> memref<40x64xi32, #tpu.memory_space<hbm>>
      %dma_wait3A_217 = arith.constant 40 : i32
      %dma_wait3A_218 = arith.constant 0 : i32
      %dma_wait3A_219 = tpu.memref_slice %arg3[%add3A, %dma_wait3A_217, %dma_wait3A_218] : memref<32x160x64xi32, #tpu.memory_space<hbm>> -> memref<1x40x64xi32, #tpu.memory_space<hbm>>
      %dma_wait3A_220 = tpu.memref_squeeze %dma_wait3A_219 : memref<1x40x64xi32, #tpu.memory_space<hbm>> -> memref<40x64xi32, #tpu.memory_space<hbm>>
      tpu.wait_dma2 semaphore(%run_scoped3A : memref<!tpu.dma_semaphore, #tpu.memory_space<semaphore_mem>>) src(%dma_wait3A_220 : memref<40x64xi32, #tpu.memory_space<hbm>>) dst(%arg6 : memref<40x64xi32, #tpu.memory_space<vmem>>)
      tpu.yield
    }) : () -> ()
    "tpu.region"() ({
      %run_scoped3A = tpu.sem_alloc : memref<!tpu.dma_semaphore, #tpu.memory_space<semaphore_mem>>
      %dma_start3A_205 = arith.constant 40 : i32
      %dma_start3A_206 = arith.constant 0 : i32
      %dma_start3A_207 = tpu.memref_slice %arg4[%add3A, %dma_start3A_205, %dma_start3A_206] : memref<32x160x64xi32, #tpu.memory_space<hbm>> -> memref<1x40x64xi32, #tpu.memory_space<hbm>>
      %dma_start3A_208 = tpu.memref_squeeze %dma_start3A_207 : memref<1x40x64xi32, #tpu.memory_space<hbm>> -> memref<40x64xi32, #tpu.memory_space<hbm>>
      %dma_start3A_209 = arith.constant 40 : i32
      %dma_start3A_210 = arith.constant 0 : i32
      %dma_start3A_211 = tpu.memref_slice %arg4[%add3A, %dma_start3A_209, %dma_start3A_210] : memref<32x160x64xi32, #tpu.memory_space<hbm>> -> memref<1x40x64xi32, #tpu.memory_space<hbm>>
      %dma_start3A_212 = tpu.memref_squeeze %dma_start3A_211 : memref<1x40x64xi32, #tpu.memory_space<hbm>> -> memref<40x64xi32, #tpu.memory_space<hbm>>
      tpu.enqueue_dma source(%dma_start3A_212 : memref<40x64xi32, #tpu.memory_space<hbm>>) target(%arg7 : memref<40x64xi32, #tpu.memory_space<vmem>>) target_semaphore(%run_scoped3A : memref<!tpu.dma_semaphore, #tpu.memory_space<semaphore_mem>>)
      %dma_wait3A_213 = arith.constant 40 : i32
      %dma_wait3A_214 = arith.constant 0 : i32
      %dma_wait3A_215 = tpu.memref_slice %arg4[%add3A, %dma_wait3A_213, %dma_wait3A_214] : memref<32x160x64xi32, #tpu.memory_space<hbm>> -> memref<1x40x64xi32, #tpu.memory_space<hbm>>
      %dma_wait3A_216 = tpu.memref_squeeze %dma_wait3A_215 : memref<1x40x64xi32, #tpu.memory_space<hbm>> -> memref<40x64xi32, #tpu.memory_space<hbm>>
      %dma_wait3A_217 = arith.constant 40 : i32
      %dma_wait3A_218 = arith.constant 0 : i32
      %dma_wait3A_219 = tpu.memref_slice %arg4[%add3A, %dma_wait3A_217, %dma_wait3A_218] : memref<32x160x64xi32, #tpu.memory_space<hbm>> -> memref<1x40x64xi32, #tpu.memory_space<hbm>>
      %dma_wait3A_220 = tpu.memref_squeeze %dma_wait3A_219 : memref<1x40x64xi32, #tpu.memory_space<hbm>> -> memref<40x64xi32, #tpu.memory_space<hbm>>
      tpu.wait_dma2 semaphore(%run_scoped3A : memref<!tpu.dma_semaphore, #tpu.memory_space<semaphore_mem>>) src(%dma_wait3A_220 : memref<40x64xi32, #tpu.memory_space<hbm>>) dst(%arg7 : memref<40x64xi32, #tpu.memory_space<vmem>>)
      tpu.yield
    }) : () -> ()
    %dma_start3A_53 = arith.constant 0 : i32
    %dma_start3A_54 = arith.constant 0 : i32
    %dma_start3A_55 = tpu.memref_slice %arg6[%dma_start3A_53, %dma_start3A_54] : memref<40x64xi32, #tpu.memory_space<vmem>> -> memref<1x64xi32, #tpu.memory_space<vmem>>
    %dma_start3A_56 = tpu.memref_squeeze %dma_start3A_55 : memref<1x64xi32, #tpu.memory_space<vmem>> -> memref<64xi32, #tpu.memory_space<vmem>>
    %dma_start3A_57 = arith.constant 0 : i32
    %dma_start3A_58 = arith.constant 0 : i32
    %dma_start3A_59 = tpu.memref_slice %arg2[%dma_start3A_57, %dma_start3A_58] : memref<10240x128xf32, #tpu.memory_space<hbm>> -> memref<10240x128xf32, #tpu.memory_space<hbm>>
    tpu.enqueue_indirect_dma source(%dma_start3A_59 : memref<10240x128xf32, #tpu.memory_space<hbm>>) target(%arg8 : memref<64x128xf32, #tpu.memory_space<vmem>>) offsets(%dma_start3A_56 : memref<64xi32, #tpu.memory_space<vmem>>) semaphore(%arg13 : memref<!tpu.dma_semaphore, #tpu.memory_space<semaphore_mem>>)
    %dma_start3A_60 = arith.constant 1 : i32
    %dma_start3A_61 = arith.constant 0 : i32
    %dma_start3A_62 = tpu.memref_slice %arg6[%dma_start3A_60, %dma_start3A_61] : memref<40x64xi32, #tpu.memory_space<vmem>> -> memref<1x64xi32, #tpu.memory_space<vmem>>
    %dma_start3A_63 = tpu.memref_squeeze %dma_start3A_62 : memref<1x64xi32, #tpu.memory_space<vmem>> -> memref<64xi32, #tpu.memory_space<vmem>>
    %dma_start3A_64 = arith.constant 0 : i32
    %dma_start3A_65 = arith.constant 0 : i32
    %dma_start3A_66 = tpu.memref_slice %arg2[%dma_start3A_64, %dma_start3A_65] : memref<10240x128xf32, #tpu.memory_space<hbm>> -> memref<10240x128xf32, #tpu.memory_space<hbm>>
    tpu.enqueue_indirect_dma source(%dma_start3A_66 : memref<10240x128xf32, #tpu.memory_space<hbm>>) target(%arg9 : memref<64x128xf32, #tpu.memory_space<vmem>>) offsets(%dma_start3A_63 : memref<64xi32, #tpu.memory_space<vmem>>) semaphore(%arg14 : memref<!tpu.dma_semaphore, #tpu.memory_space<semaphore_mem>>)
    %scan3A_67 = arith.constant 0 : i32
    %scan3A_68 = arith.constant 0 : i32
    %scan3A_69 = arith.constant 10 : i32
    %scan3A_70 = arith.addi %scan3A_68, %scan3A_69 : i32
    %scan3A_71 = arith.constant 1 : i32
    %scan3A_72 = scf.for %scan3A_205 = %scan3A_68 to %scan3A_70 step %scan3A_71 iter_args(%scan3A_206 = %scan3A_67) -> (i32)  : i32 {
      %mul3A_207 = arith.constant 4 : i32
      %mul3A_208 = arith.muli %mul3A_207, %scan3A_205 : i32
      %add3A_209 = arith.constant 0 : i32
      %add3A_210 = arith.addi %mul3A_208, %add3A_209 : i32
      %dma_wait3A_211 = arith.constant 0 : i32
      %dma_wait3A_212 = tpu.memref_slice %arg6[%add3A_210, %dma_wait3A_211] : memref<40x64xi32, #tpu.memory_space<vmem>> -> memref<1x64xi32, #tpu.memory_space<vmem>>
      %dma_wait3A_213 = tpu.memref_squeeze %dma_wait3A_212 : memref<1x64xi32, #tpu.memory_space<vmem>> -> memref<64xi32, #tpu.memory_space<vmem>>
      %dma_wait3A_214 = arith.constant 0 : i32
      %dma_wait3A_215 = arith.constant 0 : i32
      %dma_wait3A_216 = tpu.memref_slice %arg2[%dma_wait3A_214, %dma_wait3A_215] : memref<10240x128xf32, #tpu.memory_space<hbm>> -> memref<10240x128xf32, #tpu.memory_space<hbm>>
      tpu.wait_indirect_dma semaphore(%arg13 : memref<!tpu.dma_semaphore, #tpu.memory_space<semaphore_mem>>) src(%dma_wait3A_216 : memref<10240x128xf32, #tpu.memory_space<hbm>>) dst(%arg8 : memref<64x128xf32, #tpu.memory_space<vmem>>)
      %dma_start3A_217 = arith.constant 0 : i32
      %dma_start3A_218 = tpu.memref_slice %arg7[%add3A_210, %dma_start3A_217] : memref<40x64xi32, #tpu.memory_space<vmem>> -> memref<1x64xi32, #tpu.memory_space<vmem>>
      %dma_start3A_219 = tpu.memref_squeeze %dma_start3A_218 : memref<1x64xi32, #tpu.memory_space<vmem>> -> memref<64xi32, #tpu.memory_space<vmem>>
      %dma_start3A_220 = arith.constant 0 : i32
      %dma_start3A_221 = arith.constant 0 : i32
      %dma_start3A_222 = tpu.memref_slice %arg12[%dma_start3A_220, %dma_start3A_221] : memref<10240x128xf32, #tpu.memory_space<vmem_shared>> -> memref<10240x128xf32, #tpu.memory_space<vmem_shared>>
      tpu.enqueue_indirect_dma source(%arg8 : memref<64x128xf32, #tpu.memory_space<vmem>>) target(%dma_start3A_222 : memref<10240x128xf32, #tpu.memory_space<vmem_shared>>) offsets(%dma_start3A_219 : memref<64xi32, #tpu.memory_space<vmem>>) semaphore(%arg17 : memref<!tpu.dma_semaphore, #tpu.memory_space<semaphore_mem>>) {add = true}
      %add3A_223 = arith.constant 2 : i32
      %add3A_224 = arith.addi %add3A_210, %add3A_223 : i32
      %lt3A = arith.constant 40 : i32
      %lt3A_225 = arith.cmpi slt, %add3A_224, %lt3A : i32
      %convert_element_type3A_226 = arith.extui %lt3A_225 : i1 to i32
      %cond3A_227 = arith.constant 0 : i32
      %cond3A_228 = arith.cmpi ne, %convert_element_type3A_226, %cond3A_227 : i32
      scf.if %cond3A_228 {
        %ge3A = arith.constant 2 : i32
        %ge3A_299 = arith.cmpi sge, %add3A_210, %ge3A : i32
        %convert_element_type3A_300 = arith.extui %ge3A_299 : i1 to i32
        %cond3A_301 = arith.constant 0 : i32
        %cond3A_302 = arith.cmpi ne, %convert_element_type3A_300, %cond3A_301 : i32
        scf.if %cond3A_302 {
          %dma_wait3A_311 = arith.constant 0 : i32
          %dma_wait3A_312 = tpu.memref_slice %arg7[%add3A_210, %dma_wait3A_311] : memref<40x64xi32, #tpu.memory_space<vmem>> -> memref<1x64xi32, #tpu.memory_space<vmem>>
          %dma_wait3A_313 = tpu.memref_squeeze %dma_wait3A_312 : memref<1x64xi32, #tpu.memory_space<vmem>> -> memref<64xi32, #tpu.memory_space<vmem>>
          %dma_wait3A_314 = arith.constant 0 : i32
          %dma_wait3A_315 = arith.constant 0 : i32
          %dma_wait3A_316 = tpu.memref_slice %arg12[%dma_wait3A_314, %dma_wait3A_315] : memref<10240x128xf32, #tpu.memory_space<vmem_shared>> -> memref<10240x128xf32, #tpu.memory_space<vmem_shared>>
          tpu.wait_indirect_dma semaphore(%arg19 : memref<!tpu.dma_semaphore, #tpu.memory_space<semaphore_mem>>) src(%arg10 : memref<64x128xf32, #tpu.memory_space<vmem>>) dst(%dma_wait3A_316 : memref<10240x128xf32, #tpu.memory_space<vmem_shared>>)
        } else {
        }
        %add3A_303 = arith.constant 2 : i32
        %add3A_304 = arith.addi %add3A_210, %add3A_303 : i32
        %dma_start3A_305 = arith.constant 0 : i32
        %dma_start3A_306 = tpu.memref_slice %arg6[%add3A_304, %dma_start3A_305] : memref<40x64xi32, #tpu.memory_space<vmem>> -> memref<1x64xi32, #tpu.memory_space<vmem>>
        %dma_start3A_307 = tpu.memref_squeeze %dma_start3A_306 : memref<1x64xi32, #tpu.memory_space<vmem>> -> memref<64xi32, #tpu.memory_space<vmem>>
        %dma_start3A_308 = arith.constant 0 : i32
        %dma_start3A_309 = arith.constant 0 : i32
        %dma_start3A_310 = tpu.memref_slice %arg2[%dma_start3A_308, %dma_start3A_309] : memref<10240x128xf32, #tpu.memory_space<hbm>> -> memref<10240x128xf32, #tpu.memory_space<hbm>>
        tpu.enqueue_indirect_dma source(%dma_start3A_310 : memref<10240x128xf32, #tpu.memory_space<hbm>>) target(%arg10 : memref<64x128xf32, #tpu.memory_space<vmem>>) offsets(%dma_start3A_307 : memref<64xi32, #tpu.memory_space<vmem>>) semaphore(%arg15 : memref<!tpu.dma_semaphore, #tpu.memory_space<semaphore_mem>>)
      } else {
      }
      %mul3A_229 = arith.constant 4 : i32
      %mul3A_230 = arith.muli %mul3A_229, %scan3A_205 : i32
      %add3A_231 = arith.constant 1 : i32
      %add3A_232 = arith.addi %mul3A_230, %add3A_231 : i32
      %dma_wait3A_233 = arith.constant 0 : i32
      %dma_wait3A_234 = tpu.memref_slice %arg6[%add3A_232, %dma_wait3A_233] : memref<40x64xi32, #tpu.memory_space<vmem>> -> memref<1x64xi32, #tpu.memory_space<vmem>>
      %dma_wait3A_235 = tpu.memref_squeeze %dma_wait3A_234 : memref<1x64xi32, #tpu.memory_space<vmem>> -> memref<64xi32, #tpu.memory_space<vmem>>
      %dma_wait3A_236 = arith.constant 0 : i32
      %dma_wait3A_237 = arith.constant 0 : i32
      %dma_wait3A_238 = tpu.memref_slice %arg2[%dma_wait3A_236, %dma_wait3A_237] : memref<10240x128xf32, #tpu.memory_space<hbm>> -> memref<10240x128xf32, #tpu.memory_space<hbm>>
      tpu.wait_indirect_dma semaphore(%arg14 : memref<!tpu.dma_semaphore, #tpu.memory_space<semaphore_mem>>) src(%dma_wait3A_238 : memref<10240x128xf32, #tpu.memory_space<hbm>>) dst(%arg9 : memref<64x128xf32, #tpu.memory_space<vmem>>)
      %dma_start3A_239 = arith.constant 0 : i32
      %dma_start3A_240 = tpu.memref_slice %arg7[%add3A_232, %dma_start3A_239] : memref<40x64xi32, #tpu.memory_space<vmem>> -> memref<1x64xi32, #tpu.memory_space<vmem>>
      %dma_start3A_241 = tpu.memref_squeeze %dma_start3A_240 : memref<1x64xi32, #tpu.memory_space<vmem>> -> memref<64xi32, #tpu.memory_space<vmem>>
      %dma_start3A_242 = arith.constant 0 : i32
      %dma_start3A_243 = arith.constant 0 : i32
      %dma_start3A_244 = tpu.memref_slice %arg12[%dma_start3A_242, %dma_start3A_243] : memref<10240x128xf32, #tpu.memory_space<vmem_shared>> -> memref<10240x128xf32, #tpu.memory_space<vmem_shared>>
      tpu.enqueue_indirect_dma source(%arg9 : memref<64x128xf32, #tpu.memory_space<vmem>>) target(%dma_start3A_244 : memref<10240x128xf32, #tpu.memory_space<vmem_shared>>) offsets(%dma_start3A_241 : memref<64xi32, #tpu.memory_space<vmem>>) semaphore(%arg18 : memref<!tpu.dma_semaphore, #tpu.memory_space<semaphore_mem>>) {add = true}
      %add3A_245 = arith.constant 2 : i32
      %add3A_246 = arith.addi %add3A_232, %add3A_245 : i32
      %lt3A_247 = arith.constant 40 : i32
      %lt3A_248 = arith.cmpi slt, %add3A_246, %lt3A_247 : i32
      %convert_element_type3A_249 = arith.extui %lt3A_248 : i1 to i32
      %cond3A_250 = arith.constant 0 : i32
      %cond3A_251 = arith.cmpi ne, %convert_element_type3A_249, %cond3A_250 : i32
      scf.if %cond3A_251 {
        %ge3A = arith.constant 2 : i32
        %ge3A_299 = arith.cmpi sge, %add3A_232, %ge3A : i32
        %convert_element_type3A_300 = arith.extui %ge3A_299 : i1 to i32
        %cond3A_301 = arith.constant 0 : i32
        %cond3A_302 = arith.cmpi ne, %convert_element_type3A_300, %cond3A_301 : i32
        scf.if %cond3A_302 {
          %dma_wait3A_311 = arith.constant 0 : i32
          %dma_wait3A_312 = tpu.memref_slice %arg7[%add3A_232, %dma_wait3A_311] : memref<40x64xi32, #tpu.memory_space<vmem>> -> memref<1x64xi32, #tpu.memory_space<vmem>>
          %dma_wait3A_313 = tpu.memref_squeeze %dma_wait3A_312 : memref<1x64xi32, #tpu.memory_space<vmem>> -> memref<64xi32, #tpu.memory_space<vmem>>
          %dma_wait3A_314 = arith.constant 0 : i32
          %dma_wait3A_315 = arith.constant 0 : i32
          %dma_wait3A_316 = tpu.memref_slice %arg12[%dma_wait3A_314, %dma_wait3A_315] : memref<10240x128xf32, #tpu.memory_space<vmem_shared>> -> memref<10240x128xf32, #tpu.memory_space<vmem_shared>>
          tpu.wait_indirect_dma semaphore(%arg20 : memref<!tpu.dma_semaphore, #tpu.memory_space<semaphore_mem>>) src(%arg11 : memref<64x128xf32, #tpu.memory_space<vmem>>) dst(%dma_wait3A_316 : memref<10240x128xf32, #tpu.memory_space<vmem_shared>>)
        } else {
        }
        %add3A_303 = arith.constant 2 : i32
        %add3A_304 = arith.addi %add3A_232, %add3A_303 : i32
        %dma_start3A_305 = arith.constant 0 : i32
        %dma_start3A_306 = tpu.memref_slice %arg6[%add3A_304, %dma_start3A_305] : memref<40x64xi32, #tpu.memory_space<vmem>> -> memref<1x64xi32, #tpu.memory_space<vmem>>
        %dma_start3A_307 = tpu.memref_squeeze %dma_start3A_306 : memref<1x64xi32, #tpu.memory_space<vmem>> -> memref<64xi32, #tpu.memory_space<vmem>>
        %dma_start3A_308 = arith.constant 0 : i32
        %dma_start3A_309 = arith.constant 0 : i32
        %dma_start3A_310 = tpu.memref_slice %arg2[%dma_start3A_308, %dma_start3A_309] : memref<10240x128xf32, #tpu.memory_space<hbm>> -> memref<10240x128xf32, #tpu.memory_space<hbm>>
        tpu.enqueue_indirect_dma source(%dma_start3A_310 : memref<10240x128xf32, #tpu.memory_space<hbm>>) target(%arg11 : memref<64x128xf32, #tpu.memory_space<vmem>>) offsets(%dma_start3A_307 : memref<64xi32, #tpu.memory_space<vmem>>) semaphore(%arg16 : memref<!tpu.dma_semaphore, #tpu.memory_space<semaphore_mem>>)
      } else {
      }
      %mul3A_252 = arith.constant 4 : i32
      %mul3A_253 = arith.muli %mul3A_252, %scan3A_205 : i32
      %add3A_254 = arith.constant 2 : i32
      %add3A_255 = arith.addi %mul3A_253, %add3A_254 : i32
      %dma_wait3A_256 = arith.constant 0 : i32
      %dma_wait3A_257 = tpu.memref_slice %arg6[%add3A_255, %dma_wait3A_256] : memref<40x64xi32, #tpu.memory_space<vmem>> -> memref<1x64xi32, #tpu.memory_space<vmem>>
      %dma_wait3A_258 = tpu.memref_squeeze %dma_wait3A_257 : memref<1x64xi32, #tpu.memory_space<vmem>> -> memref<64xi32, #tpu.memory_space<vmem>>
      %dma_wait3A_259 = arith.constant 0 : i32
      %dma_wait3A_260 = arith.constant 0 : i32
      %dma_wait3A_261 = tpu.memref_slice %arg2[%dma_wait3A_259, %dma_wait3A_260] : memref<10240x128xf32, #tpu.memory_space<hbm>> -> memref<10240x128xf32, #tpu.memory_space<hbm>>
      tpu.wait_indirect_dma semaphore(%arg15 : memref<!tpu.dma_semaphore, #tpu.memory_space<semaphore_mem>>) src(%dma_wait3A_261 : memref<10240x128xf32, #tpu.memory_space<hbm>>) dst(%arg10 : memref<64x128xf32, #tpu.memory_space<vmem>>)
      %dma_start3A_262 = arith.constant 0 : i32
      %dma_start3A_263 = tpu.memref_slice %arg7[%add3A_255, %dma_start3A_262] : memref<40x64xi32, #tpu.memory_space<vmem>> -> memref<1x64xi32, #tpu.memory_space<vmem>>
      %dma_start3A_264 = tpu.memref_squeeze %dma_start3A_263 : memref<1x64xi32, #tpu.memory_space<vmem>> -> memref<64xi32, #tpu.memory_space<vmem>>
      %dma_start3A_265 = arith.constant 0 : i32
      %dma_start3A_266 = arith.constant 0 : i32
      %dma_start3A_267 = tpu.memref_slice %arg12[%dma_start3A_265, %dma_start3A_266] : memref<10240x128xf32, #tpu.memory_space<vmem_shared>> -> memref<10240x128xf32, #tpu.memory_space<vmem_shared>>
      tpu.enqueue_indirect_dma source(%arg10 : memref<64x128xf32, #tpu.memory_space<vmem>>) target(%dma_start3A_267 : memref<10240x128xf32, #tpu.memory_space<vmem_shared>>) offsets(%dma_start3A_264 : memref<64xi32, #tpu.memory_space<vmem>>) semaphore(%arg19 : memref<!tpu.dma_semaphore, #tpu.memory_space<semaphore_mem>>) {add = true}
      %add3A_268 = arith.constant 2 : i32
      %add3A_269 = arith.addi %add3A_255, %add3A_268 : i32
      %lt3A_270 = arith.constant 40 : i32
      %lt3A_271 = arith.cmpi slt, %add3A_269, %lt3A_270 : i32
      %convert_element_type3A_272 = arith.extui %lt3A_271 : i1 to i32
      %cond3A_273 = arith.constant 0 : i32
      %cond3A_274 = arith.cmpi ne, %convert_element_type3A_272, %cond3A_273 : i32
      scf.if %cond3A_274 {
        %ge3A = arith.constant 2 : i32
        %ge3A_299 = arith.cmpi sge, %add3A_255, %ge3A : i32
        %convert_element_type3A_300 = arith.extui %ge3A_299 : i1 to i32
        %cond3A_301 = arith.constant 0 : i32
        %cond3A_302 = arith.cmpi ne, %convert_element_type3A_300, %cond3A_301 : i32
        scf.if %cond3A_302 {
          %dma_wait3A_311 = arith.constant 0 : i32
          %dma_wait3A_312 = tpu.memref_slice %arg7[%add3A_255, %dma_wait3A_311] : memref<40x64xi32, #tpu.memory_space<vmem>> -> memref<1x64xi32, #tpu.memory_space<vmem>>
          %dma_wait3A_313 = tpu.memref_squeeze %dma_wait3A_312 : memref<1x64xi32, #tpu.memory_space<vmem>> -> memref<64xi32, #tpu.memory_space<vmem>>
          %dma_wait3A_314 = arith.constant 0 : i32
          %dma_wait3A_315 = arith.constant 0 : i32
          %dma_wait3A_316 = tpu.memref_slice %arg12[%dma_wait3A_314, %dma_wait3A_315] : memref<10240x128xf32, #tpu.memory_space<vmem_shared>> -> memref<10240x128xf32, #tpu.memory_space<vmem_shared>>
          tpu.wait_indirect_dma semaphore(%arg17 : memref<!tpu.dma_semaphore, #tpu.memory_space<semaphore_mem>>) src(%arg8 : memref<64x128xf32, #tpu.memory_space<vmem>>) dst(%dma_wait3A_316 : memref<10240x128xf32, #tpu.memory_space<vmem_shared>>)
        } else {
        }
        %add3A_303 = arith.constant 2 : i32
        %add3A_304 = arith.addi %add3A_255, %add3A_303 : i32
        %dma_start3A_305 = arith.constant 0 : i32
        %dma_start3A_306 = tpu.memref_slice %arg6[%add3A_304, %dma_start3A_305] : memref<40x64xi32, #tpu.memory_space<vmem>> -> memref<1x64xi32, #tpu.memory_space<vmem>>
        %dma_start3A_307 = tpu.memref_squeeze %dma_start3A_306 : memref<1x64xi32, #tpu.memory_space<vmem>> -> memref<64xi32, #tpu.memory_space<vmem>>
        %dma_start3A_308 = arith.constant 0 : i32
        %dma_start3A_309 = arith.constant 0 : i32
        %dma_start3A_310 = tpu.memref_slice %arg2[%dma_start3A_308, %dma_start3A_309] : memref<10240x128xf32, #tpu.memory_space<hbm>> -> memref<10240x128xf32, #tpu.memory_space<hbm>>
        tpu.enqueue_indirect_dma source(%dma_start3A_310 : memref<10240x128xf32, #tpu.memory_space<hbm>>) target(%arg8 : memref<64x128xf32, #tpu.memory_space<vmem>>) offsets(%dma_start3A_307 : memref<64xi32, #tpu.memory_space<vmem>>) semaphore(%arg13 : memref<!tpu.dma_semaphore, #tpu.memory_space<semaphore_mem>>)
      } else {
      }
      %mul3A_275 = arith.constant 4 : i32
      %mul3A_276 = arith.muli %mul3A_275, %scan3A_205 : i32
      %add3A_277 = arith.constant 3 : i32
      %add3A_278 = arith.addi %mul3A_276, %add3A_277 : i32
      %dma_wait3A_279 = arith.constant 0 : i32
      %dma_wait3A_280 = tpu.memref_slice %arg6[%add3A_278, %dma_wait3A_279] : memref<40x64xi32, #tpu.memory_space<vmem>> -> memref<1x64xi32, #tpu.memory_space<vmem>>
      %dma_wait3A_281 = tpu.memref_squeeze %dma_wait3A_280 : memref<1x64xi32, #tpu.memory_space<vmem>> -> memref<64xi32, #tpu.memory_space<vmem>>
      %dma_wait3A_282 = arith.constant 0 : i32
      %dma_wait3A_283 = arith.constant 0 : i32
      %dma_wait3A_284 = tpu.memref_slice %arg2[%dma_wait3A_282, %dma_wait3A_283] : memref<10240x128xf32, #tpu.memory_space<hbm>> -> memref<10240x128xf32, #tpu.memory_space<hbm>>
      tpu.wait_indirect_dma semaphore(%arg16 : memref<!tpu.dma_semaphore, #tpu.memory_space<semaphore_mem>>) src(%dma_wait3A_284 : memref<10240x128xf32, #tpu.memory_space<hbm>>) dst(%arg11 : memref<64x128xf32, #tpu.memory_space<vmem>>)
      %dma_start3A_285 = arith.constant 0 : i32
      %dma_start3A_286 = tpu.memref_slice %arg7[%add3A_278, %dma_start3A_285] : memref<40x64xi32, #tpu.memory_space<vmem>> -> memref<1x64xi32, #tpu.memory_space<vmem>>
      %dma_start3A_287 = tpu.memref_squeeze %dma_start3A_286 : memref<1x64xi32, #tpu.memory_space<vmem>> -> memref<64xi32, #tpu.memory_space<vmem>>
      %dma_start3A_288 = arith.constant 0 : i32
      %dma_start3A_289 = arith.constant 0 : i32
      %dma_start3A_290 = tpu.memref_slice %arg12[%dma_start3A_288, %dma_start3A_289] : memref<10240x128xf32, #tpu.memory_space<vmem_shared>> -> memref<10240x128xf32, #tpu.memory_space<vmem_shared>>
      tpu.enqueue_indirect_dma source(%arg11 : memref<64x128xf32, #tpu.memory_space<vmem>>) target(%dma_start3A_290 : memref<10240x128xf32, #tpu.memory_space<vmem_shared>>) offsets(%dma_start3A_287 : memref<64xi32, #tpu.memory_space<vmem>>) semaphore(%arg20 : memref<!tpu.dma_semaphore, #tpu.memory_space<semaphore_mem>>) {add = true}
      %add3A_291 = arith.constant 2 : i32
      %add3A_292 = arith.addi %add3A_278, %add3A_291 : i32
      %lt3A_293 = arith.constant 40 : i32
      %lt3A_294 = arith.cmpi slt, %add3A_292, %lt3A_293 : i32
      %convert_element_type3A_295 = arith.extui %lt3A_294 : i1 to i32
      %cond3A_296 = arith.constant 0 : i32
      %cond3A_297 = arith.cmpi ne, %convert_element_type3A_295, %cond3A_296 : i32
      scf.if %cond3A_297 {
        %ge3A = arith.constant 2 : i32
        %ge3A_299 = arith.cmpi sge, %add3A_278, %ge3A : i32
        %convert_element_type3A_300 = arith.extui %ge3A_299 : i1 to i32
        %cond3A_301 = arith.constant 0 : i32
        %cond3A_302 = arith.cmpi ne, %convert_element_type3A_300, %cond3A_301 : i32
        scf.if %cond3A_302 {
          %dma_wait3A_311 = arith.constant 0 : i32
          %dma_wait3A_312 = tpu.memref_slice %arg7[%add3A_278, %dma_wait3A_311] : memref<40x64xi32, #tpu.memory_space<vmem>> -> memref<1x64xi32, #tpu.memory_space<vmem>>
          %dma_wait3A_313 = tpu.memref_squeeze %dma_wait3A_312 : memref<1x64xi32, #tpu.memory_space<vmem>> -> memref<64xi32, #tpu.memory_space<vmem>>
          %dma_wait3A_314 = arith.constant 0 : i32
          %dma_wait3A_315 = arith.constant 0 : i32
          %dma_wait3A_316 = tpu.memref_slice %arg12[%dma_wait3A_314, %dma_wait3A_315] : memref<10240x128xf32, #tpu.memory_space<vmem_shared>> -> memref<10240x128xf32, #tpu.memory_space<vmem_shared>>
          tpu.wait_indirect_dma semaphore(%arg18 : memref<!tpu.dma_semaphore, #tpu.memory_space<semaphore_mem>>) src(%arg9 : memref<64x128xf32, #tpu.memory_space<vmem>>) dst(%dma_wait3A_316 : memref<10240x128xf32, #tpu.memory_space<vmem_shared>>)
        } else {
        }
        %add3A_303 = arith.constant 2 : i32
        %add3A_304 = arith.addi %add3A_278, %add3A_303 : i32
        %dma_start3A_305 = arith.constant 0 : i32
        %dma_start3A_306 = tpu.memref_slice %arg6[%add3A_304, %dma_start3A_305] : memref<40x64xi32, #tpu.memory_space<vmem>> -> memref<1x64xi32, #tpu.memory_space<vmem>>
        %dma_start3A_307 = tpu.memref_squeeze %dma_start3A_306 : memref<1x64xi32, #tpu.memory_space<vmem>> -> memref<64xi32, #tpu.memory_space<vmem>>
        %dma_start3A_308 = arith.constant 0 : i32
        %dma_start3A_309 = arith.constant 0 : i32
        %dma_start3A_310 = tpu.memref_slice %arg2[%dma_start3A_308, %dma_start3A_309] : memref<10240x128xf32, #tpu.memory_space<hbm>> -> memref<10240x128xf32, #tpu.memory_space<hbm>>
        tpu.enqueue_indirect_dma source(%dma_start3A_310 : memref<10240x128xf32, #tpu.memory_space<hbm>>) target(%arg9 : memref<64x128xf32, #tpu.memory_space<vmem>>) offsets(%dma_start3A_307 : memref<64xi32, #tpu.memory_space<vmem>>) semaphore(%arg14 : memref<!tpu.dma_semaphore, #tpu.memory_space<semaphore_mem>>)
      } else {
      }
      %scan3A_298 = arith.constant 0 : i32
      scf.yield %scan3A_298 : i32
    }
    %scan3A_73 = arith.constant 10 : i32
    %dma_wait3A_74 = arith.constant 39 : i32
    %dma_wait3A_75 = arith.constant 0 : i32
    %dma_wait3A_76 = tpu.memref_slice %arg7[%dma_wait3A_74, %dma_wait3A_75] : memref<40x64xi32, #tpu.memory_space<vmem>> -> memref<1x64xi32, #tpu.memory_space<vmem>>
    %dma_wait3A_77 = tpu.memref_squeeze %dma_wait3A_76 : memref<1x64xi32, #tpu.memory_space<vmem>> -> memref<64xi32, #tpu.memory_space<vmem>>
    %dma_wait3A_78 = arith.constant 0 : i32
    %dma_wait3A_79 = arith.constant 0 : i32
    %dma_wait3A_80 = tpu.memref_slice %arg12[%dma_wait3A_78, %dma_wait3A_79] : memref<10240x128xf32, #tpu.memory_space<vmem_shared>> -> memref<10240x128xf32, #tpu.memory_space<vmem_shared>>
    tpu.wait_indirect_dma semaphore(%arg17 : memref<!tpu.dma_semaphore, #tpu.memory_space<semaphore_mem>>) src(%arg8 : memref<64x128xf32, #tpu.memory_space<vmem>>) dst(%dma_wait3A_80 : memref<10240x128xf32, #tpu.memory_space<vmem_shared>>)
    %dma_wait3A_81 = arith.constant 39 : i32
    %dma_wait3A_82 = arith.constant 0 : i32
    %dma_wait3A_83 = tpu.memref_slice %arg7[%dma_wait3A_81, %dma_wait3A_82] : memref<40x64xi32, #tpu.memory_space<vmem>> -> memref<1x64xi32, #tpu.memory_space<vmem>>
    %dma_wait3A_84 = tpu.memref_squeeze %dma_wait3A_83 : memref<1x64xi32, #tpu.memory_space<vmem>> -> memref<64xi32, #tpu.memory_space<vmem>>
    %dma_wait3A_85 = arith.constant 0 : i32
    %dma_wait3A_86 = arith.constant 0 : i32
    %dma_wait3A_87 = tpu.memref_slice %arg12[%dma_wait3A_85, %dma_wait3A_86] : memref<10240x128xf32, #tpu.memory_space<vmem_shared>> -> memref<10240x128xf32, #tpu.memory_space<vmem_shared>>
    tpu.wait_indirect_dma semaphore(%arg18 : memref<!tpu.dma_semaphore, #tpu.memory_space<semaphore_mem>>) src(%arg9 : memref<64x128xf32, #tpu.memory_space<vmem>>) dst(%dma_wait3A_87 : memref<10240x128xf32, #tpu.memory_space<vmem_shared>>)
    %dma_wait3A_88 = arith.constant 39 : i32
    %dma_wait3A_89 = arith.constant 0 : i32
    %dma_wait3A_90 = tpu.memref_slice %arg7[%dma_wait3A_88, %dma_wait3A_89] : memref<40x64xi32, #tpu.memory_space<vmem>> -> memref<1x64xi32, #tpu.memory_space<vmem>>
    %dma_wait3A_91 = tpu.memref_squeeze %dma_wait3A_90 : memref<1x64xi32, #tpu.memory_space<vmem>> -> memref<64xi32, #tpu.memory_space<vmem>>
    %dma_wait3A_92 = arith.constant 0 : i32
    %dma_wait3A_93 = arith.constant 0 : i32
    %dma_wait3A_94 = tpu.memref_slice %arg12[%dma_wait3A_92, %dma_wait3A_93] : memref<10240x128xf32, #tpu.memory_space<vmem_shared>> -> memref<10240x128xf32, #tpu.memory_space<vmem_shared>>
    tpu.wait_indirect_dma semaphore(%arg19 : memref<!tpu.dma_semaphore, #tpu.memory_space<semaphore_mem>>) src(%arg10 : memref<64x128xf32, #tpu.memory_space<vmem>>) dst(%dma_wait3A_94 : memref<10240x128xf32, #tpu.memory_space<vmem_shared>>)
    %dma_wait3A_95 = arith.constant 39 : i32
    %dma_wait3A_96 = arith.constant 0 : i32
    %dma_wait3A_97 = tpu.memref_slice %arg7[%dma_wait3A_95, %dma_wait3A_96] : memref<40x64xi32, #tpu.memory_space<vmem>> -> memref<1x64xi32, #tpu.memory_space<vmem>>
    %dma_wait3A_98 = tpu.memref_squeeze %dma_wait3A_97 : memref<1x64xi32, #tpu.memory_space<vmem>> -> memref<64xi32, #tpu.memory_space<vmem>>
    %dma_wait3A_99 = arith.constant 0 : i32
    %dma_wait3A_100 = arith.constant 0 : i32
    %dma_wait3A_101 = tpu.memref_slice %arg12[%dma_wait3A_99, %dma_wait3A_100] : memref<10240x128xf32, #tpu.memory_space<vmem_shared>> -> memref<10240x128xf32, #tpu.memory_space<vmem_shared>>
    tpu.wait_indirect_dma semaphore(%arg20 : memref<!tpu.dma_semaphore, #tpu.memory_space<semaphore_mem>>) src(%arg11 : memref<64x128xf32, #tpu.memory_space<vmem>>) dst(%dma_wait3A_101 : memref<10240x128xf32, #tpu.memory_space<vmem_shared>>)
    "tpu.region"() ({
      %run_scoped3A = tpu.sem_alloc : memref<!tpu.dma_semaphore, #tpu.memory_space<semaphore_mem>>
      %dma_start3A_205 = arith.constant 80 : i32
      %dma_start3A_206 = arith.constant 0 : i32
      %dma_start3A_207 = tpu.memref_slice %arg3[%add3A, %dma_start3A_205, %dma_start3A_206] : memref<32x160x64xi32, #tpu.memory_space<hbm>> -> memref<1x40x64xi32, #tpu.memory_space<hbm>>
      %dma_start3A_208 = tpu.memref_squeeze %dma_start3A_207 : memref<1x40x64xi32, #tpu.memory_space<hbm>> -> memref<40x64xi32, #tpu.memory_space<hbm>>
      %dma_start3A_209 = arith.constant 80 : i32
      %dma_start3A_210 = arith.constant 0 : i32
      %dma_start3A_211 = tpu.memref_slice %arg3[%add3A, %dma_start3A_209, %dma_start3A_210] : memref<32x160x64xi32, #tpu.memory_space<hbm>> -> memref<1x40x64xi32, #tpu.memory_space<hbm>>
      %dma_start3A_212 = tpu.memref_squeeze %dma_start3A_211 : memref<1x40x64xi32, #tpu.memory_space<hbm>> -> memref<40x64xi32, #tpu.memory_space<hbm>>
      tpu.enqueue_dma source(%dma_start3A_212 : memref<40x64xi32, #tpu.memory_space<hbm>>) target(%arg6 : memref<40x64xi32, #tpu.memory_space<vmem>>) target_semaphore(%run_scoped3A : memref<!tpu.dma_semaphore, #tpu.memory_space<semaphore_mem>>)
      %dma_wait3A_213 = arith.constant 80 : i32
      %dma_wait3A_214 = arith.constant 0 : i32
      %dma_wait3A_215 = tpu.memref_slice %arg3[%add3A, %dma_wait3A_213, %dma_wait3A_214] : memref<32x160x64xi32, #tpu.memory_space<hbm>> -> memref<1x40x64xi32, #tpu.memory_space<hbm>>
      %dma_wait3A_216 = tpu.memref_squeeze %dma_wait3A_215 : memref<1x40x64xi32, #tpu.memory_space<hbm>> -> memref<40x64xi32, #tpu.memory_space<hbm>>
      %dma_wait3A_217 = arith.constant 80 : i32
      %dma_wait3A_218 = arith.constant 0 : i32
      %dma_wait3A_219 = tpu.memref_slice %arg3[%add3A, %dma_wait3A_217, %dma_wait3A_218] : memref<32x160x64xi32, #tpu.memory_space<hbm>> -> memref<1x40x64xi32, #tpu.memory_space<hbm>>
      %dma_wait3A_220 = tpu.memref_squeeze %dma_wait3A_219 : memref<1x40x64xi32, #tpu.memory_space<hbm>> -> memref<40x64xi32, #tpu.memory_space<hbm>>
      tpu.wait_dma2 semaphore(%run_scoped3A : memref<!tpu.dma_semaphore, #tpu.memory_space<semaphore_mem>>) src(%dma_wait3A_220 : memref<40x64xi32, #tpu.memory_space<hbm>>) dst(%arg6 : memref<40x64xi32, #tpu.memory_space<vmem>>)
      tpu.yield
    }) : () -> ()
    "tpu.region"() ({
      %run_scoped3A = tpu.sem_alloc : memref<!tpu.dma_semaphore, #tpu.memory_space<semaphore_mem>>
      %dma_start3A_205 = arith.constant 80 : i32
      %dma_start3A_206 = arith.constant 0 : i32
      %dma_start3A_207 = tpu.memref_slice %arg4[%add3A, %dma_start3A_205, %dma_start3A_206] : memref<32x160x64xi32, #tpu.memory_space<hbm>> -> memref<1x40x64xi32, #tpu.memory_space<hbm>>
      %dma_start3A_208 = tpu.memref_squeeze %dma_start3A_207 : memref<1x40x64xi32, #tpu.memory_space<hbm>> -> memref<40x64xi32, #tpu.memory_space<hbm>>
      %dma_start3A_209 = arith.constant 80 : i32
      %dma_start3A_210 = arith.constant 0 : i32
      %dma_start3A_211 = tpu.memref_slice %arg4[%add3A, %dma_start3A_209, %dma_start3A_210] : memref<32x160x64xi32, #tpu.memory_space<hbm>> -> memref<1x40x64xi32, #tpu.memory_space<hbm>>
      %dma_start3A_212 = tpu.memref_squeeze %dma_start3A_211 : memref<1x40x64xi32, #tpu.memory_space<hbm>> -> memref<40x64xi32, #tpu.memory_space<hbm>>
      tpu.enqueue_dma source(%dma_start3A_212 : memref<40x64xi32, #tpu.memory_space<hbm>>) target(%arg7 : memref<40x64xi32, #tpu.memory_space<vmem>>) target_semaphore(%run_scoped3A : memref<!tpu.dma_semaphore, #tpu.memory_space<semaphore_mem>>)
      %dma_wait3A_213 = arith.constant 80 : i32
      %dma_wait3A_214 = arith.constant 0 : i32
      %dma_wait3A_215 = tpu.memref_slice %arg4[%add3A, %dma_wait3A_213, %dma_wait3A_214] : memref<32x160x64xi32, #tpu.memory_space<hbm>> -> memref<1x40x64xi32, #tpu.memory_space<hbm>>
      %dma_wait3A_216 = tpu.memref_squeeze %dma_wait3A_215 : memref<1x40x64xi32, #tpu.memory_space<hbm>> -> memref<40x64xi32, #tpu.memory_space<hbm>>
      %dma_wait3A_217 = arith.constant 80 : i32
      %dma_wait3A_218 = arith.constant 0 : i32
      %dma_wait3A_219 = tpu.memref_slice %arg4[%add3A, %dma_wait3A_217, %dma_wait3A_218] : memref<32x160x64xi32, #tpu.memory_space<hbm>> -> memref<1x40x64xi32, #tpu.memory_space<hbm>>
      %dma_wait3A_220 = tpu.memref_squeeze %dma_wait3A_219 : memref<1x40x64xi32, #tpu.memory_space<hbm>> -> memref<40x64xi32, #tpu.memory_space<hbm>>
      tpu.wait_dma2 semaphore(%run_scoped3A : memref<!tpu.dma_semaphore, #tpu.memory_space<semaphore_mem>>) src(%dma_wait3A_220 : memref<40x64xi32, #tpu.memory_space<hbm>>) dst(%arg7 : memref<40x64xi32, #tpu.memory_space<vmem>>)
      tpu.yield
    }) : () -> ()
    %dma_start3A_102 = arith.constant 0 : i32
    %dma_start3A_103 = arith.constant 0 : i32
    %dma_start3A_104 = tpu.memref_slice %arg6[%dma_start3A_102, %dma_start3A_103] : memref<40x64xi32, #tpu.memory_space<vmem>> -> memref<1x64xi32, #tpu.memory_space<vmem>>
    %dma_start3A_105 = tpu.memref_squeeze %dma_start3A_104 : memref<1x64xi32, #tpu.memory_space<vmem>> -> memref<64xi32, #tpu.memory_space<vmem>>
    %dma_start3A_106 = arith.constant 0 : i32
    %dma_start3A_107 = arith.constant 0 : i32
    %dma_start3A_108 = tpu.memref_slice %arg2[%dma_start3A_106, %dma_start3A_107] : memref<10240x128xf32, #tpu.memory_space<hbm>> -> memref<10240x128xf32, #tpu.memory_space<hbm>>
    tpu.enqueue_indirect_dma source(%dma_start3A_108 : memref<10240x128xf32, #tpu.memory_space<hbm>>) target(%arg8 : memref<64x128xf32, #tpu.memory_space<vmem>>) offsets(%dma_start3A_105 : memref<64xi32, #tpu.memory_space<vmem>>) semaphore(%arg13 : memref<!tpu.dma_semaphore, #tpu.memory_space<semaphore_mem>>)
    %dma_start3A_109 = arith.constant 1 : i32
    %dma_start3A_110 = arith.constant 0 : i32
    %dma_start3A_111 = tpu.memref_slice %arg6[%dma_start3A_109, %dma_start3A_110] : memref<40x64xi32, #tpu.memory_space<vmem>> -> memref<1x64xi32, #tpu.memory_space<vmem>>
    %dma_start3A_112 = tpu.memref_squeeze %dma_start3A_111 : memref<1x64xi32, #tpu.memory_space<vmem>> -> memref<64xi32, #tpu.memory_space<vmem>>
    %dma_start3A_113 = arith.constant 0 : i32
    %dma_start3A_114 = arith.constant 0 : i32
    %dma_start3A_115 = tpu.memref_slice %arg2[%dma_start3A_113, %dma_start3A_114] : memref<10240x128xf32, #tpu.memory_space<hbm>> -> memref<10240x128xf32, #tpu.memory_space<hbm>>
    tpu.enqueue_indirect_dma source(%dma_start3A_115 : memref<10240x128xf32, #tpu.memory_space<hbm>>) target(%arg9 : memref<64x128xf32, #tpu.memory_space<vmem>>) offsets(%dma_start3A_112 : memref<64xi32, #tpu.memory_space<vmem>>) semaphore(%arg14 : memref<!tpu.dma_semaphore, #tpu.memory_space<semaphore_mem>>)
    %scan3A_116 = arith.constant 0 : i32
    %scan3A_117 = arith.constant 0 : i32
    %scan3A_118 = arith.constant 10 : i32
    %scan3A_119 = arith.addi %scan3A_117, %scan3A_118 : i32
    %scan3A_120 = arith.constant 1 : i32
    %scan3A_121 = scf.for %scan3A_205 = %scan3A_117 to %scan3A_119 step %scan3A_120 iter_args(%scan3A_206 = %scan3A_116) -> (i32)  : i32 {
      %mul3A_207 = arith.constant 4 : i32
      %mul3A_208 = arith.muli %mul3A_207, %scan3A_205 : i32
      %add3A_209 = arith.constant 0 : i32
      %add3A_210 = arith.addi %mul3A_208, %add3A_209 : i32
      %dma_wait3A_211 = arith.constant 0 : i32
      %dma_wait3A_212 = tpu.memref_slice %arg6[%add3A_210, %dma_wait3A_211] : memref<40x64xi32, #tpu.memory_space<vmem>> -> memref<1x64xi32, #tpu.memory_space<vmem>>
      %dma_wait3A_213 = tpu.memref_squeeze %dma_wait3A_212 : memref<1x64xi32, #tpu.memory_space<vmem>> -> memref<64xi32, #tpu.memory_space<vmem>>
      %dma_wait3A_214 = arith.constant 0 : i32
      %dma_wait3A_215 = arith.constant 0 : i32
      %dma_wait3A_216 = tpu.memref_slice %arg2[%dma_wait3A_214, %dma_wait3A_215] : memref<10240x128xf32, #tpu.memory_space<hbm>> -> memref<10240x128xf32, #tpu.memory_space<hbm>>
      tpu.wait_indirect_dma semaphore(%arg13 : memref<!tpu.dma_semaphore, #tpu.memory_space<semaphore_mem>>) src(%dma_wait3A_216 : memref<10240x128xf32, #tpu.memory_space<hbm>>) dst(%arg8 : memref<64x128xf32, #tpu.memory_space<vmem>>)
      %dma_start3A_217 = arith.constant 0 : i32
      %dma_start3A_218 = tpu.memref_slice %arg7[%add3A_210, %dma_start3A_217] : memref<40x64xi32, #tpu.memory_space<vmem>> -> memref<1x64xi32, #tpu.memory_space<vmem>>
      %dma_start3A_219 = tpu.memref_squeeze %dma_start3A_218 : memref<1x64xi32, #tpu.memory_space<vmem>> -> memref<64xi32, #tpu.memory_space<vmem>>
      %dma_start3A_220 = arith.constant 0 : i32
      %dma_start3A_221 = arith.constant 0 : i32
      %dma_start3A_222 = tpu.memref_slice %arg12[%dma_start3A_220, %dma_start3A_221] : memref<10240x128xf32, #tpu.memory_space<vmem_shared>> -> memref<10240x128xf32, #tpu.memory_space<vmem_shared>>
      tpu.enqueue_indirect_dma source(%arg8 : memref<64x128xf32, #tpu.memory_space<vmem>>) target(%dma_start3A_222 : memref<10240x128xf32, #tpu.memory_space<vmem_shared>>) offsets(%dma_start3A_219 : memref<64xi32, #tpu.memory_space<vmem>>) semaphore(%arg17 : memref<!tpu.dma_semaphore, #tpu.memory_space<semaphore_mem>>) {add = true}
      %add3A_223 = arith.constant 2 : i32
      %add3A_224 = arith.addi %add3A_210, %add3A_223 : i32
      %lt3A = arith.constant 40 : i32
      %lt3A_225 = arith.cmpi slt, %add3A_224, %lt3A : i32
      %convert_element_type3A_226 = arith.extui %lt3A_225 : i1 to i32
      %cond3A_227 = arith.constant 0 : i32
      %cond3A_228 = arith.cmpi ne, %convert_element_type3A_226, %cond3A_227 : i32
      scf.if %cond3A_228 {
        %ge3A = arith.constant 2 : i32
        %ge3A_299 = arith.cmpi sge, %add3A_210, %ge3A : i32
        %convert_element_type3A_300 = arith.extui %ge3A_299 : i1 to i32
        %cond3A_301 = arith.constant 0 : i32
        %cond3A_302 = arith.cmpi ne, %convert_element_type3A_300, %cond3A_301 : i32
        scf.if %cond3A_302 {
          %dma_wait3A_311 = arith.constant 0 : i32
          %dma_wait3A_312 = tpu.memref_slice %arg7[%add3A_210, %dma_wait3A_311] : memref<40x64xi32, #tpu.memory_space<vmem>> -> memref<1x64xi32, #tpu.memory_space<vmem>>
          %dma_wait3A_313 = tpu.memref_squeeze %dma_wait3A_312 : memref<1x64xi32, #tpu.memory_space<vmem>> -> memref<64xi32, #tpu.memory_space<vmem>>
          %dma_wait3A_314 = arith.constant 0 : i32
          %dma_wait3A_315 = arith.constant 0 : i32
          %dma_wait3A_316 = tpu.memref_slice %arg12[%dma_wait3A_314, %dma_wait3A_315] : memref<10240x128xf32, #tpu.memory_space<vmem_shared>> -> memref<10240x128xf32, #tpu.memory_space<vmem_shared>>
          tpu.wait_indirect_dma semaphore(%arg19 : memref<!tpu.dma_semaphore, #tpu.memory_space<semaphore_mem>>) src(%arg10 : memref<64x128xf32, #tpu.memory_space<vmem>>) dst(%dma_wait3A_316 : memref<10240x128xf32, #tpu.memory_space<vmem_shared>>)
        } else {
        }
        %add3A_303 = arith.constant 2 : i32
        %add3A_304 = arith.addi %add3A_210, %add3A_303 : i32
        %dma_start3A_305 = arith.constant 0 : i32
        %dma_start3A_306 = tpu.memref_slice %arg6[%add3A_304, %dma_start3A_305] : memref<40x64xi32, #tpu.memory_space<vmem>> -> memref<1x64xi32, #tpu.memory_space<vmem>>
        %dma_start3A_307 = tpu.memref_squeeze %dma_start3A_306 : memref<1x64xi32, #tpu.memory_space<vmem>> -> memref<64xi32, #tpu.memory_space<vmem>>
        %dma_start3A_308 = arith.constant 0 : i32
        %dma_start3A_309 = arith.constant 0 : i32
        %dma_start3A_310 = tpu.memref_slice %arg2[%dma_start3A_308, %dma_start3A_309] : memref<10240x128xf32, #tpu.memory_space<hbm>> -> memref<10240x128xf32, #tpu.memory_space<hbm>>
        tpu.enqueue_indirect_dma source(%dma_start3A_310 : memref<10240x128xf32, #tpu.memory_space<hbm>>) target(%arg10 : memref<64x128xf32, #tpu.memory_space<vmem>>) offsets(%dma_start3A_307 : memref<64xi32, #tpu.memory_space<vmem>>) semaphore(%arg15 : memref<!tpu.dma_semaphore, #tpu.memory_space<semaphore_mem>>)
      } else {
      }
      %mul3A_229 = arith.constant 4 : i32
      %mul3A_230 = arith.muli %mul3A_229, %scan3A_205 : i32
      %add3A_231 = arith.constant 1 : i32
      %add3A_232 = arith.addi %mul3A_230, %add3A_231 : i32
      %dma_wait3A_233 = arith.constant 0 : i32
      %dma_wait3A_234 = tpu.memref_slice %arg6[%add3A_232, %dma_wait3A_233] : memref<40x64xi32, #tpu.memory_space<vmem>> -> memref<1x64xi32, #tpu.memory_space<vmem>>
      %dma_wait3A_235 = tpu.memref_squeeze %dma_wait3A_234 : memref<1x64xi32, #tpu.memory_space<vmem>> -> memref<64xi32, #tpu.memory_space<vmem>>
      %dma_wait3A_236 = arith.constant 0 : i32
      %dma_wait3A_237 = arith.constant 0 : i32
      %dma_wait3A_238 = tpu.memref_slice %arg2[%dma_wait3A_236, %dma_wait3A_237] : memref<10240x128xf32, #tpu.memory_space<hbm>> -> memref<10240x128xf32, #tpu.memory_space<hbm>>
      tpu.wait_indirect_dma semaphore(%arg14 : memref<!tpu.dma_semaphore, #tpu.memory_space<semaphore_mem>>) src(%dma_wait3A_238 : memref<10240x128xf32, #tpu.memory_space<hbm>>) dst(%arg9 : memref<64x128xf32, #tpu.memory_space<vmem>>)
      %dma_start3A_239 = arith.constant 0 : i32
      %dma_start3A_240 = tpu.memref_slice %arg7[%add3A_232, %dma_start3A_239] : memref<40x64xi32, #tpu.memory_space<vmem>> -> memref<1x64xi32, #tpu.memory_space<vmem>>
      %dma_start3A_241 = tpu.memref_squeeze %dma_start3A_240 : memref<1x64xi32, #tpu.memory_space<vmem>> -> memref<64xi32, #tpu.memory_space<vmem>>
      %dma_start3A_242 = arith.constant 0 : i32
      %dma_start3A_243 = arith.constant 0 : i32
      %dma_start3A_244 = tpu.memref_slice %arg12[%dma_start3A_242, %dma_start3A_243] : memref<10240x128xf32, #tpu.memory_space<vmem_shared>> -> memref<10240x128xf32, #tpu.memory_space<vmem_shared>>
      tpu.enqueue_indirect_dma source(%arg9 : memref<64x128xf32, #tpu.memory_space<vmem>>) target(%dma_start3A_244 : memref<10240x128xf32, #tpu.memory_space<vmem_shared>>) offsets(%dma_start3A_241 : memref<64xi32, #tpu.memory_space<vmem>>) semaphore(%arg18 : memref<!tpu.dma_semaphore, #tpu.memory_space<semaphore_mem>>) {add = true}
      %add3A_245 = arith.constant 2 : i32
      %add3A_246 = arith.addi %add3A_232, %add3A_245 : i32
      %lt3A_247 = arith.constant 40 : i32
      %lt3A_248 = arith.cmpi slt, %add3A_246, %lt3A_247 : i32
      %convert_element_type3A_249 = arith.extui %lt3A_248 : i1 to i32
      %cond3A_250 = arith.constant 0 : i32
      %cond3A_251 = arith.cmpi ne, %convert_element_type3A_249, %cond3A_250 : i32
      scf.if %cond3A_251 {
        %ge3A = arith.constant 2 : i32
        %ge3A_299 = arith.cmpi sge, %add3A_232, %ge3A : i32
        %convert_element_type3A_300 = arith.extui %ge3A_299 : i1 to i32
        %cond3A_301 = arith.constant 0 : i32
        %cond3A_302 = arith.cmpi ne, %convert_element_type3A_300, %cond3A_301 : i32
        scf.if %cond3A_302 {
          %dma_wait3A_311 = arith.constant 0 : i32
          %dma_wait3A_312 = tpu.memref_slice %arg7[%add3A_232, %dma_wait3A_311] : memref<40x64xi32, #tpu.memory_space<vmem>> -> memref<1x64xi32, #tpu.memory_space<vmem>>
          %dma_wait3A_313 = tpu.memref_squeeze %dma_wait3A_312 : memref<1x64xi32, #tpu.memory_space<vmem>> -> memref<64xi32, #tpu.memory_space<vmem>>
          %dma_wait3A_314 = arith.constant 0 : i32
          %dma_wait3A_315 = arith.constant 0 : i32
          %dma_wait3A_316 = tpu.memref_slice %arg12[%dma_wait3A_314, %dma_wait3A_315] : memref<10240x128xf32, #tpu.memory_space<vmem_shared>> -> memref<10240x128xf32, #tpu.memory_space<vmem_shared>>
          tpu.wait_indirect_dma semaphore(%arg20 : memref<!tpu.dma_semaphore, #tpu.memory_space<semaphore_mem>>) src(%arg11 : memref<64x128xf32, #tpu.memory_space<vmem>>) dst(%dma_wait3A_316 : memref<10240x128xf32, #tpu.memory_space<vmem_shared>>)
        } else {
        }
        %add3A_303 = arith.constant 2 : i32
        %add3A_304 = arith.addi %add3A_232, %add3A_303 : i32
        %dma_start3A_305 = arith.constant 0 : i32
        %dma_start3A_306 = tpu.memref_slice %arg6[%add3A_304, %dma_start3A_305] : memref<40x64xi32, #tpu.memory_space<vmem>> -> memref<1x64xi32, #tpu.memory_space<vmem>>
        %dma_start3A_307 = tpu.memref_squeeze %dma_start3A_306 : memref<1x64xi32, #tpu.memory_space<vmem>> -> memref<64xi32, #tpu.memory_space<vmem>>
        %dma_start3A_308 = arith.constant 0 : i32
        %dma_start3A_309 = arith.constant 0 : i32
        %dma_start3A_310 = tpu.memref_slice %arg2[%dma_start3A_308, %dma_start3A_309] : memref<10240x128xf32, #tpu.memory_space<hbm>> -> memref<10240x128xf32, #tpu.memory_space<hbm>>
        tpu.enqueue_indirect_dma source(%dma_start3A_310 : memref<10240x128xf32, #tpu.memory_space<hbm>>) target(%arg11 : memref<64x128xf32, #tpu.memory_space<vmem>>) offsets(%dma_start3A_307 : memref<64xi32, #tpu.memory_space<vmem>>) semaphore(%arg16 : memref<!tpu.dma_semaphore, #tpu.memory_space<semaphore_mem>>)
      } else {
      }
      %mul3A_252 = arith.constant 4 : i32
      %mul3A_253 = arith.muli %mul3A_252, %scan3A_205 : i32
      %add3A_254 = arith.constant 2 : i32
      %add3A_255 = arith.addi %mul3A_253, %add3A_254 : i32
      %dma_wait3A_256 = arith.constant 0 : i32
      %dma_wait3A_257 = tpu.memref_slice %arg6[%add3A_255, %dma_wait3A_256] : memref<40x64xi32, #tpu.memory_space<vmem>> -> memref<1x64xi32, #tpu.memory_space<vmem>>
      %dma_wait3A_258 = tpu.memref_squeeze %dma_wait3A_257 : memref<1x64xi32, #tpu.memory_space<vmem>> -> memref<64xi32, #tpu.memory_space<vmem>>
      %dma_wait3A_259 = arith.constant 0 : i32
      %dma_wait3A_260 = arith.constant 0 : i32
      %dma_wait3A_261 = tpu.memref_slice %arg2[%dma_wait3A_259, %dma_wait3A_260] : memref<10240x128xf32, #tpu.memory_space<hbm>> -> memref<10240x128xf32, #tpu.memory_space<hbm>>
      tpu.wait_indirect_dma semaphore(%arg15 : memref<!tpu.dma_semaphore, #tpu.memory_space<semaphore_mem>>) src(%dma_wait3A_261 : memref<10240x128xf32, #tpu.memory_space<hbm>>) dst(%arg10 : memref<64x128xf32, #tpu.memory_space<vmem>>)
      %dma_start3A_262 = arith.constant 0 : i32
      %dma_start3A_263 = tpu.memref_slice %arg7[%add3A_255, %dma_start3A_262] : memref<40x64xi32, #tpu.memory_space<vmem>> -> memref<1x64xi32, #tpu.memory_space<vmem>>
      %dma_start3A_264 = tpu.memref_squeeze %dma_start3A_263 : memref<1x64xi32, #tpu.memory_space<vmem>> -> memref<64xi32, #tpu.memory_space<vmem>>
      %dma_start3A_265 = arith.constant 0 : i32
      %dma_start3A_266 = arith.constant 0 : i32
      %dma_start3A_267 = tpu.memref_slice %arg12[%dma_start3A_265, %dma_start3A_266] : memref<10240x128xf32, #tpu.memory_space<vmem_shared>> -> memref<10240x128xf32, #tpu.memory_space<vmem_shared>>
      tpu.enqueue_indirect_dma source(%arg10 : memref<64x128xf32, #tpu.memory_space<vmem>>) target(%dma_start3A_267 : memref<10240x128xf32, #tpu.memory_space<vmem_shared>>) offsets(%dma_start3A_264 : memref<64xi32, #tpu.memory_space<vmem>>) semaphore(%arg19 : memref<!tpu.dma_semaphore, #tpu.memory_space<semaphore_mem>>) {add = true}
      %add3A_268 = arith.constant 2 : i32
      %add3A_269 = arith.addi %add3A_255, %add3A_268 : i32
      %lt3A_270 = arith.constant 40 : i32
      %lt3A_271 = arith.cmpi slt, %add3A_269, %lt3A_270 : i32
      %convert_element_type3A_272 = arith.extui %lt3A_271 : i1 to i32
      %cond3A_273 = arith.constant 0 : i32
      %cond3A_274 = arith.cmpi ne, %convert_element_type3A_272, %cond3A_273 : i32
      scf.if %cond3A_274 {
        %ge3A = arith.constant 2 : i32
        %ge3A_299 = arith.cmpi sge, %add3A_255, %ge3A : i32
        %convert_element_type3A_300 = arith.extui %ge3A_299 : i1 to i32
        %cond3A_301 = arith.constant 0 : i32
        %cond3A_302 = arith.cmpi ne, %convert_element_type3A_300, %cond3A_301 : i32
        scf.if %cond3A_302 {
          %dma_wait3A_311 = arith.constant 0 : i32
          %dma_wait3A_312 = tpu.memref_slice %arg7[%add3A_255, %dma_wait3A_311] : memref<40x64xi32, #tpu.memory_space<vmem>> -> memref<1x64xi32, #tpu.memory_space<vmem>>
          %dma_wait3A_313 = tpu.memref_squeeze %dma_wait3A_312 : memref<1x64xi32, #tpu.memory_space<vmem>> -> memref<64xi32, #tpu.memory_space<vmem>>
          %dma_wait3A_314 = arith.constant 0 : i32
          %dma_wait3A_315 = arith.constant 0 : i32
          %dma_wait3A_316 = tpu.memref_slice %arg12[%dma_wait3A_314, %dma_wait3A_315] : memref<10240x128xf32, #tpu.memory_space<vmem_shared>> -> memref<10240x128xf32, #tpu.memory_space<vmem_shared>>
          tpu.wait_indirect_dma semaphore(%arg17 : memref<!tpu.dma_semaphore, #tpu.memory_space<semaphore_mem>>) src(%arg8 : memref<64x128xf32, #tpu.memory_space<vmem>>) dst(%dma_wait3A_316 : memref<10240x128xf32, #tpu.memory_space<vmem_shared>>)
        } else {
        }
        %add3A_303 = arith.constant 2 : i32
        %add3A_304 = arith.addi %add3A_255, %add3A_303 : i32
        %dma_start3A_305 = arith.constant 0 : i32
        %dma_start3A_306 = tpu.memref_slice %arg6[%add3A_304, %dma_start3A_305] : memref<40x64xi32, #tpu.memory_space<vmem>> -> memref<1x64xi32, #tpu.memory_space<vmem>>
        %dma_start3A_307 = tpu.memref_squeeze %dma_start3A_306 : memref<1x64xi32, #tpu.memory_space<vmem>> -> memref<64xi32, #tpu.memory_space<vmem>>
        %dma_start3A_308 = arith.constant 0 : i32
        %dma_start3A_309 = arith.constant 0 : i32
        %dma_start3A_310 = tpu.memref_slice %arg2[%dma_start3A_308, %dma_start3A_309] : memref<10240x128xf32, #tpu.memory_space<hbm>> -> memref<10240x128xf32, #tpu.memory_space<hbm>>
        tpu.enqueue_indirect_dma source(%dma_start3A_310 : memref<10240x128xf32, #tpu.memory_space<hbm>>) target(%arg8 : memref<64x128xf32, #tpu.memory_space<vmem>>) offsets(%dma_start3A_307 : memref<64xi32, #tpu.memory_space<vmem>>) semaphore(%arg13 : memref<!tpu.dma_semaphore, #tpu.memory_space<semaphore_mem>>)
      } else {
      }
      %mul3A_275 = arith.constant 4 : i32
      %mul3A_276 = arith.muli %mul3A_275, %scan3A_205 : i32
      %add3A_277 = arith.constant 3 : i32
      %add3A_278 = arith.addi %mul3A_276, %add3A_277 : i32
      %dma_wait3A_279 = arith.constant 0 : i32
      %dma_wait3A_280 = tpu.memref_slice %arg6[%add3A_278, %dma_wait3A_279] : memref<40x64xi32, #tpu.memory_space<vmem>> -> memref<1x64xi32, #tpu.memory_space<vmem>>
      %dma_wait3A_281 = tpu.memref_squeeze %dma_wait3A_280 : memref<1x64xi32, #tpu.memory_space<vmem>> -> memref<64xi32, #tpu.memory_space<vmem>>
      %dma_wait3A_282 = arith.constant 0 : i32
      %dma_wait3A_283 = arith.constant 0 : i32
      %dma_wait3A_284 = tpu.memref_slice %arg2[%dma_wait3A_282, %dma_wait3A_283] : memref<10240x128xf32, #tpu.memory_space<hbm>> -> memref<10240x128xf32, #tpu.memory_space<hbm>>
      tpu.wait_indirect_dma semaphore(%arg16 : memref<!tpu.dma_semaphore, #tpu.memory_space<semaphore_mem>>) src(%dma_wait3A_284 : memref<10240x128xf32, #tpu.memory_space<hbm>>) dst(%arg11 : memref<64x128xf32, #tpu.memory_space<vmem>>)
      %dma_start3A_285 = arith.constant 0 : i32
      %dma_start3A_286 = tpu.memref_slice %arg7[%add3A_278, %dma_start3A_285] : memref<40x64xi32, #tpu.memory_space<vmem>> -> memref<1x64xi32, #tpu.memory_space<vmem>>
      %dma_start3A_287 = tpu.memref_squeeze %dma_start3A_286 : memref<1x64xi32, #tpu.memory_space<vmem>> -> memref<64xi32, #tpu.memory_space<vmem>>
      %dma_start3A_288 = arith.constant 0 : i32
      %dma_start3A_289 = arith.constant 0 : i32
      %dma_start3A_290 = tpu.memref_slice %arg12[%dma_start3A_288, %dma_start3A_289] : memref<10240x128xf32, #tpu.memory_space<vmem_shared>> -> memref<10240x128xf32, #tpu.memory_space<vmem_shared>>
      tpu.enqueue_indirect_dma source(%arg11 : memref<64x128xf32, #tpu.memory_space<vmem>>) target(%dma_start3A_290 : memref<10240x128xf32, #tpu.memory_space<vmem_shared>>) offsets(%dma_start3A_287 : memref<64xi32, #tpu.memory_space<vmem>>) semaphore(%arg20 : memref<!tpu.dma_semaphore, #tpu.memory_space<semaphore_mem>>) {add = true}
      %add3A_291 = arith.constant 2 : i32
      %add3A_292 = arith.addi %add3A_278, %add3A_291 : i32
      %lt3A_293 = arith.constant 40 : i32
      %lt3A_294 = arith.cmpi slt, %add3A_292, %lt3A_293 : i32
      %convert_element_type3A_295 = arith.extui %lt3A_294 : i1 to i32
      %cond3A_296 = arith.constant 0 : i32
      %cond3A_297 = arith.cmpi ne, %convert_element_type3A_295, %cond3A_296 : i32
      scf.if %cond3A_297 {
        %ge3A = arith.constant 2 : i32
        %ge3A_299 = arith.cmpi sge, %add3A_278, %ge3A : i32
        %convert_element_type3A_300 = arith.extui %ge3A_299 : i1 to i32
        %cond3A_301 = arith.constant 0 : i32
        %cond3A_302 = arith.cmpi ne, %convert_element_type3A_300, %cond3A_301 : i32
        scf.if %cond3A_302 {
          %dma_wait3A_311 = arith.constant 0 : i32
          %dma_wait3A_312 = tpu.memref_slice %arg7[%add3A_278, %dma_wait3A_311] : memref<40x64xi32, #tpu.memory_space<vmem>> -> memref<1x64xi32, #tpu.memory_space<vmem>>
          %dma_wait3A_313 = tpu.memref_squeeze %dma_wait3A_312 : memref<1x64xi32, #tpu.memory_space<vmem>> -> memref<64xi32, #tpu.memory_space<vmem>>
          %dma_wait3A_314 = arith.constant 0 : i32
          %dma_wait3A_315 = arith.constant 0 : i32
          %dma_wait3A_316 = tpu.memref_slice %arg12[%dma_wait3A_314, %dma_wait3A_315] : memref<10240x128xf32, #tpu.memory_space<vmem_shared>> -> memref<10240x128xf32, #tpu.memory_space<vmem_shared>>
          tpu.wait_indirect_dma semaphore(%arg18 : memref<!tpu.dma_semaphore, #tpu.memory_space<semaphore_mem>>) src(%arg9 : memref<64x128xf32, #tpu.memory_space<vmem>>) dst(%dma_wait3A_316 : memref<10240x128xf32, #tpu.memory_space<vmem_shared>>)
        } else {
        }
        %add3A_303 = arith.constant 2 : i32
        %add3A_304 = arith.addi %add3A_278, %add3A_303 : i32
        %dma_start3A_305 = arith.constant 0 : i32
        %dma_start3A_306 = tpu.memref_slice %arg6[%add3A_304, %dma_start3A_305] : memref<40x64xi32, #tpu.memory_space<vmem>> -> memref<1x64xi32, #tpu.memory_space<vmem>>
        %dma_start3A_307 = tpu.memref_squeeze %dma_start3A_306 : memref<1x64xi32, #tpu.memory_space<vmem>> -> memref<64xi32, #tpu.memory_space<vmem>>
        %dma_start3A_308 = arith.constant 0 : i32
        %dma_start3A_309 = arith.constant 0 : i32
        %dma_start3A_310 = tpu.memref_slice %arg2[%dma_start3A_308, %dma_start3A_309] : memref<10240x128xf32, #tpu.memory_space<hbm>> -> memref<10240x128xf32, #tpu.memory_space<hbm>>
        tpu.enqueue_indirect_dma source(%dma_start3A_310 : memref<10240x128xf32, #tpu.memory_space<hbm>>) target(%arg9 : memref<64x128xf32, #tpu.memory_space<vmem>>) offsets(%dma_start3A_307 : memref<64xi32, #tpu.memory_space<vmem>>) semaphore(%arg14 : memref<!tpu.dma_semaphore, #tpu.memory_space<semaphore_mem>>)
      } else {
      }
      %scan3A_298 = arith.constant 0 : i32
      scf.yield %scan3A_298 : i32
    }
    %scan3A_122 = arith.constant 10 : i32
    %dma_wait3A_123 = arith.constant 39 : i32
    %dma_wait3A_124 = arith.constant 0 : i32
    %dma_wait3A_125 = tpu.memref_slice %arg7[%dma_wait3A_123, %dma_wait3A_124] : memref<40x64xi32, #tpu.memory_space<vmem>> -> memref<1x64xi32, #tpu.memory_space<vmem>>
    %dma_wait3A_126 = tpu.memref_squeeze %dma_wait3A_125 : memref<1x64xi32, #tpu.memory_space<vmem>> -> memref<64xi32, #tpu.memory_space<vmem>>
    %dma_wait3A_127 = arith.constant 0 : i32
    %dma_wait3A_128 = arith.constant 0 : i32
    %dma_wait3A_129 = tpu.memref_slice %arg12[%dma_wait3A_127, %dma_wait3A_128] : memref<10240x128xf32, #tpu.memory_space<vmem_shared>> -> memref<10240x128xf32, #tpu.memory_space<vmem_shared>>
    tpu.wait_indirect_dma semaphore(%arg17 : memref<!tpu.dma_semaphore, #tpu.memory_space<semaphore_mem>>) src(%arg8 : memref<64x128xf32, #tpu.memory_space<vmem>>) dst(%dma_wait3A_129 : memref<10240x128xf32, #tpu.memory_space<vmem_shared>>)
    %dma_wait3A_130 = arith.constant 39 : i32
    %dma_wait3A_131 = arith.constant 0 : i32
    %dma_wait3A_132 = tpu.memref_slice %arg7[%dma_wait3A_130, %dma_wait3A_131] : memref<40x64xi32, #tpu.memory_space<vmem>> -> memref<1x64xi32, #tpu.memory_space<vmem>>
    %dma_wait3A_133 = tpu.memref_squeeze %dma_wait3A_132 : memref<1x64xi32, #tpu.memory_space<vmem>> -> memref<64xi32, #tpu.memory_space<vmem>>
    %dma_wait3A_134 = arith.constant 0 : i32
    %dma_wait3A_135 = arith.constant 0 : i32
    %dma_wait3A_136 = tpu.memref_slice %arg12[%dma_wait3A_134, %dma_wait3A_135] : memref<10240x128xf32, #tpu.memory_space<vmem_shared>> -> memref<10240x128xf32, #tpu.memory_space<vmem_shared>>
    tpu.wait_indirect_dma semaphore(%arg18 : memref<!tpu.dma_semaphore, #tpu.memory_space<semaphore_mem>>) src(%arg9 : memref<64x128xf32, #tpu.memory_space<vmem>>) dst(%dma_wait3A_136 : memref<10240x128xf32, #tpu.memory_space<vmem_shared>>)
    %dma_wait3A_137 = arith.constant 39 : i32
    %dma_wait3A_138 = arith.constant 0 : i32
    %dma_wait3A_139 = tpu.memref_slice %arg7[%dma_wait3A_137, %dma_wait3A_138] : memref<40x64xi32, #tpu.memory_space<vmem>> -> memref<1x64xi32, #tpu.memory_space<vmem>>
    %dma_wait3A_140 = tpu.memref_squeeze %dma_wait3A_139 : memref<1x64xi32, #tpu.memory_space<vmem>> -> memref<64xi32, #tpu.memory_space<vmem>>
    %dma_wait3A_141 = arith.constant 0 : i32
    %dma_wait3A_142 = arith.constant 0 : i32
    %dma_wait3A_143 = tpu.memref_slice %arg12[%dma_wait3A_141, %dma_wait3A_142] : memref<10240x128xf32, #tpu.memory_space<vmem_shared>> -> memref<10240x128xf32, #tpu.memory_space<vmem_shared>>
    tpu.wait_indirect_dma semaphore(%arg19 : memref<!tpu.dma_semaphore, #tpu.memory_space<semaphore_mem>>) src(%arg10 : memref<64x128xf32, #tpu.memory_space<vmem>>) dst(%dma_wait3A_143 : memref<10240x128xf32, #tpu.memory_space<vmem_shared>>)
    %dma_wait3A_144 = arith.constant 39 : i32
    %dma_wait3A_145 = arith.constant 0 : i32
    %dma_wait3A_146 = tpu.memref_slice %arg7[%dma_wait3A_144, %dma_wait3A_145] : memref<40x64xi32, #tpu.memory_space<vmem>> -> memref<1x64xi32, #tpu.memory_space<vmem>>
    %dma_wait3A_147 = tpu.memref_squeeze %dma_wait3A_146 : memref<1x64xi32, #tpu.memory_space<vmem>> -> memref<64xi32, #tpu.memory_space<vmem>>
    %dma_wait3A_148 = arith.constant 0 : i32
    %dma_wait3A_149 = arith.constant 0 : i32
    %dma_wait3A_150 = tpu.memref_slice %arg12[%dma_wait3A_148, %dma_wait3A_149] : memref<10240x128xf32, #tpu.memory_space<vmem_shared>> -> memref<10240x128xf32, #tpu.memory_space<vmem_shared>>
    tpu.wait_indirect_dma semaphore(%arg20 : memref<!tpu.dma_semaphore, #tpu.memory_space<semaphore_mem>>) src(%arg11 : memref<64x128xf32, #tpu.memory_space<vmem>>) dst(%dma_wait3A_150 : memref<10240x128xf32, #tpu.memory_space<vmem_shared>>)
    "tpu.region"() ({
      %run_scoped3A = tpu.sem_alloc : memref<!tpu.dma_semaphore, #tpu.memory_space<semaphore_mem>>
      %dma_start3A_205 = arith.constant 120 : i32
      %dma_start3A_206 = arith.constant 0 : i32
      %dma_start3A_207 = tpu.memref_slice %arg3[%add3A, %dma_start3A_205, %dma_start3A_206] : memref<32x160x64xi32, #tpu.memory_space<hbm>> -> memref<1x40x64xi32, #tpu.memory_space<hbm>>
      %dma_start3A_208 = tpu.memref_squeeze %dma_start3A_207 : memref<1x40x64xi32, #tpu.memory_space<hbm>> -> memref<40x64xi32, #tpu.memory_space<hbm>>
      %dma_start3A_209 = arith.constant 120 : i32
      %dma_start3A_210 = arith.constant 0 : i32
      %dma_start3A_211 = tpu.memref_slice %arg3[%add3A, %dma_start3A_209, %dma_start3A_210] : memref<32x160x64xi32, #tpu.memory_space<hbm>> -> memref<1x40x64xi32, #tpu.memory_space<hbm>>
      %dma_start3A_212 = tpu.memref_squeeze %dma_start3A_211 : memref<1x40x64xi32, #tpu.memory_space<hbm>> -> memref<40x64xi32, #tpu.memory_space<hbm>>
      tpu.enqueue_dma source(%dma_start3A_212 : memref<40x64xi32, #tpu.memory_space<hbm>>) target(%arg6 : memref<40x64xi32, #tpu.memory_space<vmem>>) target_semaphore(%run_scoped3A : memref<!tpu.dma_semaphore, #tpu.memory_space<semaphore_mem>>)
      %dma_wait3A_213 = arith.constant 120 : i32
      %dma_wait3A_214 = arith.constant 0 : i32
      %dma_wait3A_215 = tpu.memref_slice %arg3[%add3A, %dma_wait3A_213, %dma_wait3A_214] : memref<32x160x64xi32, #tpu.memory_space<hbm>> -> memref<1x40x64xi32, #tpu.memory_space<hbm>>
      %dma_wait3A_216 = tpu.memref_squeeze %dma_wait3A_215 : memref<1x40x64xi32, #tpu.memory_space<hbm>> -> memref<40x64xi32, #tpu.memory_space<hbm>>
      %dma_wait3A_217 = arith.constant 120 : i32
      %dma_wait3A_218 = arith.constant 0 : i32
      %dma_wait3A_219 = tpu.memref_slice %arg3[%add3A, %dma_wait3A_217, %dma_wait3A_218] : memref<32x160x64xi32, #tpu.memory_space<hbm>> -> memref<1x40x64xi32, #tpu.memory_space<hbm>>
      %dma_wait3A_220 = tpu.memref_squeeze %dma_wait3A_219 : memref<1x40x64xi32, #tpu.memory_space<hbm>> -> memref<40x64xi32, #tpu.memory_space<hbm>>
      tpu.wait_dma2 semaphore(%run_scoped3A : memref<!tpu.dma_semaphore, #tpu.memory_space<semaphore_mem>>) src(%dma_wait3A_220 : memref<40x64xi32, #tpu.memory_space<hbm>>) dst(%arg6 : memref<40x64xi32, #tpu.memory_space<vmem>>)
      tpu.yield
    }) : () -> ()
    "tpu.region"() ({
      %run_scoped3A = tpu.sem_alloc : memref<!tpu.dma_semaphore, #tpu.memory_space<semaphore_mem>>
      %dma_start3A_205 = arith.constant 120 : i32
      %dma_start3A_206 = arith.constant 0 : i32
      %dma_start3A_207 = tpu.memref_slice %arg4[%add3A, %dma_start3A_205, %dma_start3A_206] : memref<32x160x64xi32, #tpu.memory_space<hbm>> -> memref<1x40x64xi32, #tpu.memory_space<hbm>>
      %dma_start3A_208 = tpu.memref_squeeze %dma_start3A_207 : memref<1x40x64xi32, #tpu.memory_space<hbm>> -> memref<40x64xi32, #tpu.memory_space<hbm>>
      %dma_start3A_209 = arith.constant 120 : i32
      %dma_start3A_210 = arith.constant 0 : i32
      %dma_start3A_211 = tpu.memref_slice %arg4[%add3A, %dma_start3A_209, %dma_start3A_210] : memref<32x160x64xi32, #tpu.memory_space<hbm>> -> memref<1x40x64xi32, #tpu.memory_space<hbm>>
      %dma_start3A_212 = tpu.memref_squeeze %dma_start3A_211 : memref<1x40x64xi32, #tpu.memory_space<hbm>> -> memref<40x64xi32, #tpu.memory_space<hbm>>
      tpu.enqueue_dma source(%dma_start3A_212 : memref<40x64xi32, #tpu.memory_space<hbm>>) target(%arg7 : memref<40x64xi32, #tpu.memory_space<vmem>>) target_semaphore(%run_scoped3A : memref<!tpu.dma_semaphore, #tpu.memory_space<semaphore_mem>>)
      %dma_wait3A_213 = arith.constant 120 : i32
      %dma_wait3A_214 = arith.constant 0 : i32
      %dma_wait3A_215 = tpu.memref_slice %arg4[%add3A, %dma_wait3A_213, %dma_wait3A_214] : memref<32x160x64xi32, #tpu.memory_space<hbm>> -> memref<1x40x64xi32, #tpu.memory_space<hbm>>
      %dma_wait3A_216 = tpu.memref_squeeze %dma_wait3A_215 : memref<1x40x64xi32, #tpu.memory_space<hbm>> -> memref<40x64xi32, #tpu.memory_space<hbm>>
      %dma_wait3A_217 = arith.constant 120 : i32
      %dma_wait3A_218 = arith.constant 0 : i32
      %dma_wait3A_219 = tpu.memref_slice %arg4[%add3A, %dma_wait3A_217, %dma_wait3A_218] : memref<32x160x64xi32, #tpu.memory_space<hbm>> -> memref<1x40x64xi32, #tpu.memory_space<hbm>>
      %dma_wait3A_220 = tpu.memref_squeeze %dma_wait3A_219 : memref<1x40x64xi32, #tpu.memory_space<hbm>> -> memref<40x64xi32, #tpu.memory_space<hbm>>
      tpu.wait_dma2 semaphore(%run_scoped3A : memref<!tpu.dma_semaphore, #tpu.memory_space<semaphore_mem>>) src(%dma_wait3A_220 : memref<40x64xi32, #tpu.memory_space<hbm>>) dst(%arg7 : memref<40x64xi32, #tpu.memory_space<vmem>>)
      tpu.yield
    }) : () -> ()
    %dma_start3A_151 = arith.constant 0 : i32
    %dma_start3A_152 = arith.constant 0 : i32
    %dma_start3A_153 = tpu.memref_slice %arg6[%dma_start3A_151, %dma_start3A_152] : memref<40x64xi32, #tpu.memory_space<vmem>> -> memref<1x64xi32, #tpu.memory_space<vmem>>
    %dma_start3A_154 = tpu.memref_squeeze %dma_start3A_153 : memref<1x64xi32, #tpu.memory_space<vmem>> -> memref<64xi32, #tpu.memory_space<vmem>>
    %dma_start3A_155 = arith.constant 0 : i32
    %dma_start3A_156 = arith.constant 0 : i32
    %dma_start3A_157 = tpu.memref_slice %arg2[%dma_start3A_155, %dma_start3A_156] : memref<10240x128xf32, #tpu.memory_space<hbm>> -> memref<10240x128xf32, #tpu.memory_space<hbm>>
    tpu.enqueue_indirect_dma source(%dma_start3A_157 : memref<10240x128xf32, #tpu.memory_space<hbm>>) target(%arg8 : memref<64x128xf32, #tpu.memory_space<vmem>>) offsets(%dma_start3A_154 : memref<64xi32, #tpu.memory_space<vmem>>) semaphore(%arg13 : memref<!tpu.dma_semaphore, #tpu.memory_space<semaphore_mem>>)
    %dma_start3A_158 = arith.constant 1 : i32
    %dma_start3A_159 = arith.constant 0 : i32
    %dma_start3A_160 = tpu.memref_slice %arg6[%dma_start3A_158, %dma_start3A_159] : memref<40x64xi32, #tpu.memory_space<vmem>> -> memref<1x64xi32, #tpu.memory_space<vmem>>
    %dma_start3A_161 = tpu.memref_squeeze %dma_start3A_160 : memref<1x64xi32, #tpu.memory_space<vmem>> -> memref<64xi32, #tpu.memory_space<vmem>>
    %dma_start3A_162 = arith.constant 0 : i32
    %dma_start3A_163 = arith.constant 0 : i32
    %dma_start3A_164 = tpu.memref_slice %arg2[%dma_start3A_162, %dma_start3A_163] : memref<10240x128xf32, #tpu.memory_space<hbm>> -> memref<10240x128xf32, #tpu.memory_space<hbm>>
    tpu.enqueue_indirect_dma source(%dma_start3A_164 : memref<10240x128xf32, #tpu.memory_space<hbm>>) target(%arg9 : memref<64x128xf32, #tpu.memory_space<vmem>>) offsets(%dma_start3A_161 : memref<64xi32, #tpu.memory_space<vmem>>) semaphore(%arg14 : memref<!tpu.dma_semaphore, #tpu.memory_space<semaphore_mem>>)
    %scan3A_165 = arith.constant 0 : i32
    %scan3A_166 = arith.constant 0 : i32
    %scan3A_167 = arith.constant 10 : i32
    %scan3A_168 = arith.addi %scan3A_166, %scan3A_167 : i32
    %scan3A_169 = arith.constant 1 : i32
    %scan3A_170 = scf.for %scan3A_205 = %scan3A_166 to %scan3A_168 step %scan3A_169 iter_args(%scan3A_206 = %scan3A_165) -> (i32)  : i32 {
      %mul3A_207 = arith.constant 4 : i32
      %mul3A_208 = arith.muli %mul3A_207, %scan3A_205 : i32
      %add3A_209 = arith.constant 0 : i32
      %add3A_210 = arith.addi %mul3A_208, %add3A_209 : i32
      %dma_wait3A_211 = arith.constant 0 : i32
      %dma_wait3A_212 = tpu.memref_slice %arg6[%add3A_210, %dma_wait3A_211] : memref<40x64xi32, #tpu.memory_space<vmem>> -> memref<1x64xi32, #tpu.memory_space<vmem>>
      %dma_wait3A_213 = tpu.memref_squeeze %dma_wait3A_212 : memref<1x64xi32, #tpu.memory_space<vmem>> -> memref<64xi32, #tpu.memory_space<vmem>>
      %dma_wait3A_214 = arith.constant 0 : i32
      %dma_wait3A_215 = arith.constant 0 : i32
      %dma_wait3A_216 = tpu.memref_slice %arg2[%dma_wait3A_214, %dma_wait3A_215] : memref<10240x128xf32, #tpu.memory_space<hbm>> -> memref<10240x128xf32, #tpu.memory_space<hbm>>
      tpu.wait_indirect_dma semaphore(%arg13 : memref<!tpu.dma_semaphore, #tpu.memory_space<semaphore_mem>>) src(%dma_wait3A_216 : memref<10240x128xf32, #tpu.memory_space<hbm>>) dst(%arg8 : memref<64x128xf32, #tpu.memory_space<vmem>>)
      %dma_start3A_217 = arith.constant 0 : i32
      %dma_start3A_218 = tpu.memref_slice %arg7[%add3A_210, %dma_start3A_217] : memref<40x64xi32, #tpu.memory_space<vmem>> -> memref<1x64xi32, #tpu.memory_space<vmem>>
      %dma_start3A_219 = tpu.memref_squeeze %dma_start3A_218 : memref<1x64xi32, #tpu.memory_space<vmem>> -> memref<64xi32, #tpu.memory_space<vmem>>
      %dma_start3A_220 = arith.constant 0 : i32
      %dma_start3A_221 = arith.constant 0 : i32
      %dma_start3A_222 = tpu.memref_slice %arg12[%dma_start3A_220, %dma_start3A_221] : memref<10240x128xf32, #tpu.memory_space<vmem_shared>> -> memref<10240x128xf32, #tpu.memory_space<vmem_shared>>
      tpu.enqueue_indirect_dma source(%arg8 : memref<64x128xf32, #tpu.memory_space<vmem>>) target(%dma_start3A_222 : memref<10240x128xf32, #tpu.memory_space<vmem_shared>>) offsets(%dma_start3A_219 : memref<64xi32, #tpu.memory_space<vmem>>) semaphore(%arg17 : memref<!tpu.dma_semaphore, #tpu.memory_space<semaphore_mem>>) {add = true}
      %add3A_223 = arith.constant 2 : i32
      %add3A_224 = arith.addi %add3A_210, %add3A_223 : i32
      %lt3A = arith.constant 40 : i32
      %lt3A_225 = arith.cmpi slt, %add3A_224, %lt3A : i32
      %convert_element_type3A_226 = arith.extui %lt3A_225 : i1 to i32
      %cond3A_227 = arith.constant 0 : i32
      %cond3A_228 = arith.cmpi ne, %convert_element_type3A_226, %cond3A_227 : i32
      scf.if %cond3A_228 {
        %ge3A = arith.constant 2 : i32
        %ge3A_299 = arith.cmpi sge, %add3A_210, %ge3A : i32
        %convert_element_type3A_300 = arith.extui %ge3A_299 : i1 to i32
        %cond3A_301 = arith.constant 0 : i32
        %cond3A_302 = arith.cmpi ne, %convert_element_type3A_300, %cond3A_301 : i32
        scf.if %cond3A_302 {
          %dma_wait3A_311 = arith.constant 0 : i32
          %dma_wait3A_312 = tpu.memref_slice %arg7[%add3A_210, %dma_wait3A_311] : memref<40x64xi32, #tpu.memory_space<vmem>> -> memref<1x64xi32, #tpu.memory_space<vmem>>
          %dma_wait3A_313 = tpu.memref_squeeze %dma_wait3A_312 : memref<1x64xi32, #tpu.memory_space<vmem>> -> memref<64xi32, #tpu.memory_space<vmem>>
          %dma_wait3A_314 = arith.constant 0 : i32
          %dma_wait3A_315 = arith.constant 0 : i32
          %dma_wait3A_316 = tpu.memref_slice %arg12[%dma_wait3A_314, %dma_wait3A_315] : memref<10240x128xf32, #tpu.memory_space<vmem_shared>> -> memref<10240x128xf32, #tpu.memory_space<vmem_shared>>
          tpu.wait_indirect_dma semaphore(%arg19 : memref<!tpu.dma_semaphore, #tpu.memory_space<semaphore_mem>>) src(%arg10 : memref<64x128xf32, #tpu.memory_space<vmem>>) dst(%dma_wait3A_316 : memref<10240x128xf32, #tpu.memory_space<vmem_shared>>)
        } else {
        }
        %add3A_303 = arith.constant 2 : i32
        %add3A_304 = arith.addi %add3A_210, %add3A_303 : i32
        %dma_start3A_305 = arith.constant 0 : i32
        %dma_start3A_306 = tpu.memref_slice %arg6[%add3A_304, %dma_start3A_305] : memref<40x64xi32, #tpu.memory_space<vmem>> -> memref<1x64xi32, #tpu.memory_space<vmem>>
        %dma_start3A_307 = tpu.memref_squeeze %dma_start3A_306 : memref<1x64xi32, #tpu.memory_space<vmem>> -> memref<64xi32, #tpu.memory_space<vmem>>
        %dma_start3A_308 = arith.constant 0 : i32
        %dma_start3A_309 = arith.constant 0 : i32
        %dma_start3A_310 = tpu.memref_slice %arg2[%dma_start3A_308, %dma_start3A_309] : memref<10240x128xf32, #tpu.memory_space<hbm>> -> memref<10240x128xf32, #tpu.memory_space<hbm>>
        tpu.enqueue_indirect_dma source(%dma_start3A_310 : memref<10240x128xf32, #tpu.memory_space<hbm>>) target(%arg10 : memref<64x128xf32, #tpu.memory_space<vmem>>) offsets(%dma_start3A_307 : memref<64xi32, #tpu.memory_space<vmem>>) semaphore(%arg15 : memref<!tpu.dma_semaphore, #tpu.memory_space<semaphore_mem>>)
      } else {
      }
      %mul3A_229 = arith.constant 4 : i32
      %mul3A_230 = arith.muli %mul3A_229, %scan3A_205 : i32
      %add3A_231 = arith.constant 1 : i32
      %add3A_232 = arith.addi %mul3A_230, %add3A_231 : i32
      %dma_wait3A_233 = arith.constant 0 : i32
      %dma_wait3A_234 = tpu.memref_slice %arg6[%add3A_232, %dma_wait3A_233] : memref<40x64xi32, #tpu.memory_space<vmem>> -> memref<1x64xi32, #tpu.memory_space<vmem>>
      %dma_wait3A_235 = tpu.memref_squeeze %dma_wait3A_234 : memref<1x64xi32, #tpu.memory_space<vmem>> -> memref<64xi32, #tpu.memory_space<vmem>>
      %dma_wait3A_236 = arith.constant 0 : i32
      %dma_wait3A_237 = arith.constant 0 : i32
      %dma_wait3A_238 = tpu.memref_slice %arg2[%dma_wait3A_236, %dma_wait3A_237] : memref<10240x128xf32, #tpu.memory_space<hbm>> -> memref<10240x128xf32, #tpu.memory_space<hbm>>
      tpu.wait_indirect_dma semaphore(%arg14 : memref<!tpu.dma_semaphore, #tpu.memory_space<semaphore_mem>>) src(%dma_wait3A_238 : memref<10240x128xf32, #tpu.memory_space<hbm>>) dst(%arg9 : memref<64x128xf32, #tpu.memory_space<vmem>>)
      %dma_start3A_239 = arith.constant 0 : i32
      %dma_start3A_240 = tpu.memref_slice %arg7[%add3A_232, %dma_start3A_239] : memref<40x64xi32, #tpu.memory_space<vmem>> -> memref<1x64xi32, #tpu.memory_space<vmem>>
      %dma_start3A_241 = tpu.memref_squeeze %dma_start3A_240 : memref<1x64xi32, #tpu.memory_space<vmem>> -> memref<64xi32, #tpu.memory_space<vmem>>
      %dma_start3A_242 = arith.constant 0 : i32
      %dma_start3A_243 = arith.constant 0 : i32
      %dma_start3A_244 = tpu.memref_slice %arg12[%dma_start3A_242, %dma_start3A_243] : memref<10240x128xf32, #tpu.memory_space<vmem_shared>> -> memref<10240x128xf32, #tpu.memory_space<vmem_shared>>
      tpu.enqueue_indirect_dma source(%arg9 : memref<64x128xf32, #tpu.memory_space<vmem>>) target(%dma_start3A_244 : memref<10240x128xf32, #tpu.memory_space<vmem_shared>>) offsets(%dma_start3A_241 : memref<64xi32, #tpu.memory_space<vmem>>) semaphore(%arg18 : memref<!tpu.dma_semaphore, #tpu.memory_space<semaphore_mem>>) {add = true}
      %add3A_245 = arith.constant 2 : i32
      %add3A_246 = arith.addi %add3A_232, %add3A_245 : i32
      %lt3A_247 = arith.constant 40 : i32
      %lt3A_248 = arith.cmpi slt, %add3A_246, %lt3A_247 : i32
      %convert_element_type3A_249 = arith.extui %lt3A_248 : i1 to i32
      %cond3A_250 = arith.constant 0 : i32
      %cond3A_251 = arith.cmpi ne, %convert_element_type3A_249, %cond3A_250 : i32
      scf.if %cond3A_251 {
        %ge3A = arith.constant 2 : i32
        %ge3A_299 = arith.cmpi sge, %add3A_232, %ge3A : i32
        %convert_element_type3A_300 = arith.extui %ge3A_299 : i1 to i32
        %cond3A_301 = arith.constant 0 : i32
        %cond3A_302 = arith.cmpi ne, %convert_element_type3A_300, %cond3A_301 : i32
        scf.if %cond3A_302 {
          %dma_wait3A_311 = arith.constant 0 : i32
          %dma_wait3A_312 = tpu.memref_slice %arg7[%add3A_232, %dma_wait3A_311] : memref<40x64xi32, #tpu.memory_space<vmem>> -> memref<1x64xi32, #tpu.memory_space<vmem>>
          %dma_wait3A_313 = tpu.memref_squeeze %dma_wait3A_312 : memref<1x64xi32, #tpu.memory_space<vmem>> -> memref<64xi32, #tpu.memory_space<vmem>>
          %dma_wait3A_314 = arith.constant 0 : i32
          %dma_wait3A_315 = arith.constant 0 : i32
          %dma_wait3A_316 = tpu.memref_slice %arg12[%dma_wait3A_314, %dma_wait3A_315] : memref<10240x128xf32, #tpu.memory_space<vmem_shared>> -> memref<10240x128xf32, #tpu.memory_space<vmem_shared>>
          tpu.wait_indirect_dma semaphore(%arg20 : memref<!tpu.dma_semaphore, #tpu.memory_space<semaphore_mem>>) src(%arg11 : memref<64x128xf32, #tpu.memory_space<vmem>>) dst(%dma_wait3A_316 : memref<10240x128xf32, #tpu.memory_space<vmem_shared>>)
        } else {
        }
        %add3A_303 = arith.constant 2 : i32
        %add3A_304 = arith.addi %add3A_232, %add3A_303 : i32
        %dma_start3A_305 = arith.constant 0 : i32
        %dma_start3A_306 = tpu.memref_slice %arg6[%add3A_304, %dma_start3A_305] : memref<40x64xi32, #tpu.memory_space<vmem>> -> memref<1x64xi32, #tpu.memory_space<vmem>>
        %dma_start3A_307 = tpu.memref_squeeze %dma_start3A_306 : memref<1x64xi32, #tpu.memory_space<vmem>> -> memref<64xi32, #tpu.memory_space<vmem>>
        %dma_start3A_308 = arith.constant 0 : i32
        %dma_start3A_309 = arith.constant 0 : i32
        %dma_start3A_310 = tpu.memref_slice %arg2[%dma_start3A_308, %dma_start3A_309] : memref<10240x128xf32, #tpu.memory_space<hbm>> -> memref<10240x128xf32, #tpu.memory_space<hbm>>
        tpu.enqueue_indirect_dma source(%dma_start3A_310 : memref<10240x128xf32, #tpu.memory_space<hbm>>) target(%arg11 : memref<64x128xf32, #tpu.memory_space<vmem>>) offsets(%dma_start3A_307 : memref<64xi32, #tpu.memory_space<vmem>>) semaphore(%arg16 : memref<!tpu.dma_semaphore, #tpu.memory_space<semaphore_mem>>)
      } else {
      }
      %mul3A_252 = arith.constant 4 : i32
      %mul3A_253 = arith.muli %mul3A_252, %scan3A_205 : i32
      %add3A_254 = arith.constant 2 : i32
      %add3A_255 = arith.addi %mul3A_253, %add3A_254 : i32
      %dma_wait3A_256 = arith.constant 0 : i32
      %dma_wait3A_257 = tpu.memref_slice %arg6[%add3A_255, %dma_wait3A_256] : memref<40x64xi32, #tpu.memory_space<vmem>> -> memref<1x64xi32, #tpu.memory_space<vmem>>
      %dma_wait3A_258 = tpu.memref_squeeze %dma_wait3A_257 : memref<1x64xi32, #tpu.memory_space<vmem>> -> memref<64xi32, #tpu.memory_space<vmem>>
      %dma_wait3A_259 = arith.constant 0 : i32
      %dma_wait3A_260 = arith.constant 0 : i32
      %dma_wait3A_261 = tpu.memref_slice %arg2[%dma_wait3A_259, %dma_wait3A_260] : memref<10240x128xf32, #tpu.memory_space<hbm>> -> memref<10240x128xf32, #tpu.memory_space<hbm>>
      tpu.wait_indirect_dma semaphore(%arg15 : memref<!tpu.dma_semaphore, #tpu.memory_space<semaphore_mem>>) src(%dma_wait3A_261 : memref<10240x128xf32, #tpu.memory_space<hbm>>) dst(%arg10 : memref<64x128xf32, #tpu.memory_space<vmem>>)
      %dma_start3A_262 = arith.constant 0 : i32
      %dma_start3A_263 = tpu.memref_slice %arg7[%add3A_255, %dma_start3A_262] : memref<40x64xi32, #tpu.memory_space<vmem>> -> memref<1x64xi32, #tpu.memory_space<vmem>>
      %dma_start3A_264 = tpu.memref_squeeze %dma_start3A_263 : memref<1x64xi32, #tpu.memory_space<vmem>> -> memref<64xi32, #tpu.memory_space<vmem>>
      %dma_start3A_265 = arith.constant 0 : i32
      %dma_start3A_266 = arith.constant 0 : i32
      %dma_start3A_267 = tpu.memref_slice %arg12[%dma_start3A_265, %dma_start3A_266] : memref<10240x128xf32, #tpu.memory_space<vmem_shared>> -> memref<10240x128xf32, #tpu.memory_space<vmem_shared>>
      tpu.enqueue_indirect_dma source(%arg10 : memref<64x128xf32, #tpu.memory_space<vmem>>) target(%dma_start3A_267 : memref<10240x128xf32, #tpu.memory_space<vmem_shared>>) offsets(%dma_start3A_264 : memref<64xi32, #tpu.memory_space<vmem>>) semaphore(%arg19 : memref<!tpu.dma_semaphore, #tpu.memory_space<semaphore_mem>>) {add = true}
      %add3A_268 = arith.constant 2 : i32
      %add3A_269 = arith.addi %add3A_255, %add3A_268 : i32
      %lt3A_270 = arith.constant 40 : i32
      %lt3A_271 = arith.cmpi slt, %add3A_269, %lt3A_270 : i32
      %convert_element_type3A_272 = arith.extui %lt3A_271 : i1 to i32
      %cond3A_273 = arith.constant 0 : i32
      %cond3A_274 = arith.cmpi ne, %convert_element_type3A_272, %cond3A_273 : i32
      scf.if %cond3A_274 {
        %ge3A = arith.constant 2 : i32
        %ge3A_299 = arith.cmpi sge, %add3A_255, %ge3A : i32
        %convert_element_type3A_300 = arith.extui %ge3A_299 : i1 to i32
        %cond3A_301 = arith.constant 0 : i32
        %cond3A_302 = arith.cmpi ne, %convert_element_type3A_300, %cond3A_301 : i32
        scf.if %cond3A_302 {
          %dma_wait3A_311 = arith.constant 0 : i32
          %dma_wait3A_312 = tpu.memref_slice %arg7[%add3A_255, %dma_wait3A_311] : memref<40x64xi32, #tpu.memory_space<vmem>> -> memref<1x64xi32, #tpu.memory_space<vmem>>
          %dma_wait3A_313 = tpu.memref_squeeze %dma_wait3A_312 : memref<1x64xi32, #tpu.memory_space<vmem>> -> memref<64xi32, #tpu.memory_space<vmem>>
          %dma_wait3A_314 = arith.constant 0 : i32
          %dma_wait3A_315 = arith.constant 0 : i32
          %dma_wait3A_316 = tpu.memref_slice %arg12[%dma_wait3A_314, %dma_wait3A_315] : memref<10240x128xf32, #tpu.memory_space<vmem_shared>> -> memref<10240x128xf32, #tpu.memory_space<vmem_shared>>
          tpu.wait_indirect_dma semaphore(%arg17 : memref<!tpu.dma_semaphore, #tpu.memory_space<semaphore_mem>>) src(%arg8 : memref<64x128xf32, #tpu.memory_space<vmem>>) dst(%dma_wait3A_316 : memref<10240x128xf32, #tpu.memory_space<vmem_shared>>)
        } else {
        }
        %add3A_303 = arith.constant 2 : i32
        %add3A_304 = arith.addi %add3A_255, %add3A_303 : i32
        %dma_start3A_305 = arith.constant 0 : i32
        %dma_start3A_306 = tpu.memref_slice %arg6[%add3A_304, %dma_start3A_305] : memref<40x64xi32, #tpu.memory_space<vmem>> -> memref<1x64xi32, #tpu.memory_space<vmem>>
        %dma_start3A_307 = tpu.memref_squeeze %dma_start3A_306 : memref<1x64xi32, #tpu.memory_space<vmem>> -> memref<64xi32, #tpu.memory_space<vmem>>
        %dma_start3A_308 = arith.constant 0 : i32
        %dma_start3A_309 = arith.constant 0 : i32
        %dma_start3A_310 = tpu.memref_slice %arg2[%dma_start3A_308, %dma_start3A_309] : memref<10240x128xf32, #tpu.memory_space<hbm>> -> memref<10240x128xf32, #tpu.memory_space<hbm>>
        tpu.enqueue_indirect_dma source(%dma_start3A_310 : memref<10240x128xf32, #tpu.memory_space<hbm>>) target(%arg8 : memref<64x128xf32, #tpu.memory_space<vmem>>) offsets(%dma_start3A_307 : memref<64xi32, #tpu.memory_space<vmem>>) semaphore(%arg13 : memref<!tpu.dma_semaphore, #tpu.memory_space<semaphore_mem>>)
      } else {
      }
      %mul3A_275 = arith.constant 4 : i32
      %mul3A_276 = arith.muli %mul3A_275, %scan3A_205 : i32
      %add3A_277 = arith.constant 3 : i32
      %add3A_278 = arith.addi %mul3A_276, %add3A_277 : i32
      %dma_wait3A_279 = arith.constant 0 : i32
      %dma_wait3A_280 = tpu.memref_slice %arg6[%add3A_278, %dma_wait3A_279] : memref<40x64xi32, #tpu.memory_space<vmem>> -> memref<1x64xi32, #tpu.memory_space<vmem>>
      %dma_wait3A_281 = tpu.memref_squeeze %dma_wait3A_280 : memref<1x64xi32, #tpu.memory_space<vmem>> -> memref<64xi32, #tpu.memory_space<vmem>>
      %dma_wait3A_282 = arith.constant 0 : i32
      %dma_wait3A_283 = arith.constant 0 : i32
      %dma_wait3A_284 = tpu.memref_slice %arg2[%dma_wait3A_282, %dma_wait3A_283] : memref<10240x128xf32, #tpu.memory_space<hbm>> -> memref<10240x128xf32, #tpu.memory_space<hbm>>
      tpu.wait_indirect_dma semaphore(%arg16 : memref<!tpu.dma_semaphore, #tpu.memory_space<semaphore_mem>>) src(%dma_wait3A_284 : memref<10240x128xf32, #tpu.memory_space<hbm>>) dst(%arg11 : memref<64x128xf32, #tpu.memory_space<vmem>>)
      %dma_start3A_285 = arith.constant 0 : i32
      %dma_start3A_286 = tpu.memref_slice %arg7[%add3A_278, %dma_start3A_285] : memref<40x64xi32, #tpu.memory_space<vmem>> -> memref<1x64xi32, #tpu.memory_space<vmem>>
      %dma_start3A_287 = tpu.memref_squeeze %dma_start3A_286 : memref<1x64xi32, #tpu.memory_space<vmem>> -> memref<64xi32, #tpu.memory_space<vmem>>
      %dma_start3A_288 = arith.constant 0 : i32
      %dma_start3A_289 = arith.constant 0 : i32
      %dma_start3A_290 = tpu.memref_slice %arg12[%dma_start3A_288, %dma_start3A_289] : memref<10240x128xf32, #tpu.memory_space<vmem_shared>> -> memref<10240x128xf32, #tpu.memory_space<vmem_shared>>
      tpu.enqueue_indirect_dma source(%arg11 : memref<64x128xf32, #tpu.memory_space<vmem>>) target(%dma_start3A_290 : memref<10240x128xf32, #tpu.memory_space<vmem_shared>>) offsets(%dma_start3A_287 : memref<64xi32, #tpu.memory_space<vmem>>) semaphore(%arg20 : memref<!tpu.dma_semaphore, #tpu.memory_space<semaphore_mem>>) {add = true}
      %add3A_291 = arith.constant 2 : i32
      %add3A_292 = arith.addi %add3A_278, %add3A_291 : i32
      %lt3A_293 = arith.constant 40 : i32
      %lt3A_294 = arith.cmpi slt, %add3A_292, %lt3A_293 : i32
      %convert_element_type3A_295 = arith.extui %lt3A_294 : i1 to i32
      %cond3A_296 = arith.constant 0 : i32
      %cond3A_297 = arith.cmpi ne, %convert_element_type3A_295, %cond3A_296 : i32
      scf.if %cond3A_297 {
        %ge3A = arith.constant 2 : i32
        %ge3A_299 = arith.cmpi sge, %add3A_278, %ge3A : i32
        %convert_element_type3A_300 = arith.extui %ge3A_299 : i1 to i32
        %cond3A_301 = arith.constant 0 : i32
        %cond3A_302 = arith.cmpi ne, %convert_element_type3A_300, %cond3A_301 : i32
        scf.if %cond3A_302 {
          %dma_wait3A_311 = arith.constant 0 : i32
          %dma_wait3A_312 = tpu.memref_slice %arg7[%add3A_278, %dma_wait3A_311] : memref<40x64xi32, #tpu.memory_space<vmem>> -> memref<1x64xi32, #tpu.memory_space<vmem>>
          %dma_wait3A_313 = tpu.memref_squeeze %dma_wait3A_312 : memref<1x64xi32, #tpu.memory_space<vmem>> -> memref<64xi32, #tpu.memory_space<vmem>>
          %dma_wait3A_314 = arith.constant 0 : i32
          %dma_wait3A_315 = arith.constant 0 : i32
          %dma_wait3A_316 = tpu.memref_slice %arg12[%dma_wait3A_314, %dma_wait3A_315] : memref<10240x128xf32, #tpu.memory_space<vmem_shared>> -> memref<10240x128xf32, #tpu.memory_space<vmem_shared>>
          tpu.wait_indirect_dma semaphore(%arg18 : memref<!tpu.dma_semaphore, #tpu.memory_space<semaphore_mem>>) src(%arg9 : memref<64x128xf32, #tpu.memory_space<vmem>>) dst(%dma_wait3A_316 : memref<10240x128xf32, #tpu.memory_space<vmem_shared>>)
        } else {
        }
        %add3A_303 = arith.constant 2 : i32
        %add3A_304 = arith.addi %add3A_278, %add3A_303 : i32
        %dma_start3A_305 = arith.constant 0 : i32
        %dma_start3A_306 = tpu.memref_slice %arg6[%add3A_304, %dma_start3A_305] : memref<40x64xi32, #tpu.memory_space<vmem>> -> memref<1x64xi32, #tpu.memory_space<vmem>>
        %dma_start3A_307 = tpu.memref_squeeze %dma_start3A_306 : memref<1x64xi32, #tpu.memory_space<vmem>> -> memref<64xi32, #tpu.memory_space<vmem>>
        %dma_start3A_308 = arith.constant 0 : i32
        %dma_start3A_309 = arith.constant 0 : i32
        %dma_start3A_310 = tpu.memref_slice %arg2[%dma_start3A_308, %dma_start3A_309] : memref<10240x128xf32, #tpu.memory_space<hbm>> -> memref<10240x128xf32, #tpu.memory_space<hbm>>
        tpu.enqueue_indirect_dma source(%dma_start3A_310 : memref<10240x128xf32, #tpu.memory_space<hbm>>) target(%arg9 : memref<64x128xf32, #tpu.memory_space<vmem>>) offsets(%dma_start3A_307 : memref<64xi32, #tpu.memory_space<vmem>>) semaphore(%arg14 : memref<!tpu.dma_semaphore, #tpu.memory_space<semaphore_mem>>)
      } else {
      }
      %scan3A_298 = arith.constant 0 : i32
      scf.yield %scan3A_298 : i32
    }
    %scan3A_171 = arith.constant 10 : i32
    %dma_wait3A_172 = arith.constant 39 : i32
    %dma_wait3A_173 = arith.constant 0 : i32
    %dma_wait3A_174 = tpu.memref_slice %arg7[%dma_wait3A_172, %dma_wait3A_173] : memref<40x64xi32, #tpu.memory_space<vmem>> -> memref<1x64xi32, #tpu.memory_space<vmem>>
    %dma_wait3A_175 = tpu.memref_squeeze %dma_wait3A_174 : memref<1x64xi32, #tpu.memory_space<vmem>> -> memref<64xi32, #tpu.memory_space<vmem>>
    %dma_wait3A_176 = arith.constant 0 : i32
    %dma_wait3A_177 = arith.constant 0 : i32
    %dma_wait3A_178 = tpu.memref_slice %arg12[%dma_wait3A_176, %dma_wait3A_177] : memref<10240x128xf32, #tpu.memory_space<vmem_shared>> -> memref<10240x128xf32, #tpu.memory_space<vmem_shared>>
    tpu.wait_indirect_dma semaphore(%arg17 : memref<!tpu.dma_semaphore, #tpu.memory_space<semaphore_mem>>) src(%arg8 : memref<64x128xf32, #tpu.memory_space<vmem>>) dst(%dma_wait3A_178 : memref<10240x128xf32, #tpu.memory_space<vmem_shared>>)
    %dma_wait3A_179 = arith.constant 39 : i32
    %dma_wait3A_180 = arith.constant 0 : i32
    %dma_wait3A_181 = tpu.memref_slice %arg7[%dma_wait3A_179, %dma_wait3A_180] : memref<40x64xi32, #tpu.memory_space<vmem>> -> memref<1x64xi32, #tpu.memory_space<vmem>>
    %dma_wait3A_182 = tpu.memref_squeeze %dma_wait3A_181 : memref<1x64xi32, #tpu.memory_space<vmem>> -> memref<64xi32, #tpu.memory_space<vmem>>
    %dma_wait3A_183 = arith.constant 0 : i32
    %dma_wait3A_184 = arith.constant 0 : i32
    %dma_wait3A_185 = tpu.memref_slice %arg12[%dma_wait3A_183, %dma_wait3A_184] : memref<10240x128xf32, #tpu.memory_space<vmem_shared>> -> memref<10240x128xf32, #tpu.memory_space<vmem_shared>>
    tpu.wait_indirect_dma semaphore(%arg18 : memref<!tpu.dma_semaphore, #tpu.memory_space<semaphore_mem>>) src(%arg9 : memref<64x128xf32, #tpu.memory_space<vmem>>) dst(%dma_wait3A_185 : memref<10240x128xf32, #tpu.memory_space<vmem_shared>>)
    %dma_wait3A_186 = arith.constant 39 : i32
    %dma_wait3A_187 = arith.constant 0 : i32
    %dma_wait3A_188 = tpu.memref_slice %arg7[%dma_wait3A_186, %dma_wait3A_187] : memref<40x64xi32, #tpu.memory_space<vmem>> -> memref<1x64xi32, #tpu.memory_space<vmem>>
    %dma_wait3A_189 = tpu.memref_squeeze %dma_wait3A_188 : memref<1x64xi32, #tpu.memory_space<vmem>> -> memref<64xi32, #tpu.memory_space<vmem>>
    %dma_wait3A_190 = arith.constant 0 : i32
    %dma_wait3A_191 = arith.constant 0 : i32
    %dma_wait3A_192 = tpu.memref_slice %arg12[%dma_wait3A_190, %dma_wait3A_191] : memref<10240x128xf32, #tpu.memory_space<vmem_shared>> -> memref<10240x128xf32, #tpu.memory_space<vmem_shared>>
    tpu.wait_indirect_dma semaphore(%arg19 : memref<!tpu.dma_semaphore, #tpu.memory_space<semaphore_mem>>) src(%arg10 : memref<64x128xf32, #tpu.memory_space<vmem>>) dst(%dma_wait3A_192 : memref<10240x128xf32, #tpu.memory_space<vmem_shared>>)
    %dma_wait3A_193 = arith.constant 39 : i32
    %dma_wait3A_194 = arith.constant 0 : i32
    %dma_wait3A_195 = tpu.memref_slice %arg7[%dma_wait3A_193, %dma_wait3A_194] : memref<40x64xi32, #tpu.memory_space<vmem>> -> memref<1x64xi32, #tpu.memory_space<vmem>>
    %dma_wait3A_196 = tpu.memref_squeeze %dma_wait3A_195 : memref<1x64xi32, #tpu.memory_space<vmem>> -> memref<64xi32, #tpu.memory_space<vmem>>
    %dma_wait3A_197 = arith.constant 0 : i32
    %dma_wait3A_198 = arith.constant 0 : i32
    %dma_wait3A_199 = tpu.memref_slice %arg12[%dma_wait3A_197, %dma_wait3A_198] : memref<10240x128xf32, #tpu.memory_space<vmem_shared>> -> memref<10240x128xf32, #tpu.memory_space<vmem_shared>>
    tpu.wait_indirect_dma semaphore(%arg20 : memref<!tpu.dma_semaphore, #tpu.memory_space<semaphore_mem>>) src(%arg11 : memref<64x128xf32, #tpu.memory_space<vmem>>) dst(%dma_wait3A_199 : memref<10240x128xf32, #tpu.memory_space<vmem_shared>>)
    %barrier3A_200 = arith.constant 0 : index
    tpu.barrier barrier_id(%barrier3A_200)
    %mul3A_201 = arith.constant 640 : i32
    %mul3A_202 = arith.muli %arg1, %mul3A_201 : i32
    %mul3A_203 = arith.constant 640 : i32
    %mul3A_204 = arith.muli %arg1, %mul3A_203 : i32
    "tpu.region"() ({
      %run_scoped3A = tpu.sem_alloc : memref<!tpu.dma_semaphore, #tpu.memory_space<semaphore_mem>>
      %dma_start3A_205 = arith.constant 0 : i32
      %dma_start3A_206 = tpu.memref_slice %arg5[%arg0, %mul3A_204, %dma_start3A_205] : memref<2x10240x128xf32, #tpu.memory_space<hbm>> -> memref<1x640x128xf32, #tpu.memory_space<hbm>>
      %dma_start3A_207 = tpu.memref_squeeze %dma_start3A_206 : memref<1x640x128xf32, #tpu.memory_space<hbm>> -> memref<640x128xf32, #tpu.memory_space<hbm>>
      %dma_start3A_208 = arith.constant 0 : i32
      %dma_start3A_209 = tpu.memref_slice %arg12[%mul3A_202, %dma_start3A_208] : memref<10240x128xf32, #tpu.memory_space<vmem_shared>> -> memref<640x128xf32, #tpu.memory_space<vmem_shared>>
      tpu.enqueue_dma source(%dma_start3A_209 : memref<640x128xf32, #tpu.memory_space<vmem_shared>>) target(%dma_start3A_207 : memref<640x128xf32, #tpu.memory_space<hbm>>) target_semaphore(%run_scoped3A : memref<!tpu.dma_semaphore, #tpu.memory_space<semaphore_mem>>)
      %dma_wait3A_210 = arith.constant 0 : i32
      %dma_wait3A_211 = tpu.memref_slice %arg5[%arg0, %mul3A_204, %dma_wait3A_210] : memref<2x10240x128xf32, #tpu.memory_space<hbm>> -> memref<1x640x128xf32, #tpu.memory_space<hbm>>
      %dma_wait3A_212 = tpu.memref_squeeze %dma_wait3A_211 : memref<1x640x128xf32, #tpu.memory_space<hbm>> -> memref<640x128xf32, #tpu.memory_space<hbm>>
      %dma_wait3A_213 = arith.constant 0 : i32
      %dma_wait3A_214 = tpu.memref_slice %arg12[%mul3A_202, %dma_wait3A_213] : memref<10240x128xf32, #tpu.memory_space<vmem_shared>> -> memref<640x128xf32, #tpu.memory_space<vmem_shared>>
      tpu.wait_dma2 semaphore(%run_scoped3A : memref<!tpu.dma_semaphore, #tpu.memory_space<semaphore_mem>>) src(%dma_wait3A_214 : memref<640x128xf32, #tpu.memory_space<vmem_shared>>) dst(%dma_wait3A_212 : memref<640x128xf32, #tpu.memory_space<hbm>>)
      tpu.yield
    }) : () -> ()
    return
  }
}

module attributes {stable_mosaic.version = 14 : i64} {
  func.func @_scale0_body(%arg0: i32, %arg1: memref<2x512x1xf32, #tpu.memory_space<vmem>>, %arg2: memref<512x128xf32, #tpu.memory_space<vmem>>, %arg3: memref<512x128xf32, #tpu.memory_space<vmem>>, %arg4: memref<512x1xf32, #tpu.memory_space<vmem>>) attributes {dimension_semantics = [#tpu.dimension_semantics<arbitrary>], iteration_bounds = array<i64: 20>, scalar_prefetch = 0 : i64, scratch_operands = 0 : i64, tpu.core_type = #tpu.core_type<tc>, window_params = [{transform_indices = @transform_0, window_bounds = array<i64: 2, 512, 1>}, {transform_indices = @transform_1, window_bounds = array<i64: 512, 128>}, {transform_indices = @transform_2, window_bounds = array<i64: 512, 128>}, {transform_indices = @transform_3, window_bounds = array<i64: 512, 1>}]} {
    %get3A = arith.constant 0 : index
    %get3A_0 = arith.constant 0 : index
    %get3A_1 = arith.constant 0 : index
    %get3A_2 = vector.load %arg1[%get3A, %get3A_0, %get3A_1] : memref<2x512x1xf32, #tpu.memory_space<vmem>>, vector<1x512x1xf32>
    %get3A_3 = vector.shape_cast %get3A_2 : vector<1x512x1xf32> to vector<512x1xf32>
    %get3A_4 = arith.constant 1 : index
    %get3A_5 = arith.constant 0 : index
    %get3A_6 = arith.constant 0 : index
    %get3A_7 = vector.load %arg1[%get3A_4, %get3A_5, %get3A_6] : memref<2x512x1xf32, #tpu.memory_space<vmem>>, vector<1x512x1xf32>
    %get3A_8 = vector.shape_cast %get3A_7 : vector<1x512x1xf32> to vector<512x1xf32>
    %add3A = arith.addf %get3A_3, %get3A_8 : vector<512x1xf32>
    %add3A_9 = arith.constant 1.000000e+00 : f32
    %add3A_10 = vector.broadcast %add3A_9 : f32 to vector<512x1xf32>
    %add3A_11 = arith.addf %add3A, %add3A_10 : vector<512x1xf32>
    %mul3A = arith.constant 512 : i32
    %mul3A_12 = arith.muli %arg0, %mul3A : i32
    %iota3A = tpu.iota {dimensions = array<i32: 0>} : vector<512x1xi32>
    %add3A_13 = vector.broadcast %mul3A_12 : i32 to vector<512x1xi32>
    %add3A_14 = arith.addi %add3A_13, %iota3A : vector<512x1xi32>
    %lt3A = arith.constant 10000 : i32
    %lt3A_15 = vector.broadcast %lt3A : i32 to vector<512x1xi32>
    %lt3A_16 = arith.cmpi slt, %add3A_14, %lt3A_15 : vector<512x1xi32>
    %rsqrt3A = math.rsqrt %add3A_11 : vector<512x1xf32>
    %jit3A = arith.constant 0.000000e+00 : f32
    %broadcast_in_dim3A = vector.broadcast %jit3A : f32 to vector<512x1xf32>
    %select_n3A = arith.select %lt3A_16, %rsqrt3A, %broadcast_in_dim3A : vector<512x1xi1>, vector<512x1xf32>
    %swap3A = arith.constant 0 : index
    %swap3A_17 = arith.constant 0 : index
    %swap3A_18 = vector.load %arg4[%swap3A, %swap3A_17] : memref<512x1xf32, #tpu.memory_space<vmem>>, vector<512x1xf32>
    tpu.vector_store %arg4[%swap3A, %swap3A_17], %select_n3A {strides = array<i32>} : memref<512x1xf32, #tpu.memory_space<vmem>>, vector<512x1xf32>,
    %get3A_19 = arith.constant 0 : index
    %get3A_20 = arith.constant 0 : index
    %get3A_21 = vector.load %arg2[%get3A_19, %get3A_20] : memref<512x128xf32, #tpu.memory_space<vmem>>, vector<512x128xf32>
    %mul3A_22 = vector.broadcast %select_n3A : vector<512x1xf32> to vector<512x128xf32>
    %mul3A_23 = arith.mulf %get3A_21, %mul3A_22 : vector<512x128xf32>
    %swap3A_24 = arith.constant 0 : index
    %swap3A_25 = arith.constant 0 : index
    %swap3A_26 = vector.load %arg3[%swap3A_24, %swap3A_25] : memref<512x128xf32, #tpu.memory_space<vmem>>, vector<512x128xf32>
    tpu.vector_store %arg3[%swap3A_24, %swap3A_25], %mul3A_23 {strides = array<i32>} : memref<512x128xf32, #tpu.memory_space<vmem>>, vector<512x128xf32>,
    return
  }
  func.func @transform_0(%arg0: i32) -> (i32, i32, i32) {
    %c0_i32 = arith.constant 0 : i32
    %c0_i32_0 = arith.constant 0 : i32
    %c0_i32_1 = arith.constant 0 : i32
    return %c0_i32, %arg0, %c0_i32_0 : i32, i32, i32
  }
  func.func @transform_1(%arg0: i32) -> (i32, i32) {
    %c0_i32 = arith.constant 0 : i32
    %c0_i32_0 = arith.constant 0 : i32
    return %arg0, %c0_i32 : i32, i32
  }
  func.func @transform_2(%arg0: i32) -> (i32, i32) {
    %c0_i32 = arith.constant 0 : i32
    %c0_i32_0 = arith.constant 0 : i32
    return %arg0, %c0_i32 : i32, i32
  }
  func.func @transform_3(%arg0: i32) -> (i32, i32) {
    %c0_i32 = arith.constant 0 : i32
    %c0_i32_0 = arith.constant 0 : i32
    return %arg0, %c0_i32 : i32, i32
  }
}

module attributes {stable_mosaic.version = 14 : i64} {
  func.func @_scale1_body(%arg0: i32, %arg1: memref<2x512x128xf32, #tpu.memory_space<vmem>>, %arg2: memref<512x1xf32, #tpu.memory_space<vmem>>, %arg3: memref<512x128xf32, #tpu.memory_space<vmem>>) attributes {dimension_semantics = [#tpu.dimension_semantics<arbitrary>], iteration_bounds = array<i64: 20>, scalar_prefetch = 0 : i64, scratch_operands = 0 : i64, tpu.core_type = #tpu.core_type<tc>, window_params = [{transform_indices = @transform_0, window_bounds = array<i64: 2, 512, 128>}, {transform_indices = @transform_1, window_bounds = array<i64: 512, 1>}, {transform_indices = @transform_2, window_bounds = array<i64: 512, 128>}]} {
    %get3A = arith.constant 0 : index
    %get3A_0 = arith.constant 0 : index
    %get3A_1 = vector.load %arg2[%get3A, %get3A_0] : memref<512x1xf32, #tpu.memory_space<vmem>>, vector<512x1xf32>
    %get3A_2 = arith.constant 0 : index
    %get3A_3 = arith.constant 0 : index
    %get3A_4 = arith.constant 0 : index
    %get3A_5 = vector.load %arg1[%get3A_2, %get3A_3, %get3A_4] : memref<2x512x128xf32, #tpu.memory_space<vmem>>, vector<1x512x128xf32>
    %get3A_6 = vector.shape_cast %get3A_5 : vector<1x512x128xf32> to vector<512x128xf32>
    %get3A_7 = arith.constant 1 : index
    %get3A_8 = arith.constant 0 : index
    %get3A_9 = arith.constant 0 : index
    %get3A_10 = vector.load %arg1[%get3A_7, %get3A_8, %get3A_9] : memref<2x512x128xf32, #tpu.memory_space<vmem>>, vector<1x512x128xf32>
    %get3A_11 = vector.shape_cast %get3A_10 : vector<1x512x128xf32> to vector<512x128xf32>
    %add3A = arith.addf %get3A_6, %get3A_11 : vector<512x128xf32>
    %mul3A = arith.mulf %get3A_1, %get3A_1 : vector<512x1xf32>
    %mul3A_12 = vector.broadcast %mul3A : vector<512x1xf32> to vector<512x128xf32>
    %mul3A_13 = arith.mulf %add3A, %mul3A_12 : vector<512x128xf32>
    %swap3A = arith.constant 0 : index
    %swap3A_14 = arith.constant 0 : index
    %swap3A_15 = vector.load %arg3[%swap3A, %swap3A_14] : memref<512x128xf32, #tpu.memory_space<vmem>>, vector<512x128xf32>
    tpu.vector_store %arg3[%swap3A, %swap3A_14], %mul3A_13 {strides = array<i32>} : memref<512x128xf32, #tpu.memory_space<vmem>>, vector<512x128xf32>,
    return
  }
  func.func @transform_0(%arg0: i32) -> (i32, i32, i32) {
    %c0_i32 = arith.constant 0 : i32
    %c0_i32_0 = arith.constant 0 : i32
    %c0_i32_1 = arith.constant 0 : i32
    return %c0_i32, %arg0, %c0_i32_0 : i32, i32, i32
  }
  func.func @transform_1(%arg0: i32) -> (i32, i32) {
    %c0_i32 = arith.constant 0 : i32
    %c0_i32_0 = arith.constant 0 : i32
    return %arg0, %c0_i32 : i32, i32
  }
  func.func @transform_2(%arg0: i32) -> (i32, i32) {
    %c0_i32 = arith.constant 0 : i32
    %c0_i32_0 = arith.constant 0 : i32
    return %arg0, %c0_i32 : i32, i32
  }
}

module attributes {stable_mosaic.version = 14 : i64} {
  func.func @_final_body(%arg0: i32, %arg1: memref<2x512x128xf32, #tpu.memory_space<vmem>>, %arg2: memref<512x1xf32, #tpu.memory_space<vmem>>, %arg3: memref<128x128xf32, #tpu.memory_space<vmem>>, %arg4: memref<1x128xf32, #tpu.memory_space<vmem>>, %arg5: memref<512x128xf32, #tpu.memory_space<vmem>>) attributes {dimension_semantics = [#tpu.dimension_semantics<arbitrary>], iteration_bounds = array<i64: 20>, scalar_prefetch = 0 : i64, scratch_operands = 0 : i64, tpu.core_type = #tpu.core_type<tc>, window_params = [{transform_indices = @transform_0, window_bounds = array<i64: 2, 512, 128>}, {transform_indices = @transform_1, window_bounds = array<i64: 512, 1>}, {pipeline_mode = #tpu.pipeline_mode<synchronous>, transform_indices = @transform_2, window_bounds = array<i64: 128, 128>}, {pipeline_mode = #tpu.pipeline_mode<synchronous>, transform_indices = @transform_3, window_bounds = array<i64: 1, 128>}, {transform_indices = @transform_4, window_bounds = array<i64: 512, 128>}]} {
    %get3A = arith.constant 0 : index
    %get3A_0 = arith.constant 0 : index
    %get3A_1 = arith.constant 0 : index
    %get3A_2 = vector.load %arg1[%get3A, %get3A_0, %get3A_1] : memref<2x512x128xf32, #tpu.memory_space<vmem>>, vector<1x512x128xf32>
    %get3A_3 = vector.shape_cast %get3A_2 : vector<1x512x128xf32> to vector<512x128xf32>
    %get3A_4 = arith.constant 1 : index
    %get3A_5 = arith.constant 0 : index
    %get3A_6 = arith.constant 0 : index
    %get3A_7 = vector.load %arg1[%get3A_4, %get3A_5, %get3A_6] : memref<2x512x128xf32, #tpu.memory_space<vmem>>, vector<1x512x128xf32>
    %get3A_8 = vector.shape_cast %get3A_7 : vector<1x512x128xf32> to vector<512x128xf32>
    %add3A = arith.addf %get3A_3, %get3A_8 : vector<512x128xf32>
    %get3A_9 = arith.constant 0 : index
    %get3A_10 = arith.constant 0 : index
    %get3A_11 = vector.load %arg2[%get3A_9, %get3A_10] : memref<512x1xf32, #tpu.memory_space<vmem>>, vector<512x1xf32>
    %mul3A = vector.broadcast %get3A_11 : vector<512x1xf32> to vector<512x128xf32>
    %mul3A_12 = arith.mulf %add3A, %mul3A : vector<512x128xf32>
    %get3A_13 = arith.constant 0 : index
    %get3A_14 = arith.constant 0 : index
    %get3A_15 = vector.load %arg3[%get3A_13, %get3A_14] : memref<128x128xf32, #tpu.memory_space<vmem>>, vector<128x128xf32>
    %dot_general3A = arith.constant dense<0.000000e+00> : vector<512x128xf32>
    %dot_general3A_16 = tpu.matmul %mul3A_12, %get3A_15, %dot_general3A {dimension_numbers = #tpu.dot_dimension_numbers<[1], [0], [0], [1], [0, 0, 1, 1], [], []>, transpose_lhs_hint = false} : vector<512x128xf32>, vector<128x128xf32>, vector<512x128xf32> -> vector<512x128xf32>
    %get3A_17 = arith.constant 0 : index
    %get3A_18 = arith.constant 0 : index
    %get3A_19 = vector.load %arg4[%get3A_17, %get3A_18] : memref<1x128xf32, #tpu.memory_space<vmem>>, vector<1x128xf32>
    %add3A_20 = vector.broadcast %get3A_19 : vector<1x128xf32> to vector<512x128xf32>
    %add3A_21 = arith.addf %dot_general3A_16, %add3A_20 : vector<512x128xf32>
    %swap3A = arith.constant 0 : index
    %swap3A_22 = arith.constant 0 : index
    %swap3A_23 = vector.load %arg5[%swap3A, %swap3A_22] : memref<512x128xf32, #tpu.memory_space<vmem>>, vector<512x128xf32>
    tpu.vector_store %arg5[%swap3A, %swap3A_22], %add3A_21 {strides = array<i32>} : memref<512x128xf32, #tpu.memory_space<vmem>>, vector<512x128xf32>,
    return
  }
  func.func @transform_0(%arg0: i32) -> (i32, i32, i32) {
    %c0_i32 = arith.constant 0 : i32
    %c0_i32_0 = arith.constant 0 : i32
    %c0_i32_1 = arith.constant 0 : i32
    return %c0_i32, %arg0, %c0_i32_0 : i32, i32, i32
  }
  func.func @transform_1(%arg0: i32) -> (i32, i32) {
    %c0_i32 = arith.constant 0 : i32
    %c0_i32_0 = arith.constant 0 : i32
    return %arg0, %c0_i32 : i32, i32
  }
  func.func @transform_2(%arg0: i32) -> (i32, i32) {
    %c0_i32 = arith.constant 0 : i32
    %c0_i32_0 = arith.constant 0 : i32
    %c0_i32_1 = arith.constant 0 : i32
    return %c0_i32, %c0_i32_0 : i32, i32
  }
  func.func @transform_3(%arg0: i32) -> (i32, i32) {
    %c0_i32 = arith.constant 0 : i32
    %c0_i32_0 = arith.constant 0 : i32
    %c0_i32_1 = arith.constant 0 : i32
    return %c0_i32, %c0_i32_0 : i32, i32
  }
  func.func @transform_4(%arg0: i32) -> (i32, i32) {
    %c0_i32 = arith.constant 0 : i32
    %c0_i32_0 = arith.constant 0 : i32
    return %arg0, %c0_i32 : i32, i32
  }
}

</mosaic_0001>

<sc_bundles>
// kernel: kernel.11.cloned.1.call-start
scs
__scs_entry_jumppad:
0x0: {  	(pc) =	sbr.rel $0x88, $3  }
0x1: {  	(tag) =	ssettag $0x0;
	lr =	simm.s32 $0x1  }
0x2: {  	[smem:$0x3F9D] =	sst lr;
	_ =	strace $0xD0000000  }
0x3: {  	_ = 	snop  }
0x4: {  	_ = 	snop  }
0x5: {  	_ = 	snop  }
0x6: {  	_ = 	snop  }
0x7: {  	_ = 	snop  }
__scs_overlays_trampoline_lowered:
0x8: {  	[smem:$0x3FAC] =	sst s0  }
0x9: {  	[smem:$0x3FAD] =	sst s1  }
0xa: {  	[smem:$0x3FAE] =	sst s2  }
0xb: {  	[smem:$0x3FAF] =	sst s3  }
0xc: {  	[smem:$0x3FB0] =	sst s4  }
0xd: {  	[smem:$0x3FB1] =	sst s5  }
0xe: {  	[smem:$0x3FB2] =	sst s6  }
0xf: {  	[smem:$0x3FB3] =	sst s7  }
0x10: {  	[smem:$0x3FB4] =	sst s8  }
0x11: {  	[smem:$0x3FB5] =	sst s9;
	s0 =	simm.s32 @!p0 $0x0  }
0x12: {  	s1 =	sld [smem:$0x3F9B];
	s0 =	simm.s32 @p0 $0x1  }
0x13: {  	[smem:$0x3FB6] =	sst s0;
	s0 =	simm.s32 @!p1 $0x0  }
0x14: {  	s2 =	sld [smem:$0x3F9A];
	s0 =	simm.s32 @p1 $0x1  }
0x15: {  	[smem:$0x3FB7] =	sst s0;
	s0 =	simm.s32 @!p2 $0x0  }
0x16: {  	s3 =	sld [smem:$0x3FDB];
	s0 =	simm.s32 @p2 $0x1  }
0x17: {  	s4 =	simm.s32 $0x1BF5;
	[smem:$0x3FB9] =	sst s0  }
0x18: {  	s0 =	sld [smem:$0x3F9C];
	_ =	swait.ge [sflag:s4], $0x0  }
0x19: {  	s7 =	sld [smem:$0x3F9D]  }
0x1a: {  	s8 =	sadd.s32 $0xFFFFE003, lr  }
0x1b: {  	s9 =	sadd.s32 $0xFFFFFEF7, lr;
	s5 =	simm.s32 $0xFFFFFFFF;
	p2 =	slt.u32 s8, $0xFFFFF086  }
0x1c: {  	p1 =	slt.u32 s9, $0xF7A;
	s5 =	simm.s32 @!p2 $0x0  }
0x1d: {  	s5 =	simm.s32 @p1 $0x1;
	p0 =	seq.s32 s7, s2  }
0x1e: {  	s7 =	smul.u32 @!p0 $0xF7A, s2;
	p2 =	seq.s32 @!p0 s5, $0x0  }
0x1f: {  	s9 =	smul.u32 $0xF7A, s1;
	s8 =	simm.s32 @!p0 $0x1BF5;
	p2 =	por !p2, p0  }
0x20: {  	[sflag:s8] =	ssyncset.s32 @!p0 $0xFFFFF086;
	s6 =	sadd.s32 @!p0 s3, s7;
	s7 =	simm.s32 @!p0 $0x108  }
0x21: {  	s3 =	sadd.s32 s3, s9;
	s6 =	sadd.s32 @!p0 $0x88, s6;
	s7 =	simm.s32 @p2 $0x1082  }
0x22: {  	[simem:s7], [sflag:s8] =	dma.local @!p0 [hbm:s6], $0xF7A  }
0x23: {  	s9 =	sor.u32 $0xD0000000, s2;
	s6 =	simm.s32 $0x108;
	_ =	swait.ge @!p0 [sflag:s8], $0x0  }
0x24: {  	s3 =	sadd.s32 $0x88, s3;
	s6 =	simm.s32 @!p1 $0x1082;
	[sflag:s4] =	ssyncset.s32 $0xFFFFF086  }
0x25: {  	[simem:s6], [sflag:s4] =	dma.local [hbm:s3], $0xF7A  }
0x26: {  	[smem:$0x3F9D] =	sst s1;
	(tag) =	ssettag s2;
	_ =	strace s9  }
0x27: {  	s1 =	sld [smem:$0x3FAD]  }
0x28: {  	s2 =	sld [smem:$0x3FAE]  }
0x29: {  	s4 =	sld [smem:$0x3FB0]  }
0x2a: {  	p0 =	seq.s32 s5, $0x0;
	s5 =	sld [smem:$0x3FB1]  }
0x2b: {  	s6 =	sld [smem:$0x3FB2]  }
0x2c: {  	s7 =	sld [smem:$0x3FB3]  }
0x2d: {  	s3 =	simm.s32 $0x108;
	s8 =	sld [smem:$0x3FB4]  }
0x2e: {  	s3 =	simm.s32 @!p0 $0x1082;
	s9 =	sld [smem:$0x3FB5]  }
0x2f: {  	lr =	sadd.s32 s0, s3;
	s0 =	sld [smem:$0x3FAC]  }
0x30: {  	s3 =	sld [smem:$0x3FAF]  }
0x31: {  	[smem:$0x3FB8] =	sst s10  }
0x32: {  	s10 =	sld [smem:$0x3FB6];
	_ =	sdelay $0x3  }
0x33: {  	p0 =	seq.s32 s10, $0x1;
	s10 =	sld [smem:$0x3FB8];
	_ =	sdelay $0x3  }
0x34: {  	[smem:$0x3FB8] =	sst s10  }
0x35: {  	s10 =	sld [smem:$0x3FB7];
	_ =	sdelay $0x3  }
0x36: {  	p1 =	seq.s32 s10, $0x1;
	s10 =	sld [smem:$0x3FB8];
	_ =	sdelay $0x3  }
0x37: {  	[smem:$0x3FB8] =	sst s10  }
0x38: {  	s10 =	sld [smem:$0x3FB9]  }
0x39: {  	_ = 	snop;
	(pc) =	sbr.ind lr, $3  }
0x3a: {  	_ = 	snop  }
0x3b: {  	_ = 	snop  }
0x3c: {  	p2 =	seq.s32 s10, $0x1;
	s10 =	sld [smem:$0x3FB8]  }
0x3d: {  	_ =	shalt  }
0x3e: {  	_ =	shalt  }
0x3f: {  	_ =	shalt  }
0x40: {  	_ =	shalt  }
0x41: {  	_ =	shalt  }
0x42: {  	_ =	shalt  }
0x43: {  	_ =	shalt  }
0x44: {  	_ =	shalt  }
0x45: {  	_ =	shalt  }
0x46: {  	_ =	shalt  }
0x47: {  	_ =	shalt  }
0x48: {  	_ =	shalt  }
0x49: {  	_ =	shalt  }
0x4a: {  	_ =	shalt  }
0x4b: {  	_ =	shalt  }
0x4c: {  	_ =	shalt  }
0x4d: {  	_ =	shalt  }
0x4e: {  	_ =	shalt  }
0x4f: {  	_ =	shalt  }
0x50: {  	_ =	shalt  }
0x51: {  	_ =	shalt  }
0x52: {  	_ =	shalt  }
0x53: {  	_ =	shalt  }
0x54: {  	_ =	shalt  }
0x55: {  	_ =	shalt  }
0x56: {  	_ =	shalt  }
0x57: {  	_ =	shalt  }
0x58: {  	_ =	shalt  }
0x59: {  	_ =	shalt  }
0x5a: {  	_ =	shalt  }
0x5b: {  	_ =	shalt  }
0x5c: {  	_ =	shalt  }
0x5d: {  	_ =	shalt  }
0x5e: {  	_ =	shalt  }
0x5f: {  	_ =	shalt  }
0x60: {  	_ =	shalt  }
0x61: {  	_ =	shalt  }
0x62: {  	_ =	shalt  }
0x63: {  	_ =	shalt  }
0x64: {  	_ =	shalt  }
0x65: {  	_ =	shalt  }
0x66: {  	_ =	shalt  }
0x67: {  	_ =	shalt  }
0x68: {  	_ =	shalt  }
0x69: {  	_ =	shalt  }
0x6a: {  	_ =	shalt  }
0x6b: {  	_ =	shalt  }
0x6c: {  	_ =	shalt  }
0x6d: {  	_ =	shalt  }
0x6e: {  	_ =	shalt  }
0x6f: {  	_ =	shalt  }
0x70: {  	_ =	shalt  }
0x71: {  	_ =	shalt  }
0x72: {  	_ =	shalt  }
0x73: {  	_ =	shalt  }
0x74: {  	_ =	shalt  }
0x75: {  	_ =	shalt  }
0x76: {  	_ =	shalt  }
0x77: {  	_ =	shalt  }
0x78: {  	_ =	shalt  }
0x79: {  	_ =	shalt  }
0x7a: {  	_ =	shalt  }
0x7b: {  	_ =	shalt  }
0x7c: {  	_ =	shalt  }
0x7d: {  	_ =	shalt  }
0x7e: {  	_ =	shalt  }
0x7f: {  	_ =	shalt  }
0x80: {  	_ =	shalt  }
0x81: {  	_ =	shalt  }
0x82: {  	_ =	shalt  }
0x83: {  	_ =	shalt  }
0x84: {  	_ =	shalt  }
0x85: {  	_ =	shalt  }
0x86: {  	_ =	shalt  }
0x87: {  	_ =	shalt  }
.Lfunc_end0:
.L_simem_size_0:
called_computation.1_lowered:
.L_overlay_start_0:
0x88: {  	s2 =	sld [smem:$0x3FD9]  }
0x89: {  	s3 =	sld [smem:$0x3FFE];
	_ =	sdelay $0x1  }
0x8a: {  	s1 =	srdreg.scid  }
0x8b: {  	s0 =	sand.u32 $0x1, s1  }
0x8c: {  	s17 =	sshll.u32 s0, $0xA;
	s2 =	sadd.s32 s3, s2  }
0x8d: {  	s2 =	sadd.s32 s2, s17  }
0x8e: {  	[smem:$0x3FC4] =	sst s2  }
0x8f: {  	_ = 	snop  }
0x90: {  	s2 =	sld [smem:$0x3FD0];
	(tm) =	ssettm $0x1  }
0x91: {  	s18 =	sld [smem:$0x3FFB];
	_ =	sdelay $0x3  }
0x92: {  	_ =	strace s18  }
0x93: {  	s3 =	sld [smem:$0x3FFC];
	_ =	sdelay $0x3  }
0x94: {  	_ =	strace s3  }
0x95: {  	s3 =	sld [smem:$0x3FFD];
	_ =	sdelay $0x3  }
0x96: {  	_ =	strace s3  }
0x97: {  	_ =	strace $0x8FFFFFFF  }
0x98: {  	s19 =	sld [smem:$0x3FDB];
	_ =	sdelay $0x1  }
0x99: {  	s4 =	simm.s32 $_scs_section_size  }
0x9a: {  	s5 =	simm.s32 $_size__tile_overlayer_lowered;
	s6 =	simm.s32 $_tile_overlayer_lowered  }
0x9b: {  	s22 =	simm.s32 $0x1BFF;
	s21 =	sshll.u32 s6, $0x1;
	s3 =	sadd.s32 s4, s19  }
0x9c: {  	s7 =	simm.s32 $0x0;
	s20 =	sshll.u32 s5, $0x1;
	s5 =	sadd.s32 s21, s3  }
0x9d: {  	[timem:s7], [sflag:s22] =	dma.local [hbm:s5], s20  }
0x9e: {  	_ =	swait.ge [sflag:s22], s20  }
0x9f: {  	s4 =	ssub.s32 $0x0, s20;
	[sflag:s22] =	ssyncset.done $0x0  }
0xa0: {  	[sflag:s22] =	ssyncadd.s32 s4;
	_ =	sdelay $0x1  }
0xa1: {  	s23 =	simm.s32 $0x1B8B  }
0xa2: {  	_ =	swait.ge [sflag:s23], $0x1  }
0xa3: {  	[sflag:s23] =	ssyncset.done $0x0  }
0xa4: {  	s25 =	simm.s32 $0x1B8E;
	s24 =	sld [smem:$0x3FFE];
	[sflag:s23] =	ssyncadd.s32 $0xFFFFFFFF  }
0xa5: {  	s26 =	simm.s32 $execute0_lowered;
	[smem:$0x3FD2] =	sst s25  }
0xa6: {  	s5 =	sshll.u32 s26, $0x1;
	_ =	strace $0x80000049;
	[dreg:$0x1] =	wrdreg $0xFFFFFFFF  }
0xa7: {  	s28 =	simm.s32 $_size_execute0_lowered;
	s3 =	sadd.s32 s3, s5;
	[dreg:$0x0] =	wrdreg $0x0  }
0xa8: {  	s5 =	sshll.u32 s28, $0x1;
	[dreg:$0x2] =	wrdreg s3  }
0xa9: {  	[dreg:$0x3] =	wrdreg s5  }
0xaa: {  	[dreg:$0x4] =	wrdreg $0xC0  }
0xab: {  	_ =	task [dreg:s7], $0x5FFFF  }
0xac: {  	[dreg:$0x1] =	wrdreg $0xFFFFFFFF  }
0xad: {  	[dreg:$0x0] =	wrdreg $0x60  }
0xae: {  	[dreg:$0x2] =	wrdreg s24  }
0xaf: {  	[dreg:$0x3] =	wrdreg s2  }
0xb0: {  	[dreg:$0x4] =	wrdreg $0xA8000  }
0xb1: {  	[dreg:$0x5] =	wrdreg $0x9  }
0xb2: {  	_ =	task.clear_ibuf [dreg:s7], $0x6FFFF;
	_ =	strace $0x90000049  }
0xb3: {  	s29 =	simm.s32 $0x9;
	_ =	strace $0x8000004B  }
0xb4: {  	_ =	swait.ge [sflag:s29], $0x1  }
0xb5: {  	[sflag:s29] =	ssyncadd.s32 $0xFFFFFFFF  }
0xb6: {  	_ =	strace $0x9000004B  }
0xb7: {  	_ =	sfence  }
0xb8: {  	s30 =	sld [smem:$0x0];
	_ =	sdelay $0x2  }
0xb9: {  	s31 =	sshll.u32 s1, $0xD;
	s1 =	sshrl.u32 s1, $0x2  }
0xba: {  	s3 =	sand.u32 $0x4000, s31;
	s1 =	sadd.s32 s1, s30  }
0xbb: {  	s0 =	sor.u32 s3, s0;
	s1 =	sshll.u32 s1, $0x11  }
0xbc: {  	s0 =	sor.u32 s1, s0  }
0xbd: {  	s0 =	sadd.s32 $0x8F2B, s0  }
0xbe: {  	[sflag:s0] =	ssyncadd.remote.s32 $0x1  }
0xbf: {  	_ =	sfence.sel $0xFFFF  }
0xc0: {  	[dreg:$0x0] =	wrdreg $0xFFFFFFFF;
	(pc) =	sbr.abs _section_cstart, $3  }
0xc1: {  	[dreg:$0x1] =	wrdreg $0xFFFFFFFF  }
0xc2: {  	_ =	task.clear_ibuf [dreg:s7], $0x2FFFF;
	_ =	strace $0x9FFFFFFF  }
0xc3: {  	(tm) =	ssettm $0x7FFFFFFF  }
tec
execute0_lowered:
.L_overlay_start_1:
0x0: {  	(tag) =	ssettag $0x1  }
0x1: {  	s0 =	rddreg [dreg:$0x0]  }
0x2: {  	s2 =	rddreg [dreg:$0x1]  }
0x3: {  	s1 =	rddreg [dreg:$0x2]  }
0x4: {  	s3 =	srdreg.scid;
	s4 =	simm.s32 $0x0;
	s10 =	stileid.u32  }
0x5: {  	s28 =	simm.s32 $0x1400;
	s29 =	simm.s32 $0x40;
	s30 =	simm.s32 $0x2800  }
0x6: {  	s3 =	sand.u32 $0x1, s3;
	[smem:$0x7FF] =	sst s4;
	s6 =	smul.u32 $0x14000, s10  }
0x7: {  	s4 =	sadd.s32 $0x16600, s0;
	s7 =	sadd.s32 $0x2600, s0;
	s8 =	smul.u32 $0x50000, s10  }
0x8: {  	s5 =	smul.u32 $0x140000, s3;
	_ =	strace $0x8000004A;
	s26 =	sshll.u32 s3, $0x4  }
0x9: {  	s31 =	ssub.s32 $0x2, s3;
	p0 =	sne.s32 s3, $0x0;
	s8 =	sshrl.u32 s8, $0x2  }
0xa: {  	s3 =	simm.s32 $0x1;
	s9 =	sshrl.u32 s31, $0x1;
	s11 =	sadd.s32 s8, s1  }
0xb: {  	s5 =	sadd.s32 s6, s5;
	s19 =	sadd.s32 $0x2000, s11;
	[dreg:$0x4] =	wrdreg s11  }
0xc: {  	s6 =	sor.u32 s10, s26;
	s20 =	sadd.s32 $0x4000, s11;
	[dreg:$0x10] =	wrdreg s19  }
0xd: {  	s10 =	smul.u32 $0x2800, s10;
	s21 =	sadd.s32 $0x6000, s11;
	[dreg:$0x11] =	wrdreg s20  }
0xe: {  	s5 =	sshrl.u32 s5, $0x3;
	s22 =	sadd.s32 $0x8000, s11;
	[dreg:$0x12] =	wrdreg s21  }
0xf: {  	s6 =	smul.u32 $0x5000, s6;
	s23 =	sadd.s32 $0xA000, s11;
	[dreg:$0x13] =	wrdreg s22  }
0x10: {  	s24 =	sadd.s32 $0xC000, s11;
	s25 =	sadd.s32 $0xE000, s11;
	[dreg:$0x14] =	wrdreg s23  }
0x11: {  	s26 =	sadd.s32 $0x10000, s11;
	s0 =	sadd.s32 s5, s0;
	[dreg:$0x15] =	wrdreg s24  }
0x12: {  	s5 =	ssub.s32 s31, s9;
	s9 =	sadd.s32 s4, s10;
	[dreg:$0x16] =	wrdreg s25  }
0x13: {  	[dreg:$0x17] =	wrdreg s26;
	s31 =	sadd.s32 $0x12000, s11;
	s26 =	simm.s32 $0x9  }
0x14: {  	s19 =	simm.s32 $0x1480;
	s20 =	simm.s32 $0x180;
	s21 =	simm.s32 $0x8800  }
0x15: {  	s22 =	simm.s32 $0x3;
	s23 =	simm.s32 $0x1500;
	s24 =	simm.s32 $0x5  }
0x16: {  	s25 =	simm.s32 $0x200;
	s11 =	simm.s32 $0x8;
	[dreg:$0x5] =	wrdreg s9  }
0x17: {  	s6 =	sshrl.u32 s6, $0x3;
	s0 =	sadd.s32 $0x3E600, s0;
	[dreg:$0x18] =	wrdreg s31  }
0x18: {  	s18 =	smax.u32 s5, $0x1;
	s9 =	simm.s32 $0x280;
	[dreg:$0xe] =	wrdreg s0  }
0x19: {  	s10 =	sadd.s32 s7, s6;
	s12 =	sadd.s32 $0x280, s6;
	[dreg:$0xf] =	wrdreg s18  }
0x1a: {  	s13 =	sadd.s32 s2, s6;
	s15 =	sadd.s32 $0x500, s6;
	[dreg:$0x6] =	wrdreg s10  }
0x1b: {  	s6 =	sadd.s32 $0x780, s6;
	[dreg:$0x7] =	wrdreg s13;
	s14 =	sadd.s32 s7, s12  }
0x1c: {  	s0 =	simm.s32 $0x4800;
	s8 =	sadd.s32 s2, s12;
	[dreg:$0x8] =	wrdreg s14  }
0x1d: {  	s18 =	simm.s32 $0x2;
	s16 =	sadd.s32 s7, s15;
	[dreg:$0x9] =	wrdreg s8  }
.Ltmp0:
0x1e: {  	s17 =	sadd.s32 s2, s15;
	[dreg:$0xa] =	wrdreg s16;
	(pc) =	sbr.rel .LBB2_1-.Ltmp0, $4  }
0x1f: {  	s7 =	sadd.s32 s7, s6;
	s2 =	sadd.s32 s2, s6;
	[dreg:$0xb] =	wrdreg s17  }
0x20: {  	s6 =	simm.s32 $0x100;
	s10 =	simm.s32 $0x7;
	[dreg:$0xc] =	wrdreg s7  }
0x21: {  	s12 =	simm.s32 $0x0;
	[dreg:$0xd] =	wrdreg s2;
	s17 =	simm.s32 $0x6800  }
0x22: {  	v0 =	vimm.f32 $0.0e+00;
	s2 =	simm.s32 $0x4;
	s7 =	simm.s32 $0x1580;
	s8 =	simm.s32 $0x6  }
.LBB2_18:
0x23: {  	_ =	swait.ge [sflag:s2], $0x2000  }
0x24: {  	[sflag:s2] =	ssyncset.done $0x0  }
0x25: {  	[sflag:s2] =	ssyncadd.s32 $0xFFFFE000  }
0x26: {  	[spmem:s1] =	stream.indirect.scatter.add.f32 [tilespmem:s21], [sflag:$0x8], $0x80, s5, s29, $0xb8;
	[tilespmem:$0x1E800] =	vst v63  }
0x27: {  	_ =	swait.ge [sflag:s24], $0x2000  }
0x28: {  	[sflag:s24] =	ssyncset.done $0x0  }
0x29: {  	[sflag:s24] =	ssyncadd.s32 $0xFFFFE000  }
0x2a: {  	_ =	swait.ge [sflag:s8], $0x2000  }
0x2b: {  	[sflag:s8] =	ssyncset.done $0x0  }
0x2c: {  	[sflag:s8] =	ssyncadd.s32 $0xFFFFE000  }
0x2d: {  	_ =	swait.ge [sflag:s10], $0x2000  }
0x2e: {  	[sflag:s10] =	ssyncset.done $0x0  }
0x2f: {  	[sflag:s10] =	ssyncadd.s32 $0xFFFFE000  }
0x30: {  	_ =	swait.ge [sflag:s11], $0x2000  }
0x31: {  	[sflag:s11] =	ssyncset.done $0x0  }
0x32: {  	[sflag:s11] =	ssyncadd.s32 $0xFFFFE000  }
0x33: {  	[bflag:$0x0] =	sbarrier.arrive $0xFFFF  }
0x34: {  	s16 =	rddreg [dreg:$0xe]  }
0x35: {  	[hbm:s16], [sflag:s14] =	dma.local [spmem:s13], $0x2800  }
0x36: {  	_ =	swait.ge [sflag:s26], $0x2800  }
0x37: {  	s12 =	sadd.s32 $0x1, s12;
	s31 =	rddreg [dreg:$0xf]  }
0x38: {  	p1 =	sne.s32 s12, s31  }
.Ltmp1:
0x39: {  	_ = 	snop;
	(pc) =	sbr.rel @!p1 .LBB2_19-.Ltmp1, $3  }
0x3a: {  	_ =	sdelay $0x1  }
0x3b: {  	[sflag:s26] =	ssyncset.done $0x0  }
0x3c: {  	[sflag:s26] =	ssyncadd.s32 $0xFFFFD800  }
.LBB2_1:
.Ltmp2:
0x3d: {  	(pc) =	sbr.rel @p0 .LBB2_3-.Ltmp2, $4  }
0x3e: {  	_ = 	snop  }
0x3f: {  	s5 =	stileid.u32  }
0x40: {  	s13 =	rddreg [dreg:$0x4];
	s5 =	sshll.u32 s5, $0x6  }
0x41: {  	s13 =	sshrl.u32 s13, $0x3;
	s14 =	sor.u32 $0x1C09, s5  }
.Ltmp3:
0x42: {  	s5 =	rddreg [dreg:$0x5];
	(pc) =	sbr.rel .LBB2_6-.Ltmp3, $4  }
0x43: {  	[spmem:s13], [sflag:s14] =	dma.local [hbm:s5], $0x2800  }
0x44: {  	_ =	swait.ge [sflag:s26], $0x2800  }
0x45: {  	[sflag:s26] =	ssyncset.done $0x0  }
0x46: {  	[sflag:s26] =	ssyncadd.s32 $0xFFFFD800  }
.LBB2_3:
0x47: {  	s5 =	simm.s32 $0x0  }
0x48: {  	s15 =	sshra.s32 s5, $0x2;
	s16 =	sadd.s32 $0x200, s5  }
.LBB2_4:
0x49: {  	p1 =	seq.s32 s16, $0x7E00;
	[tilespmem:s15+$0x2870] =	vst v0  }
0x4a: {  	[tilespmem:s15+$0x2800] =	vst v0  }
0x4b: {  	[tilespmem:s15+$0x2810] =	vst v0  }
.Ltmp4:
0x4c: {  	[tilespmem:s15+$0x2820] =	vst v0;
	(pc) =	sbr.rel @!p1 .LBB2_4-.Ltmp4, $4  }
0x4d: {  	[tilespmem:s15+$0x2830] =	vst v0  }
0x4e: {  	[tilespmem:s15+$0x2840] =	vst v0  }
0x4f: {  	[tilespmem:s15+$0x2850] =	vst v0  }
0x50: {  	[tilespmem:s15+$0x2860] =	vst v0;
	s15 =	sshra.s32 s16, $0x2;
	s16 =	sadd.s32 $0x200, s16  }
0x51: {  	[tilespmem:s15+$0x2870] =	vst v0  }
0x52: {  	[tilespmem:s15+$0x2800] =	vst v0  }
0x53: {  	[tilespmem:s15+$0x2810] =	vst v0  }
0x54: {  	[tilespmem:s15+$0x2820] =	vst v0  }
0x55: {  	[tilespmem:s15+$0x2830] =	vst v0  }
0x56: {  	[tilespmem:s15+$0x2840] =	vst v0  }
0x57: {  	[tilespmem:s15+$0x2850] =	vst v0  }
0x58: {  	[tilespmem:s15+$0x2860] =	vst v0;
	s5 =	rddreg [dreg:$0x4]  }
0x59: {  	[spmem:s5] =	stream.linear.scatter [tilespmem:s30], [sflag:$0x9], $0x2000, $0x38;
	[tilespmem:$0x1E800] =	vst v63  }
0x5a: {  	_ =	swait.ge [sflag:s26], $0x2000  }
0x5b: {  	[sflag:s26] =	ssyncset.done $0x0  }
0x5c: {  	s15 =	rddreg [dreg:$0x10];
	[sflag:s26] =	ssyncadd.s32 $0xFFFFE000  }
0x5d: {  	[spmem:s15] =	stream.linear.scatter [tilespmem:s30], [sflag:$0x9], $0x2000, $0x38;
	[tilespmem:$0x1E800] =	vst v63  }
0x5e: {  	_ =	swait.ge [sflag:s26], $0x2000  }
0x5f: {  	[sflag:s26] =	ssyncset.done $0x0  }
0x60: {  	s16 =	rddreg [dreg:$0x11];
	[sflag:s26] =	ssyncadd.s32 $0xFFFFE000  }
0x61: {  	[spmem:s16] =	stream.linear.scatter [tilespmem:s30], [sflag:$0x9], $0x2000, $0x38;
	[tilespmem:$0x1E800] =	vst v63  }
0x62: {  	_ =	swait.ge [sflag:s26], $0x2000  }
0x63: {  	[sflag:s26] =	ssyncset.done $0x0  }
0x64: {  	s31 =	rddreg [dreg:$0x12];
	[sflag:s26] =	ssyncadd.s32 $0xFFFFE000  }
0x65: {  	[spmem:s31] =	stream.linear.scatter [tilespmem:s30], [sflag:$0x9], $0x2000, $0x38;
	[tilespmem:$0x1E800] =	vst v63  }
0x66: {  	_ =	swait.ge [sflag:s26], $0x2000  }
0x67: {  	[sflag:s26] =	ssyncset.done $0x0  }
0x68: {  	s15 =	rddreg [dreg:$0x13];
	[sflag:s26] =	ssyncadd.s32 $0xFFFFE000  }
0x69: {  	[spmem:s15] =	stream.linear.scatter [tilespmem:s30], [sflag:$0x9], $0x2000, $0x38;
	[tilespmem:$0x1E800] =	vst v63  }
0x6a: {  	_ =	swait.ge [sflag:s26], $0x2000  }
0x6b: {  	[sflag:s26] =	ssyncset.done $0x0  }
0x6c: {  	s16 =	rddreg [dreg:$0x14];
	[sflag:s26] =	ssyncadd.s32 $0xFFFFE000  }
0x6d: {  	[spmem:s16] =	stream.linear.scatter [tilespmem:s30], [sflag:$0x9], $0x2000, $0x38;
	[tilespmem:$0x1E800] =	vst v63  }
0x6e: {  	_ =	swait.ge [sflag:s26], $0x2000  }
0x6f: {  	[sflag:s26] =	ssyncset.done $0x0  }
0x70: {  	s31 =	rddreg [dreg:$0x15];
	[sflag:s26] =	ssyncadd.s32 $0xFFFFE000  }
0x71: {  	[spmem:s31] =	stream.linear.scatter [tilespmem:s30], [sflag:$0x9], $0x2000, $0x38;
	[tilespmem:$0x1E800] =	vst v63  }
0x72: {  	_ =	swait.ge [sflag:s26], $0x2000  }
0x73: {  	[sflag:s26] =	ssyncset.done $0x0  }
0x74: {  	s15 =	rddreg [dreg:$0x16];
	[sflag:s26] =	ssyncadd.s32 $0xFFFFE000  }
0x75: {  	[spmem:s15] =	stream.linear.scatter [tilespmem:s30], [sflag:$0x9], $0x2000, $0x38;
	[tilespmem:$0x1E800] =	vst v63  }
0x76: {  	_ =	swait.ge [sflag:s26], $0x2000  }
0x77: {  	[sflag:s26] =	ssyncset.done $0x0  }
0x78: {  	s16 =	rddreg [dreg:$0x17];
	[sflag:s26] =	ssyncadd.s32 $0xFFFFE000  }
0x79: {  	[spmem:s16] =	stream.linear.scatter [tilespmem:s30], [sflag:$0x9], $0x2000, $0x38;
	[tilespmem:$0x1E800] =	vst v63  }
0x7a: {  	_ =	swait.ge [sflag:s26], $0x2000  }
0x7b: {  	[sflag:s26] =	ssyncset.done $0x0  }
0x7c: {  	s31 =	rddreg [dreg:$0x18];
	[sflag:s26] =	ssyncadd.s32 $0xFFFFE000  }
0x7d: {  	[spmem:s31] =	stream.linear.scatter [tilespmem:s30], [sflag:$0x9], $0x2000, $0x38;
	[tilespmem:$0x1E800] =	vst v63  }
0x7e: {  	_ =	swait.ge [sflag:s26], $0x2000  }
0x7f: {  	[sflag:s26] =	ssyncset.done $0x0  }
0x80: {  	[sflag:s26] =	ssyncadd.s32 $0xFFFFE000  }
.LBB2_6:
0x81: {  	[bflag:$0x0] =	sbarrier.arrive $0xFFFF  }
0x82: {  	s15 =	simm.s32 $0x0;
	s5 =	rddreg [dreg:$0x6]  }
0x83: {  	[tilespmem:s15], [sflag:$0x9] =	stream.linear.gather [hbm4b:s5+s15], $0x1400, $0x38;
	[tilespmem:$0x1E800] =	vst v63  }
0x84: {  	_ =	swait.ge [sflag:s26], $0x1400  }
0x85: {  	[sflag:s26] =	ssyncset.done $0x0  }
0x86: {  	s16 =	rddreg [dreg:$0x7];
	[sflag:s26] =	ssyncadd.s32 $0xFFFFEC00  }
0x87: {  	[tilespmem:s28], [sflag:$0x9] =	stream.linear.gather [hbm4b:s16+s15], $0x1400, $0x38;
	[tilespmem:$0x1E800] =	vst v63  }
0x88: {  	_ =	swait.ge [sflag:s26], $0x1400  }
0x89: {  	[sflag:s26] =	ssyncset.done $0x0  }
0x8a: {  	[sflag:s26] =	ssyncadd.s32 $0xFFFFEC00  }
0x8b: {  	[tilespmem:s30], [sflag:$0x1] =	stream.indirect.gather [hbm4b:s4+s29], $0x80, s15, s29, $0xb8;
	[tilespmem:$0x1E800] =	vst v63  }
0x8c: {  	s31 =	simm.s32 $0x80  }
0x8d: {  	[tilespmem:s0], [sflag:$0x2] =	stream.indirect.gather [hbm4b:s4+s29], $0x80, s31, s29, $0xb8;
	[tilespmem:$0x1E800] =	vst v63  }
0x8e: {  	_ =	swait.ge [sflag:s3], $0x2000  }
0x8f: {  	[sflag:s3] =	ssyncset.done $0x0  }
0x90: {  	[sflag:s3] =	ssyncadd.s32 $0xFFFFE000  }
0x91: {  	[spmem:s1] =	stream.indirect.scatter.add.f32 [tilespmem:s30], [sflag:$0x5], $0x80, s28, s29, $0xb8;
	[tilespmem:$0x1E800] =	vst v63  }
0x92: {  	_ = 	snop  }
0x93: {  	[tilespmem:s17], [sflag:$0x3] =	stream.indirect.gather [hbm4b:s4+s29], $0x80, s6, s29, $0xb8;
	[tilespmem:$0x1E800] =	vst v63  }
0x94: {  	_ =	swait.ge [sflag:s18], $0x2000  }
0x95: {  	[sflag:s18] =	ssyncset.done $0x0  }
0x96: {  	[sflag:s18] =	ssyncadd.s32 $0xFFFFE000  }
0x97: {  	[spmem:s1] =	stream.indirect.scatter.add.f32 [tilespmem:s0], [sflag:$0x6], $0x80, s19, s29, $0xb8;
	[tilespmem:$0x1E800] =	vst v63  }
0x98: {  	_ = 	snop  }
0x99: {  	[tilespmem:s21], [sflag:$0x4] =	stream.indirect.gather [hbm4b:s4+s29], $0x80, s20, s29, $0xb8;
	[tilespmem:$0x1E800] =	vst v63  }
0x9a: {  	_ =	swait.ge [sflag:s22], $0x2000  }
0x9b: {  	[sflag:s22] =	ssyncset.done $0x0  }
0x9c: {  	[sflag:s22] =	ssyncadd.s32 $0xFFFFE000  }
0x9d: {  	[spmem:s1] =	stream.indirect.scatter.add.f32 [tilespmem:s17], [sflag:$0x7], $0x80, s23, s29, $0xb8;
	[tilespmem:$0x1E800] =	vst v63  }
0x9e: {  	_ =	swait.ge [sflag:s24], $0x2000  }
0x9f: {  	[sflag:s24] =	ssyncset.done $0x0  }
0xa0: {  	[sflag:s24] =	ssyncadd.s32 $0xFFFFE000  }
0xa1: {  	[tilespmem:s30], [sflag:$0x1] =	stream.indirect.gather [hbm4b:s4+s29], $0x80, s25, s29, $0xb8;
	[tilespmem:$0x1E800] =	vst v63  }
0xa2: {  	_ =	swait.ge [sflag:s2], $0x2000  }
0xa3: {  	[sflag:s2] =	ssyncset.done $0x0  }
0xa4: {  	[sflag:s2] =	ssyncadd.s32 $0xFFFFE000  }
0xa5: {  	[spmem:s1] =	stream.indirect.scatter.add.f32 [tilespmem:s21], [sflag:$0x8], $0x80, s7, s29, $0xb8;
	[tilespmem:$0x1E800] =	vst v63  }
0xa6: {  	_ =	swait.ge [sflag:s8], $0x2000  }
0xa7: {  	[sflag:s8] =	ssyncset.done $0x0  }
0xa8: {  	[sflag:s8] =	ssyncadd.s32 $0xFFFFE000  }
0xa9: {  	[tilespmem:s0], [sflag:$0x2] =	stream.indirect.gather [hbm4b:s4+s29], $0x80, s9, s29, $0xb8;
	[tilespmem:$0x1E800] =	vst v63  }
.LBB2_7:
0xaa: {  	_ =	swait.ge [sflag:s3], $0x2000  }
0xab: {  	s16 =	sshra.s32 s15, $0x2;
	[sflag:s3] =	ssyncset.done $0x0  }
0xac: {  	s5 =	sadd.s32 $0x1600, s16;
	[sflag:s3] =	ssyncadd.s32 $0xFFFFE000  }
0xad: {  	[spmem:s1] =	stream.indirect.scatter.add.f32 [tilespmem:s30], [sflag:$0x5], $0x80, s5, s29, $0xb8;
	[tilespmem:$0x1E800] =	vst v63  }
0xae: {  	_ =	swait.ge [sflag:s10], $0x2000  }
0xaf: {  	[sflag:s10] =	ssyncset.done $0x0  }
0xb0: {  	s31 =	sadd.s32 $0x300, s16;
	[sflag:s10] =	ssyncadd.s32 $0xFFFFE000  }
0xb1: {  	[tilespmem:s17], [sflag:$0x3] =	stream.indirect.gather [hbm4b:s4+s29], $0x80, s31, s29, $0xb8;
	[tilespmem:$0x1E800] =	vst v63  }
0xb2: {  	_ =	swait.ge [sflag:s18], $0x2000  }
0xb3: {  	[sflag:s18] =	ssyncset.done $0x0  }
0xb4: {  	s31 =	sadd.s32 $0x1680, s16;
	[sflag:s18] =	ssyncadd.s32 $0xFFFFE000  }
0xb5: {  	[spmem:s1] =	stream.indirect.scatter.add.f32 [tilespmem:s0], [sflag:$0x6], $0x80, s31, s29, $0xb8;
	[tilespmem:$0x1E800] =	vst v63  }
0xb6: {  	_ =	swait.ge [sflag:s11], $0x2000  }
0xb7: {  	[sflag:s11] =	ssyncset.done $0x0  }
0xb8: {  	p1 =	seq.s32 s15, $0x4000;
	s31 =	sadd.s32 $0x380, s16;
	[sflag:s11] =	ssyncadd.s32 $0xFFFFE000  }
0xb9: {  	[tilespmem:s21], [sflag:$0x4] =	stream.indirect.gather [hbm4b:s4+s29], $0x80, s31, s29, $0xb8;
	[tilespmem:$0x1E800] =	vst v63  }
.Ltmp5:
0xba: {  	_ = 	snop;
	(pc) =	sbr.rel @p1 .LBB2_9-.Ltmp5, $4  }
0xbb: {  	_ =	swait.ge [sflag:s22], $0x2000  }
0xbc: {  	[sflag:s22] =	ssyncset.done $0x0  }
0xbd: {  	s5 =	sadd.s32 $0x1780, s16;
	s31 =	sadd.s32 $0x1700, s16;
	[sflag:s22] =	ssyncadd.s32 $0xFFFFE000  }
0xbe: {  	[spmem:s1] =	stream.indirect.scatter.add.f32 [tilespmem:s17], [sflag:$0x7], $0x80, s31, s29, $0xb8;
	[tilespmem:$0x1E800] =	vst v63  }
0xbf: {  	_ =	swait.ge [sflag:s24], $0x2000  }
0xc0: {  	[sflag:s24] =	ssyncset.done $0x0  }
0xc1: {  	s31 =	sadd.s32 $0x400, s16;
	[sflag:s24] =	ssyncadd.s32 $0xFFFFE000  }
0xc2: {  	[tilespmem:s30], [sflag:$0x1] =	stream.indirect.gather [hbm4b:s4+s29], $0x80, s31, s29, $0xb8;
	[tilespmem:$0x1E800] =	vst v63  }
0xc3: {  	_ =	swait.ge [sflag:s2], $0x2000  }
0xc4: {  	[sflag:s2] =	ssyncset.done $0x0  }
0xc5: {  	[sflag:s2] =	ssyncadd.s32 $0xFFFFE000  }
0xc6: {  	[spmem:s1] =	stream.indirect.scatter.add.f32 [tilespmem:s21], [sflag:$0x8], $0x80, s5, s29, $0xb8;
	[tilespmem:$0x1E800] =	vst v63  }
.Ltmp6:
0xc7: {  	_ = 	snop;
	(pc) =	sbr.rel .LBB2_7-.Ltmp6, $4  }
0xc8: {  	_ =	swait.ge [sflag:s8], $0x2000  }
0xc9: {  	[sflag:s8] =	ssyncset.done $0x0  }
0xca: {  	s15 =	sadd.s32 $0x800, s15;
	s31 =	sadd.s32 $0x480, s16;
	[sflag:s8] =	ssyncadd.s32 $0xFFFFE000  }
0xcb: {  	[tilespmem:s0], [sflag:$0x2] =	stream.indirect.gather [hbm4b:s4+s29], $0x80, s31, s29, $0xb8;
	[tilespmem:$0x1E800] =	vst v63  }
.LBB2_9:
0xcc: {  	_ =	swait.ge [sflag:s2], $0x2000  }
0xcd: {  	[sflag:s2] =	ssyncset.done $0x0  }
0xce: {  	[sflag:s2] =	ssyncadd.s32 $0xFFFFE000  }
0xcf: {  	[spmem:s1] =	stream.indirect.scatter.add.f32 [tilespmem:s21], [sflag:$0x8], $0x80, s5, s29, $0xb8;
	[tilespmem:$0x1E800] =	vst v63  }
0xd0: {  	_ =	swait.ge [sflag:s24], $0x2000  }
0xd1: {  	[sflag:s24] =	ssyncset.done $0x0  }
0xd2: {  	[sflag:s24] =	ssyncadd.s32 $0xFFFFE000  }
0xd3: {  	_ =	swait.ge [sflag:s8], $0x2000  }
0xd4: {  	[sflag:s8] =	ssyncset.done $0x0  }
0xd5: {  	[sflag:s8] =	ssyncadd.s32 $0xFFFFE000  }
0xd6: {  	_ =	swait.ge [sflag:s10], $0x2000  }
0xd7: {  	[sflag:s10] =	ssyncset.done $0x0  }
0xd8: {  	[sflag:s10] =	ssyncadd.s32 $0xFFFFE000  }
0xd9: {  	_ =	swait.ge [sflag:s11], $0x2000  }
0xda: {  	[sflag:s11] =	ssyncset.done $0x0  }
0xdb: {  	s15 =	simm.s32 $0x0;
	s31 =	rddreg [dreg:$0x8];
	[sflag:s11] =	ssyncadd.s32 $0xFFFFE000  }
0xdc: {  	[tilespmem:s15], [sflag:$0x9] =	stream.linear.gather [hbm4b:s31+s15], $0x1400, $0x38;
	[tilespmem:$0x1E800] =	vst v63  }
0xdd: {  	_ =	swait.ge [sflag:s26], $0x1400  }
0xde: {  	[sflag:s26] =	ssyncset.done $0x0  }
0xdf: {  	s16 =	rddreg [dreg:$0x9];
	[sflag:s26] =	ssyncadd.s32 $0xFFFFEC00  }
0xe0: {  	[tilespmem:s28], [sflag:$0x9] =	stream.linear.gather [hbm4b:s16+s15], $0x1400, $0x38;
	[tilespmem:$0x1E800] =	vst v63  }
0xe1: {  	_ =	swait.ge [sflag:s26], $0x1400  }
0xe2: {  	[sflag:s26] =	ssyncset.done $0x0  }
0xe3: {  	[sflag:s26] =	ssyncadd.s32 $0xFFFFEC00  }
0xe4: {  	[tilespmem:s30], [sflag:$0x1] =	stream.indirect.gather [hbm4b:s4+s29], $0x80, s15, s29, $0xb8;
	[tilespmem:$0x1E800] =	vst v63  }
0xe5: {  	s31 =	simm.s32 $0x80  }
0xe6: {  	[tilespmem:s0], [sflag:$0x2] =	stream.indirect.gather [hbm4b:s4+s29], $0x80, s31, s29, $0xb8;
	[tilespmem:$0x1E800] =	vst v63  }
0xe7: {  	_ =	swait.ge [sflag:s3], $0x2000  }
0xe8: {  	[sflag:s3] =	ssyncset.done $0x0  }
0xe9: {  	[sflag:s3] =	ssyncadd.s32 $0xFFFFE000  }
0xea: {  	[spmem:s1] =	stream.indirect.scatter.add.f32 [tilespmem:s30], [sflag:$0x5], $0x80, s28, s29, $0xb8;
	[tilespmem:$0x1E800] =	vst v63  }
0xeb: {  	_ = 	snop  }
0xec: {  	[tilespmem:s17], [sflag:$0x3] =	stream.indirect.gather [hbm4b:s4+s29], $0x80, s6, s29, $0xb8;
	[tilespmem:$0x1E800] =	vst v63  }
0xed: {  	_ =	swait.ge [sflag:s18], $0x2000  }
0xee: {  	[sflag:s18] =	ssyncset.done $0x0  }
0xef: {  	[sflag:s18] =	ssyncadd.s32 $0xFFFFE000  }
0xf0: {  	[spmem:s1] =	stream.indirect.scatter.add.f32 [tilespmem:s0], [sflag:$0x6], $0x80, s19, s29, $0xb8;
	[tilespmem:$0x1E800] =	vst v63  }
0xf1: {  	_ = 	snop  }
0xf2: {  	[tilespmem:s21], [sflag:$0x4] =	stream.indirect.gather [hbm4b:s4+s29], $0x80, s20, s29, $0xb8;
	[tilespmem:$0x1E800] =	vst v63  }
0xf3: {  	_ =	swait.ge [sflag:s22], $0x2000  }
0xf4: {  	[sflag:s22] =	ssyncset.done $0x0  }
0xf5: {  	[sflag:s22] =	ssyncadd.s32 $0xFFFFE000  }
0xf6: {  	[spmem:s1] =	stream.indirect.scatter.add.f32 [tilespmem:s17], [sflag:$0x7], $0x80, s23, s29, $0xb8;
	[tilespmem:$0x1E800] =	vst v63  }
0xf7: {  	_ =	swait.ge [sflag:s24], $0x2000  }
0xf8: {  	[sflag:s24] =	ssyncset.done $0x0  }
0xf9: {  	[sflag:s24] =	ssyncadd.s32 $0xFFFFE000  }
0xfa: {  	[tilespmem:s30], [sflag:$0x1] =	stream.indirect.gather [hbm4b:s4+s29], $0x80, s25, s29, $0xb8;
	[tilespmem:$0x1E800] =	vst v63  }
0xfb: {  	_ =	swait.ge [sflag:s2], $0x2000  }
0xfc: {  	[sflag:s2] =	ssyncset.done $0x0  }
0xfd: {  	[sflag:s2] =	ssyncadd.s32 $0xFFFFE000  }
0xfe: {  	[spmem:s1] =	stream.indirect.scatter.add.f32 [tilespmem:s21], [sflag:$0x8], $0x80, s7, s29, $0xb8;
	[tilespmem:$0x1E800] =	vst v63  }
0xff: {  	_ =	swait.ge [sflag:s8], $0x2000  }
0x100: {  	[sflag:s8] =	ssyncset.done $0x0  }
0x101: {  	[sflag:s8] =	ssyncadd.s32 $0xFFFFE000  }
0x102: {  	[tilespmem:s0], [sflag:$0x2] =	stream.indirect.gather [hbm4b:s4+s29], $0x80, s9, s29, $0xb8;
	[tilespmem:$0x1E800] =	vst v63  }
.LBB2_10:
0x103: {  	_ =	swait.ge [sflag:s3], $0x2000  }
0x104: {  	s16 =	sshra.s32 s15, $0x2;
	[sflag:s3] =	ssyncset.done $0x0  }
0x105: {  	s5 =	sadd.s32 $0x1600, s16;
	[sflag:s3] =	ssyncadd.s32 $0xFFFFE000  }
0x106: {  	[spmem:s1] =	stream.indirect.scatter.add.f32 [tilespmem:s30], [sflag:$0x5], $0x80, s5, s29, $0xb8;
	[tilespmem:$0x1E800] =	vst v63  }
0x107: {  	_ =	swait.ge [sflag:s10], $0x2000  }
0x108: {  	[sflag:s10] =	ssyncset.done $0x0  }
0x109: {  	s31 =	sadd.s32 $0x300, s16;
	[sflag:s10] =	ssyncadd.s32 $0xFFFFE000  }
0x10a: {  	[tilespmem:s17], [sflag:$0x3] =	stream.indirect.gather [hbm4b:s4+s29], $0x80, s31, s29, $0xb8;
	[tilespmem:$0x1E800] =	vst v63  }
0x10b: {  	_ =	swait.ge [sflag:s18], $0x2000  }
0x10c: {  	[sflag:s18] =	ssyncset.done $0x0  }
0x10d: {  	s31 =	sadd.s32 $0x1680, s16;
	[sflag:s18] =	ssyncadd.s32 $0xFFFFE000  }
0x10e: {  	[spmem:s1] =	stream.indirect.scatter.add.f32 [tilespmem:s0], [sflag:$0x6], $0x80, s31, s29, $0xb8;
	[tilespmem:$0x1E800] =	vst v63  }
0x10f: {  	_ =	swait.ge [sflag:s11], $0x2000  }
0x110: {  	[sflag:s11] =	ssyncset.done $0x0  }
0x111: {  	p1 =	seq.s32 s15, $0x4000;
	s31 =	sadd.s32 $0x380, s16;
	[sflag:s11] =	ssyncadd.s32 $0xFFFFE000  }
0x112: {  	[tilespmem:s21], [sflag:$0x4] =	stream.indirect.gather [hbm4b:s4+s29], $0x80, s31, s29, $0xb8;
	[tilespmem:$0x1E800] =	vst v63  }
.Ltmp7:
0x113: {  	_ = 	snop;
	(pc) =	sbr.rel @p1 .LBB2_12-.Ltmp7, $4  }
0x114: {  	_ =	swait.ge [sflag:s22], $0x2000  }
0x115: {  	[sflag:s22] =	ssyncset.done $0x0  }
0x116: {  	s5 =	sadd.s32 $0x1780, s16;
	s31 =	sadd.s32 $0x1700, s16;
	[sflag:s22] =	ssyncadd.s32 $0xFFFFE000  }
0x117: {  	[spmem:s1] =	stream.indirect.scatter.add.f32 [tilespmem:s17], [sflag:$0x7], $0x80, s31, s29, $0xb8;
	[tilespmem:$0x1E800] =	vst v63  }
0x118: {  	_ =	swait.ge [sflag:s24], $0x2000  }
0x119: {  	[sflag:s24] =	ssyncset.done $0x0  }
0x11a: {  	s31 =	sadd.s32 $0x400, s16;
	[sflag:s24] =	ssyncadd.s32 $0xFFFFE000  }
0x11b: {  	[tilespmem:s30], [sflag:$0x1] =	stream.indirect.gather [hbm4b:s4+s29], $0x80, s31, s29, $0xb8;
	[tilespmem:$0x1E800] =	vst v63  }
0x11c: {  	_ =	swait.ge [sflag:s2], $0x2000  }
0x11d: {  	[sflag:s2] =	ssyncset.done $0x0  }
0x11e: {  	[sflag:s2] =	ssyncadd.s32 $0xFFFFE000  }
0x11f: {  	[spmem:s1] =	stream.indirect.scatter.add.f32 [tilespmem:s21], [sflag:$0x8], $0x80, s5, s29, $0xb8;
	[tilespmem:$0x1E800] =	vst v63  }
.Ltmp8:
0x120: {  	_ = 	snop;
	(pc) =	sbr.rel .LBB2_10-.Ltmp8, $4  }
0x121: {  	_ =	swait.ge [sflag:s8], $0x2000  }
0x122: {  	[sflag:s8] =	ssyncset.done $0x0  }
0x123: {  	s15 =	sadd.s32 $0x800, s15;
	s31 =	sadd.s32 $0x480, s16;
	[sflag:s8] =	ssyncadd.s32 $0xFFFFE000  }
0x124: {  	[tilespmem:s0], [sflag:$0x2] =	stream.indirect.gather [hbm4b:s4+s29], $0x80, s31, s29, $0xb8;
	[tilespmem:$0x1E800] =	vst v63  }
.LBB2_12:
0x125: {  	_ =	swait.ge [sflag:s2], $0x2000  }
0x126: {  	[sflag:s2] =	ssyncset.done $0x0  }
0x127: {  	[sflag:s2] =	ssyncadd.s32 $0xFFFFE000  }
0x128: {  	[spmem:s1] =	stream.indirect.scatter.add.f32 [tilespmem:s21], [sflag:$0x8], $0x80, s5, s29, $0xb8;
	[tilespmem:$0x1E800] =	vst v63  }
0x129: {  	_ =	swait.ge [sflag:s24], $0x2000  }
0x12a: {  	[sflag:s24] =	ssyncset.done $0x0  }
0x12b: {  	[sflag:s24] =	ssyncadd.s32 $0xFFFFE000  }
0x12c: {  	_ =	swait.ge [sflag:s8], $0x2000  }
0x12d: {  	[sflag:s8] =	ssyncset.done $0x0  }
0x12e: {  	[sflag:s8] =	ssyncadd.s32 $0xFFFFE000  }
0x12f: {  	_ =	swait.ge [sflag:s10], $0x2000  }
0x130: {  	[sflag:s10] =	ssyncset.done $0x0  }
0x131: {  	[sflag:s10] =	ssyncadd.s32 $0xFFFFE000  }
0x132: {  	_ =	swait.ge [sflag:s11], $0x2000  }
0x133: {  	[sflag:s11] =	ssyncset.done $0x0  }
0x134: {  	s15 =	simm.s32 $0x0;
	s31 =	rddreg [dreg:$0xa];
	[sflag:s11] =	ssyncadd.s32 $0xFFFFE000  }
0x135: {  	[tilespmem:s15], [sflag:$0x9] =	stream.linear.gather [hbm4b:s31+s15], $0x1400, $0x38;
	[tilespmem:$0x1E800] =	vst v63  }
0x136: {  	_ =	swait.ge [sflag:s26], $0x1400  }
0x137: {  	[sflag:s26] =	ssyncset.done $0x0  }
0x138: {  	s16 =	rddreg [dreg:$0xb];
	[sflag:s26] =	ssyncadd.s32 $0xFFFFEC00  }
0x139: {  	[tilespmem:s28], [sflag:$0x9] =	stream.linear.gather [hbm4b:s16+s15], $0x1400, $0x38;
	[tilespmem:$0x1E800] =	vst v63  }
0x13a: {  	_ =	swait.ge [sflag:s26], $0x1400  }
0x13b: {  	[sflag:s26] =	ssyncset.done $0x0  }
0x13c: {  	[sflag:s26] =	ssyncadd.s32 $0xFFFFEC00  }
0x13d: {  	[tilespmem:s30], [sflag:$0x1] =	stream.indirect.gather [hbm4b:s4+s29], $0x80, s15, s29, $0xb8;
	[tilespmem:$0x1E800] =	vst v63  }
0x13e: {  	s31 =	simm.s32 $0x80  }
0x13f: {  	[tilespmem:s0], [sflag:$0x2] =	stream.indirect.gather [hbm4b:s4+s29], $0x80, s31, s29, $0xb8;
	[tilespmem:$0x1E800] =	vst v63  }
0x140: {  	_ =	swait.ge [sflag:s3], $0x2000  }
0x141: {  	[sflag:s3] =	ssyncset.done $0x0  }
0x142: {  	[sflag:s3] =	ssyncadd.s32 $0xFFFFE000  }
0x143: {  	[spmem:s1] =	stream.indirect.scatter.add.f32 [tilespmem:s30], [sflag:$0x5], $0x80, s28, s29, $0xb8;
	[tilespmem:$0x1E800] =	vst v63  }
0x144: {  	_ = 	snop  }
0x145: {  	[tilespmem:s17], [sflag:$0x3] =	stream.indirect.gather [hbm4b:s4+s29], $0x80, s6, s29, $0xb8;
	[tilespmem:$0x1E800] =	vst v63  }
0x146: {  	_ =	swait.ge [sflag:s18], $0x2000  }
0x147: {  	[sflag:s18] =	ssyncset.done $0x0  }
0x148: {  	[sflag:s18] =	ssyncadd.s32 $0xFFFFE000  }
0x149: {  	[spmem:s1] =	stream.indirect.scatter.add.f32 [tilespmem:s0], [sflag:$0x6], $0x80, s19, s29, $0xb8;
	[tilespmem:$0x1E800] =	vst v63  }
0x14a: {  	_ = 	snop  }
0x14b: {  	[tilespmem:s21], [sflag:$0x4] =	stream.indirect.gather [hbm4b:s4+s29], $0x80, s20, s29, $0xb8;
	[tilespmem:$0x1E800] =	vst v63  }
0x14c: {  	_ =	swait.ge [sflag:s22], $0x2000  }
0x14d: {  	[sflag:s22] =	ssyncset.done $0x0  }
0x14e: {  	[sflag:s22] =	ssyncadd.s32 $0xFFFFE000  }
0x14f: {  	[spmem:s1] =	stream.indirect.scatter.add.f32 [tilespmem:s17], [sflag:$0x7], $0x80, s23, s29, $0xb8;
	[tilespmem:$0x1E800] =	vst v63  }
0x150: {  	_ =	swait.ge [sflag:s24], $0x2000  }
0x151: {  	[sflag:s24] =	ssyncset.done $0x0  }
0x152: {  	[sflag:s24] =	ssyncadd.s32 $0xFFFFE000  }
0x153: {  	[tilespmem:s30], [sflag:$0x1] =	stream.indirect.gather [hbm4b:s4+s29], $0x80, s25, s29, $0xb8;
	[tilespmem:$0x1E800] =	vst v63  }
0x154: {  	_ =	swait.ge [sflag:s2], $0x2000  }
0x155: {  	[sflag:s2] =	ssyncset.done $0x0  }
0x156: {  	[sflag:s2] =	ssyncadd.s32 $0xFFFFE000  }
0x157: {  	[spmem:s1] =	stream.indirect.scatter.add.f32 [tilespmem:s21], [sflag:$0x8], $0x80, s7, s29, $0xb8;
	[tilespmem:$0x1E800] =	vst v63  }
0x158: {  	_ =	swait.ge [sflag:s8], $0x2000  }
0x159: {  	[sflag:s8] =	ssyncset.done $0x0  }
0x15a: {  	[sflag:s8] =	ssyncadd.s32 $0xFFFFE000  }
0x15b: {  	[tilespmem:s0], [sflag:$0x2] =	stream.indirect.gather [hbm4b:s4+s29], $0x80, s9, s29, $0xb8;
	[tilespmem:$0x1E800] =	vst v63  }
.LBB2_13:
0x15c: {  	_ =	swait.ge [sflag:s3], $0x2000  }
0x15d: {  	s16 =	sshra.s32 s15, $0x2;
	[sflag:s3] =	ssyncset.done $0x0  }
0x15e: {  	s5 =	sadd.s32 $0x1600, s16;
	[sflag:s3] =	ssyncadd.s32 $0xFFFFE000  }
0x15f: {  	[spmem:s1] =	stream.indirect.scatter.add.f32 [tilespmem:s30], [sflag:$0x5], $0x80, s5, s29, $0xb8;
	[tilespmem:$0x1E800] =	vst v63  }
0x160: {  	_ =	swait.ge [sflag:s10], $0x2000  }
0x161: {  	[sflag:s10] =	ssyncset.done $0x0  }
0x162: {  	s31 =	sadd.s32 $0x300, s16;
	[sflag:s10] =	ssyncadd.s32 $0xFFFFE000  }
0x163: {  	[tilespmem:s17], [sflag:$0x3] =	stream.indirect.gather [hbm4b:s4+s29], $0x80, s31, s29, $0xb8;
	[tilespmem:$0x1E800] =	vst v63  }
0x164: {  	_ =	swait.ge [sflag:s18], $0x2000  }
0x165: {  	[sflag:s18] =	ssyncset.done $0x0  }
0x166: {  	s31 =	sadd.s32 $0x1680, s16;
	[sflag:s18] =	ssyncadd.s32 $0xFFFFE000  }
0x167: {  	[spmem:s1] =	stream.indirect.scatter.add.f32 [tilespmem:s0], [sflag:$0x6], $0x80, s31, s29, $0xb8;
	[tilespmem:$0x1E800] =	vst v63  }
0x168: {  	_ =	swait.ge [sflag:s11], $0x2000  }
0x169: {  	[sflag:s11] =	ssyncset.done $0x0  }
0x16a: {  	p1 =	seq.s32 s15, $0x4000;
	s31 =	sadd.s32 $0x380, s16;
	[sflag:s11] =	ssyncadd.s32 $0xFFFFE000  }
0x16b: {  	[tilespmem:s21], [sflag:$0x4] =	stream.indirect.gather [hbm4b:s4+s29], $0x80, s31, s29, $0xb8;
	[tilespmem:$0x1E800] =	vst v63  }
.Ltmp9:
0x16c: {  	_ = 	snop;
	(pc) =	sbr.rel @p1 .LBB2_15-.Ltmp9, $4  }
0x16d: {  	_ =	swait.ge [sflag:s22], $0x2000  }
0x16e: {  	[sflag:s22] =	ssyncset.done $0x0  }
0x16f: {  	s5 =	sadd.s32 $0x1780, s16;
	s31 =	sadd.s32 $0x1700, s16;
	[sflag:s22] =	ssyncadd.s32 $0xFFFFE000  }
0x170: {  	[spmem:s1] =	stream.indirect.scatter.add.f32 [tilespmem:s17], [sflag:$0x7], $0x80, s31, s29, $0xb8;
	[tilespmem:$0x1E800] =	vst v63  }
0x171: {  	_ =	swait.ge [sflag:s24], $0x2000  }
0x172: {  	[sflag:s24] =	ssyncset.done $0x0  }
0x173: {  	s31 =	sadd.s32 $0x400, s16;
	[sflag:s24] =	ssyncadd.s32 $0xFFFFE000  }
0x174: {  	[tilespmem:s30], [sflag:$0x1] =	stream.indirect.gather [hbm4b:s4+s29], $0x80, s31, s29, $0xb8;
	[tilespmem:$0x1E800] =	vst v63  }
0x175: {  	_ =	swait.ge [sflag:s2], $0x2000  }
0x176: {  	[sflag:s2] =	ssyncset.done $0x0  }
0x177: {  	[sflag:s2] =	ssyncadd.s32 $0xFFFFE000  }
0x178: {  	[spmem:s1] =	stream.indirect.scatter.add.f32 [tilespmem:s21], [sflag:$0x8], $0x80, s5, s29, $0xb8;
	[tilespmem:$0x1E800] =	vst v63  }
.Ltmp10:
0x179: {  	_ = 	snop;
	(pc) =	sbr.rel .LBB2_13-.Ltmp10, $4  }
0x17a: {  	_ =	swait.ge [sflag:s8], $0x2000  }
0x17b: {  	[sflag:s8] =	ssyncset.done $0x0  }
0x17c: {  	s15 =	sadd.s32 $0x800, s15;
	s31 =	sadd.s32 $0x480, s16;
	[sflag:s8] =	ssyncadd.s32 $0xFFFFE000  }
0x17d: {  	[tilespmem:s0], [sflag:$0x2] =	stream.indirect.gather [hbm4b:s4+s29], $0x80, s31, s29, $0xb8;
	[tilespmem:$0x1E800] =	vst v63  }
.LBB2_15:
0x17e: {  	_ =	swait.ge [sflag:s2], $0x2000  }
0x17f: {  	[sflag:s2] =	ssyncset.done $0x0  }
0x180: {  	[sflag:s2] =	ssyncadd.s32 $0xFFFFE000  }
0x181: {  	[spmem:s1] =	stream.indirect.scatter.add.f32 [tilespmem:s21], [sflag:$0x8], $0x80, s5, s29, $0xb8;
	[tilespmem:$0x1E800] =	vst v63  }
0x182: {  	_ =	swait.ge [sflag:s24], $0x2000  }
0x183: {  	[sflag:s24] =	ssyncset.done $0x0  }
0x184: {  	[sflag:s24] =	ssyncadd.s32 $0xFFFFE000  }
0x185: {  	_ =	swait.ge [sflag:s8], $0x2000  }
0x186: {  	[sflag:s8] =	ssyncset.done $0x0  }
0x187: {  	[sflag:s8] =	ssyncadd.s32 $0xFFFFE000  }
0x188: {  	_ =	swait.ge [sflag:s10], $0x2000  }
0x189: {  	[sflag:s10] =	ssyncset.done $0x0  }
0x18a: {  	[sflag:s10] =	ssyncadd.s32 $0xFFFFE000  }
0x18b: {  	_ =	swait.ge [sflag:s11], $0x2000  }
0x18c: {  	[sflag:s11] =	ssyncset.done $0x0  }
0x18d: {  	s15 =	simm.s32 $0x0;
	s31 =	rddreg [dreg:$0xc];
	[sflag:s11] =	ssyncadd.s32 $0xFFFFE000  }
0x18e: {  	[tilespmem:s15], [sflag:$0x9] =	stream.linear.gather [hbm4b:s31+s15], $0x1400, $0x38;
	[tilespmem:$0x1E800] =	vst v63  }
0x18f: {  	_ =	swait.ge [sflag:s26], $0x1400  }
0x190: {  	[sflag:s26] =	ssyncset.done $0x0  }
0x191: {  	s16 =	rddreg [dreg:$0xd];
	[sflag:s26] =	ssyncadd.s32 $0xFFFFEC00  }
0x192: {  	[tilespmem:s28], [sflag:$0x9] =	stream.linear.gather [hbm4b:s16+s15], $0x1400, $0x38;
	[tilespmem:$0x1E800] =	vst v63  }
0x193: {  	_ =	swait.ge [sflag:s26], $0x1400  }
0x194: {  	[sflag:s26] =	ssyncset.done $0x0  }
0x195: {  	[sflag:s26] =	ssyncadd.s32 $0xFFFFEC00  }
0x196: {  	[tilespmem:s30], [sflag:$0x1] =	stream.indirect.gather [hbm4b:s4+s29], $0x80, s15, s29, $0xb8;
	[tilespmem:$0x1E800] =	vst v63  }
0x197: {  	s31 =	simm.s32 $0x80  }
0x198: {  	[tilespmem:s0], [sflag:$0x2] =	stream.indirect.gather [hbm4b:s4+s29], $0x80, s31, s29, $0xb8;
	[tilespmem:$0x1E800] =	vst v63  }
0x199: {  	_ =	swait.ge [sflag:s3], $0x2000  }
0x19a: {  	[sflag:s3] =	ssyncset.done $0x0  }
0x19b: {  	[sflag:s3] =	ssyncadd.s32 $0xFFFFE000  }
0x19c: {  	[spmem:s1] =	stream.indirect.scatter.add.f32 [tilespmem:s30], [sflag:$0x5], $0x80, s28, s29, $0xb8;
	[tilespmem:$0x1E800] =	vst v63  }
0x19d: {  	_ = 	snop  }
0x19e: {  	[tilespmem:s17], [sflag:$0x3] =	stream.indirect.gather [hbm4b:s4+s29], $0x80, s6, s29, $0xb8;
	[tilespmem:$0x1E800] =	vst v63  }
0x19f: {  	_ =	swait.ge [sflag:s18], $0x2000  }
0x1a0: {  	[sflag:s18] =	ssyncset.done $0x0  }
0x1a1: {  	[sflag:s18] =	ssyncadd.s32 $0xFFFFE000  }
0x1a2: {  	[spmem:s1] =	stream.indirect.scatter.add.f32 [tilespmem:s0], [sflag:$0x6], $0x80, s19, s29, $0xb8;
	[tilespmem:$0x1E800] =	vst v63  }
0x1a3: {  	_ = 	snop  }
0x1a4: {  	[tilespmem:s21], [sflag:$0x4] =	stream.indirect.gather [hbm4b:s4+s29], $0x80, s20, s29, $0xb8;
	[tilespmem:$0x1E800] =	vst v63  }
0x1a5: {  	_ =	swait.ge [sflag:s22], $0x2000  }
0x1a6: {  	[sflag:s22] =	ssyncset.done $0x0  }
0x1a7: {  	[sflag:s22] =	ssyncadd.s32 $0xFFFFE000  }
0x1a8: {  	[spmem:s1] =	stream.indirect.scatter.add.f32 [tilespmem:s17], [sflag:$0x7], $0x80, s23, s29, $0xb8;
	[tilespmem:$0x1E800] =	vst v63  }
0x1a9: {  	_ =	swait.ge [sflag:s24], $0x2000  }
0x1aa: {  	[sflag:s24] =	ssyncset.done $0x0  }
0x1ab: {  	[sflag:s24] =	ssyncadd.s32 $0xFFFFE000  }
0x1ac: {  	[tilespmem:s30], [sflag:$0x1] =	stream.indirect.gather [hbm4b:s4+s29], $0x80, s25, s29, $0xb8;
	[tilespmem:$0x1E800] =	vst v63  }
0x1ad: {  	_ =	swait.ge [sflag:s2], $0x2000  }
0x1ae: {  	[sflag:s2] =	ssyncset.done $0x0  }
0x1af: {  	[sflag:s2] =	ssyncadd.s32 $0xFFFFE000  }
0x1b0: {  	[spmem:s1] =	stream.indirect.scatter.add.f32 [tilespmem:s21], [sflag:$0x8], $0x80, s7, s29, $0xb8;
	[tilespmem:$0x1E800] =	vst v63  }
0x1b1: {  	_ =	swait.ge [sflag:s8], $0x2000  }
0x1b2: {  	[sflag:s8] =	ssyncset.done $0x0  }
0x1b3: {  	[sflag:s8] =	ssyncadd.s32 $0xFFFFE000  }
0x1b4: {  	[tilespmem:s0], [sflag:$0x2] =	stream.indirect.gather [hbm4b:s4+s29], $0x80, s9, s29, $0xb8;
	[tilespmem:$0x1E800] =	vst v63  }
.LBB2_16:
0x1b5: {  	_ =	swait.ge [sflag:s3], $0x2000  }
0x1b6: {  	s16 =	sshra.s32 s15, $0x2;
	[sflag:s3] =	ssyncset.done $0x0  }
0x1b7: {  	s5 =	sadd.s32 $0x1600, s16;
	[sflag:s3] =	ssyncadd.s32 $0xFFFFE000  }
0x1b8: {  	[spmem:s1] =	stream.indirect.scatter.add.f32 [tilespmem:s30], [sflag:$0x5], $0x80, s5, s29, $0xb8;
	[tilespmem:$0x1E800] =	vst v63  }
0x1b9: {  	_ =	swait.ge [sflag:s10], $0x2000  }
0x1ba: {  	[sflag:s10] =	ssyncset.done $0x0  }
0x1bb: {  	s31 =	sadd.s32 $0x300, s16;
	[sflag:s10] =	ssyncadd.s32 $0xFFFFE000  }
0x1bc: {  	[tilespmem:s17], [sflag:$0x3] =	stream.indirect.gather [hbm4b:s4+s29], $0x80, s31, s29, $0xb8;
	[tilespmem:$0x1E800] =	vst v63  }
0x1bd: {  	_ =	swait.ge [sflag:s18], $0x2000  }
0x1be: {  	[sflag:s18] =	ssyncset.done $0x0  }
0x1bf: {  	s31 =	sadd.s32 $0x1680, s16;
	[sflag:s18] =	ssyncadd.s32 $0xFFFFE000  }
0x1c0: {  	[spmem:s1] =	stream.indirect.scatter.add.f32 [tilespmem:s0], [sflag:$0x6], $0x80, s31, s29, $0xb8;
	[tilespmem:$0x1E800] =	vst v63  }
0x1c1: {  	_ =	swait.ge [sflag:s11], $0x2000  }
0x1c2: {  	[sflag:s11] =	ssyncset.done $0x0  }
0x1c3: {  	p1 =	seq.s32 s15, $0x4000;
	s31 =	sadd.s32 $0x380, s16;
	[sflag:s11] =	ssyncadd.s32 $0xFFFFE000  }
0x1c4: {  	[tilespmem:s21], [sflag:$0x4] =	stream.indirect.gather [hbm4b:s4+s29], $0x80, s31, s29, $0xb8;
	[tilespmem:$0x1E800] =	vst v63  }
.Ltmp11:
0x1c5: {  	_ = 	snop;
	(pc) =	sbr.rel @p1 .LBB2_18-.Ltmp11, $4  }
0x1c6: {  	_ =	swait.ge [sflag:s22], $0x2000  }
0x1c7: {  	[sflag:s22] =	ssyncset.done $0x0  }
0x1c8: {  	s5 =	sadd.s32 $0x1780, s16;
	s31 =	sadd.s32 $0x1700, s16;
	[sflag:s22] =	ssyncadd.s32 $0xFFFFE000  }
0x1c9: {  	[spmem:s1] =	stream.indirect.scatter.add.f32 [tilespmem:s17], [sflag:$0x7], $0x80, s31, s29, $0xb8;
	[tilespmem:$0x1E800] =	vst v63  }
0x1ca: {  	_ =	swait.ge [sflag:s24], $0x2000  }
0x1cb: {  	[sflag:s24] =	ssyncset.done $0x0  }
0x1cc: {  	s31 =	sadd.s32 $0x400, s16;
	[sflag:s24] =	ssyncadd.s32 $0xFFFFE000  }
0x1cd: {  	[tilespmem:s30], [sflag:$0x1] =	stream.indirect.gather [hbm4b:s4+s29], $0x80, s31, s29, $0xb8;
	[tilespmem:$0x1E800] =	vst v63  }
0x1ce: {  	_ =	swait.ge [sflag:s2], $0x2000  }
0x1cf: {  	[sflag:s2] =	ssyncset.done $0x0  }
0x1d0: {  	[sflag:s2] =	ssyncadd.s32 $0xFFFFE000  }
0x1d1: {  	[spmem:s1] =	stream.indirect.scatter.add.f32 [tilespmem:s21], [sflag:$0x8], $0x80, s5, s29, $0xb8;
	[tilespmem:$0x1E800] =	vst v63  }
.Ltmp12:
0x1d2: {  	_ = 	snop;
	(pc) =	sbr.rel .LBB2_16-.Ltmp12, $4  }
0x1d3: {  	_ =	swait.ge [sflag:s8], $0x2000  }
0x1d4: {  	[sflag:s8] =	ssyncset.done $0x0  }
0x1d5: {  	s15 =	sadd.s32 $0x800, s15;
	s31 =	sadd.s32 $0x480, s16;
	[sflag:s8] =	ssyncadd.s32 $0xFFFFE000  }
0x1d6: {  	[tilespmem:s0], [sflag:$0x2] =	stream.indirect.gather [hbm4b:s4+s29], $0x80, s31, s29, $0xb8;
	[tilespmem:$0x1E800] =	vst v63  }
.LBB2_19:
0x1d7: {  	_ =	sfence.sel $0x180000  }
0x1d8: {  	[bflag:$0x0] =	sbarrier.arrive $0xFFFF  }
0x1d9: {  	_ =	strace $0x9000004A  }
0x1da: {  	s0 =	stileid.u32;
	[bflag:$0x2] =	sbarrier.arrive $0xFFFF  }
0x1db: {  	p0 =	sne.s32 s0, $0x0;
	s0 =	rddreg [dreg:$0x3]  }
0x1dc: {  	s0 =	sadd.s32 @!p0 $0x100000, s0  }
0x1dd: {  	[sflag:s0] =	ssyncadd.tile.s32 @!p0 $0x1;
	_ =	shalt  }
.Lfunc_end2:
_tile_overlayer_lowered:
.L_overlay_start_2:
0x1de: {  	(tag) =	ssettag $0x2  }
0x1df: {  	s0 =	rddreg [dreg:$0x0];
	s2 =	stileid.u32  }
0x1e0: {  	s1 =	rddreg [dreg:$0x1];
	p0 =	sne.s32 s2, $0x0  }
0x1e1: {  	s3 =	rddreg [dreg:$0x2];
	[bflag:$0x3] =	sbarrier.arrive $0xFFFF;
	s2 =	simm.s32 @!p0 $0x1C09  }
0x1e2: {  	[timem:s3], [sflag:s2] =	dma.local @!p0 [hbm:s0], s1  }
0x1e3: {  	s0 =	simm.s32 @!p0 $0x9  }
0x1e4: {  	_ =	swait.ge @!p0 [sflag:s0], s1  }
0x1e5: {  	s1 =	ssub.s32 @!p0 $0x0, s1;
	[sflag:s0] =	ssyncset.done @!p0 $0x0  }
0x1e6: {  	[sflag:s0] =	ssyncadd.s32 @!p0 s1  }
0x1e7: {  	[bflag:$0x3] =	sbarrier.arrive $0xFFFF  }
0x1e8: {  	_ =	shalt  }

// kernel: kernel.14.cloned.1.call-start
scs
__scs_entry_jumppad:
0x0: {  	(pc) =	sbr.rel $0x88, $3  }
0x1: {  	(tag) =	ssettag $0x0;
	lr =	simm.s32 $0x1  }
0x2: {  	[smem:$0x3F9D] =	sst lr;
	_ =	strace $0xD0000000  }
0x3: {  	_ = 	snop  }
0x4: {  	_ = 	snop  }
0x5: {  	_ = 	snop  }
0x6: {  	_ = 	snop  }
0x7: {  	_ = 	snop  }
__scs_overlays_trampoline_lowered:
0x8: {  	[smem:$0x3FAC] =	sst s0  }
0x9: {  	[smem:$0x3FAD] =	sst s1  }
0xa: {  	[smem:$0x3FAE] =	sst s2  }
0xb: {  	[smem:$0x3FAF] =	sst s3  }
0xc: {  	[smem:$0x3FB0] =	sst s4  }
0xd: {  	[smem:$0x3FB1] =	sst s5  }
0xe: {  	[smem:$0x3FB2] =	sst s6  }
0xf: {  	[smem:$0x3FB3] =	sst s7  }
0x10: {  	[smem:$0x3FB4] =	sst s8  }
0x11: {  	[smem:$0x3FB5] =	sst s9;
	s0 =	simm.s32 @!p0 $0x0  }
0x12: {  	s1 =	sld [smem:$0x3F9B];
	s0 =	simm.s32 @p0 $0x1  }
0x13: {  	[smem:$0x3FB6] =	sst s0;
	s0 =	simm.s32 @!p1 $0x0  }
0x14: {  	s2 =	sld [smem:$0x3F9A];
	s0 =	simm.s32 @p1 $0x1  }
0x15: {  	[smem:$0x3FB7] =	sst s0;
	s0 =	simm.s32 @!p2 $0x0  }
0x16: {  	s3 =	sld [smem:$0x3FDB];
	s0 =	simm.s32 @p2 $0x1  }
0x17: {  	s4 =	simm.s32 $0x1BF5;
	[smem:$0x3FB9] =	sst s0  }
0x18: {  	s0 =	sld [smem:$0x3F9C];
	_ =	swait.ge [sflag:s4], $0x0  }
0x19: {  	s7 =	sld [smem:$0x3F9D]  }
0x1a: {  	s8 =	sadd.s32 $0xFFFFE003, lr  }
0x1b: {  	s9 =	sadd.s32 $0xFFFFFEF7, lr;
	s5 =	simm.s32 $0xFFFFFFFF;
	p2 =	slt.u32 s8, $0xFFFFF086  }
0x1c: {  	p1 =	slt.u32 s9, $0xF7A;
	s5 =	simm.s32 @!p2 $0x0  }
0x1d: {  	s5 =	simm.s32 @p1 $0x1;
	p0 =	seq.s32 s7, s2  }
0x1e: {  	s7 =	smul.u32 @!p0 $0xF7A, s2;
	p2 =	seq.s32 @!p0 s5, $0x0  }
0x1f: {  	s9 =	smul.u32 $0xF7A, s1;
	s8 =	simm.s32 @!p0 $0x1BF5;
	p2 =	por !p2, p0  }
0x20: {  	[sflag:s8] =	ssyncset.s32 @!p0 $0xFFFFF086;
	s6 =	sadd.s32 @!p0 s3, s7;
	s7 =	simm.s32 @!p0 $0x108  }
0x21: {  	s3 =	sadd.s32 s3, s9;
	s6 =	sadd.s32 @!p0 $0x88, s6;
	s7 =	simm.s32 @p2 $0x1082  }
0x22: {  	[simem:s7], [sflag:s8] =	dma.local @!p0 [hbm:s6], $0xF7A  }
0x23: {  	s9 =	sor.u32 $0xD0000000, s2;
	s6 =	simm.s32 $0x108;
	_ =	swait.ge @!p0 [sflag:s8], $0x0  }
0x24: {  	s3 =	sadd.s32 $0x88, s3;
	s6 =	simm.s32 @!p1 $0x1082;
	[sflag:s4] =	ssyncset.s32 $0xFFFFF086  }
0x25: {  	[simem:s6], [sflag:s4] =	dma.local [hbm:s3], $0xF7A  }
0x26: {  	[smem:$0x3F9D] =	sst s1;
	(tag) =	ssettag s2;
	_ =	strace s9  }
0x27: {  	s1 =	sld [smem:$0x3FAD]  }
0x28: {  	s2 =	sld [smem:$0x3FAE]  }
0x29: {  	s4 =	sld [smem:$0x3FB0]  }
0x2a: {  	p0 =	seq.s32 s5, $0x0;
	s5 =	sld [smem:$0x3FB1]  }
0x2b: {  	s6 =	sld [smem:$0x3FB2]  }
0x2c: {  	s7 =	sld [smem:$0x3FB3]  }
0x2d: {  	s3 =	simm.s32 $0x108;
	s8 =	sld [smem:$0x3FB4]  }
0x2e: {  	s3 =	simm.s32 @!p0 $0x1082;
	s9 =	sld [smem:$0x3FB5]  }
0x2f: {  	lr =	sadd.s32 s0, s3;
	s0 =	sld [smem:$0x3FAC]  }
0x30: {  	s3 =	sld [smem:$0x3FAF]  }
0x31: {  	[smem:$0x3FB8] =	sst s10  }
0x32: {  	s10 =	sld [smem:$0x3FB6];
	_ =	sdelay $0x3  }
0x33: {  	p0 =	seq.s32 s10, $0x1;
	s10 =	sld [smem:$0x3FB8];
	_ =	sdelay $0x3  }
0x34: {  	[smem:$0x3FB8] =	sst s10  }
0x35: {  	s10 =	sld [smem:$0x3FB7];
	_ =	sdelay $0x3  }
0x36: {  	p1 =	seq.s32 s10, $0x1;
	s10 =	sld [smem:$0x3FB8];
	_ =	sdelay $0x3  }
0x37: {  	[smem:$0x3FB8] =	sst s10  }
0x38: {  	s10 =	sld [smem:$0x3FB9]  }
0x39: {  	_ = 	snop;
	(pc) =	sbr.ind lr, $3  }
0x3a: {  	_ = 	snop  }
0x3b: {  	_ = 	snop  }
0x3c: {  	p2 =	seq.s32 s10, $0x1;
	s10 =	sld [smem:$0x3FB8]  }
0x3d: {  	_ =	shalt  }
0x3e: {  	_ =	shalt  }
0x3f: {  	_ =	shalt  }
0x40: {  	_ =	shalt  }
0x41: {  	_ =	shalt  }
0x42: {  	_ =	shalt  }
0x43: {  	_ =	shalt  }
0x44: {  	_ =	shalt  }
0x45: {  	_ =	shalt  }
0x46: {  	_ =	shalt  }
0x47: {  	_ =	shalt  }
0x48: {  	_ =	shalt  }
0x49: {  	_ =	shalt  }
0x4a: {  	_ =	shalt  }
0x4b: {  	_ =	shalt  }
0x4c: {  	_ =	shalt  }
0x4d: {  	_ =	shalt  }
0x4e: {  	_ =	shalt  }
0x4f: {  	_ =	shalt  }
0x50: {  	_ =	shalt  }
0x51: {  	_ =	shalt  }
0x52: {  	_ =	shalt  }
0x53: {  	_ =	shalt  }
0x54: {  	_ =	shalt  }
0x55: {  	_ =	shalt  }
0x56: {  	_ =	shalt  }
0x57: {  	_ =	shalt  }
0x58: {  	_ =	shalt  }
0x59: {  	_ =	shalt  }
0x5a: {  	_ =	shalt  }
0x5b: {  	_ =	shalt  }
0x5c: {  	_ =	shalt  }
0x5d: {  	_ =	shalt  }
0x5e: {  	_ =	shalt  }
0x5f: {  	_ =	shalt  }
0x60: {  	_ =	shalt  }
0x61: {  	_ =	shalt  }
0x62: {  	_ =	shalt  }
0x63: {  	_ =	shalt  }
0x64: {  	_ =	shalt  }
0x65: {  	_ =	shalt  }
0x66: {  	_ =	shalt  }
0x67: {  	_ =	shalt  }
0x68: {  	_ =	shalt  }
0x69: {  	_ =	shalt  }
0x6a: {  	_ =	shalt  }
0x6b: {  	_ =	shalt  }
0x6c: {  	_ =	shalt  }
0x6d: {  	_ =	shalt  }
0x6e: {  	_ =	shalt  }
0x6f: {  	_ =	shalt  }
0x70: {  	_ =	shalt  }
0x71: {  	_ =	shalt  }
0x72: {  	_ =	shalt  }
0x73: {  	_ =	shalt  }
0x74: {  	_ =	shalt  }
0x75: {  	_ =	shalt  }
0x76: {  	_ =	shalt  }
0x77: {  	_ =	shalt  }
0x78: {  	_ =	shalt  }
0x79: {  	_ =	shalt  }
0x7a: {  	_ =	shalt  }
0x7b: {  	_ =	shalt  }
0x7c: {  	_ =	shalt  }
0x7d: {  	_ =	shalt  }
0x7e: {  	_ =	shalt  }
0x7f: {  	_ =	shalt  }
0x80: {  	_ =	shalt  }
0x81: {  	_ =	shalt  }
0x82: {  	_ =	shalt  }
0x83: {  	_ =	shalt  }
0x84: {  	_ =	shalt  }
0x85: {  	_ =	shalt  }
0x86: {  	_ =	shalt  }
0x87: {  	_ =	shalt  }
.Lfunc_end0:
.L_simem_size_0:
called_computation.2_lowered:
.L_overlay_start_0:
0x88: {  	s2 =	sld [smem:$0x3FD9]  }
0x89: {  	s3 =	sld [smem:$0x3FFE];
	_ =	sdelay $0x1  }
0x8a: {  	s1 =	srdreg.scid  }
0x8b: {  	s0 =	sand.u32 $0x1, s1  }
0x8c: {  	s17 =	sshll.u32 s0, $0xA;
	s2 =	sadd.s32 s3, s2  }
0x8d: {  	s2 =	sadd.s32 s2, s17  }
0x8e: {  	[smem:$0x3FC4] =	sst s2  }
0x8f: {  	_ = 	snop  }
0x90: {  	s2 =	sld [smem:$0x3FD0];
	(tm) =	ssettm $0x1  }
0x91: {  	s18 =	sld [smem:$0x3FFB];
	_ =	sdelay $0x3  }
0x92: {  	_ =	strace s18  }
0x93: {  	s3 =	sld [smem:$0x3FFC];
	_ =	sdelay $0x3  }
0x94: {  	_ =	strace s3  }
0x95: {  	s3 =	sld [smem:$0x3FFD];
	_ =	sdelay $0x3  }
0x96: {  	_ =	strace s3  }
0x97: {  	_ =	strace $0x8FFFFFFF  }
0x98: {  	s19 =	sld [smem:$0x3FDB];
	_ =	sdelay $0x1  }
0x99: {  	s4 =	simm.s32 $_scs_section_size  }
0x9a: {  	s5 =	simm.s32 $_size__tile_overlayer_lowered;
	s6 =	simm.s32 $_tile_overlayer_lowered  }
0x9b: {  	s22 =	simm.s32 $0x1BFF;
	s21 =	sshll.u32 s6, $0x1;
	s3 =	sadd.s32 s4, s19  }
0x9c: {  	s7 =	simm.s32 $0x0;
	s20 =	sshll.u32 s5, $0x1;
	s5 =	sadd.s32 s21, s3  }
0x9d: {  	[timem:s7], [sflag:s22] =	dma.local [hbm:s5], s20  }
0x9e: {  	_ =	swait.ge [sflag:s22], s20  }
0x9f: {  	s4 =	ssub.s32 $0x0, s20;
	[sflag:s22] =	ssyncset.done $0x0  }
0xa0: {  	[sflag:s22] =	ssyncadd.s32 s4;
	_ =	sdelay $0x1  }
0xa1: {  	s23 =	simm.s32 $0x1B8B  }
0xa2: {  	_ =	swait.ge [sflag:s23], $0x1  }
0xa3: {  	[sflag:s23] =	ssyncset.done $0x0  }
0xa4: {  	s25 =	simm.s32 $0x1B8E;
	s24 =	sld [smem:$0x3FFE];
	[sflag:s23] =	ssyncadd.s32 $0xFFFFFFFF  }
0xa5: {  	s26 =	simm.s32 $execute0_lowered;
	[smem:$0x3FD2] =	sst s25  }
0xa6: {  	s5 =	sshll.u32 s26, $0x1;
	_ =	strace $0x8000004C;
	[dreg:$0x1] =	wrdreg $0xFFFFFFFF  }
0xa7: {  	s28 =	simm.s32 $_size_execute0_lowered;
	s3 =	sadd.s32 s3, s5;
	[dreg:$0x0] =	wrdreg $0x0  }
0xa8: {  	s5 =	sshll.u32 s28, $0x1;
	[dreg:$0x2] =	wrdreg s3  }
0xa9: {  	[dreg:$0x3] =	wrdreg s5  }
0xaa: {  	[dreg:$0x4] =	wrdreg $0xC0  }
0xab: {  	_ =	task [dreg:s7], $0x5FFFF  }
0xac: {  	[dreg:$0x1] =	wrdreg $0xFFFFFFFF  }
0xad: {  	[dreg:$0x0] =	wrdreg $0x60  }
0xae: {  	[dreg:$0x2] =	wrdreg s24  }
0xaf: {  	[dreg:$0x3] =	wrdreg s2  }
0xb0: {  	[dreg:$0x4] =	wrdreg $0xA8000  }
0xb1: {  	[dreg:$0x5] =	wrdreg $0x9  }
0xb2: {  	_ =	task.clear_ibuf [dreg:s7], $0x6FFFF;
	_ =	strace $0x9000004C  }
0xb3: {  	s29 =	simm.s32 $0x9;
	_ =	strace $0x8000004E  }
0xb4: {  	_ =	swait.ge [sflag:s29], $0x1  }
0xb5: {  	[sflag:s29] =	ssyncadd.s32 $0xFFFFFFFF  }
0xb6: {  	_ =	strace $0x9000004E  }
0xb7: {  	_ =	sfence  }
0xb8: {  	s30 =	sld [smem:$0x0];
	_ =	sdelay $0x2  }
0xb9: {  	s31 =	sshll.u32 s1, $0xD;
	s1 =	sshrl.u32 s1, $0x2  }
0xba: {  	s3 =	sand.u32 $0x4000, s31;
	s1 =	sadd.s32 s1, s30  }
0xbb: {  	s0 =	sor.u32 s3, s0;
	s1 =	sshll.u32 s1, $0x11  }
0xbc: {  	s0 =	sor.u32 s1, s0  }
0xbd: {  	s0 =	sadd.s32 $0x8F2B, s0  }
0xbe: {  	[sflag:s0] =	ssyncadd.remote.s32 $0x1  }
0xbf: {  	_ =	sfence.sel $0xFFFF  }
0xc0: {  	[dreg:$0x0] =	wrdreg $0xFFFFFFFF;
	(pc) =	sbr.abs _section_cstart, $3  }
0xc1: {  	[dreg:$0x1] =	wrdreg $0xFFFFFFFF  }
0xc2: {  	_ =	task.clear_ibuf [dreg:s7], $0x2FFFF;
	_ =	strace $0x9FFFFFFF  }
0xc3: {  	(tm) =	ssettm $0x7FFFFFFF  }
tec
execute0_lowered:
.L_overlay_start_1:
0x0: {  	(tag) =	ssettag $0x1  }
0x1: {  	s0 =	rddreg [dreg:$0x0]  }
0x2: {  	s2 =	rddreg [dreg:$0x1]  }
0x3: {  	s1 =	rddreg [dreg:$0x2]  }
0x4: {  	s3 =	srdreg.scid;
	s4 =	simm.s32 $0x0;
	s10 =	stileid.u32  }
0x5: {  	s28 =	simm.s32 $0x1400;
	s29 =	simm.s32 $0x40;
	s30 =	simm.s32 $0x2800  }
0x6: {  	s3 =	sand.u32 $0x1, s3;
	[smem:$0x7FF] =	sst s4;
	s6 =	smul.u32 $0x14000, s10  }
0x7: {  	s4 =	sadd.s32 $0x16600, s0;
	s7 =	sadd.s32 $0x2600, s0;
	s8 =	smul.u32 $0x50000, s10  }
0x8: {  	s5 =	smul.u32 $0x140000, s3;
	_ =	strace $0x8000004D;
	s26 =	sshll.u32 s3, $0x4  }
0x9: {  	s31 =	ssub.s32 $0x2, s3;
	p0 =	sne.s32 s3, $0x0;
	s8 =	sshrl.u32 s8, $0x2  }
0xa: {  	s3 =	simm.s32 $0x1;
	s9 =	sshrl.u32 s31, $0x1;
	s11 =	sadd.s32 s8, s1  }
0xb: {  	s5 =	sadd.s32 s6, s5;
	s19 =	sadd.s32 $0x2000, s11;
	[dreg:$0x4] =	wrdreg s11  }
0xc: {  	s6 =	sor.u32 s10, s26;
	s20 =	sadd.s32 $0x4000, s11;
	[dreg:$0x10] =	wrdreg s19  }
0xd: {  	s10 =	smul.u32 $0x2800, s10;
	s21 =	sadd.s32 $0x6000, s11;
	[dreg:$0x11] =	wrdreg s20  }
0xe: {  	s5 =	sshrl.u32 s5, $0x3;
	s22 =	sadd.s32 $0x8000, s11;
	[dreg:$0x12] =	wrdreg s21  }
0xf: {  	s6 =	smul.u32 $0x5000, s6;
	s23 =	sadd.s32 $0xA000, s11;
	[dreg:$0x13] =	wrdreg s22  }
0x10: {  	s24 =	sadd.s32 $0xC000, s11;
	s25 =	sadd.s32 $0xE000, s11;
	[dreg:$0x14] =	wrdreg s23  }
0x11: {  	s26 =	sadd.s32 $0x10000, s11;
	s0 =	sadd.s32 s5, s0;
	[dreg:$0x15] =	wrdreg s24  }
0x12: {  	s5 =	ssub.s32 s31, s9;
	s9 =	sadd.s32 s4, s10;
	[dreg:$0x16] =	wrdreg s25  }
0x13: {  	[dreg:$0x17] =	wrdreg s26;
	s31 =	sadd.s32 $0x12000, s11;
	s26 =	simm.s32 $0x9  }
0x14: {  	s19 =	simm.s32 $0x1480;
	s20 =	simm.s32 $0x180;
	s21 =	simm.s32 $0x8800  }
0x15: {  	s22 =	simm.s32 $0x3;
	s23 =	simm.s32 $0x1500;
	s24 =	simm.s32 $0x5  }
0x16: {  	s25 =	simm.s32 $0x200;
	s11 =	simm.s32 $0x8;
	[dreg:$0x5] =	wrdreg s9  }
0x17: {  	s6 =	sshrl.u32 s6, $0x3;
	s0 =	sadd.s32 $0x3E600, s0;
	[dreg:$0x18] =	wrdreg s31  }
0x18: {  	s18 =	smax.u32 s5, $0x1;
	s9 =	simm.s32 $0x280;
	[dreg:$0xe] =	wrdreg s0  }
0x19: {  	s10 =	sadd.s32 s7, s6;
	s12 =	sadd.s32 $0x280, s6;
	[dreg:$0xf] =	wrdreg s18  }
0x1a: {  	s13 =	sadd.s32 s2, s6;
	s15 =	sadd.s32 $0x500, s6;
	[dreg:$0x6] =	wrdreg s10  }
0x1b: {  	s6 =	sadd.s32 $0x780, s6;
	[dreg:$0x7] =	wrdreg s13;
	s14 =	sadd.s32 s7, s12  }
0x1c: {  	s0 =	simm.s32 $0x4800;
	s8 =	sadd.s32 s2, s12;
	[dreg:$0x8] =	wrdreg s14  }
0x1d: {  	s18 =	simm.s32 $0x2;
	s16 =	sadd.s32 s7, s15;
	[dreg:$0x9] =	wrdreg s8  }
.Ltmp0:
0x1e: {  	s17 =	sadd.s32 s2, s15;
	[dreg:$0xa] =	wrdreg s16;
	(pc) =	sbr.rel .LBB2_1-.Ltmp0, $4  }
0x1f: {  	s7 =	sadd.s32 s7, s6;
	s2 =	sadd.s32 s2, s6;
	[dreg:$0xb] =	wrdreg s17  }
0x20: {  	s6 =	simm.s32 $0x100;
	s10 =	simm.s32 $0x7;
	[dreg:$0xc] =	wrdreg s7  }
0x21: {  	s12 =	simm.s32 $0x0;
	[dreg:$0xd] =	wrdreg s2;
	s17 =	simm.s32 $0x6800  }
0x22: {  	v0 =	vimm.f32 $0.0e+00;
	s2 =	simm.s32 $0x4;
	s7 =	simm.s32 $0x1580;
	s8 =	simm.s32 $0x6  }
.LBB2_18:
0x23: {  	_ =	swait.ge [sflag:s2], $0x2000  }
0x24: {  	[sflag:s2] =	ssyncset.done $0x0  }
0x25: {  	[sflag:s2] =	ssyncadd.s32 $0xFFFFE000  }
0x26: {  	[spmem:s1] =	stream.indirect.scatter.add.f32 [tilespmem:s21], [sflag:$0x8], $0x80, s5, s29, $0xb8;
	[tilespmem:$0x1E800] =	vst v63  }
0x27: {  	_ =	swait.ge [sflag:s24], $0x2000  }
0x28: {  	[sflag:s24] =	ssyncset.done $0x0  }
0x29: {  	[sflag:s24] =	ssyncadd.s32 $0xFFFFE000  }
0x2a: {  	_ =	swait.ge [sflag:s8], $0x2000  }
0x2b: {  	[sflag:s8] =	ssyncset.done $0x0  }
0x2c: {  	[sflag:s8] =	ssyncadd.s32 $0xFFFFE000  }
0x2d: {  	_ =	swait.ge [sflag:s10], $0x2000  }
0x2e: {  	[sflag:s10] =	ssyncset.done $0x0  }
0x2f: {  	[sflag:s10] =	ssyncadd.s32 $0xFFFFE000  }
0x30: {  	_ =	swait.ge [sflag:s11], $0x2000  }
0x31: {  	[sflag:s11] =	ssyncset.done $0x0  }
0x32: {  	[sflag:s11] =	ssyncadd.s32 $0xFFFFE000  }
0x33: {  	[bflag:$0x0] =	sbarrier.arrive $0xFFFF  }
0x34: {  	s16 =	rddreg [dreg:$0xe]  }
0x35: {  	[hbm:s16], [sflag:s14] =	dma.local [spmem:s13], $0x2800  }
0x36: {  	_ =	swait.ge [sflag:s26], $0x2800  }
0x37: {  	s12 =	sadd.s32 $0x1, s12;
	s31 =	rddreg [dreg:$0xf]  }
0x38: {  	p1 =	sne.s32 s12, s31  }
.Ltmp1:
0x39: {  	_ = 	snop;
	(pc) =	sbr.rel @!p1 .LBB2_19-.Ltmp1, $3  }
0x3a: {  	_ =	sdelay $0x1  }
0x3b: {  	[sflag:s26] =	ssyncset.done $0x0  }
0x3c: {  	[sflag:s26] =	ssyncadd.s32 $0xFFFFD800  }
.LBB2_1:
.Ltmp2:
0x3d: {  	(pc) =	sbr.rel @p0 .LBB2_3-.Ltmp2, $4  }
0x3e: {  	_ = 	snop  }
0x3f: {  	s5 =	stileid.u32  }
0x40: {  	s13 =	rddreg [dreg:$0x4];
	s5 =	sshll.u32 s5, $0x6  }
0x41: {  	s13 =	sshrl.u32 s13, $0x3;
	s14 =	sor.u32 $0x1C09, s5  }
.Ltmp3:
0x42: {  	s5 =	rddreg [dreg:$0x5];
	(pc) =	sbr.rel .LBB2_6-.Ltmp3, $4  }
0x43: {  	[spmem:s13], [sflag:s14] =	dma.local [hbm:s5], $0x2800  }
0x44: {  	_ =	swait.ge [sflag:s26], $0x2800  }
0x45: {  	[sflag:s26] =	ssyncset.done $0x0  }
0x46: {  	[sflag:s26] =	ssyncadd.s32 $0xFFFFD800  }
.LBB2_3:
0x47: {  	s5 =	simm.s32 $0x0  }
0x48: {  	s15 =	sshra.s32 s5, $0x2;
	s16 =	sadd.s32 $0x200, s5  }
.LBB2_4:
0x49: {  	p1 =	seq.s32 s16, $0x7E00;
	[tilespmem:s15+$0x2870] =	vst v0  }
0x4a: {  	[tilespmem:s15+$0x2800] =	vst v0  }
0x4b: {  	[tilespmem:s15+$0x2810] =	vst v0  }
.Ltmp4:
0x4c: {  	[tilespmem:s15+$0x2820] =	vst v0;
	(pc) =	sbr.rel @!p1 .LBB2_4-.Ltmp4, $4  }
0x4d: {  	[tilespmem:s15+$0x2830] =	vst v0  }
0x4e: {  	[tilespmem:s15+$0x2840] =	vst v0  }
0x4f: {  	[tilespmem:s15+$0x2850] =	vst v0  }
0x50: {  	[tilespmem:s15+$0x2860] =	vst v0;
	s15 =	sshra.s32 s16, $0x2;
	s16 =	sadd.s32 $0x200, s16  }
0x51: {  	[tilespmem:s15+$0x2870] =	vst v0  }
0x52: {  	[tilespmem:s15+$0x2800] =	vst v0  }
0x53: {  	[tilespmem:s15+$0x2810] =	vst v0  }
0x54: {  	[tilespmem:s15+$0x2820] =	vst v0  }
0x55: {  	[tilespmem:s15+$0x2830] =	vst v0  }
0x56: {  	[tilespmem:s15+$0x2840] =	vst v0  }
0x57: {  	[tilespmem:s15+$0x2850] =	vst v0  }
0x58: {  	[tilespmem:s15+$0x2860] =	vst v0;
	s5 =	rddreg [dreg:$0x4]  }
0x59: {  	[spmem:s5] =	stream.linear.scatter [tilespmem:s30], [sflag:$0x9], $0x2000, $0x38;
	[tilespmem:$0x1E800] =	vst v63  }
0x5a: {  	_ =	swait.ge [sflag:s26], $0x2000  }
0x5b: {  	[sflag:s26] =	ssyncset.done $0x0  }
0x5c: {  	s15 =	rddreg [dreg:$0x10];
	[sflag:s26] =	ssyncadd.s32 $0xFFFFE000  }
0x5d: {  	[spmem:s15] =	stream.linear.scatter [tilespmem:s30], [sflag:$0x9], $0x2000, $0x38;
	[tilespmem:$0x1E800] =	vst v63  }
0x5e: {  	_ =	swait.ge [sflag:s26], $0x2000  }
0x5f: {  	[sflag:s26] =	ssyncset.done $0x0  }
0x60: {  	s16 =	rddreg [dreg:$0x11];
	[sflag:s26] =	ssyncadd.s32 $0xFFFFE000  }
0x61: {  	[spmem:s16] =	stream.linear.scatter [tilespmem:s30], [sflag:$0x9], $0x2000, $0x38;
	[tilespmem:$0x1E800] =	vst v63  }
0x62: {  	_ =	swait.ge [sflag:s26], $0x2000  }
0x63: {  	[sflag:s26] =	ssyncset.done $0x0  }
0x64: {  	s31 =	rddreg [dreg:$0x12];
	[sflag:s26] =	ssyncadd.s32 $0xFFFFE000  }
0x65: {  	[spmem:s31] =	stream.linear.scatter [tilespmem:s30], [sflag:$0x9], $0x2000, $0x38;
	[tilespmem:$0x1E800] =	vst v63  }
0x66: {  	_ =	swait.ge [sflag:s26], $0x2000  }
0x67: {  	[sflag:s26] =	ssyncset.done $0x0  }
0x68: {  	s15 =	rddreg [dreg:$0x13];
	[sflag:s26] =	ssyncadd.s32 $0xFFFFE000  }
0x69: {  	[spmem:s15] =	stream.linear.scatter [tilespmem:s30], [sflag:$0x9], $0x2000, $0x38;
	[tilespmem:$0x1E800] =	vst v63  }
0x6a: {  	_ =	swait.ge [sflag:s26], $0x2000  }
0x6b: {  	[sflag:s26] =	ssyncset.done $0x0  }
0x6c: {  	s16 =	rddreg [dreg:$0x14];
	[sflag:s26] =	ssyncadd.s32 $0xFFFFE000  }
0x6d: {  	[spmem:s16] =	stream.linear.scatter [tilespmem:s30], [sflag:$0x9], $0x2000, $0x38;
	[tilespmem:$0x1E800] =	vst v63  }
0x6e: {  	_ =	swait.ge [sflag:s26], $0x2000  }
0x6f: {  	[sflag:s26] =	ssyncset.done $0x0  }
0x70: {  	s31 =	rddreg [dreg:$0x15];
	[sflag:s26] =	ssyncadd.s32 $0xFFFFE000  }
0x71: {  	[spmem:s31] =	stream.linear.scatter [tilespmem:s30], [sflag:$0x9], $0x2000, $0x38;
	[tilespmem:$0x1E800] =	vst v63  }
0x72: {  	_ =	swait.ge [sflag:s26], $0x2000  }
0x73: {  	[sflag:s26] =	ssyncset.done $0x0  }
0x74: {  	s15 =	rddreg [dreg:$0x16];
	[sflag:s26] =	ssyncadd.s32 $0xFFFFE000  }
0x75: {  	[spmem:s15] =	stream.linear.scatter [tilespmem:s30], [sflag:$0x9], $0x2000, $0x38;
	[tilespmem:$0x1E800] =	vst v63  }
0x76: {  	_ =	swait.ge [sflag:s26], $0x2000  }
0x77: {  	[sflag:s26] =	ssyncset.done $0x0  }
0x78: {  	s16 =	rddreg [dreg:$0x17];
	[sflag:s26] =	ssyncadd.s32 $0xFFFFE000  }
0x79: {  	[spmem:s16] =	stream.linear.scatter [tilespmem:s30], [sflag:$0x9], $0x2000, $0x38;
	[tilespmem:$0x1E800] =	vst v63  }
0x7a: {  	_ =	swait.ge [sflag:s26], $0x2000  }
0x7b: {  	[sflag:s26] =	ssyncset.done $0x0  }
0x7c: {  	s31 =	rddreg [dreg:$0x18];
	[sflag:s26] =	ssyncadd.s32 $0xFFFFE000  }
0x7d: {  	[spmem:s31] =	stream.linear.scatter [tilespmem:s30], [sflag:$0x9], $0x2000, $0x38;
	[tilespmem:$0x1E800] =	vst v63  }
0x7e: {  	_ =	swait.ge [sflag:s26], $0x2000  }
0x7f: {  	[sflag:s26] =	ssyncset.done $0x0  }
0x80: {  	[sflag:s26] =	ssyncadd.s32 $0xFFFFE000  }
.LBB2_6:
0x81: {  	[bflag:$0x0] =	sbarrier.arrive $0xFFFF  }
0x82: {  	s15 =	simm.s32 $0x0;
	s5 =	rddreg [dreg:$0x6]  }
0x83: {  	[tilespmem:s15], [sflag:$0x9] =	stream.linear.gather [hbm4b:s5+s15], $0x1400, $0x38;
	[tilespmem:$0x1E800] =	vst v63  }
0x84: {  	_ =	swait.ge [sflag:s26], $0x1400  }
0x85: {  	[sflag:s26] =	ssyncset.done $0x0  }
0x86: {  	s16 =	rddreg [dreg:$0x7];
	[sflag:s26] =	ssyncadd.s32 $0xFFFFEC00  }
0x87: {  	[tilespmem:s28], [sflag:$0x9] =	stream.linear.gather [hbm4b:s16+s15], $0x1400, $0x38;
	[tilespmem:$0x1E800] =	vst v63  }
0x88: {  	_ =	swait.ge [sflag:s26], $0x1400  }
0x89: {  	[sflag:s26] =	ssyncset.done $0x0  }
0x8a: {  	[sflag:s26] =	ssyncadd.s32 $0xFFFFEC00  }
0x8b: {  	[tilespmem:s30], [sflag:$0x1] =	stream.indirect.gather [hbm4b:s4+s29], $0x80, s15, s29, $0xb8;
	[tilespmem:$0x1E800] =	vst v63  }
0x8c: {  	s31 =	simm.s32 $0x80  }
0x8d: {  	[tilespmem:s0], [sflag:$0x2] =	stream.indirect.gather [hbm4b:s4+s29], $0x80, s31, s29, $0xb8;
	[tilespmem:$0x1E800] =	vst v63  }
0x8e: {  	_ =	swait.ge [sflag:s3], $0x2000  }
0x8f: {  	[sflag:s3] =	ssyncset.done $0x0  }
0x90: {  	[sflag:s3] =	ssyncadd.s32 $0xFFFFE000  }
0x91: {  	[spmem:s1] =	stream.indirect.scatter.add.f32 [tilespmem:s30], [sflag:$0x5], $0x80, s28, s29, $0xb8;
	[tilespmem:$0x1E800] =	vst v63  }
0x92: {  	_ = 	snop  }
0x93: {  	[tilespmem:s17], [sflag:$0x3] =	stream.indirect.gather [hbm4b:s4+s29], $0x80, s6, s29, $0xb8;
	[tilespmem:$0x1E800] =	vst v63  }
0x94: {  	_ =	swait.ge [sflag:s18], $0x2000  }
0x95: {  	[sflag:s18] =	ssyncset.done $0x0  }
0x96: {  	[sflag:s18] =	ssyncadd.s32 $0xFFFFE000  }
0x97: {  	[spmem:s1] =	stream.indirect.scatter.add.f32 [tilespmem:s0], [sflag:$0x6], $0x80, s19, s29, $0xb8;
	[tilespmem:$0x1E800] =	vst v63  }
0x98: {  	_ = 	snop  }
0x99: {  	[tilespmem:s21], [sflag:$0x4] =	stream.indirect.gather [hbm4b:s4+s29], $0x80, s20, s29, $0xb8;
	[tilespmem:$0x1E800] =	vst v63  }
0x9a: {  	_ =	swait.ge [sflag:s22], $0x2000  }
0x9b: {  	[sflag:s22] =	ssyncset.done $0x0  }
0x9c: {  	[sflag:s22] =	ssyncadd.s32 $0xFFFFE000  }
0x9d: {  	[spmem:s1] =	stream.indirect.scatter.add.f32 [tilespmem:s17], [sflag:$0x7], $0x80, s23, s29, $0xb8;
	[tilespmem:$0x1E800] =	vst v63  }
0x9e: {  	_ =	swait.ge [sflag:s24], $0x2000  }
0x9f: {  	[sflag:s24] =	ssyncset.done $0x0  }
0xa0: {  	[sflag:s24] =	ssyncadd.s32 $0xFFFFE000  }
0xa1: {  	[tilespmem:s30], [sflag:$0x1] =	stream.indirect.gather [hbm4b:s4+s29], $0x80, s25, s29, $0xb8;
	[tilespmem:$0x1E800] =	vst v63  }
0xa2: {  	_ =	swait.ge [sflag:s2], $0x2000  }
0xa3: {  	[sflag:s2] =	ssyncset.done $0x0  }
0xa4: {  	[sflag:s2] =	ssyncadd.s32 $0xFFFFE000  }
0xa5: {  	[spmem:s1] =	stream.indirect.scatter.add.f32 [tilespmem:s21], [sflag:$0x8], $0x80, s7, s29, $0xb8;
	[tilespmem:$0x1E800] =	vst v63  }
0xa6: {  	_ =	swait.ge [sflag:s8], $0x2000  }
0xa7: {  	[sflag:s8] =	ssyncset.done $0x0  }
0xa8: {  	[sflag:s8] =	ssyncadd.s32 $0xFFFFE000  }
0xa9: {  	[tilespmem:s0], [sflag:$0x2] =	stream.indirect.gather [hbm4b:s4+s29], $0x80, s9, s29, $0xb8;
	[tilespmem:$0x1E800] =	vst v63  }
.LBB2_7:
0xaa: {  	_ =	swait.ge [sflag:s3], $0x2000  }
0xab: {  	s16 =	sshra.s32 s15, $0x2;
	[sflag:s3] =	ssyncset.done $0x0  }
0xac: {  	s5 =	sadd.s32 $0x1600, s16;
	[sflag:s3] =	ssyncadd.s32 $0xFFFFE000  }
0xad: {  	[spmem:s1] =	stream.indirect.scatter.add.f32 [tilespmem:s30], [sflag:$0x5], $0x80, s5, s29, $0xb8;
	[tilespmem:$0x1E800] =	vst v63  }
0xae: {  	_ =	swait.ge [sflag:s10], $0x2000  }
0xaf: {  	[sflag:s10] =	ssyncset.done $0x0  }
0xb0: {  	s31 =	sadd.s32 $0x300, s16;
	[sflag:s10] =	ssyncadd.s32 $0xFFFFE000  }
0xb1: {  	[tilespmem:s17], [sflag:$0x3] =	stream.indirect.gather [hbm4b:s4+s29], $0x80, s31, s29, $0xb8;
	[tilespmem:$0x1E800] =	vst v63  }
0xb2: {  	_ =	swait.ge [sflag:s18], $0x2000  }
0xb3: {  	[sflag:s18] =	ssyncset.done $0x0  }
0xb4: {  	s31 =	sadd.s32 $0x1680, s16;
	[sflag:s18] =	ssyncadd.s32 $0xFFFFE000  }
0xb5: {  	[spmem:s1] =	stream.indirect.scatter.add.f32 [tilespmem:s0], [sflag:$0x6], $0x80, s31, s29, $0xb8;
	[tilespmem:$0x1E800] =	vst v63  }
0xb6: {  	_ =	swait.ge [sflag:s11], $0x2000  }
0xb7: {  	[sflag:s11] =	ssyncset.done $0x0  }
0xb8: {  	p1 =	seq.s32 s15, $0x4000;
	s31 =	sadd.s32 $0x380, s16;
	[sflag:s11] =	ssyncadd.s32 $0xFFFFE000  }
0xb9: {  	[tilespmem:s21], [sflag:$0x4] =	stream.indirect.gather [hbm4b:s4+s29], $0x80, s31, s29, $0xb8;
	[tilespmem:$0x1E800] =	vst v63  }
.Ltmp5:
0xba: {  	_ = 	snop;
	(pc) =	sbr.rel @p1 .LBB2_9-.Ltmp5, $4  }
0xbb: {  	_ =	swait.ge [sflag:s22], $0x2000  }
0xbc: {  	[sflag:s22] =	ssyncset.done $0x0  }
0xbd: {  	s5 =	sadd.s32 $0x1780, s16;
	s31 =	sadd.s32 $0x1700, s16;
	[sflag:s22] =	ssyncadd.s32 $0xFFFFE000  }
0xbe: {  	[spmem:s1] =	stream.indirect.scatter.add.f32 [tilespmem:s17], [sflag:$0x7], $0x80, s31, s29, $0xb8;
	[tilespmem:$0x1E800] =	vst v63  }
0xbf: {  	_ =	swait.ge [sflag:s24], $0x2000  }
0xc0: {  	[sflag:s24] =	ssyncset.done $0x0  }
0xc1: {  	s31 =	sadd.s32 $0x400, s16;
	[sflag:s24] =	ssyncadd.s32 $0xFFFFE000  }
0xc2: {  	[tilespmem:s30], [sflag:$0x1] =	stream.indirect.gather [hbm4b:s4+s29], $0x80, s31, s29, $0xb8;
	[tilespmem:$0x1E800] =	vst v63  }
0xc3: {  	_ =	swait.ge [sflag:s2], $0x2000  }
0xc4: {  	[sflag:s2] =	ssyncset.done $0x0  }
0xc5: {  	[sflag:s2] =	ssyncadd.s32 $0xFFFFE000  }
0xc6: {  	[spmem:s1] =	stream.indirect.scatter.add.f32 [tilespmem:s21], [sflag:$0x8], $0x80, s5, s29, $0xb8;
	[tilespmem:$0x1E800] =	vst v63  }
.Ltmp6:
0xc7: {  	_ = 	snop;
	(pc) =	sbr.rel .LBB2_7-.Ltmp6, $4  }
0xc8: {  	_ =	swait.ge [sflag:s8], $0x2000  }
0xc9: {  	[sflag:s8] =	ssyncset.done $0x0  }
0xca: {  	s15 =	sadd.s32 $0x800, s15;
	s31 =	sadd.s32 $0x480, s16;
	[sflag:s8] =	ssyncadd.s32 $0xFFFFE000  }
0xcb: {  	[tilespmem:s0], [sflag:$0x2] =	stream.indirect.gather [hbm4b:s4+s29], $0x80, s31, s29, $0xb8;
	[tilespmem:$0x1E800] =	vst v63  }
.LBB2_9:
0xcc: {  	_ =	swait.ge [sflag:s2], $0x2000  }
0xcd: {  	[sflag:s2] =	ssyncset.done $0x0  }
0xce: {  	[sflag:s2] =	ssyncadd.s32 $0xFFFFE000  }
0xcf: {  	[spmem:s1] =	stream.indirect.scatter.add.f32 [tilespmem:s21], [sflag:$0x8], $0x80, s5, s29, $0xb8;
	[tilespmem:$0x1E800] =	vst v63  }
0xd0: {  	_ =	swait.ge [sflag:s24], $0x2000  }
0xd1: {  	[sflag:s24] =	ssyncset.done $0x0  }
0xd2: {  	[sflag:s24] =	ssyncadd.s32 $0xFFFFE000  }
0xd3: {  	_ =	swait.ge [sflag:s8], $0x2000  }
0xd4: {  	[sflag:s8] =	ssyncset.done $0x0  }
0xd5: {  	[sflag:s8] =	ssyncadd.s32 $0xFFFFE000  }
0xd6: {  	_ =	swait.ge [sflag:s10], $0x2000  }
0xd7: {  	[sflag:s10] =	ssyncset.done $0x0  }
0xd8: {  	[sflag:s10] =	ssyncadd.s32 $0xFFFFE000  }
0xd9: {  	_ =	swait.ge [sflag:s11], $0x2000  }
0xda: {  	[sflag:s11] =	ssyncset.done $0x0  }
0xdb: {  	s15 =	simm.s32 $0x0;
	s31 =	rddreg [dreg:$0x8];
	[sflag:s11] =	ssyncadd.s32 $0xFFFFE000  }
0xdc: {  	[tilespmem:s15], [sflag:$0x9] =	stream.linear.gather [hbm4b:s31+s15], $0x1400, $0x38;
	[tilespmem:$0x1E800] =	vst v63  }
0xdd: {  	_ =	swait.ge [sflag:s26], $0x1400  }
0xde: {  	[sflag:s26] =	ssyncset.done $0x0  }
0xdf: {  	s16 =	rddreg [dreg:$0x9];
	[sflag:s26] =	ssyncadd.s32 $0xFFFFEC00  }
0xe0: {  	[tilespmem:s28], [sflag:$0x9] =	stream.linear.gather [hbm4b:s16+s15], $0x1400, $0x38;
	[tilespmem:$0x1E800] =	vst v63  }
0xe1: {  	_ =	swait.ge [sflag:s26], $0x1400  }
0xe2: {  	[sflag:s26] =	ssyncset.done $0x0  }
0xe3: {  	[sflag:s26] =	ssyncadd.s32 $0xFFFFEC00  }
0xe4: {  	[tilespmem:s30], [sflag:$0x1] =	stream.indirect.gather [hbm4b:s4+s29], $0x80, s15, s29, $0xb8;
	[tilespmem:$0x1E800] =	vst v63  }
0xe5: {  	s31 =	simm.s32 $0x80  }
0xe6: {  	[tilespmem:s0], [sflag:$0x2] =	stream.indirect.gather [hbm4b:s4+s29], $0x80, s31, s29, $0xb8;
	[tilespmem:$0x1E800] =	vst v63  }
0xe7: {  	_ =	swait.ge [sflag:s3], $0x2000  }
0xe8: {  	[sflag:s3] =	ssyncset.done $0x0  }
0xe9: {  	[sflag:s3] =	ssyncadd.s32 $0xFFFFE000  }
0xea: {  	[spmem:s1] =	stream.indirect.scatter.add.f32 [tilespmem:s30], [sflag:$0x5], $0x80, s28, s29, $0xb8;
	[tilespmem:$0x1E800] =	vst v63  }
0xeb: {  	_ = 	snop  }
0xec: {  	[tilespmem:s17], [sflag:$0x3] =	stream.indirect.gather [hbm4b:s4+s29], $0x80, s6, s29, $0xb8;
	[tilespmem:$0x1E800] =	vst v63  }
0xed: {  	_ =	swait.ge [sflag:s18], $0x2000  }
0xee: {  	[sflag:s18] =	ssyncset.done $0x0  }
0xef: {  	[sflag:s18] =	ssyncadd.s32 $0xFFFFE000  }
0xf0: {  	[spmem:s1] =	stream.indirect.scatter.add.f32 [tilespmem:s0], [sflag:$0x6], $0x80, s19, s29, $0xb8;
	[tilespmem:$0x1E800] =	vst v63  }
0xf1: {  	_ = 	snop  }
0xf2: {  	[tilespmem:s21], [sflag:$0x4] =	stream.indirect.gather [hbm4b:s4+s29], $0x80, s20, s29, $0xb8;
	[tilespmem:$0x1E800] =	vst v63  }
0xf3: {  	_ =	swait.ge [sflag:s22], $0x2000  }
0xf4: {  	[sflag:s22] =	ssyncset.done $0x0  }
0xf5: {  	[sflag:s22] =	ssyncadd.s32 $0xFFFFE000  }
0xf6: {  	[spmem:s1] =	stream.indirect.scatter.add.f32 [tilespmem:s17], [sflag:$0x7], $0x80, s23, s29, $0xb8;
	[tilespmem:$0x1E800] =	vst v63  }
0xf7: {  	_ =	swait.ge [sflag:s24], $0x2000  }
0xf8: {  	[sflag:s24] =	ssyncset.done $0x0  }
0xf9: {  	[sflag:s24] =	ssyncadd.s32 $0xFFFFE000  }
0xfa: {  	[tilespmem:s30], [sflag:$0x1] =	stream.indirect.gather [hbm4b:s4+s29], $0x80, s25, s29, $0xb8;
	[tilespmem:$0x1E800] =	vst v63  }
0xfb: {  	_ =	swait.ge [sflag:s2], $0x2000  }
0xfc: {  	[sflag:s2] =	ssyncset.done $0x0  }
0xfd: {  	[sflag:s2] =	ssyncadd.s32 $0xFFFFE000  }
0xfe: {  	[spmem:s1] =	stream.indirect.scatter.add.f32 [tilespmem:s21], [sflag:$0x8], $0x80, s7, s29, $0xb8;
	[tilespmem:$0x1E800] =	vst v63  }
0xff: {  	_ =	swait.ge [sflag:s8], $0x2000  }
0x100: {  	[sflag:s8] =	ssyncset.done $0x0  }
0x101: {  	[sflag:s8] =	ssyncadd.s32 $0xFFFFE000  }
0x102: {  	[tilespmem:s0], [sflag:$0x2] =	stream.indirect.gather [hbm4b:s4+s29], $0x80, s9, s29, $0xb8;
	[tilespmem:$0x1E800] =	vst v63  }
.LBB2_10:
0x103: {  	_ =	swait.ge [sflag:s3], $0x2000  }
0x104: {  	s16 =	sshra.s32 s15, $0x2;
	[sflag:s3] =	ssyncset.done $0x0  }
0x105: {  	s5 =	sadd.s32 $0x1600, s16;
	[sflag:s3] =	ssyncadd.s32 $0xFFFFE000  }
0x106: {  	[spmem:s1] =	stream.indirect.scatter.add.f32 [tilespmem:s30], [sflag:$0x5], $0x80, s5, s29, $0xb8;
	[tilespmem:$0x1E800] =	vst v63  }
0x107: {  	_ =	swait.ge [sflag:s10], $0x2000  }
0x108: {  	[sflag:s10] =	ssyncset.done $0x0  }
0x109: {  	s31 =	sadd.s32 $0x300, s16;
	[sflag:s10] =	ssyncadd.s32 $0xFFFFE000  }
0x10a: {  	[tilespmem:s17], [sflag:$0x3] =	stream.indirect.gather [hbm4b:s4+s29], $0x80, s31, s29, $0xb8;
	[tilespmem:$0x1E800] =	vst v63  }
0x10b: {  	_ =	swait.ge [sflag:s18], $0x2000  }
0x10c: {  	[sflag:s18] =	ssyncset.done $0x0  }
0x10d: {  	s31 =	sadd.s32 $0x1680, s16;
	[sflag:s18] =	ssyncadd.s32 $0xFFFFE000  }
0x10e: {  	[spmem:s1] =	stream.indirect.scatter.add.f32 [tilespmem:s0], [sflag:$0x6], $0x80, s31, s29, $0xb8;
	[tilespmem:$0x1E800] =	vst v63  }
0x10f: {  	_ =	swait.ge [sflag:s11], $0x2000  }
0x110: {  	[sflag:s11] =	ssyncset.done $0x0  }
0x111: {  	p1 =	seq.s32 s15, $0x4000;
	s31 =	sadd.s32 $0x380, s16;
	[sflag:s11] =	ssyncadd.s32 $0xFFFFE000  }
0x112: {  	[tilespmem:s21], [sflag:$0x4] =	stream.indirect.gather [hbm4b:s4+s29], $0x80, s31, s29, $0xb8;
	[tilespmem:$0x1E800] =	vst v63  }
.Ltmp7:
0x113: {  	_ = 	snop;
	(pc) =	sbr.rel @p1 .LBB2_12-.Ltmp7, $4  }
0x114: {  	_ =	swait.ge [sflag:s22], $0x2000  }
0x115: {  	[sflag:s22] =	ssyncset.done $0x0  }
0x116: {  	s5 =	sadd.s32 $0x1780, s16;
	s31 =	sadd.s32 $0x1700, s16;
	[sflag:s22] =	ssyncadd.s32 $0xFFFFE000  }
0x117: {  	[spmem:s1] =	stream.indirect.scatter.add.f32 [tilespmem:s17], [sflag:$0x7], $0x80, s31, s29, $0xb8;
	[tilespmem:$0x1E800] =	vst v63  }
0x118: {  	_ =	swait.ge [sflag:s24], $0x2000  }
0x119: {  	[sflag:s24] =	ssyncset.done $0x0  }
0x11a: {  	s31 =	sadd.s32 $0x400, s16;
	[sflag:s24] =	ssyncadd.s32 $0xFFFFE000  }
0x11b: {  	[tilespmem:s30], [sflag:$0x1] =	stream.indirect.gather [hbm4b:s4+s29], $0x80, s31, s29, $0xb8;
	[tilespmem:$0x1E800] =	vst v63  }
0x11c: {  	_ =	swait.ge [sflag:s2], $0x2000  }
0x11d: {  	[sflag:s2] =	ssyncset.done $0x0  }
0x11e: {  	[sflag:s2] =	ssyncadd.s32 $0xFFFFE000  }
0x11f: {  	[spmem:s1] =	stream.indirect.scatter.add.f32 [tilespmem:s21], [sflag:$0x8], $0x80, s5, s29, $0xb8;
	[tilespmem:$0x1E800] =	vst v63  }
.Ltmp8:
0x120: {  	_ = 	snop;
	(pc) =	sbr.rel .LBB2_10-.Ltmp8, $4  }
0x121: {  	_ =	swait.ge [sflag:s8], $0x2000  }
0x122: {  	[sflag:s8] =	ssyncset.done $0x0  }
0x123: {  	s15 =	sadd.s32 $0x800, s15;
	s31 =	sadd.s32 $0x480, s16;
	[sflag:s8] =	ssyncadd.s32 $0xFFFFE000  }
0x124: {  	[tilespmem:s0], [sflag:$0x2] =	stream.indirect.gather [hbm4b:s4+s29], $0x80, s31, s29, $0xb8;
	[tilespmem:$0x1E800] =	vst v63  }
.LBB2_12:
0x125: {  	_ =	swait.ge [sflag:s2], $0x2000  }
0x126: {  	[sflag:s2] =	ssyncset.done $0x0  }
0x127: {  	[sflag:s2] =	ssyncadd.s32 $0xFFFFE000  }
0x128: {  	[spmem:s1] =	stream.indirect.scatter.add.f32 [tilespmem:s21], [sflag:$0x8], $0x80, s5, s29, $0xb8;
	[tilespmem:$0x1E800] =	vst v63  }
0x129: {  	_ =	swait.ge [sflag:s24], $0x2000  }
0x12a: {  	[sflag:s24] =	ssyncset.done $0x0  }
0x12b: {  	[sflag:s24] =	ssyncadd.s32 $0xFFFFE000  }
0x12c: {  	_ =	swait.ge [sflag:s8], $0x2000  }
0x12d: {  	[sflag:s8] =	ssyncset.done $0x0  }
0x12e: {  	[sflag:s8] =	ssyncadd.s32 $0xFFFFE000  }
0x12f: {  	_ =	swait.ge [sflag:s10], $0x2000  }
0x130: {  	[sflag:s10] =	ssyncset.done $0x0  }
0x131: {  	[sflag:s10] =	ssyncadd.s32 $0xFFFFE000  }
0x132: {  	_ =	swait.ge [sflag:s11], $0x2000  }
0x133: {  	[sflag:s11] =	ssyncset.done $0x0  }
0x134: {  	s15 =	simm.s32 $0x0;
	s31 =	rddreg [dreg:$0xa];
	[sflag:s11] =	ssyncadd.s32 $0xFFFFE000  }
0x135: {  	[tilespmem:s15], [sflag:$0x9] =	stream.linear.gather [hbm4b:s31+s15], $0x1400, $0x38;
	[tilespmem:$0x1E800] =	vst v63  }
0x136: {  	_ =	swait.ge [sflag:s26], $0x1400  }
0x137: {  	[sflag:s26] =	ssyncset.done $0x0  }
0x138: {  	s16 =	rddreg [dreg:$0xb];
	[sflag:s26] =	ssyncadd.s32 $0xFFFFEC00  }
0x139: {  	[tilespmem:s28], [sflag:$0x9] =	stream.linear.gather [hbm4b:s16+s15], $0x1400, $0x38;
	[tilespmem:$0x1E800] =	vst v63  }
0x13a: {  	_ =	swait.ge [sflag:s26], $0x1400  }
0x13b: {  	[sflag:s26] =	ssyncset.done $0x0  }
0x13c: {  	[sflag:s26] =	ssyncadd.s32 $0xFFFFEC00  }
0x13d: {  	[tilespmem:s30], [sflag:$0x1] =	stream.indirect.gather [hbm4b:s4+s29], $0x80, s15, s29, $0xb8;
	[tilespmem:$0x1E800] =	vst v63  }
0x13e: {  	s31 =	simm.s32 $0x80  }
0x13f: {  	[tilespmem:s0], [sflag:$0x2] =	stream.indirect.gather [hbm4b:s4+s29], $0x80, s31, s29, $0xb8;
	[tilespmem:$0x1E800] =	vst v63  }
0x140: {  	_ =	swait.ge [sflag:s3], $0x2000  }
0x141: {  	[sflag:s3] =	ssyncset.done $0x0  }
0x142: {  	[sflag:s3] =	ssyncadd.s32 $0xFFFFE000  }
0x143: {  	[spmem:s1] =	stream.indirect.scatter.add.f32 [tilespmem:s30], [sflag:$0x5], $0x80, s28, s29, $0xb8;
	[tilespmem:$0x1E800] =	vst v63  }
0x144: {  	_ = 	snop  }
0x145: {  	[tilespmem:s17], [sflag:$0x3] =	stream.indirect.gather [hbm4b:s4+s29], $0x80, s6, s29, $0xb8;
	[tilespmem:$0x1E800] =	vst v63  }
0x146: {  	_ =	swait.ge [sflag:s18], $0x2000  }
0x147: {  	[sflag:s18] =	ssyncset.done $0x0  }
0x148: {  	[sflag:s18] =	ssyncadd.s32 $0xFFFFE000  }
0x149: {  	[spmem:s1] =	stream.indirect.scatter.add.f32 [tilespmem:s0], [sflag:$0x6], $0x80, s19, s29, $0xb8;
	[tilespmem:$0x1E800] =	vst v63  }
0x14a: {  	_ = 	snop  }
0x14b: {  	[tilespmem:s21], [sflag:$0x4] =	stream.indirect.gather [hbm4b:s4+s29], $0x80, s20, s29, $0xb8;
	[tilespmem:$0x1E800] =	vst v63  }
0x14c: {  	_ =	swait.ge [sflag:s22], $0x2000  }
0x14d: {  	[sflag:s22] =	ssyncset.done $0x0  }
0x14e: {  	[sflag:s22] =	ssyncadd.s32 $0xFFFFE000  }
0x14f: {  	[spmem:s1] =	stream.indirect.scatter.add.f32 [tilespmem:s17], [sflag:$0x7], $0x80, s23, s29, $0xb8;
	[tilespmem:$0x1E800] =	vst v63  }
0x150: {  	_ =	swait.ge [sflag:s24], $0x2000  }
0x151: {  	[sflag:s24] =	ssyncset.done $0x0  }
0x152: {  	[sflag:s24] =	ssyncadd.s32 $0xFFFFE000  }
0x153: {  	[tilespmem:s30], [sflag:$0x1] =	stream.indirect.gather [hbm4b:s4+s29], $0x80, s25, s29, $0xb8;
	[tilespmem:$0x1E800] =	vst v63  }
0x154: {  	_ =	swait.ge [sflag:s2], $0x2000  }
0x155: {  	[sflag:s2] =	ssyncset.done $0x0  }
0x156: {  	[sflag:s2] =	ssyncadd.s32 $0xFFFFE000  }
0x157: {  	[spmem:s1] =	stream.indirect.scatter.add.f32 [tilespmem:s21], [sflag:$0x8], $0x80, s7, s29, $0xb8;
	[tilespmem:$0x1E800] =	vst v63  }
0x158: {  	_ =	swait.ge [sflag:s8], $0x2000  }
0x159: {  	[sflag:s8] =	ssyncset.done $0x0  }
0x15a: {  	[sflag:s8] =	ssyncadd.s32 $0xFFFFE000  }
0x15b: {  	[tilespmem:s0], [sflag:$0x2] =	stream.indirect.gather [hbm4b:s4+s29], $0x80, s9, s29, $0xb8;
	[tilespmem:$0x1E800] =	vst v63  }
.LBB2_13:
0x15c: {  	_ =	swait.ge [sflag:s3], $0x2000  }
0x15d: {  	s16 =	sshra.s32 s15, $0x2;
	[sflag:s3] =	ssyncset.done $0x0  }
0x15e: {  	s5 =	sadd.s32 $0x1600, s16;
	[sflag:s3] =	ssyncadd.s32 $0xFFFFE000  }
0x15f: {  	[spmem:s1] =	stream.indirect.scatter.add.f32 [tilespmem:s30], [sflag:$0x5], $0x80, s5, s29, $0xb8;
	[tilespmem:$0x1E800] =	vst v63  }
0x160: {  	_ =	swait.ge [sflag:s10], $0x2000  }
0x161: {  	[sflag:s10] =	ssyncset.done $0x0  }
0x162: {  	s31 =	sadd.s32 $0x300, s16;
	[sflag:s10] =	ssyncadd.s32 $0xFFFFE000  }
0x163: {  	[tilespmem:s17], [sflag:$0x3] =	stream.indirect.gather [hbm4b:s4+s29], $0x80, s31, s29, $0xb8;
	[tilespmem:$0x1E800] =	vst v63  }
0x164: {  	_ =	swait.ge [sflag:s18], $0x2000  }
0x165: {  	[sflag:s18] =	ssyncset.done $0x0  }
0x166: {  	s31 =	sadd.s32 $0x1680, s16;
	[sflag:s18] =	ssyncadd.s32 $0xFFFFE000  }
0x167: {  	[spmem:s1] =	stream.indirect.scatter.add.f32 [tilespmem:s0], [sflag:$0x6], $0x80, s31, s29, $0xb8;
	[tilespmem:$0x1E800] =	vst v63  }
0x168: {  	_ =	swait.ge [sflag:s11], $0x2000  }
0x169: {  	[sflag:s11] =	ssyncset.done $0x0  }
0x16a: {  	p1 =	seq.s32 s15, $0x4000;
	s31 =	sadd.s32 $0x380, s16;
	[sflag:s11] =	ssyncadd.s32 $0xFFFFE000  }
0x16b: {  	[tilespmem:s21], [sflag:$0x4] =	stream.indirect.gather [hbm4b:s4+s29], $0x80, s31, s29, $0xb8;
	[tilespmem:$0x1E800] =	vst v63  }
.Ltmp9:
0x16c: {  	_ = 	snop;
	(pc) =	sbr.rel @p1 .LBB2_15-.Ltmp9, $4  }
0x16d: {  	_ =	swait.ge [sflag:s22], $0x2000  }
0x16e: {  	[sflag:s22] =	ssyncset.done $0x0  }
0x16f: {  	s5 =	sadd.s32 $0x1780, s16;
	s31 =	sadd.s32 $0x1700, s16;
	[sflag:s22] =	ssyncadd.s32 $0xFFFFE000  }
0x170: {  	[spmem:s1] =	stream.indirect.scatter.add.f32 [tilespmem:s17], [sflag:$0x7], $0x80, s31, s29, $0xb8;
	[tilespmem:$0x1E800] =	vst v63  }
0x171: {  	_ =	swait.ge [sflag:s24], $0x2000  }
0x172: {  	[sflag:s24] =	ssyncset.done $0x0  }
0x173: {  	s31 =	sadd.s32 $0x400, s16;
	[sflag:s24] =	ssyncadd.s32 $0xFFFFE000  }
0x174: {  	[tilespmem:s30], [sflag:$0x1] =	stream.indirect.gather [hbm4b:s4+s29], $0x80, s31, s29, $0xb8;
	[tilespmem:$0x1E800] =	vst v63  }
0x175: {  	_ =	swait.ge [sflag:s2], $0x2000  }
0x176: {  	[sflag:s2] =	ssyncset.done $0x0  }
0x177: {  	[sflag:s2] =	ssyncadd.s32 $0xFFFFE000  }
0x178: {  	[spmem:s1] =	stream.indirect.scatter.add.f32 [tilespmem:s21], [sflag:$0x8], $0x80, s5, s29, $0xb8;
	[tilespmem:$0x1E800] =	vst v63  }
.Ltmp10:
0x179: {  	_ = 	snop;
	(pc) =	sbr.rel .LBB2_13-.Ltmp10, $4  }
0x17a: {  	_ =	swait.ge [sflag:s8], $0x2000  }
0x17b: {  	[sflag:s8] =	ssyncset.done $0x0  }
0x17c: {  	s15 =	sadd.s32 $0x800, s15;
	s31 =	sadd.s32 $0x480, s16;
	[sflag:s8] =	ssyncadd.s32 $0xFFFFE000  }
0x17d: {  	[tilespmem:s0], [sflag:$0x2] =	stream.indirect.gather [hbm4b:s4+s29], $0x80, s31, s29, $0xb8;
	[tilespmem:$0x1E800] =	vst v63  }
.LBB2_15:
0x17e: {  	_ =	swait.ge [sflag:s2], $0x2000  }
0x17f: {  	[sflag:s2] =	ssyncset.done $0x0  }
0x180: {  	[sflag:s2] =	ssyncadd.s32 $0xFFFFE000  }
0x181: {  	[spmem:s1] =	stream.indirect.scatter.add.f32 [tilespmem:s21], [sflag:$0x8], $0x80, s5, s29, $0xb8;
	[tilespmem:$0x1E800] =	vst v63  }
0x182: {  	_ =	swait.ge [sflag:s24], $0x2000  }
0x183: {  	[sflag:s24] =	ssyncset.done $0x0  }
0x184: {  	[sflag:s24] =	ssyncadd.s32 $0xFFFFE000  }
0x185: {  	_ =	swait.ge [sflag:s8], $0x2000  }
0x186: {  	[sflag:s8] =	ssyncset.done $0x0  }
0x187: {  	[sflag:s8] =	ssyncadd.s32 $0xFFFFE000  }
0x188: {  	_ =	swait.ge [sflag:s10], $0x2000  }
0x189: {  	[sflag:s10] =	ssyncset.done $0x0  }
0x18a: {  	[sflag:s10] =	ssyncadd.s32 $0xFFFFE000  }
0x18b: {  	_ =	swait.ge [sflag:s11], $0x2000  }
0x18c: {  	[sflag:s11] =	ssyncset.done $0x0  }
0x18d: {  	s15 =	simm.s32 $0x0;
	s31 =	rddreg [dreg:$0xc];
	[sflag:s11] =	ssyncadd.s32 $0xFFFFE000  }
0x18e: {  	[tilespmem:s15], [sflag:$0x9] =	stream.linear.gather [hbm4b:s31+s15], $0x1400, $0x38;
	[tilespmem:$0x1E800] =	vst v63  }
0x18f: {  	_ =	swait.ge [sflag:s26], $0x1400  }
0x190: {  	[sflag:s26] =	ssyncset.done $0x0  }
0x191: {  	s16 =	rddreg [dreg:$0xd];
	[sflag:s26] =	ssyncadd.s32 $0xFFFFEC00  }
0x192: {  	[tilespmem:s28], [sflag:$0x9] =	stream.linear.gather [hbm4b:s16+s15], $0x1400, $0x38;
	[tilespmem:$0x1E800] =	vst v63  }
0x193: {  	_ =	swait.ge [sflag:s26], $0x1400  }
0x194: {  	[sflag:s26] =	ssyncset.done $0x0  }
0x195: {  	[sflag:s26] =	ssyncadd.s32 $0xFFFFEC00  }
0x196: {  	[tilespmem:s30], [sflag:$0x1] =	stream.indirect.gather [hbm4b:s4+s29], $0x80, s15, s29, $0xb8;
	[tilespmem:$0x1E800] =	vst v63  }
0x197: {  	s31 =	simm.s32 $0x80  }
0x198: {  	[tilespmem:s0], [sflag:$0x2] =	stream.indirect.gather [hbm4b:s4+s29], $0x80, s31, s29, $0xb8;
	[tilespmem:$0x1E800] =	vst v63  }
0x199: {  	_ =	swait.ge [sflag:s3], $0x2000  }
0x19a: {  	[sflag:s3] =	ssyncset.done $0x0  }
0x19b: {  	[sflag:s3] =	ssyncadd.s32 $0xFFFFE000  }
0x19c: {  	[spmem:s1] =	stream.indirect.scatter.add.f32 [tilespmem:s30], [sflag:$0x5], $0x80, s28, s29, $0xb8;
	[tilespmem:$0x1E800] =	vst v63  }
0x19d: {  	_ = 	snop  }
0x19e: {  	[tilespmem:s17], [sflag:$0x3] =	stream.indirect.gather [hbm4b:s4+s29], $0x80, s6, s29, $0xb8;
	[tilespmem:$0x1E800] =	vst v63  }
0x19f: {  	_ =	swait.ge [sflag:s18], $0x2000  }
0x1a0: {  	[sflag:s18] =	ssyncset.done $0x0  }
0x1a1: {  	[sflag:s18] =	ssyncadd.s32 $0xFFFFE000  }
0x1a2: {  	[spmem:s1] =	stream.indirect.scatter.add.f32 [tilespmem:s0], [sflag:$0x6], $0x80, s19, s29, $0xb8;
	[tilespmem:$0x1E800] =	vst v63  }
0x1a3: {  	_ = 	snop  }
0x1a4: {  	[tilespmem:s21], [sflag:$0x4] =	stream.indirect.gather [hbm4b:s4+s29], $0x80, s20, s29, $0xb8;
	[tilespmem:$0x1E800] =	vst v63  }
0x1a5: {  	_ =	swait.ge [sflag:s22], $0x2000  }
0x1a6: {  	[sflag:s22] =	ssyncset.done $0x0  }
0x1a7: {  	[sflag:s22] =	ssyncadd.s32 $0xFFFFE000  }
0x1a8: {  	[spmem:s1] =	stream.indirect.scatter.add.f32 [tilespmem:s17], [sflag:$0x7], $0x80, s23, s29, $0xb8;
	[tilespmem:$0x1E800] =	vst v63  }
0x1a9: {  	_ =	swait.ge [sflag:s24], $0x2000  }
0x1aa: {  	[sflag:s24] =	ssyncset.done $0x0  }
0x1ab: {  	[sflag:s24] =	ssyncadd.s32 $0xFFFFE000  }
0x1ac: {  	[tilespmem:s30], [sflag:$0x1] =	stream.indirect.gather [hbm4b:s4+s29], $0x80, s25, s29, $0xb8;
	[tilespmem:$0x1E800] =	vst v63  }
0x1ad: {  	_ =	swait.ge [sflag:s2], $0x2000  }
0x1ae: {  	[sflag:s2] =	ssyncset.done $0x0  }
0x1af: {  	[sflag:s2] =	ssyncadd.s32 $0xFFFFE000  }
0x1b0: {  	[spmem:s1] =	stream.indirect.scatter.add.f32 [tilespmem:s21], [sflag:$0x8], $0x80, s7, s29, $0xb8;
	[tilespmem:$0x1E800] =	vst v63  }
0x1b1: {  	_ =	swait.ge [sflag:s8], $0x2000  }
0x1b2: {  	[sflag:s8] =	ssyncset.done $0x0  }
0x1b3: {  	[sflag:s8] =	ssyncadd.s32 $0xFFFFE000  }
0x1b4: {  	[tilespmem:s0], [sflag:$0x2] =	stream.indirect.gather [hbm4b:s4+s29], $0x80, s9, s29, $0xb8;
	[tilespmem:$0x1E800] =	vst v63  }
.LBB2_16:
0x1b5: {  	_ =	swait.ge [sflag:s3], $0x2000  }
0x1b6: {  	s16 =	sshra.s32 s15, $0x2;
	[sflag:s3] =	ssyncset.done $0x0  }
0x1b7: {  	s5 =	sadd.s32 $0x1600, s16;
	[sflag:s3] =	ssyncadd.s32 $0xFFFFE000  }
0x1b8: {  	[spmem:s1] =	stream.indirect.scatter.add.f32 [tilespmem:s30], [sflag:$0x5], $0x80, s5, s29, $0xb8;
	[tilespmem:$0x1E800] =	vst v63  }
0x1b9: {  	_ =	swait.ge [sflag:s10], $0x2000  }
0x1ba: {  	[sflag:s10] =	ssyncset.done $0x0  }
0x1bb: {  	s31 =	sadd.s32 $0x300, s16;
	[sflag:s10] =	ssyncadd.s32 $0xFFFFE000  }
0x1bc: {  	[tilespmem:s17], [sflag:$0x3] =	stream.indirect.gather [hbm4b:s4+s29], $0x80, s31, s29, $0xb8;
	[tilespmem:$0x1E800] =	vst v63  }
0x1bd: {  	_ =	swait.ge [sflag:s18], $0x2000  }
0x1be: {  	[sflag:s18] =	ssyncset.done $0x0  }
0x1bf: {  	s31 =	sadd.s32 $0x1680, s16;
	[sflag:s18] =	ssyncadd.s32 $0xFFFFE000  }
0x1c0: {  	[spmem:s1] =	stream.indirect.scatter.add.f32 [tilespmem:s0], [sflag:$0x6], $0x80, s31, s29, $0xb8;
	[tilespmem:$0x1E800] =	vst v63  }
0x1c1: {  	_ =	swait.ge [sflag:s11], $0x2000  }
0x1c2: {  	[sflag:s11] =	ssyncset.done $0x0  }
0x1c3: {  	p1 =	seq.s32 s15, $0x4000;
	s31 =	sadd.s32 $0x380, s16;
	[sflag:s11] =	ssyncadd.s32 $0xFFFFE000  }
0x1c4: {  	[tilespmem:s21], [sflag:$0x4] =	stream.indirect.gather [hbm4b:s4+s29], $0x80, s31, s29, $0xb8;
	[tilespmem:$0x1E800] =	vst v63  }
.Ltmp11:
0x1c5: {  	_ = 	snop;
	(pc) =	sbr.rel @p1 .LBB2_18-.Ltmp11, $4  }
0x1c6: {  	_ =	swait.ge [sflag:s22], $0x2000  }
0x1c7: {  	[sflag:s22] =	ssyncset.done $0x0  }
0x1c8: {  	s5 =	sadd.s32 $0x1780, s16;
	s31 =	sadd.s32 $0x1700, s16;
	[sflag:s22] =	ssyncadd.s32 $0xFFFFE000  }
0x1c9: {  	[spmem:s1] =	stream.indirect.scatter.add.f32 [tilespmem:s17], [sflag:$0x7], $0x80, s31, s29, $0xb8;
	[tilespmem:$0x1E800] =	vst v63  }
0x1ca: {  	_ =	swait.ge [sflag:s24], $0x2000  }
0x1cb: {  	[sflag:s24] =	ssyncset.done $0x0  }
0x1cc: {  	s31 =	sadd.s32 $0x400, s16;
	[sflag:s24] =	ssyncadd.s32 $0xFFFFE000  }
0x1cd: {  	[tilespmem:s30], [sflag:$0x1] =	stream.indirect.gather [hbm4b:s4+s29], $0x80, s31, s29, $0xb8;
	[tilespmem:$0x1E800] =	vst v63  }
0x1ce: {  	_ =	swait.ge [sflag:s2], $0x2000  }
0x1cf: {  	[sflag:s2] =	ssyncset.done $0x0  }
0x1d0: {  	[sflag:s2] =	ssyncadd.s32 $0xFFFFE000  }
0x1d1: {  	[spmem:s1] =	stream.indirect.scatter.add.f32 [tilespmem:s21], [sflag:$0x8], $0x80, s5, s29, $0xb8;
	[tilespmem:$0x1E800] =	vst v63  }
.Ltmp12:
0x1d2: {  	_ = 	snop;
	(pc) =	sbr.rel .LBB2_16-.Ltmp12, $4  }
0x1d3: {  	_ =	swait.ge [sflag:s8], $0x2000  }
0x1d4: {  	[sflag:s8] =	ssyncset.done $0x0  }
0x1d5: {  	s15 =	sadd.s32 $0x800, s15;
	s31 =	sadd.s32 $0x480, s16;
	[sflag:s8] =	ssyncadd.s32 $0xFFFFE000  }
0x1d6: {  	[tilespmem:s0], [sflag:$0x2] =	stream.indirect.gather [hbm4b:s4+s29], $0x80, s31, s29, $0xb8;
	[tilespmem:$0x1E800] =	vst v63  }
.LBB2_19:
0x1d7: {  	_ =	sfence.sel $0x180000  }
0x1d8: {  	[bflag:$0x0] =	sbarrier.arrive $0xFFFF  }
0x1d9: {  	_ =	strace $0x9000004D  }
0x1da: {  	s0 =	stileid.u32;
	[bflag:$0x2] =	sbarrier.arrive $0xFFFF  }
0x1db: {  	p0 =	sne.s32 s0, $0x0;
	s0 =	rddreg [dreg:$0x3]  }
0x1dc: {  	s0 =	sadd.s32 @!p0 $0x100000, s0  }
0x1dd: {  	[sflag:s0] =	ssyncadd.tile.s32 @!p0 $0x1;
	_ =	shalt  }
.Lfunc_end2:
_tile_overlayer_lowered:
.L_overlay_start_2:
0x1de: {  	(tag) =	ssettag $0x2  }
0x1df: {  	s0 =	rddreg [dreg:$0x0];
	s2 =	stileid.u32  }
0x1e0: {  	s1 =	rddreg [dreg:$0x1];
	p0 =	sne.s32 s2, $0x0  }
0x1e1: {  	s3 =	rddreg [dreg:$0x2];
	[bflag:$0x3] =	sbarrier.arrive $0xFFFF;
	s2 =	simm.s32 @!p0 $0x1C09  }
0x1e2: {  	[timem:s3], [sflag:s2] =	dma.local @!p0 [hbm:s0], s1  }
0x1e3: {  	s0 =	simm.s32 @!p0 $0x9  }
0x1e4: {  	_ =	swait.ge @!p0 [sflag:s0], s1  }
0x1e5: {  	s1 =	ssub.s32 @!p0 $0x0, s1;
	[sflag:s0] =	ssyncset.done @!p0 $0x0  }
0x1e6: {  	[sflag:s0] =	ssyncadd.s32 @!p0 s1  }
0x1e7: {  	[bflag:$0x3] =	sbarrier.arrive $0xFFFF  }
0x1e8: {  	_ =	shalt  }

// kernel: kernel.8.cloned.1.call-start
scs
__scs_entry_jumppad:
0x0: {  	(pc) =	sbr.rel $0x88, $3  }
0x1: {  	(tag) =	ssettag $0x0;
	lr =	simm.s32 $0x1  }
0x2: {  	[smem:$0x3F9D] =	sst lr;
	_ =	strace $0xD0000000  }
0x3: {  	_ = 	snop  }
0x4: {  	_ = 	snop  }
0x5: {  	_ = 	snop  }
0x6: {  	_ = 	snop  }
0x7: {  	_ = 	snop  }
__scs_overlays_trampoline_lowered:
0x8: {  	[smem:$0x3FAC] =	sst s0  }
0x9: {  	[smem:$0x3FAD] =	sst s1  }
0xa: {  	[smem:$0x3FAE] =	sst s2  }
0xb: {  	[smem:$0x3FAF] =	sst s3  }
0xc: {  	[smem:$0x3FB0] =	sst s4  }
0xd: {  	[smem:$0x3FB1] =	sst s5  }
0xe: {  	[smem:$0x3FB2] =	sst s6  }
0xf: {  	[smem:$0x3FB3] =	sst s7  }
0x10: {  	[smem:$0x3FB4] =	sst s8  }
0x11: {  	[smem:$0x3FB5] =	sst s9;
	s0 =	simm.s32 @!p0 $0x0  }
0x12: {  	s1 =	sld [smem:$0x3F9B];
	s0 =	simm.s32 @p0 $0x1  }
0x13: {  	[smem:$0x3FB6] =	sst s0;
	s0 =	simm.s32 @!p1 $0x0  }
0x14: {  	s2 =	sld [smem:$0x3F9A];
	s0 =	simm.s32 @p1 $0x1  }
0x15: {  	[smem:$0x3FB7] =	sst s0;
	s0 =	simm.s32 @!p2 $0x0  }
0x16: {  	s3 =	sld [smem:$0x3FDB];
	s0 =	simm.s32 @p2 $0x1  }
0x17: {  	s4 =	simm.s32 $0x1BF5;
	[smem:$0x3FB9] =	sst s0  }
0x18: {  	s0 =	sld [smem:$0x3F9C];
	_ =	swait.ge [sflag:s4], $0x0  }
0x19: {  	s7 =	sld [smem:$0x3F9D]  }
0x1a: {  	s8 =	sadd.s32 $0xFFFFE003, lr  }
0x1b: {  	s9 =	sadd.s32 $0xFFFFFEF7, lr;
	s5 =	simm.s32 $0xFFFFFFFF;
	p2 =	slt.u32 s8, $0xFFFFF086  }
0x1c: {  	p1 =	slt.u32 s9, $0xF7A;
	s5 =	simm.s32 @!p2 $0x0  }
0x1d: {  	s5 =	simm.s32 @p1 $0x1;
	p0 =	seq.s32 s7, s2  }
0x1e: {  	s7 =	smul.u32 @!p0 $0xF7A, s2;
	p2 =	seq.s32 @!p0 s5, $0x0  }
0x1f: {  	s9 =	smul.u32 $0xF7A, s1;
	s8 =	simm.s32 @!p0 $0x1BF5;
	p2 =	por !p2, p0  }
0x20: {  	[sflag:s8] =	ssyncset.s32 @!p0 $0xFFFFF086;
	s6 =	sadd.s32 @!p0 s3, s7;
	s7 =	simm.s32 @!p0 $0x108  }
0x21: {  	s3 =	sadd.s32 s3, s9;
	s6 =	sadd.s32 @!p0 $0x88, s6;
	s7 =	simm.s32 @p2 $0x1082  }
0x22: {  	[simem:s7], [sflag:s8] =	dma.local @!p0 [hbm:s6], $0xF7A  }
0x23: {  	s9 =	sor.u32 $0xD0000000, s2;
	s6 =	simm.s32 $0x108;
	_ =	swait.ge @!p0 [sflag:s8], $0x0  }
0x24: {  	s3 =	sadd.s32 $0x88, s3;
	s6 =	simm.s32 @!p1 $0x1082;
	[sflag:s4] =	ssyncset.s32 $0xFFFFF086  }
0x25: {  	[simem:s6], [sflag:s4] =	dma.local [hbm:s3], $0xF7A  }
0x26: {  	[smem:$0x3F9D] =	sst s1;
	(tag) =	ssettag s2;
	_ =	strace s9  }
0x27: {  	s1 =	sld [smem:$0x3FAD]  }
0x28: {  	s2 =	sld [smem:$0x3FAE]  }
0x29: {  	s4 =	sld [smem:$0x3FB0]  }
0x2a: {  	p0 =	seq.s32 s5, $0x0;
	s5 =	sld [smem:$0x3FB1]  }
0x2b: {  	s6 =	sld [smem:$0x3FB2]  }
0x2c: {  	s7 =	sld [smem:$0x3FB3]  }
0x2d: {  	s3 =	simm.s32 $0x108;
	s8 =	sld [smem:$0x3FB4]  }
0x2e: {  	s3 =	simm.s32 @!p0 $0x1082;
	s9 =	sld [smem:$0x3FB5]  }
0x2f: {  	lr =	sadd.s32 s0, s3;
	s0 =	sld [smem:$0x3FAC]  }
0x30: {  	s3 =	sld [smem:$0x3FAF]  }
0x31: {  	[smem:$0x3FB8] =	sst s10  }
0x32: {  	s10 =	sld [smem:$0x3FB6];
	_ =	sdelay $0x3  }
0x33: {  	p0 =	seq.s32 s10, $0x1;
	s10 =	sld [smem:$0x3FB8];
	_ =	sdelay $0x3  }
0x34: {  	[smem:$0x3FB8] =	sst s10  }
0x35: {  	s10 =	sld [smem:$0x3FB7];
	_ =	sdelay $0x3  }
0x36: {  	p1 =	seq.s32 s10, $0x1;
	s10 =	sld [smem:$0x3FB8];
	_ =	sdelay $0x3  }
0x37: {  	[smem:$0x3FB8] =	sst s10  }
0x38: {  	s10 =	sld [smem:$0x3FB9]  }
0x39: {  	_ = 	snop;
	(pc) =	sbr.ind lr, $3  }
0x3a: {  	_ = 	snop  }
0x3b: {  	_ = 	snop  }
0x3c: {  	p2 =	seq.s32 s10, $0x1;
	s10 =	sld [smem:$0x3FB8]  }
0x3d: {  	_ =	shalt  }
0x3e: {  	_ =	shalt  }
0x3f: {  	_ =	shalt  }
0x40: {  	_ =	shalt  }
0x41: {  	_ =	shalt  }
0x42: {  	_ =	shalt  }
0x43: {  	_ =	shalt  }
0x44: {  	_ =	shalt  }
0x45: {  	_ =	shalt  }
0x46: {  	_ =	shalt  }
0x47: {  	_ =	shalt  }
0x48: {  	_ =	shalt  }
0x49: {  	_ =	shalt  }
0x4a: {  	_ =	shalt  }
0x4b: {  	_ =	shalt  }
0x4c: {  	_ =	shalt  }
0x4d: {  	_ =	shalt  }
0x4e: {  	_ =	shalt  }
0x4f: {  	_ =	shalt  }
0x50: {  	_ =	shalt  }
0x51: {  	_ =	shalt  }
0x52: {  	_ =	shalt  }
0x53: {  	_ =	shalt  }
0x54: {  	_ =	shalt  }
0x55: {  	_ =	shalt  }
0x56: {  	_ =	shalt  }
0x57: {  	_ =	shalt  }
0x58: {  	_ =	shalt  }
0x59: {  	_ =	shalt  }
0x5a: {  	_ =	shalt  }
0x5b: {  	_ =	shalt  }
0x5c: {  	_ =	shalt  }
0x5d: {  	_ =	shalt  }
0x5e: {  	_ =	shalt  }
0x5f: {  	_ =	shalt  }
0x60: {  	_ =	shalt  }
0x61: {  	_ =	shalt  }
0x62: {  	_ =	shalt  }
0x63: {  	_ =	shalt  }
0x64: {  	_ =	shalt  }
0x65: {  	_ =	shalt  }
0x66: {  	_ =	shalt  }
0x67: {  	_ =	shalt  }
0x68: {  	_ =	shalt  }
0x69: {  	_ =	shalt  }
0x6a: {  	_ =	shalt  }
0x6b: {  	_ =	shalt  }
0x6c: {  	_ =	shalt  }
0x6d: {  	_ =	shalt  }
0x6e: {  	_ =	shalt  }
0x6f: {  	_ =	shalt  }
0x70: {  	_ =	shalt  }
0x71: {  	_ =	shalt  }
0x72: {  	_ =	shalt  }
0x73: {  	_ =	shalt  }
0x74: {  	_ =	shalt  }
0x75: {  	_ =	shalt  }
0x76: {  	_ =	shalt  }
0x77: {  	_ =	shalt  }
0x78: {  	_ =	shalt  }
0x79: {  	_ =	shalt  }
0x7a: {  	_ =	shalt  }
0x7b: {  	_ =	shalt  }
0x7c: {  	_ =	shalt  }
0x7d: {  	_ =	shalt  }
0x7e: {  	_ =	shalt  }
0x7f: {  	_ =	shalt  }
0x80: {  	_ =	shalt  }
0x81: {  	_ =	shalt  }
0x82: {  	_ =	shalt  }
0x83: {  	_ =	shalt  }
0x84: {  	_ =	shalt  }
0x85: {  	_ =	shalt  }
0x86: {  	_ =	shalt  }
0x87: {  	_ =	shalt  }
.Lfunc_end0:
.L_simem_size_0:
called_computation_lowered:
.L_overlay_start_0:
0x88: {  	s2 =	sld [smem:$0x3FD9]  }
0x89: {  	s3 =	sld [smem:$0x3FFE];
	_ =	sdelay $0x1  }
0x8a: {  	s1 =	srdreg.scid  }
0x8b: {  	s0 =	sand.u32 $0x1, s1  }
0x8c: {  	s17 =	sshll.u32 s0, $0xA;
	s2 =	sadd.s32 s3, s2  }
0x8d: {  	s2 =	sadd.s32 s2, s17  }
0x8e: {  	[smem:$0x3FC4] =	sst s2  }
0x8f: {  	_ = 	snop  }
0x90: {  	s2 =	sld [smem:$0x3FD0];
	(tm) =	ssettm $0x1  }
0x91: {  	s18 =	sld [smem:$0x3FFB];
	_ =	sdelay $0x3  }
0x92: {  	_ =	strace s18  }
0x93: {  	s3 =	sld [smem:$0x3FFC];
	_ =	sdelay $0x3  }
0x94: {  	_ =	strace s3  }
0x95: {  	s3 =	sld [smem:$0x3FFD];
	_ =	sdelay $0x3  }
0x96: {  	_ =	strace s3  }
0x97: {  	_ =	strace $0x8FFFFFFF  }
0x98: {  	s19 =	sld [smem:$0x3FDB];
	_ =	sdelay $0x1  }
0x99: {  	s4 =	simm.s32 $_scs_section_size  }
0x9a: {  	s5 =	simm.s32 $_size__tile_overlayer_lowered;
	s6 =	simm.s32 $_tile_overlayer_lowered  }
0x9b: {  	s22 =	simm.s32 $0x1BFF;
	s21 =	sshll.u32 s6, $0x1;
	s3 =	sadd.s32 s4, s19  }
0x9c: {  	s7 =	simm.s32 $0x0;
	s20 =	sshll.u32 s5, $0x1;
	s5 =	sadd.s32 s21, s3  }
0x9d: {  	[timem:s7], [sflag:s22] =	dma.local [hbm:s5], s20  }
0x9e: {  	_ =	swait.ge [sflag:s22], s20  }
0x9f: {  	s4 =	ssub.s32 $0x0, s20;
	[sflag:s22] =	ssyncset.done $0x0  }
0xa0: {  	[sflag:s22] =	ssyncadd.s32 s4;
	_ =	sdelay $0x1  }
0xa1: {  	s23 =	simm.s32 $0x1B8B  }
0xa2: {  	_ =	swait.ge [sflag:s23], $0x1  }
0xa3: {  	[sflag:s23] =	ssyncset.done $0x0  }
0xa4: {  	s25 =	simm.s32 $0x1B8E;
	s24 =	sld [smem:$0x3FFE];
	[sflag:s23] =	ssyncadd.s32 $0xFFFFFFFF  }
0xa5: {  	s26 =	simm.s32 $execute0_lowered;
	[smem:$0x3FD2] =	sst s25  }
0xa6: {  	s5 =	sshll.u32 s26, $0x1;
	_ =	strace $0x80000046;
	[dreg:$0x1] =	wrdreg $0xFFFFFFFF  }
0xa7: {  	s28 =	simm.s32 $_size_execute0_lowered;
	s3 =	sadd.s32 s3, s5;
	[dreg:$0x0] =	wrdreg $0x0  }
0xa8: {  	s5 =	sshll.u32 s28, $0x1;
	[dreg:$0x2] =	wrdreg s3  }
0xa9: {  	[dreg:$0x3] =	wrdreg s5  }
0xaa: {  	[dreg:$0x4] =	wrdreg $0xC0  }
0xab: {  	_ =	task [dreg:s7], $0x5FFFF  }
0xac: {  	[dreg:$0x1] =	wrdreg $0xFFFFFFFF  }
0xad: {  	[dreg:$0x0] =	wrdreg $0x60  }
0xae: {  	[dreg:$0x2] =	wrdreg s2  }
0xaf: {  	[dreg:$0x3] =	wrdreg s24  }
0xb0: {  	[dreg:$0x4] =	wrdreg $0x53000  }
0xb1: {  	[dreg:$0x5] =	wrdreg $0x9  }
0xb2: {  	_ =	task.clear_ibuf [dreg:s7], $0x6FFFF;
	_ =	strace $0x90000046  }
0xb3: {  	s29 =	simm.s32 $0x9;
	_ =	strace $0x80000048  }
0xb4: {  	_ =	swait.ge [sflag:s29], $0x1  }
0xb5: {  	[sflag:s29] =	ssyncadd.s32 $0xFFFFFFFF  }
0xb6: {  	_ =	strace $0x90000048  }
0xb7: {  	_ =	sfence  }
0xb8: {  	s30 =	sld [smem:$0x0];
	_ =	sdelay $0x2  }
0xb9: {  	s31 =	sshll.u32 s1, $0xD;
	s1 =	sshrl.u32 s1, $0x2  }
0xba: {  	s3 =	sand.u32 $0x4000, s31;
	s1 =	sadd.s32 s1, s30  }
0xbb: {  	s0 =	sor.u32 s3, s0;
	s1 =	sshll.u32 s1, $0x11  }
0xbc: {  	s0 =	sor.u32 s1, s0  }
0xbd: {  	s0 =	sadd.s32 $0x8F2B, s0  }
0xbe: {  	[sflag:s0] =	ssyncadd.remote.s32 $0x1  }
0xbf: {  	_ =	sfence.sel $0xFFFF  }
0xc0: {  	[dreg:$0x0] =	wrdreg $0xFFFFFFFF;
	(pc) =	sbr.abs _section_cstart, $3  }
0xc1: {  	[dreg:$0x1] =	wrdreg $0xFFFFFFFF  }
0xc2: {  	_ =	task.clear_ibuf [dreg:s7], $0x2FFFF;
	_ =	strace $0x9FFFFFFF  }
0xc3: {  	(tm) =	ssettm $0x7FFFFFFF  }
tec
execute0_lowered:
.L_overlay_start_1:
0x0: {  	(tag) =	ssettag $0x1  }
0x1: {  	s5 =	rddreg [dreg:$0x0]  }
0x2: {  	s4 =	rddreg [dreg:$0x1]  }
0x3: {  	s2 =	rddreg [dreg:$0x2]  }
0x4: {  	s0 =	rddreg [dreg:$0x3]  }
0x5: {  	s3 =	simm.s32 $0x0;
	s6 =	srdreg.scid;
	s1 =	stileid.u32  }
0x6: {  	s11 =	simm.s32 $0x5000;
	s14 =	simm.s32 $0x20;
	s15 =	simm.s32 $0x10  }
0x7: {  	s16 =	simm.s32 $0x0;
	[smem:$0x7FF] =	sst s3;
	s7 =	smul.u32 $0x500, s1  }
0x8: {  	s6 =	sand.u32 $0x1, s6;
	s30 =	smul.u32 $0xA00, s1;
	s12 =	sshll.u32 s1, $0x6  }
0x9: {  	_ =	strace $0x80000047;
	s8 =	sshll.u32 s6, $0x7;
	s9 =	sshll.u32 s6, $0x4  }
0xa: {  	s6 =	ssub.s32 $0x2, s6;
	s12 =	sor.u32 $0x1C01, s12;
	s7 =	sor.u32 s8, s7  }
0xb: {  	s29 =	sor.u32 s1, s9;
	s31 =	sshrl.u32 s6, $0x1;
	s9 =	sshrl.u32 s30, $0x2  }
0xc: {  	s7 =	sshrl.u32 s7, $0x3;
	s8 =	smul.u32 $0xA00, s29;
	s10 =	ssub.s32 s6, s31  }
0xd: {  	s7 =	sadd.s32 s7, s4;
	s4 =	sadd.s32 s9, s2;
	s9 =	simm.s32 $0x1  }
0xe: {  	s5 =	sadd.s32 s5, s8;
	s6 =	sadd.s32 $0x1C00, s7;
	s7 =	smax.u32 s10, $0x1  }
0xf: {  	v0 =	vimm.f32 $0.0e+00;
	v1 =	vimm.f32 $1.000000000e+00;
	s8 =	simm.s32 $0x5080;
	s10 =	simm.s32 $0x40;
	s13 =	sshrl.u32 s4, $0x3  }
.LBB2_1:
0x10: {  	[tilespmem:$0x5080] =	vst v0  }
0x11: {  	[tilespmem:$0x5090] =	vst v0  }
0x12: {  	[tilespmem:$0x50A0] =	vst v0  }
0x13: {  	[tilespmem:$0x50B0] =	vst v0  }
0x14: {  	[tilespmem:$0x50C0] =	vst v0  }
0x15: {  	[tilespmem:$0x50D0] =	vst v0  }
0x16: {  	[tilespmem:$0x50E0] =	vst v0  }
0x17: {  	[tilespmem:$0x50F0] =	vst v0  }
0x18: {  	[tilespmem:$0x5100] =	vst v0  }
0x19: {  	[tilespmem:$0x5110] =	vst v0  }
0x1a: {  	[tilespmem:$0x5120] =	vst v0  }
0x1b: {  	[tilespmem:$0x5130] =	vst v0  }
0x1c: {  	[tilespmem:$0x5140] =	vst v0  }
0x1d: {  	[tilespmem:$0x5150] =	vst v0  }
0x1e: {  	[tilespmem:$0x5160] =	vst v0  }
0x1f: {  	[tilespmem:$0x5170] =	vst v0  }
0x20: {  	[tilespmem:$0x5180] =	vst v0  }
0x21: {  	[tilespmem:$0x5190] =	vst v0  }
0x22: {  	[tilespmem:$0x51A0] =	vst v0  }
0x23: {  	[tilespmem:$0x51B0] =	vst v0  }
0x24: {  	[tilespmem:$0x51C0] =	vst v0  }
0x25: {  	[tilespmem:$0x51D0] =	vst v0  }
0x26: {  	[tilespmem:$0x51E0] =	vst v0  }
0x27: {  	[tilespmem:$0x51F0] =	vst v0  }
0x28: {  	[tilespmem:$0x5200] =	vst v0  }
0x29: {  	[tilespmem:$0x5210] =	vst v0  }
0x2a: {  	[tilespmem:$0x5220] =	vst v0  }
0x2b: {  	[tilespmem:$0x5230] =	vst v0  }
0x2c: {  	[tilespmem:$0x5240] =	vst v0  }
0x2d: {  	[tilespmem:$0x5250] =	vst v0  }
0x2e: {  	[tilespmem:$0x5260] =	vst v0  }
0x2f: {  	[tilespmem:$0x5270] =	vst v0  }
0x30: {  	[tilespmem:$0x5280] =	vst v0  }
0x31: {  	[tilespmem:$0x5290] =	vst v0  }
0x32: {  	[tilespmem:$0x52A0] =	vst v0  }
0x33: {  	[tilespmem:$0x52B0] =	vst v0  }
0x34: {  	[tilespmem:$0x52C0] =	vst v0  }
0x35: {  	[tilespmem:$0x52D0] =	vst v0  }
0x36: {  	[tilespmem:$0x52E0] =	vst v0  }
0x37: {  	[tilespmem:$0x52F0] =	vst v0  }
0x38: {  	[tilespmem:$0x5000] =	vst v1  }
0x39: {  	[tilespmem:$0x5010] =	vst v1  }
0x3a: {  	[tilespmem:$0x5020] =	vst v1  }
0x3b: {  	[tilespmem:$0x5030] =	vst v1  }
0x3c: {  	[spmem:s4] =	stream.linear.scatter [tilespmem:s8], [sflag:$0x1], $0x280, $0x38;
	[tilespmem:$0x5580] =	vst v63  }
0x3d: {  	_ =	swait.ge [sflag:s9], $0x280  }
0x3e: {  	[sflag:s9] =	ssyncset.done $0x0  }
0x3f: {  	[sflag:s9] =	ssyncadd.s32 $0xFFFFFD80  }
0x40: {  	[tilespmem:s3], [sflag:$0x1] =	stream.linear.gather [hbm4b:s5+s3], $0x5000, $0x38;
	[tilespmem:$0x5580] =	vst v63  }
0x41: {  	_ =	swait.ge [sflag:s9], $0x5000  }
0x42: {  	[sflag:s9] =	ssyncset.done $0x0  }
0x43: {  	[sflag:s9] =	ssyncadd.s32 $0xFFFFB000  }
0x44: {  	s17 =	simm.s32 $0x0;
	[bflag:$0x0] =	sbarrier.arrive $0xFFFF  }
0x45: {  	[spmem:s2] =	stream.indirect.scatter.add.f32 [tilespmem:s11], [sflag:$0x1], $0x1, s17, s10, $0xb8;
	[tilespmem:$0x5580] =	vst v63  }
0x46: {  	_ =	swait.ge [sflag:s9], $0x40  }
0x47: {  	s17 =	simm.s32 $0x200;
	[sflag:s9] =	ssyncset.done $0x0  }
.LBB2_2:
0x48: {  	s18 =	sshra.s32 s17, $0x2;
	[sflag:s9] =	ssyncadd.s32 $0xFFFFFFC0;
	p0 =	sne.s32 s17, $0x13E00  }
0x49: {  	[spmem:s2] =	stream.indirect.scatter.add.f32 [tilespmem:s11], [sflag:$0x1], $0x1, s18, s10, $0xb8;
	[tilespmem:$0x5580] =	vst v63  }
.Ltmp0:
0x4a: {  	_ = 	snop;
	(pc) =	sbr.rel @p0 .LBB2_2-.Ltmp0, $4  }
0x4b: {  	_ = 	snop  }
0x4c: {  	s17 =	sadd.s32 $0x200, s17  }
0x4d: {  	_ =	swait.ge [sflag:s9], $0x40  }
0x4e: {  	[sflag:s9] =	ssyncset.done $0x0  }
0x4f: {  	s16 =	sadd.s32 $0x1, s16  }
0x50: {  	[sflag:s9] =	ssyncadd.s32 $0xFFFFFFC0;
	p0 =	sne.s32 s16, s7  }
.Ltmp1:
0x51: {  	[bflag:$0x0] =	sbarrier.arrive $0xFFFF;
	(pc) =	sbr.rel @p0 .LBB2_1-.Ltmp1, $4  }
0x52: {  	[hbm:s6@s14], [sflag:s12] =	dma.strided [spmem:s13@s15], $0x50, s9, $0x10   }
0x53: {  	_ =	swait.ge [sflag:s9], $0x50  }
0x54: {  	[sflag:s9] =	ssyncset.done $0x0  }
0x55: {  	[sflag:s9] =	ssyncadd.s32 $0xFFFFFFB0  }
0x56: {  	_ =	sfence.sel $0x180000  }
0x57: {  	[bflag:$0x0] =	sbarrier.arrive $0xFFFF  }
0x58: {  	p0 =	sne.s32 s1, $0x0;
	_ =	strace $0x90000047  }
0x59: {  	s0 =	sadd.s32 @!p0 $0x100000, s0;
	[bflag:$0x2] =	sbarrier.arrive $0xFFFF  }
0x5a: {  	[sflag:s0] =	ssyncadd.tile.s32 @!p0 $0x1;
	_ =	shalt  }
.Lfunc_end2:
_tile_overlayer_lowered:
.L_overlay_start_2:
0x5b: {  	(tag) =	ssettag $0x2  }
0x5c: {  	s0 =	rddreg [dreg:$0x0];
	s2 =	stileid.u32  }
0x5d: {  	s1 =	rddreg [dreg:$0x1];
	p0 =	sne.s32 s2, $0x0  }
0x5e: {  	s3 =	rddreg [dreg:$0x2];
	[bflag:$0x3] =	sbarrier.arrive $0xFFFF;
	s2 =	simm.s32 @!p0 $0x1C01  }
0x5f: {  	[timem:s3], [sflag:s2] =	dma.local @!p0 [hbm:s0], s1  }
0x60: {  	s0 =	simm.s32 @!p0 $0x1  }
0x61: {  	_ =	swait.ge @!p0 [sflag:s0], s1  }
0x62: {  	s1 =	ssub.s32 @!p0 $0x0, s1;
	[sflag:s0] =	ssyncset.done @!p0 $0x0  }
0x63: {  	[sflag:s0] =	ssyncadd.s32 @!p0 s1  }
0x64: {  	[bflag:$0x3] =	sbarrier.arrive $0xFFFF  }
0x65: {  	_ =	shalt  }

</sc_bundles>
